<compile_context>
chip_gen: v7x
topology: tpu7x:2x2x1
jax: 0.10.2.dev20260603
libtpu: 0.0.44.dev20260713+nightly
codegen_flags: <defaults>
</compile_context>

<pallas_src>
import functools

import jax
import jax.numpy as jnp
from jax import lax
from jax.experimental import pallas as pl
from jax.experimental.pallas import tpu as pltpu
from jax.experimental.pallas import tpu_sc as plsc

_B, _L, _V, _E, _A = 1024, 200, 100000, 128, 8
_SPLIT = 128
_REM = _L - _SPLIT
_OFFS = tuple(range(0, _L - 16, 16)) + (_L - 16,)
_NBUF = 4


def kernel(sequence, attrs_idxs, token_table, pos_table, attr_table0,
           attr_table1):
    seq_flat = sequence.reshape(_B * _L)
    a0 = attrs_idxs[0].reshape(_B * _L)
    a1 = attrs_idxs[1].reshape(_B * _L)

    info = plsc.get_sparse_core_info()
    nc, ns = info.num_cores, info.num_subcores
    nw = nc * ns
    rows_per_w = _B // nw

    mesh = plsc.VectorSubcoreMesh(core_axis_name="c", subcore_axis_name="s")

    buf_scratch = []
    for _ in range(_NBUF):
        buf_scratch += [
            pltpu.VMEM((_L,), jnp.int32),
            pltpu.VMEM((_L,), jnp.int32),
            pltpu.VMEM((_L,), jnp.int32),
            pltpu.VMEM((_L + 16,), jnp.int32),
            pltpu.VMEM((_L, _E), jnp.float32),
            pltpu.SemaphoreType.DMA,
            pltpu.SemaphoreType.DMA,
            pltpu.SemaphoreType.DMA,
            pltpu.SemaphoreType.DMA,
            pltpu.SemaphoreType.DMA,
        ]

    @functools.partial(
        pl.kernel,
        mesh=mesh,
        out_type=jax.ShapeDtypeStruct((_B, _L, _E), jnp.float32),
        scratch_types=[
            pltpu.VMEM((_A, _E), jnp.float32),
            pltpu.VMEM((_A, _E), jnp.float32),
            pltpu.VMEM((_A * _A, _E), jnp.float32),
            pltpu.VMEM_SHARED((_A * _A, _E), jnp.float32),
            pltpu.VMEM_SHARED((_L, _E), jnp.float32),
            pltpu.VMEM((_L,), jnp.int32),
        ] + buf_scratch,
    )
    def k(seq_hbm, a0_hbm, a1_hbm, token_hbm, pos_hbm, attr0_hbm, attr1_hbm,
          out_hbm, attr0_v, attr1_v, pair_v, pair_sh, pos_sh, posidx,
          *flat_bufs):
        cid = lax.axis_index("c")
        sid = lax.axis_index("s")
        wid = sid * nc + cid
        b0 = wid * rows_per_w

        bufs = tuple(flat_bufs[i * 10:(i + 1) * 10] for i in range(_NBUF))

        @pl.when(sid == 0)
        def _():
            pltpu.sync_copy(attr0_hbm, attr0_v)
            pltpu.sync_copy(attr1_hbm, attr1_v)

            def build_pair(i, carry):
                for j in range(_A):
                    for cb in range(_E // 16):
                        s = pl.ds(cb * 16, 16)
                        pair_v[i * _A + j, s] = attr0_v[i, s] + attr1_v[j, s]
                return carry

            lax.fori_loop(0, _A, build_pair, 0)
            pltpu.sync_copy(pair_v, pair_sh)
            pltpu.sync_copy(pos_hbm, pos_sh)

        iota = lax.iota(jnp.int32, 16)
        for off in _OFFS:
            posidx[pl.ds(off, 16)] = iota + off

        plsc.subcore_barrier()

        def idx_copies(c, buf):
            seqx, a0b, a1b, sem_i = buf[0], buf[1], buf[2], buf[7]
            base = (b0 + c) * _L
            return (
                pltpu.make_async_copy(seq_hbm.at[pl.ds(base, _SPLIT)],
                                      seqx.at[pl.ds(0, _SPLIT)], sem_i),
                pltpu.make_async_copy(
                    seq_hbm.at[pl.ds(base + _SPLIT, _REM)],
                    seqx.at[pl.ds(_SPLIT, _REM)], sem_i),
                pltpu.make_async_copy(a0_hbm.at[pl.ds(base, _L)], a0b,
                                      sem_i),
                pltpu.make_async_copy(a1_hbm.at[pl.ds(base, _L)], a1b,
                                      sem_i),
            )

        def compute_pidx(buf):
            a0b, a1b, pidx = buf[1], buf[2], buf[3]
            for off in _OFFS:
                s = pl.ds(off, 16)
                pidx[s] = a0b[s] * _A + a1b[s]

        def gather_copies(buf):
            seqx, rows, sem_g = buf[0], buf[4], buf[5]
            cp1 = pltpu.make_async_copy(
                token_hbm.at[seqx.at[pl.ds(0, _SPLIT)]],
                rows.at[pl.ds(0, _SPLIT)], sem_g)
            cp2 = pltpu.make_async_copy(
                token_hbm.at[seqx.at[pl.ds(_SPLIT, _REM)]],
                rows.at[pl.ds(_SPLIT, _REM)], sem_g)
            return cp1, cp2

        def wb_copies(c, buf):
            rows, sem_w = buf[4], buf[6]
            return (
                pltpu.make_async_copy(rows, out_hbm.at[b0 + c], sem_w),
            )

        def add_copies(buf):
            pidx, rows = buf[3], buf[4]
            sem_a = buf[8]
            return (
                pltpu.make_async_copy(
                    pair_sh.at[pidx.at[pl.ds(0, _SPLIT)]],
                    rows.at[pl.ds(0, _SPLIT)], sem_a),
                pltpu.make_async_copy(
                    pair_sh.at[pidx.at[pl.ds(_SPLIT, _REM)]],
                    rows.at[pl.ds(_SPLIT, _REM)], sem_a),
                pltpu.make_async_copy(
                    pos_sh.at[posidx.at[pl.ds(0, _SPLIT)]],
                    rows.at[pl.ds(0, _SPLIT)], sem_a),
                pltpu.make_async_copy(
                    pos_sh.at[posidx.at[pl.ds(_SPLIT, _REM)]],
                    rows.at[pl.ds(_SPLIT, _REM)], sem_a),
            )

        def step(c, prv, cur, nxt, nxt2):
            @pl.when(c < rows_per_w - 2)
            def _():
                for cp in idx_copies(c + 2, nxt2):
                    cp.start()

            @pl.when(c > 0)
            def _():
                for cp in add_copies(prv):
                    cp.wait()
                for cp in wb_copies(c - 1, prv):
                    cp.start()

            @pl.when(c >= _NBUF - 1)
            def _():
                for cp in wb_copies(c - (_NBUF - 1), nxt):
                    cp.wait()

            @pl.when(c < rows_per_w - 1)
            def _():
                for cp in idx_copies(c + 1, nxt):
                    cp.wait()
                for cp in gather_copies(nxt):
                    cp.start()
                compute_pidx(nxt)

            for cp in gather_copies(cur):
                cp.wait()

            for cp in add_copies(cur):
                cp.start(add=True)

        for cp in idx_copies(0, bufs[0]):
            cp.start()
        for cp in idx_copies(1, bufs[1]):
            cp.start()
        for cp in idx_copies(0, bufs[0]):
            cp.wait()
        for cp in gather_copies(bufs[0]):
            cp.start()
        compute_pidx(bufs[0])

        def quad_of_chunks(i, carry):
            c = _NBUF * i
            for ph in range(_NBUF):
                step(c + ph, bufs[(ph - 1) % _NBUF], bufs[ph],
                     bufs[(ph + 1) % _NBUF], bufs[(ph + 2) % _NBUF])
            return carry

        lax.fori_loop(0, rows_per_w // _NBUF, quad_of_chunks, 0)

        c_last = rows_per_w - 1
        for cp in add_copies(bufs[c_last % _NBUF]):
            cp.wait()
        for cp in wb_copies(c_last, bufs[c_last % _NBUF]):
            cp.start()
        for cm1 in (c_last - 2, c_last - 1, c_last):
            for cp in wb_copies(cm1, bufs[cm1 % _NBUF]):
                cp.wait()

    return k(seq_flat, a0, a1, token_table, pos_table, attr_table0,
             attr_table1)

# --- scband reference (transcript-rebuilt; emitter-appended) ---
"""Pipeline reference for scband-bertembedding-17849884082296 (READ-ONLY COPY).

The authoritative reference and input builder live on the scoring server;
editing this copy changes nothing except your own understanding.
"""

import jax, jax.numpy as jnp
import numpy as np

B, L, V, E, A = 1024, 200, 100000, 128, 8

def setup_inputs(seed: int = 0) -> dict:
    key = jax.random.key(seed)
    ks = jax.random.split(key, 6)
    sequence = jax.random.randint(ks[0], (B, L), 0, V)
    attrs_idxs = jax.random.randint(ks[1], (2, B, L), 0, A)
    token_table = jax.random.normal(ks[2], (V, E), dtype=jnp.float32) * 0.02
    # padding_idx=0 in TokenEmbedding -> zero row
    token_table = token_table.at[0].set(0.0)
    pos_table = jax.random.normal(ks[3], (L, E), dtype=jnp.float32) * 0.02
    attr_table0 = jax.random.normal(ks[4], (A, E), dtype=jnp.float32) * 0.02
    attr_table1 = jax.random.normal(ks[5], (A, E), dtype=jnp.float32) * 0.02
    return {
        "sequence": sequence,
        "attrs_idxs": attrs_idxs,
        "token_table": token_table,
        "pos_table": pos_table,
        "attr_table0": attr_table0,
        "attr_table1": attr_table1,
    }

def reference(sequence, attrs_idxs, token_table, pos_table, attr_table0, attr_table1):
    # attribute embedding sum (torch.empty treated as zeros-init accumulator)
    attr_sum = jnp.take(attr_table0, attrs_idxs[0], axis=0) + jnp.take(attr_table1, attrs_idxs[1], axis=0)
    # token embedding lookup (gather)
    tok = jnp.take(token_table, sequence, axis=0)
    # positional embedding: full pe.weight broadcast over batch (seq_len == max_len)
    pos = jnp.broadcast_to(pos_table[None, :, :], tok.shape)
    x = tok + pos + attr_sum
    # dropout in eval mode == identity
    return x

if __name__ == "__main__":
    import jax
    _d = setup_inputs()
    print(jax.jit(kernel)(*tuple(_d.values())))

</pallas_src>

<mosaic_0001>
#map = affine_map<(d0, d1) -> (0)>
#map1 = affine_map<(d0, d1) -> (0, 0)>
#map2 = affine_map<(d0, d1) -> (0, 0, 0)>
module attributes {stable_mosaic.version = 14 : i64} {
  func.func @k(%arg0: i32, %arg1: i32, %arg2: memref<204800xi32, #tpu.memory_space<hbm>>, %arg3: memref<204800xi32, #tpu.memory_space<hbm>>, %arg4: memref<204800xi32, #tpu.memory_space<hbm>>, %arg5: memref<100000x128xf32, #tpu.memory_space<hbm>>, %arg6: memref<200x128xf32, #tpu.memory_space<hbm>>, %arg7: memref<8x128xf32, #tpu.memory_space<hbm>>, %arg8: memref<8x128xf32, #tpu.memory_space<hbm>>, %arg9: memref<1024x200x128xf32, #tpu.memory_space<hbm>>, %arg10: memref<8x128xf32, #tpu.memory_space<vmem>>, %arg11: memref<8x128xf32, #tpu.memory_space<vmem>>, %arg12: memref<64x128xf32, #tpu.memory_space<vmem>>, %arg13: memref<64x128xf32, #tpu.memory_space<vmem_shared>>, %arg14: memref<200x128xf32, #tpu.memory_space<vmem_shared>>, %arg15: memref<200xi32, #tpu.memory_space<vmem>>, %arg16: memref<200xi32, #tpu.memory_space<vmem>>, %arg17: memref<200xi32, #tpu.memory_space<vmem>>, %arg18: memref<200xi32, #tpu.memory_space<vmem>>, %arg19: memref<216xi32, #tpu.memory_space<vmem>>, %arg20: memref<200x128xf32, #tpu.memory_space<vmem>>, %arg21: memref<!tpu.dma_semaphore, #tpu.memory_space<semaphore_mem>>, %arg22: memref<!tpu.dma_semaphore, #tpu.memory_space<semaphore_mem>>, %arg23: memref<!tpu.dma_semaphore, #tpu.memory_space<semaphore_mem>>, %arg24: memref<!tpu.dma_semaphore, #tpu.memory_space<semaphore_mem>>, %arg25: memref<!tpu.dma_semaphore, #tpu.memory_space<semaphore_mem>>, %arg26: memref<200xi32, #tpu.memory_space<vmem>>, %arg27: memref<200xi32, #tpu.memory_space<vmem>>, %arg28: memref<200xi32, #tpu.memory_space<vmem>>, %arg29: memref<216xi32, #tpu.memory_space<vmem>>, %arg30: memref<200x128xf32, #tpu.memory_space<vmem>>, %arg31: memref<!tpu.dma_semaphore, #tpu.memory_space<semaphore_mem>>, %arg32: memref<!tpu.dma_semaphore, #tpu.memory_space<semaphore_mem>>, %arg33: memref<!tpu.dma_semaphore, #tpu.memory_space<semaphore_mem>>, %arg34: memref<!tpu.dma_semaphore, #tpu.memory_space<semaphore_mem>>, %arg35: memref<!tpu.dma_semaphore, #tpu.memory_space<semaphore_mem>>, %arg36: memref<200xi32, #tpu.memory_space<vmem>>, %arg37: memref<200xi32, #tpu.memory_space<vmem>>, %arg38: memref<200xi32, #tpu.memory_space<vmem>>, %arg39: memref<216xi32, #tpu.memory_space<vmem>>, %arg40: memref<200x128xf32, #tpu.memory_space<vmem>>, %arg41: memref<!tpu.dma_semaphore, #tpu.memory_space<semaphore_mem>>, %arg42: memref<!tpu.dma_semaphore, #tpu.memory_space<semaphore_mem>>, %arg43: memref<!tpu.dma_semaphore, #tpu.memory_space<semaphore_mem>>, %arg44: memref<!tpu.dma_semaphore, #tpu.memory_space<semaphore_mem>>, %arg45: memref<!tpu.dma_semaphore, #tpu.memory_space<semaphore_mem>>, %arg46: memref<200xi32, #tpu.memory_space<vmem>>, %arg47: memref<200xi32, #tpu.memory_space<vmem>>, %arg48: memref<200xi32, #tpu.memory_space<vmem>>, %arg49: memref<216xi32, #tpu.memory_space<vmem>>, %arg50: memref<200x128xf32, #tpu.memory_space<vmem>>, %arg51: memref<!tpu.dma_semaphore, #tpu.memory_space<semaphore_mem>>, %arg52: memref<!tpu.dma_semaphore, #tpu.memory_space<semaphore_mem>>, %arg53: memref<!tpu.dma_semaphore, #tpu.memory_space<semaphore_mem>>, %arg54: memref<!tpu.dma_semaphore, #tpu.memory_space<semaphore_mem>>, %arg55: memref<!tpu.dma_semaphore, #tpu.memory_space<semaphore_mem>>) attributes {dimension_semantics = [#tpu.dimension_semantics<core_parallel>, #tpu.dimension_semantics<subcore_parallel>], iteration_bounds = array<i64: 2, 16>, scalar_prefetch = 0 : i64, scratch_operands = 46 : i64, tpu.core_type = #tpu.core_type<sc_vector_subcore>, window_params = [{transform_indices = #map}, {transform_indices = #map}, {transform_indices = #map}, {transform_indices = #map1}, {transform_indices = #map1}, {transform_indices = #map1}, {transform_indices = #map1}, {transform_indices = #map2}]} {
    %mul3A = arith.constant 2 : i32
    %mul3A_0 = arith.muli %arg1, %mul3A : i32
    %add3A = arith.addi %mul3A_0, %arg0 : i32
    %mul3A_1 = arith.constant 32 : i32
    %mul3A_2 = arith.muli %add3A, %mul3A_1 : i32
    %eq3A = arith.constant 0 : i32
    %eq3A_3 = arith.cmpi eq, %arg1, %eq3A : i32
    %convert_element_type3A = arith.extui %eq3A_3 : i1 to i32
    %cond3A = arith.constant 0 : i32
    %cond3A_4 = arith.cmpi ne, %convert_element_type3A, %cond3A : i32
    scf.if %cond3A_4 {
      "tpu.region"() ({
        %run_scoped3A = tpu.sem_alloc : memref<!tpu.dma_semaphore, #tpu.memory_space<semaphore_mem>>
        tpu.enqueue_dma source(%arg7 : memref<8x128xf32, #tpu.memory_space<hbm>>) target(%arg10 : memref<8x128xf32, #tpu.memory_space<vmem>>) target_semaphore(%run_scoped3A : memref<!tpu.dma_semaphore, #tpu.memory_space<semaphore_mem>>)
        tpu.wait_dma2 semaphore(%run_scoped3A : memref<!tpu.dma_semaphore, #tpu.memory_space<semaphore_mem>>) src(%arg7 : memref<8x128xf32, #tpu.memory_space<hbm>>) dst(%arg10 : memref<8x128xf32, #tpu.memory_space<vmem>>)
        tpu.yield
      }) : () -> ()
      "tpu.region"() ({
        %run_scoped3A = tpu.sem_alloc : memref<!tpu.dma_semaphore, #tpu.memory_space<semaphore_mem>>
        tpu.enqueue_dma source(%arg8 : memref<8x128xf32, #tpu.memory_space<hbm>>) target(%arg11 : memref<8x128xf32, #tpu.memory_space<vmem>>) target_semaphore(%run_scoped3A : memref<!tpu.dma_semaphore, #tpu.memory_space<semaphore_mem>>)
        tpu.wait_dma2 semaphore(%run_scoped3A : memref<!tpu.dma_semaphore, #tpu.memory_space<semaphore_mem>>) src(%arg8 : memref<8x128xf32, #tpu.memory_space<hbm>>) dst(%arg11 : memref<8x128xf32, #tpu.memory_space<vmem>>)
        tpu.yield
      }) : () -> ()
      %scan3A_433 = arith.constant 0 : i32
      %scan3A_434 = arith.constant 0 : i32
      %scan3A_435 = arith.constant 8 : i32
      %scan3A_436 = arith.addi %scan3A_434, %scan3A_435 : i32
      %scan3A_437 = arith.constant 1 : i32
      scf.for %scan3A_439 = %scan3A_434 to %scan3A_436 step %scan3A_437  : i32 {
        %get3A_440 = arith.index_cast %scan3A_439 : i32 to index
        %get3A_441 = arith.constant 0 : index
        %get3A_442 = tpu.vector_load %arg10[%get3A_440, %get3A_441] {strides = array<i32>} : memref<8x128xf32, #tpu.memory_space<vmem>>, vector<1x16xf32>,
        %get3A_443 = vector.shape_cast %get3A_442 : vector<1x16xf32> to vector<16xf32>
        %get3A_444 = arith.constant 0 : i32
        %get3A_445 = arith.index_cast %get3A_444 : i32 to index
        %get3A_446 = arith.constant 0 : index
        %get3A_447 = tpu.vector_load %arg11[%get3A_445, %get3A_446] {strides = array<i32>} : memref<8x128xf32, #tpu.memory_space<vmem>>, vector<1x16xf32>,
        %get3A_448 = vector.shape_cast %get3A_447 : vector<1x16xf32> to vector<16xf32>
        %add3A_449 = arith.addf %get3A_443, %get3A_448 : vector<16xf32>
        %mul3A_450 = arith.constant 8 : i32
        %mul3A_451 = arith.muli %scan3A_439, %mul3A_450 : i32
        %add3A_452 = arith.constant 0 : i32
        %add3A_453 = arith.addi %mul3A_451, %add3A_452 : i32
        %swap3A_454 = arith.index_cast %add3A_453 : i32 to index
        %swap3A_455 = arith.constant 0 : index
        %swap3A_456 = tpu.vector_load %arg12[%swap3A_454, %swap3A_455] {strides = array<i32>} : memref<64x128xf32, #tpu.memory_space<vmem>>, vector<1x16xf32>,
        %swap3A_457 = vector.shape_cast %swap3A_456 : vector<1x16xf32> to vector<16xf32>
        %swap3A_458 = vector.shape_cast %add3A_449 : vector<16xf32> to vector<1x16xf32>
        tpu.vector_store %arg12[%swap3A_454, %swap3A_455], %swap3A_458 {strides = array<i32>} : memref<64x128xf32, #tpu.memory_space<vmem>>, vector<1x16xf32>,
        %get3A_459 = arith.index_cast %scan3A_439 : i32 to index
        %get3A_460 = arith.constant 16 : index
        %get3A_461 = tpu.vector_load %arg10[%get3A_459, %get3A_460] {strides = array<i32>} : memref<8x128xf32, #tpu.memory_space<vmem>>, vector<1x16xf32>,
        %get3A_462 = vector.shape_cast %get3A_461 : vector<1x16xf32> to vector<16xf32>
        %get3A_463 = arith.constant 0 : i32
        %get3A_464 = arith.index_cast %get3A_463 : i32 to index
        %get3A_465 = arith.constant 16 : index
        %get3A_466 = tpu.vector_load %arg11[%get3A_464, %get3A_465] {strides = array<i32>} : memref<8x128xf32, #tpu.memory_space<vmem>>, vector<1x16xf32>,
        %get3A_467 = vector.shape_cast %get3A_466 : vector<1x16xf32> to vector<16xf32>
        %add3A_468 = arith.addf %get3A_462, %get3A_467 : vector<16xf32>
        %mul3A_469 = arith.constant 8 : i32
        %mul3A_470 = arith.muli %scan3A_439, %mul3A_469 : i32
        %add3A_471 = arith.constant 0 : i32
        %add3A_472 = arith.addi %mul3A_470, %add3A_471 : i32
        %swap3A_473 = arith.index_cast %add3A_472 : i32 to index
        %swap3A_474 = arith.constant 16 : index
        %swap3A_475 = tpu.vector_load %arg12[%swap3A_473, %swap3A_474] {strides = array<i32>} : memref<64x128xf32, #tpu.memory_space<vmem>>, vector<1x16xf32>,
        %swap3A_476 = vector.shape_cast %swap3A_475 : vector<1x16xf32> to vector<16xf32>
        %swap3A_477 = vector.shape_cast %add3A_468 : vector<16xf32> to vector<1x16xf32>
        tpu.vector_store %arg12[%swap3A_473, %swap3A_474], %swap3A_477 {strides = array<i32>} : memref<64x128xf32, #tpu.memory_space<vmem>>, vector<1x16xf32>,
        %get3A_478 = arith.index_cast %scan3A_439 : i32 to index
        %get3A_479 = arith.constant 32 : index
        %get3A_480 = tpu.vector_load %arg10[%get3A_478, %get3A_479] {strides = array<i32>} : memref<8x128xf32, #tpu.memory_space<vmem>>, vector<1x16xf32>,
        %get3A_481 = vector.shape_cast %get3A_480 : vector<1x16xf32> to vector<16xf32>
        %get3A_482 = arith.constant 0 : i32
        %get3A_483 = arith.index_cast %get3A_482 : i32 to index
        %get3A_484 = arith.constant 32 : index
        %get3A_485 = tpu.vector_load %arg11[%get3A_483, %get3A_484] {strides = array<i32>} : memref<8x128xf32, #tpu.memory_space<vmem>>, vector<1x16xf32>,
        %get3A_486 = vector.shape_cast %get3A_485 : vector<1x16xf32> to vector<16xf32>
        %add3A_487 = arith.addf %get3A_481, %get3A_486 : vector<16xf32>
        %mul3A_488 = arith.constant 8 : i32
        %mul3A_489 = arith.muli %scan3A_439, %mul3A_488 : i32
        %add3A_490 = arith.constant 0 : i32
        %add3A_491 = arith.addi %mul3A_489, %add3A_490 : i32
        %swap3A_492 = arith.index_cast %add3A_491 : i32 to index
        %swap3A_493 = arith.constant 32 : index
        %swap3A_494 = tpu.vector_load %arg12[%swap3A_492, %swap3A_493] {strides = array<i32>} : memref<64x128xf32, #tpu.memory_space<vmem>>, vector<1x16xf32>,
        %swap3A_495 = vector.shape_cast %swap3A_494 : vector<1x16xf32> to vector<16xf32>
        %swap3A_496 = vector.shape_cast %add3A_487 : vector<16xf32> to vector<1x16xf32>
        tpu.vector_store %arg12[%swap3A_492, %swap3A_493], %swap3A_496 {strides = array<i32>} : memref<64x128xf32, #tpu.memory_space<vmem>>, vector<1x16xf32>,
        %get3A_497 = arith.index_cast %scan3A_439 : i32 to index
        %get3A_498 = arith.constant 48 : index
        %get3A_499 = tpu.vector_load %arg10[%get3A_497, %get3A_498] {strides = array<i32>} : memref<8x128xf32, #tpu.memory_space<vmem>>, vector<1x16xf32>,
        %get3A_500 = vector.shape_cast %get3A_499 : vector<1x16xf32> to vector<16xf32>
        %get3A_501 = arith.constant 0 : i32
        %get3A_502 = arith.index_cast %get3A_501 : i32 to index
        %get3A_503 = arith.constant 48 : index
        %get3A_504 = tpu.vector_load %arg11[%get3A_502, %get3A_503] {strides = array<i32>} : memref<8x128xf32, #tpu.memory_space<vmem>>, vector<1x16xf32>,
        %get3A_505 = vector.shape_cast %get3A_504 : vector<1x16xf32> to vector<16xf32>
        %add3A_506 = arith.addf %get3A_500, %get3A_505 : vector<16xf32>
        %mul3A_507 = arith.constant 8 : i32
        %mul3A_508 = arith.muli %scan3A_439, %mul3A_507 : i32
        %add3A_509 = arith.constant 0 : i32
        %add3A_510 = arith.addi %mul3A_508, %add3A_509 : i32
        %swap3A_511 = arith.index_cast %add3A_510 : i32 to index
        %swap3A_512 = arith.constant 48 : index
        %swap3A_513 = tpu.vector_load %arg12[%swap3A_511, %swap3A_512] {strides = array<i32>} : memref<64x128xf32, #tpu.memory_space<vmem>>, vector<1x16xf32>,
        %swap3A_514 = vector.shape_cast %swap3A_513 : vector<1x16xf32> to vector<16xf32>
        %swap3A_515 = vector.shape_cast %add3A_506 : vector<16xf32> to vector<1x16xf32>
        tpu.vector_store %arg12[%swap3A_511, %swap3A_512], %swap3A_515 {strides = array<i32>} : memref<64x128xf32, #tpu.memory_space<vmem>>, vector<1x16xf32>,
        %get3A_516 = arith.index_cast %scan3A_439 : i32 to index
        %get3A_517 = arith.constant 64 : index
        %get3A_518 = tpu.vector_load %arg10[%get3A_516, %get3A_517] {strides = array<i32>} : memref<8x128xf32, #tpu.memory_space<vmem>>, vector<1x16xf32>,
        %get3A_519 = vector.shape_cast %get3A_518 : vector<1x16xf32> to vector<16xf32>
        %get3A_520 = arith.constant 0 : i32
        %get3A_521 = arith.index_cast %get3A_520 : i32 to index
        %get3A_522 = arith.constant 64 : index
        %get3A_523 = tpu.vector_load %arg11[%get3A_521, %get3A_522] {strides = array<i32>} : memref<8x128xf32, #tpu.memory_space<vmem>>, vector<1x16xf32>,
        %get3A_524 = vector.shape_cast %get3A_523 : vector<1x16xf32> to vector<16xf32>
        %add3A_525 = arith.addf %get3A_519, %get3A_524 : vector<16xf32>
        %mul3A_526 = arith.constant 8 : i32
        %mul3A_527 = arith.muli %scan3A_439, %mul3A_526 : i32
        %add3A_528 = arith.constant 0 : i32
        %add3A_529 = arith.addi %mul3A_527, %add3A_528 : i32
        %swap3A_530 = arith.index_cast %add3A_529 : i32 to index
        %swap3A_531 = arith.constant 64 : index
        %swap3A_532 = tpu.vector_load %arg12[%swap3A_530, %swap3A_531] {strides = array<i32>} : memref<64x128xf32, #tpu.memory_space<vmem>>, vector<1x16xf32>,
        %swap3A_533 = vector.shape_cast %swap3A_532 : vector<1x16xf32> to vector<16xf32>
        %swap3A_534 = vector.shape_cast %add3A_525 : vector<16xf32> to vector<1x16xf32>
        tpu.vector_store %arg12[%swap3A_530, %swap3A_531], %swap3A_534 {strides = array<i32>} : memref<64x128xf32, #tpu.memory_space<vmem>>, vector<1x16xf32>,
        %get3A_535 = arith.index_cast %scan3A_439 : i32 to index
        %get3A_536 = arith.constant 80 : index
        %get3A_537 = tpu.vector_load %arg10[%get3A_535, %get3A_536] {strides = array<i32>} : memref<8x128xf32, #tpu.memory_space<vmem>>, vector<1x16xf32>,
        %get3A_538 = vector.shape_cast %get3A_537 : vector<1x16xf32> to vector<16xf32>
        %get3A_539 = arith.constant 0 : i32
        %get3A_540 = arith.index_cast %get3A_539 : i32 to index
        %get3A_541 = arith.constant 80 : index
        %get3A_542 = tpu.vector_load %arg11[%get3A_540, %get3A_541] {strides = array<i32>} : memref<8x128xf32, #tpu.memory_space<vmem>>, vector<1x16xf32>,
        %get3A_543 = vector.shape_cast %get3A_542 : vector<1x16xf32> to vector<16xf32>
        %add3A_544 = arith.addf %get3A_538, %get3A_543 : vector<16xf32>
        %mul3A_545 = arith.constant 8 : i32
        %mul3A_546 = arith.muli %scan3A_439, %mul3A_545 : i32
        %add3A_547 = arith.constant 0 : i32
        %add3A_548 = arith.addi %mul3A_546, %add3A_547 : i32
        %swap3A_549 = arith.index_cast %add3A_548 : i32 to index
        %swap3A_550 = arith.constant 80 : index
        %swap3A_551 = tpu.vector_load %arg12[%swap3A_549, %swap3A_550] {strides = array<i32>} : memref<64x128xf32, #tpu.memory_space<vmem>>, vector<1x16xf32>,
        %swap3A_552 = vector.shape_cast %swap3A_551 : vector<1x16xf32> to vector<16xf32>
        %swap3A_553 = vector.shape_cast %add3A_544 : vector<16xf32> to vector<1x16xf32>
        tpu.vector_store %arg12[%swap3A_549, %swap3A_550], %swap3A_553 {strides = array<i32>} : memref<64x128xf32, #tpu.memory_space<vmem>>, vector<1x16xf32>,
        %get3A_554 = arith.index_cast %scan3A_439 : i32 to index
        %get3A_555 = arith.constant 96 : index
        %get3A_556 = tpu.vector_load %arg10[%get3A_554, %get3A_555] {strides = array<i32>} : memref<8x128xf32, #tpu.memory_space<vmem>>, vector<1x16xf32>,
        %get3A_557 = vector.shape_cast %get3A_556 : vector<1x16xf32> to vector<16xf32>
        %get3A_558 = arith.constant 0 : i32
        %get3A_559 = arith.index_cast %get3A_558 : i32 to index
        %get3A_560 = arith.constant 96 : index
        %get3A_561 = tpu.vector_load %arg11[%get3A_559, %get3A_560] {strides = array<i32>} : memref<8x128xf32, #tpu.memory_space<vmem>>, vector<1x16xf32>,
        %get3A_562 = vector.shape_cast %get3A_561 : vector<1x16xf32> to vector<16xf32>
        %add3A_563 = arith.addf %get3A_557, %get3A_562 : vector<16xf32>
        %mul3A_564 = arith.constant 8 : i32
        %mul3A_565 = arith.muli %scan3A_439, %mul3A_564 : i32
        %add3A_566 = arith.constant 0 : i32
        %add3A_567 = arith.addi %mul3A_565, %add3A_566 : i32
        %swap3A_568 = arith.index_cast %add3A_567 : i32 to index
        %swap3A_569 = arith.constant 96 : index
        %swap3A_570 = tpu.vector_load %arg12[%swap3A_568, %swap3A_569] {strides = array<i32>} : memref<64x128xf32, #tpu.memory_space<vmem>>, vector<1x16xf32>,
        %swap3A_571 = vector.shape_cast %swap3A_570 : vector<1x16xf32> to vector<16xf32>
        %swap3A_572 = vector.shape_cast %add3A_563 : vector<16xf32> to vector<1x16xf32>
        tpu.vector_store %arg12[%swap3A_568, %swap3A_569], %swap3A_572 {strides = array<i32>} : memref<64x128xf32, #tpu.memory_space<vmem>>, vector<1x16xf32>,
        %get3A_573 = arith.index_cast %scan3A_439 : i32 to index
        %get3A_574 = arith.constant 112 : index
        %get3A_575 = tpu.vector_load %arg10[%get3A_573, %get3A_574] {strides = array<i32>} : memref<8x128xf32, #tpu.memory_space<vmem>>, vector<1x16xf32>,
        %get3A_576 = vector.shape_cast %get3A_575 : vector<1x16xf32> to vector<16xf32>
        %get3A_577 = arith.constant 0 : i32
        %get3A_578 = arith.index_cast %get3A_577 : i32 to index
        %get3A_579 = arith.constant 112 : index
        %get3A_580 = tpu.vector_load %arg11[%get3A_578, %get3A_579] {strides = array<i32>} : memref<8x128xf32, #tpu.memory_space<vmem>>, vector<1x16xf32>,
        %get3A_581 = vector.shape_cast %get3A_580 : vector<1x16xf32> to vector<16xf32>
        %add3A_582 = arith.addf %get3A_576, %get3A_581 : vector<16xf32>
        %mul3A_583 = arith.constant 8 : i32
        %mul3A_584 = arith.muli %scan3A_439, %mul3A_583 : i32
        %add3A_585 = arith.constant 0 : i32
        %add3A_586 = arith.addi %mul3A_584, %add3A_585 : i32
        %swap3A_587 = arith.index_cast %add3A_586 : i32 to index
        %swap3A_588 = arith.constant 112 : index
        %swap3A_589 = tpu.vector_load %arg12[%swap3A_587, %swap3A_588] {strides = array<i32>} : memref<64x128xf32, #tpu.memory_space<vmem>>, vector<1x16xf32>,
        %swap3A_590 = vector.shape_cast %swap3A_589 : vector<1x16xf32> to vector<16xf32>
        %swap3A_591 = vector.shape_cast %add3A_582 : vector<16xf32> to vector<1x16xf32>
        tpu.vector_store %arg12[%swap3A_587, %swap3A_588], %swap3A_591 {strides = array<i32>} : memref<64x128xf32, #tpu.memory_space<vmem>>, vector<1x16xf32>,
        %get3A_592 = arith.index_cast %scan3A_439 : i32 to index
        %get3A_593 = arith.constant 0 : index
        %get3A_594 = tpu.vector_load %arg10[%get3A_592, %get3A_593] {strides = array<i32>} : memref<8x128xf32, #tpu.memory_space<vmem>>, vector<1x16xf32>,
        %get3A_595 = vector.shape_cast %get3A_594 : vector<1x16xf32> to vector<16xf32>
        %get3A_596 = arith.constant 1 : i32
        %get3A_597 = arith.index_cast %get3A_596 : i32 to index
        %get3A_598 = arith.constant 0 : index
        %get3A_599 = tpu.vector_load %arg11[%get3A_597, %get3A_598] {strides = array<i32>} : memref<8x128xf32, #tpu.memory_space<vmem>>, vector<1x16xf32>,
        %get3A_600 = vector.shape_cast %get3A_599 : vector<1x16xf32> to vector<16xf32>
        %add3A_601 = arith.addf %get3A_595, %get3A_600 : vector<16xf32>
        %mul3A_602 = arith.constant 8 : i32
        %mul3A_603 = arith.muli %scan3A_439, %mul3A_602 : i32
        %add3A_604 = arith.constant 1 : i32
        %add3A_605 = arith.addi %mul3A_603, %add3A_604 : i32
        %swap3A_606 = arith.index_cast %add3A_605 : i32 to index
        %swap3A_607 = arith.constant 0 : index
        %swap3A_608 = tpu.vector_load %arg12[%swap3A_606, %swap3A_607] {strides = array<i32>} : memref<64x128xf32, #tpu.memory_space<vmem>>, vector<1x16xf32>,
        %swap3A_609 = vector.shape_cast %swap3A_608 : vector<1x16xf32> to vector<16xf32>
        %swap3A_610 = vector.shape_cast %add3A_601 : vector<16xf32> to vector<1x16xf32>
        tpu.vector_store %arg12[%swap3A_606, %swap3A_607], %swap3A_610 {strides = array<i32>} : memref<64x128xf32, #tpu.memory_space<vmem>>, vector<1x16xf32>,
        %get3A_611 = arith.index_cast %scan3A_439 : i32 to index
        %get3A_612 = arith.constant 16 : index
        %get3A_613 = tpu.vector_load %arg10[%get3A_611, %get3A_612] {strides = array<i32>} : memref<8x128xf32, #tpu.memory_space<vmem>>, vector<1x16xf32>,
        %get3A_614 = vector.shape_cast %get3A_613 : vector<1x16xf32> to vector<16xf32>
        %get3A_615 = arith.constant 1 : i32
        %get3A_616 = arith.index_cast %get3A_615 : i32 to index
        %get3A_617 = arith.constant 16 : index
        %get3A_618 = tpu.vector_load %arg11[%get3A_616, %get3A_617] {strides = array<i32>} : memref<8x128xf32, #tpu.memory_space<vmem>>, vector<1x16xf32>,
        %get3A_619 = vector.shape_cast %get3A_618 : vector<1x16xf32> to vector<16xf32>
        %add3A_620 = arith.addf %get3A_614, %get3A_619 : vector<16xf32>
        %mul3A_621 = arith.constant 8 : i32
        %mul3A_622 = arith.muli %scan3A_439, %mul3A_621 : i32
        %add3A_623 = arith.constant 1 : i32
        %add3A_624 = arith.addi %mul3A_622, %add3A_623 : i32
        %swap3A_625 = arith.index_cast %add3A_624 : i32 to index
        %swap3A_626 = arith.constant 16 : index
        %swap3A_627 = tpu.vector_load %arg12[%swap3A_625, %swap3A_626] {strides = array<i32>} : memref<64x128xf32, #tpu.memory_space<vmem>>, vector<1x16xf32>,
        %swap3A_628 = vector.shape_cast %swap3A_627 : vector<1x16xf32> to vector<16xf32>
        %swap3A_629 = vector.shape_cast %add3A_620 : vector<16xf32> to vector<1x16xf32>
        tpu.vector_store %arg12[%swap3A_625, %swap3A_626], %swap3A_629 {strides = array<i32>} : memref<64x128xf32, #tpu.memory_space<vmem>>, vector<1x16xf32>,
        %get3A_630 = arith.index_cast %scan3A_439 : i32 to index
        %get3A_631 = arith.constant 32 : index
        %get3A_632 = tpu.vector_load %arg10[%get3A_630, %get3A_631] {strides = array<i32>} : memref<8x128xf32, #tpu.memory_space<vmem>>, vector<1x16xf32>,
        %get3A_633 = vector.shape_cast %get3A_632 : vector<1x16xf32> to vector<16xf32>
        %get3A_634 = arith.constant 1 : i32
        %get3A_635 = arith.index_cast %get3A_634 : i32 to index
        %get3A_636 = arith.constant 32 : index
        %get3A_637 = tpu.vector_load %arg11[%get3A_635, %get3A_636] {strides = array<i32>} : memref<8x128xf32, #tpu.memory_space<vmem>>, vector<1x16xf32>,
        %get3A_638 = vector.shape_cast %get3A_637 : vector<1x16xf32> to vector<16xf32>
        %add3A_639 = arith.addf %get3A_633, %get3A_638 : vector<16xf32>
        %mul3A_640 = arith.constant 8 : i32
        %mul3A_641 = arith.muli %scan3A_439, %mul3A_640 : i32
        %add3A_642 = arith.constant 1 : i32
        %add3A_643 = arith.addi %mul3A_641, %add3A_642 : i32
        %swap3A_644 = arith.index_cast %add3A_643 : i32 to index
        %swap3A_645 = arith.constant 32 : index
        %swap3A_646 = tpu.vector_load %arg12[%swap3A_644, %swap3A_645] {strides = array<i32>} : memref<64x128xf32, #tpu.memory_space<vmem>>, vector<1x16xf32>,
        %swap3A_647 = vector.shape_cast %swap3A_646 : vector<1x16xf32> to vector<16xf32>
        %swap3A_648 = vector.shape_cast %add3A_639 : vector<16xf32> to vector<1x16xf32>
        tpu.vector_store %arg12[%swap3A_644, %swap3A_645], %swap3A_648 {strides = array<i32>} : memref<64x128xf32, #tpu.memory_space<vmem>>, vector<1x16xf32>,
        %get3A_649 = arith.index_cast %scan3A_439 : i32 to index
        %get3A_650 = arith.constant 48 : index
        %get3A_651 = tpu.vector_load %arg10[%get3A_649, %get3A_650] {strides = array<i32>} : memref<8x128xf32, #tpu.memory_space<vmem>>, vector<1x16xf32>,
        %get3A_652 = vector.shape_cast %get3A_651 : vector<1x16xf32> to vector<16xf32>
        %get3A_653 = arith.constant 1 : i32
        %get3A_654 = arith.index_cast %get3A_653 : i32 to index
        %get3A_655 = arith.constant 48 : index
        %get3A_656 = tpu.vector_load %arg11[%get3A_654, %get3A_655] {strides = array<i32>} : memref<8x128xf32, #tpu.memory_space<vmem>>, vector<1x16xf32>,
        %get3A_657 = vector.shape_cast %get3A_656 : vector<1x16xf32> to vector<16xf32>
        %add3A_658 = arith.addf %get3A_652, %get3A_657 : vector<16xf32>
        %mul3A_659 = arith.constant 8 : i32
        %mul3A_660 = arith.muli %scan3A_439, %mul3A_659 : i32
        %add3A_661 = arith.constant 1 : i32
        %add3A_662 = arith.addi %mul3A_660, %add3A_661 : i32
        %swap3A_663 = arith.index_cast %add3A_662 : i32 to index
        %swap3A_664 = arith.constant 48 : index
        %swap3A_665 = tpu.vector_load %arg12[%swap3A_663, %swap3A_664] {strides = array<i32>} : memref<64x128xf32, #tpu.memory_space<vmem>>, vector<1x16xf32>,
        %swap3A_666 = vector.shape_cast %swap3A_665 : vector<1x16xf32> to vector<16xf32>
        %swap3A_667 = vector.shape_cast %add3A_658 : vector<16xf32> to vector<1x16xf32>
        tpu.vector_store %arg12[%swap3A_663, %swap3A_664], %swap3A_667 {strides = array<i32>} : memref<64x128xf32, #tpu.memory_space<vmem>>, vector<1x16xf32>,
        %get3A_668 = arith.index_cast %scan3A_439 : i32 to index
        %get3A_669 = arith.constant 64 : index
        %get3A_670 = tpu.vector_load %arg10[%get3A_668, %get3A_669] {strides = array<i32>} : memref<8x128xf32, #tpu.memory_space<vmem>>, vector<1x16xf32>,
        %get3A_671 = vector.shape_cast %get3A_670 : vector<1x16xf32> to vector<16xf32>
        %get3A_672 = arith.constant 1 : i32
        %get3A_673 = arith.index_cast %get3A_672 : i32 to index
        %get3A_674 = arith.constant 64 : index
        %get3A_675 = tpu.vector_load %arg11[%get3A_673, %get3A_674] {strides = array<i32>} : memref<8x128xf32, #tpu.memory_space<vmem>>, vector<1x16xf32>,
        %get3A_676 = vector.shape_cast %get3A_675 : vector<1x16xf32> to vector<16xf32>
        %add3A_677 = arith.addf %get3A_671, %get3A_676 : vector<16xf32>
        %mul3A_678 = arith.constant 8 : i32
        %mul3A_679 = arith.muli %scan3A_439, %mul3A_678 : i32
        %add3A_680 = arith.constant 1 : i32
        %add3A_681 = arith.addi %mul3A_679, %add3A_680 : i32
        %swap3A_682 = arith.index_cast %add3A_681 : i32 to index
        %swap3A_683 = arith.constant 64 : index
        %swap3A_684 = tpu.vector_load %arg12[%swap3A_682, %swap3A_683] {strides = array<i32>} : memref<64x128xf32, #tpu.memory_space<vmem>>, vector<1x16xf32>,
        %swap3A_685 = vector.shape_cast %swap3A_684 : vector<1x16xf32> to vector<16xf32>
        %swap3A_686 = vector.shape_cast %add3A_677 : vector<16xf32> to vector<1x16xf32>
        tpu.vector_store %arg12[%swap3A_682, %swap3A_683], %swap3A_686 {strides = array<i32>} : memref<64x128xf32, #tpu.memory_space<vmem>>, vector<1x16xf32>,
        %get3A_687 = arith.index_cast %scan3A_439 : i32 to index
        %get3A_688 = arith.constant 80 : index
        %get3A_689 = tpu.vector_load %arg10[%get3A_687, %get3A_688] {strides = array<i32>} : memref<8x128xf32, #tpu.memory_space<vmem>>, vector<1x16xf32>,
        %get3A_690 = vector.shape_cast %get3A_689 : vector<1x16xf32> to vector<16xf32>
        %get3A_691 = arith.constant 1 : i32
        %get3A_692 = arith.index_cast %get3A_691 : i32 to index
        %get3A_693 = arith.constant 80 : index
        %get3A_694 = tpu.vector_load %arg11[%get3A_692, %get3A_693] {strides = array<i32>} : memref<8x128xf32, #tpu.memory_space<vmem>>, vector<1x16xf32>,
        %get3A_695 = vector.shape_cast %get3A_694 : vector<1x16xf32> to vector<16xf32>
        %add3A_696 = arith.addf %get3A_690, %get3A_695 : vector<16xf32>
        %mul3A_697 = arith.constant 8 : i32
        %mul3A_698 = arith.muli %scan3A_439, %mul3A_697 : i32
        %add3A_699 = arith.constant 1 : i32
        %add3A_700 = arith.addi %mul3A_698, %add3A_699 : i32
        %swap3A_701 = arith.index_cast %add3A_700 : i32 to index
        %swap3A_702 = arith.constant 80 : index
        %swap3A_703 = tpu.vector_load %arg12[%swap3A_701, %swap3A_702] {strides = array<i32>} : memref<64x128xf32, #tpu.memory_space<vmem>>, vector<1x16xf32>,
        %swap3A_704 = vector.shape_cast %swap3A_703 : vector<1x16xf32> to vector<16xf32>
        %swap3A_705 = vector.shape_cast %add3A_696 : vector<16xf32> to vector<1x16xf32>
        tpu.vector_store %arg12[%swap3A_701, %swap3A_702], %swap3A_705 {strides = array<i32>} : memref<64x128xf32, #tpu.memory_space<vmem>>, vector<1x16xf32>,
        %get3A_706 = arith.index_cast %scan3A_439 : i32 to index
        %get3A_707 = arith.constant 96 : index
        %get3A_708 = tpu.vector_load %arg10[%get3A_706, %get3A_707] {strides = array<i32>} : memref<8x128xf32, #tpu.memory_space<vmem>>, vector<1x16xf32>,
        %get3A_709 = vector.shape_cast %get3A_708 : vector<1x16xf32> to vector<16xf32>
        %get3A_710 = arith.constant 1 : i32
        %get3A_711 = arith.index_cast %get3A_710 : i32 to index
        %get3A_712 = arith.constant 96 : index
        %get3A_713 = tpu.vector_load %arg11[%get3A_711, %get3A_712] {strides = array<i32>} : memref<8x128xf32, #tpu.memory_space<vmem>>, vector<1x16xf32>,
        %get3A_714 = vector.shape_cast %get3A_713 : vector<1x16xf32> to vector<16xf32>
        %add3A_715 = arith.addf %get3A_709, %get3A_714 : vector<16xf32>
        %mul3A_716 = arith.constant 8 : i32
        %mul3A_717 = arith.muli %scan3A_439, %mul3A_716 : i32
        %add3A_718 = arith.constant 1 : i32
        %add3A_719 = arith.addi %mul3A_717, %add3A_718 : i32
        %swap3A_720 = arith.index_cast %add3A_719 : i32 to index
        %swap3A_721 = arith.constant 96 : index
        %swap3A_722 = tpu.vector_load %arg12[%swap3A_720, %swap3A_721] {strides = array<i32>} : memref<64x128xf32, #tpu.memory_space<vmem>>, vector<1x16xf32>,
        %swap3A_723 = vector.shape_cast %swap3A_722 : vector<1x16xf32> to vector<16xf32>
        %swap3A_724 = vector.shape_cast %add3A_715 : vector<16xf32> to vector<1x16xf32>
        tpu.vector_store %arg12[%swap3A_720, %swap3A_721], %swap3A_724 {strides = array<i32>} : memref<64x128xf32, #tpu.memory_space<vmem>>, vector<1x16xf32>,
        %get3A_725 = arith.index_cast %scan3A_439 : i32 to index
        %get3A_726 = arith.constant 112 : index
        %get3A_727 = tpu.vector_load %arg10[%get3A_725, %get3A_726] {strides = array<i32>} : memref<8x128xf32, #tpu.memory_space<vmem>>, vector<1x16xf32>,
        %get3A_728 = vector.shape_cast %get3A_727 : vector<1x16xf32> to vector<16xf32>
        %get3A_729 = arith.constant 1 : i32
        %get3A_730 = arith.index_cast %get3A_729 : i32 to index
        %get3A_731 = arith.constant 112 : index
        %get3A_732 = tpu.vector_load %arg11[%get3A_730, %get3A_731] {strides = array<i32>} : memref<8x128xf32, #tpu.memory_space<vmem>>, vector<1x16xf32>,
        %get3A_733 = vector.shape_cast %get3A_732 : vector<1x16xf32> to vector<16xf32>
        %add3A_734 = arith.addf %get3A_728, %get3A_733 : vector<16xf32>
        %mul3A_735 = arith.constant 8 : i32
        %mul3A_736 = arith.muli %scan3A_439, %mul3A_735 : i32
        %add3A_737 = arith.constant 1 : i32
        %add3A_738 = arith.addi %mul3A_736, %add3A_737 : i32
        %swap3A_739 = arith.index_cast %add3A_738 : i32 to index
        %swap3A_740 = arith.constant 112 : index
        %swap3A_741 = tpu.vector_load %arg12[%swap3A_739, %swap3A_740] {strides = array<i32>} : memref<64x128xf32, #tpu.memory_space<vmem>>, vector<1x16xf32>,
        %swap3A_742 = vector.shape_cast %swap3A_741 : vector<1x16xf32> to vector<16xf32>
        %swap3A_743 = vector.shape_cast %add3A_734 : vector<16xf32> to vector<1x16xf32>
        tpu.vector_store %arg12[%swap3A_739, %swap3A_740], %swap3A_743 {strides = array<i32>} : memref<64x128xf32, #tpu.memory_space<vmem>>, vector<1x16xf32>,
        %get3A_744 = arith.index_cast %scan3A_439 : i32 to index
        %get3A_745 = arith.constant 0 : index
        %get3A_746 = tpu.vector_load %arg10[%get3A_744, %get3A_745] {strides = array<i32>} : memref<8x128xf32, #tpu.memory_space<vmem>>, vector<1x16xf32>,
        %get3A_747 = vector.shape_cast %get3A_746 : vector<1x16xf32> to vector<16xf32>
        %get3A_748 = arith.constant 2 : i32
        %get3A_749 = arith.index_cast %get3A_748 : i32 to index
        %get3A_750 = arith.constant 0 : index
        %get3A_751 = tpu.vector_load %arg11[%get3A_749, %get3A_750] {strides = array<i32>} : memref<8x128xf32, #tpu.memory_space<vmem>>, vector<1x16xf32>,
        %get3A_752 = vector.shape_cast %get3A_751 : vector<1x16xf32> to vector<16xf32>
        %add3A_753 = arith.addf %get3A_747, %get3A_752 : vector<16xf32>
        %mul3A_754 = arith.constant 8 : i32
        %mul3A_755 = arith.muli %scan3A_439, %mul3A_754 : i32
        %add3A_756 = arith.constant 2 : i32
        %add3A_757 = arith.addi %mul3A_755, %add3A_756 : i32
        %swap3A_758 = arith.index_cast %add3A_757 : i32 to index
        %swap3A_759 = arith.constant 0 : index
        %swap3A_760 = tpu.vector_load %arg12[%swap3A_758, %swap3A_759] {strides = array<i32>} : memref<64x128xf32, #tpu.memory_space<vmem>>, vector<1x16xf32>,
        %swap3A_761 = vector.shape_cast %swap3A_760 : vector<1x16xf32> to vector<16xf32>
        %swap3A_762 = vector.shape_cast %add3A_753 : vector<16xf32> to vector<1x16xf32>
        tpu.vector_store %arg12[%swap3A_758, %swap3A_759], %swap3A_762 {strides = array<i32>} : memref<64x128xf32, #tpu.memory_space<vmem>>, vector<1x16xf32>,
        %get3A_763 = arith.index_cast %scan3A_439 : i32 to index
        %get3A_764 = arith.constant 16 : index
        %get3A_765 = tpu.vector_load %arg10[%get3A_763, %get3A_764] {strides = array<i32>} : memref<8x128xf32, #tpu.memory_space<vmem>>, vector<1x16xf32>,
        %get3A_766 = vector.shape_cast %get3A_765 : vector<1x16xf32> to vector<16xf32>
        %get3A_767 = arith.constant 2 : i32
        %get3A_768 = arith.index_cast %get3A_767 : i32 to index
        %get3A_769 = arith.constant 16 : index
        %get3A_770 = tpu.vector_load %arg11[%get3A_768, %get3A_769] {strides = array<i32>} : memref<8x128xf32, #tpu.memory_space<vmem>>, vector<1x16xf32>,
        %get3A_771 = vector.shape_cast %get3A_770 : vector<1x16xf32> to vector<16xf32>
        %add3A_772 = arith.addf %get3A_766, %get3A_771 : vector<16xf32>
        %mul3A_773 = arith.constant 8 : i32
        %mul3A_774 = arith.muli %scan3A_439, %mul3A_773 : i32
        %add3A_775 = arith.constant 2 : i32
        %add3A_776 = arith.addi %mul3A_774, %add3A_775 : i32
        %swap3A_777 = arith.index_cast %add3A_776 : i32 to index
        %swap3A_778 = arith.constant 16 : index
        %swap3A_779 = tpu.vector_load %arg12[%swap3A_777, %swap3A_778] {strides = array<i32>} : memref<64x128xf32, #tpu.memory_space<vmem>>, vector<1x16xf32>,
        %swap3A_780 = vector.shape_cast %swap3A_779 : vector<1x16xf32> to vector<16xf32>
        %swap3A_781 = vector.shape_cast %add3A_772 : vector<16xf32> to vector<1x16xf32>
        tpu.vector_store %arg12[%swap3A_777, %swap3A_778], %swap3A_781 {strides = array<i32>} : memref<64x128xf32, #tpu.memory_space<vmem>>, vector<1x16xf32>,
        %get3A_782 = arith.index_cast %scan3A_439 : i32 to index
        %get3A_783 = arith.constant 32 : index
        %get3A_784 = tpu.vector_load %arg10[%get3A_782, %get3A_783] {strides = array<i32>} : memref<8x128xf32, #tpu.memory_space<vmem>>, vector<1x16xf32>,
        %get3A_785 = vector.shape_cast %get3A_784 : vector<1x16xf32> to vector<16xf32>
        %get3A_786 = arith.constant 2 : i32
        %get3A_787 = arith.index_cast %get3A_786 : i32 to index
        %get3A_788 = arith.constant 32 : index
        %get3A_789 = tpu.vector_load %arg11[%get3A_787, %get3A_788] {strides = array<i32>} : memref<8x128xf32, #tpu.memory_space<vmem>>, vector<1x16xf32>,
        %get3A_790 = vector.shape_cast %get3A_789 : vector<1x16xf32> to vector<16xf32>
        %add3A_791 = arith.addf %get3A_785, %get3A_790 : vector<16xf32>
        %mul3A_792 = arith.constant 8 : i32
        %mul3A_793 = arith.muli %scan3A_439, %mul3A_792 : i32
        %add3A_794 = arith.constant 2 : i32
        %add3A_795 = arith.addi %mul3A_793, %add3A_794 : i32
        %swap3A_796 = arith.index_cast %add3A_795 : i32 to index
        %swap3A_797 = arith.constant 32 : index
        %swap3A_798 = tpu.vector_load %arg12[%swap3A_796, %swap3A_797] {strides = array<i32>} : memref<64x128xf32, #tpu.memory_space<vmem>>, vector<1x16xf32>,
        %swap3A_799 = vector.shape_cast %swap3A_798 : vector<1x16xf32> to vector<16xf32>
        %swap3A_800 = vector.shape_cast %add3A_791 : vector<16xf32> to vector<1x16xf32>
        tpu.vector_store %arg12[%swap3A_796, %swap3A_797], %swap3A_800 {strides = array<i32>} : memref<64x128xf32, #tpu.memory_space<vmem>>, vector<1x16xf32>,
        %get3A_801 = arith.index_cast %scan3A_439 : i32 to index
        %get3A_802 = arith.constant 48 : index
        %get3A_803 = tpu.vector_load %arg10[%get3A_801, %get3A_802] {strides = array<i32>} : memref<8x128xf32, #tpu.memory_space<vmem>>, vector<1x16xf32>,
        %get3A_804 = vector.shape_cast %get3A_803 : vector<1x16xf32> to vector<16xf32>
        %get3A_805 = arith.constant 2 : i32
        %get3A_806 = arith.index_cast %get3A_805 : i32 to index
        %get3A_807 = arith.constant 48 : index
        %get3A_808 = tpu.vector_load %arg11[%get3A_806, %get3A_807] {strides = array<i32>} : memref<8x128xf32, #tpu.memory_space<vmem>>, vector<1x16xf32>,
        %get3A_809 = vector.shape_cast %get3A_808 : vector<1x16xf32> to vector<16xf32>
        %add3A_810 = arith.addf %get3A_804, %get3A_809 : vector<16xf32>
        %mul3A_811 = arith.constant 8 : i32
        %mul3A_812 = arith.muli %scan3A_439, %mul3A_811 : i32
        %add3A_813 = arith.constant 2 : i32
        %add3A_814 = arith.addi %mul3A_812, %add3A_813 : i32
        %swap3A_815 = arith.index_cast %add3A_814 : i32 to index
        %swap3A_816 = arith.constant 48 : index
        %swap3A_817 = tpu.vector_load %arg12[%swap3A_815, %swap3A_816] {strides = array<i32>} : memref<64x128xf32, #tpu.memory_space<vmem>>, vector<1x16xf32>,
        %swap3A_818 = vector.shape_cast %swap3A_817 : vector<1x16xf32> to vector<16xf32>
        %swap3A_819 = vector.shape_cast %add3A_810 : vector<16xf32> to vector<1x16xf32>
        tpu.vector_store %arg12[%swap3A_815, %swap3A_816], %swap3A_819 {strides = array<i32>} : memref<64x128xf32, #tpu.memory_space<vmem>>, vector<1x16xf32>,
        %get3A_820 = arith.index_cast %scan3A_439 : i32 to index
        %get3A_821 = arith.constant 64 : index
        %get3A_822 = tpu.vector_load %arg10[%get3A_820, %get3A_821] {strides = array<i32>} : memref<8x128xf32, #tpu.memory_space<vmem>>, vector<1x16xf32>,
        %get3A_823 = vector.shape_cast %get3A_822 : vector<1x16xf32> to vector<16xf32>
        %get3A_824 = arith.constant 2 : i32
        %get3A_825 = arith.index_cast %get3A_824 : i32 to index
        %get3A_826 = arith.constant 64 : index
        %get3A_827 = tpu.vector_load %arg11[%get3A_825, %get3A_826] {strides = array<i32>} : memref<8x128xf32, #tpu.memory_space<vmem>>, vector<1x16xf32>,
        %get3A_828 = vector.shape_cast %get3A_827 : vector<1x16xf32> to vector<16xf32>
        %add3A_829 = arith.addf %get3A_823, %get3A_828 : vector<16xf32>
        %mul3A_830 = arith.constant 8 : i32
        %mul3A_831 = arith.muli %scan3A_439, %mul3A_830 : i32
        %add3A_832 = arith.constant 2 : i32
        %add3A_833 = arith.addi %mul3A_831, %add3A_832 : i32
        %swap3A_834 = arith.index_cast %add3A_833 : i32 to index
        %swap3A_835 = arith.constant 64 : index
        %swap3A_836 = tpu.vector_load %arg12[%swap3A_834, %swap3A_835] {strides = array<i32>} : memref<64x128xf32, #tpu.memory_space<vmem>>, vector<1x16xf32>,
        %swap3A_837 = vector.shape_cast %swap3A_836 : vector<1x16xf32> to vector<16xf32>
        %swap3A_838 = vector.shape_cast %add3A_829 : vector<16xf32> to vector<1x16xf32>
        tpu.vector_store %arg12[%swap3A_834, %swap3A_835], %swap3A_838 {strides = array<i32>} : memref<64x128xf32, #tpu.memory_space<vmem>>, vector<1x16xf32>,
        %get3A_839 = arith.index_cast %scan3A_439 : i32 to index
        %get3A_840 = arith.constant 80 : index
        %get3A_841 = tpu.vector_load %arg10[%get3A_839, %get3A_840] {strides = array<i32>} : memref<8x128xf32, #tpu.memory_space<vmem>>, vector<1x16xf32>,
        %get3A_842 = vector.shape_cast %get3A_841 : vector<1x16xf32> to vector<16xf32>
        %get3A_843 = arith.constant 2 : i32
        %get3A_844 = arith.index_cast %get3A_843 : i32 to index
        %get3A_845 = arith.constant 80 : index
        %get3A_846 = tpu.vector_load %arg11[%get3A_844, %get3A_845] {strides = array<i32>} : memref<8x128xf32, #tpu.memory_space<vmem>>, vector<1x16xf32>,
        %get3A_847 = vector.shape_cast %get3A_846 : vector<1x16xf32> to vector<16xf32>
        %add3A_848 = arith.addf %get3A_842, %get3A_847 : vector<16xf32>
        %mul3A_849 = arith.constant 8 : i32
        %mul3A_850 = arith.muli %scan3A_439, %mul3A_849 : i32
        %add3A_851 = arith.constant 2 : i32
        %add3A_852 = arith.addi %mul3A_850, %add3A_851 : i32
        %swap3A_853 = arith.index_cast %add3A_852 : i32 to index
        %swap3A_854 = arith.constant 80 : index
        %swap3A_855 = tpu.vector_load %arg12[%swap3A_853, %swap3A_854] {strides = array<i32>} : memref<64x128xf32, #tpu.memory_space<vmem>>, vector<1x16xf32>,
        %swap3A_856 = vector.shape_cast %swap3A_855 : vector<1x16xf32> to vector<16xf32>
        %swap3A_857 = vector.shape_cast %add3A_848 : vector<16xf32> to vector<1x16xf32>
        tpu.vector_store %arg12[%swap3A_853, %swap3A_854], %swap3A_857 {strides = array<i32>} : memref<64x128xf32, #tpu.memory_space<vmem>>, vector<1x16xf32>,
        %get3A_858 = arith.index_cast %scan3A_439 : i32 to index
        %get3A_859 = arith.constant 96 : index
        %get3A_860 = tpu.vector_load %arg10[%get3A_858, %get3A_859] {strides = array<i32>} : memref<8x128xf32, #tpu.memory_space<vmem>>, vector<1x16xf32>,
        %get3A_861 = vector.shape_cast %get3A_860 : vector<1x16xf32> to vector<16xf32>
        %get3A_862 = arith.constant 2 : i32
        %get3A_863 = arith.index_cast %get3A_862 : i32 to index
        %get3A_864 = arith.constant 96 : index
        %get3A_865 = tpu.vector_load %arg11[%get3A_863, %get3A_864] {strides = array<i32>} : memref<8x128xf32, #tpu.memory_space<vmem>>, vector<1x16xf32>,
        %get3A_866 = vector.shape_cast %get3A_865 : vector<1x16xf32> to vector<16xf32>
        %add3A_867 = arith.addf %get3A_861, %get3A_866 : vector<16xf32>
        %mul3A_868 = arith.constant 8 : i32
        %mul3A_869 = arith.muli %scan3A_439, %mul3A_868 : i32
        %add3A_870 = arith.constant 2 : i32
        %add3A_871 = arith.addi %mul3A_869, %add3A_870 : i32
        %swap3A_872 = arith.index_cast %add3A_871 : i32 to index
        %swap3A_873 = arith.constant 96 : index
        %swap3A_874 = tpu.vector_load %arg12[%swap3A_872, %swap3A_873] {strides = array<i32>} : memref<64x128xf32, #tpu.memory_space<vmem>>, vector<1x16xf32>,
        %swap3A_875 = vector.shape_cast %swap3A_874 : vector<1x16xf32> to vector<16xf32>
        %swap3A_876 = vector.shape_cast %add3A_867 : vector<16xf32> to vector<1x16xf32>
        tpu.vector_store %arg12[%swap3A_872, %swap3A_873], %swap3A_876 {strides = array<i32>} : memref<64x128xf32, #tpu.memory_space<vmem>>, vector<1x16xf32>,
        %get3A_877 = arith.index_cast %scan3A_439 : i32 to index
        %get3A_878 = arith.constant 112 : index
        %get3A_879 = tpu.vector_load %arg10[%get3A_877, %get3A_878] {strides = array<i32>} : memref<8x128xf32, #tpu.memory_space<vmem>>, vector<1x16xf32>,
        %get3A_880 = vector.shape_cast %get3A_879 : vector<1x16xf32> to vector<16xf32>
        %get3A_881 = arith.constant 2 : i32
        %get3A_882 = arith.index_cast %get3A_881 : i32 to index
        %get3A_883 = arith.constant 112 : index
        %get3A_884 = tpu.vector_load %arg11[%get3A_882, %get3A_883] {strides = array<i32>} : memref<8x128xf32, #tpu.memory_space<vmem>>, vector<1x16xf32>,
        %get3A_885 = vector.shape_cast %get3A_884 : vector<1x16xf32> to vector<16xf32>
        %add3A_886 = arith.addf %get3A_880, %get3A_885 : vector<16xf32>
        %mul3A_887 = arith.constant 8 : i32
        %mul3A_888 = arith.muli %scan3A_439, %mul3A_887 : i32
        %add3A_889 = arith.constant 2 : i32
        %add3A_890 = arith.addi %mul3A_888, %add3A_889 : i32
        %swap3A_891 = arith.index_cast %add3A_890 : i32 to index
        %swap3A_892 = arith.constant 112 : index
        %swap3A_893 = tpu.vector_load %arg12[%swap3A_891, %swap3A_892] {strides = array<i32>} : memref<64x128xf32, #tpu.memory_space<vmem>>, vector<1x16xf32>,
        %swap3A_894 = vector.shape_cast %swap3A_893 : vector<1x16xf32> to vector<16xf32>
        %swap3A_895 = vector.shape_cast %add3A_886 : vector<16xf32> to vector<1x16xf32>
        tpu.vector_store %arg12[%swap3A_891, %swap3A_892], %swap3A_895 {strides = array<i32>} : memref<64x128xf32, #tpu.memory_space<vmem>>, vector<1x16xf32>,
        %get3A_896 = arith.index_cast %scan3A_439 : i32 to index
        %get3A_897 = arith.constant 0 : index
        %get3A_898 = tpu.vector_load %arg10[%get3A_896, %get3A_897] {strides = array<i32>} : memref<8x128xf32, #tpu.memory_space<vmem>>, vector<1x16xf32>,
        %get3A_899 = vector.shape_cast %get3A_898 : vector<1x16xf32> to vector<16xf32>
        %get3A_900 = arith.constant 3 : i32
        %get3A_901 = arith.index_cast %get3A_900 : i32 to index
        %get3A_902 = arith.constant 0 : index
        %get3A_903 = tpu.vector_load %arg11[%get3A_901, %get3A_902] {strides = array<i32>} : memref<8x128xf32, #tpu.memory_space<vmem>>, vector<1x16xf32>,
        %get3A_904 = vector.shape_cast %get3A_903 : vector<1x16xf32> to vector<16xf32>
        %add3A_905 = arith.addf %get3A_899, %get3A_904 : vector<16xf32>
        %mul3A_906 = arith.constant 8 : i32
        %mul3A_907 = arith.muli %scan3A_439, %mul3A_906 : i32
        %add3A_908 = arith.constant 3 : i32
        %add3A_909 = arith.addi %mul3A_907, %add3A_908 : i32
        %swap3A_910 = arith.index_cast %add3A_909 : i32 to index
        %swap3A_911 = arith.constant 0 : index
        %swap3A_912 = tpu.vector_load %arg12[%swap3A_910, %swap3A_911] {strides = array<i32>} : memref<64x128xf32, #tpu.memory_space<vmem>>, vector<1x16xf32>,
        %swap3A_913 = vector.shape_cast %swap3A_912 : vector<1x16xf32> to vector<16xf32>
        %swap3A_914 = vector.shape_cast %add3A_905 : vector<16xf32> to vector<1x16xf32>
        tpu.vector_store %arg12[%swap3A_910, %swap3A_911], %swap3A_914 {strides = array<i32>} : memref<64x128xf32, #tpu.memory_space<vmem>>, vector<1x16xf32>,
        %get3A_915 = arith.index_cast %scan3A_439 : i32 to index
        %get3A_916 = arith.constant 16 : index
        %get3A_917 = tpu.vector_load %arg10[%get3A_915, %get3A_916] {strides = array<i32>} : memref<8x128xf32, #tpu.memory_space<vmem>>, vector<1x16xf32>,
        %get3A_918 = vector.shape_cast %get3A_917 : vector<1x16xf32> to vector<16xf32>
        %get3A_919 = arith.constant 3 : i32
        %get3A_920 = arith.index_cast %get3A_919 : i32 to index
        %get3A_921 = arith.constant 16 : index
        %get3A_922 = tpu.vector_load %arg11[%get3A_920, %get3A_921] {strides = array<i32>} : memref<8x128xf32, #tpu.memory_space<vmem>>, vector<1x16xf32>,
        %get3A_923 = vector.shape_cast %get3A_922 : vector<1x16xf32> to vector<16xf32>
        %add3A_924 = arith.addf %get3A_918, %get3A_923 : vector<16xf32>
        %mul3A_925 = arith.constant 8 : i32
        %mul3A_926 = arith.muli %scan3A_439, %mul3A_925 : i32
        %add3A_927 = arith.constant 3 : i32
        %add3A_928 = arith.addi %mul3A_926, %add3A_927 : i32
        %swap3A_929 = arith.index_cast %add3A_928 : i32 to index
        %swap3A_930 = arith.constant 16 : index
        %swap3A_931 = tpu.vector_load %arg12[%swap3A_929, %swap3A_930] {strides = array<i32>} : memref<64x128xf32, #tpu.memory_space<vmem>>, vector<1x16xf32>,
        %swap3A_932 = vector.shape_cast %swap3A_931 : vector<1x16xf32> to vector<16xf32>
        %swap3A_933 = vector.shape_cast %add3A_924 : vector<16xf32> to vector<1x16xf32>
        tpu.vector_store %arg12[%swap3A_929, %swap3A_930], %swap3A_933 {strides = array<i32>} : memref<64x128xf32, #tpu.memory_space<vmem>>, vector<1x16xf32>,
        %get3A_934 = arith.index_cast %scan3A_439 : i32 to index
        %get3A_935 = arith.constant 32 : index
        %get3A_936 = tpu.vector_load %arg10[%get3A_934, %get3A_935] {strides = array<i32>} : memref<8x128xf32, #tpu.memory_space<vmem>>, vector<1x16xf32>,
        %get3A_937 = vector.shape_cast %get3A_936 : vector<1x16xf32> to vector<16xf32>
        %get3A_938 = arith.constant 3 : i32
        %get3A_939 = arith.index_cast %get3A_938 : i32 to index
        %get3A_940 = arith.constant 32 : index
        %get3A_941 = tpu.vector_load %arg11[%get3A_939, %get3A_940] {strides = array<i32>} : memref<8x128xf32, #tpu.memory_space<vmem>>, vector<1x16xf32>,
        %get3A_942 = vector.shape_cast %get3A_941 : vector<1x16xf32> to vector<16xf32>
        %add3A_943 = arith.addf %get3A_937, %get3A_942 : vector<16xf32>
        %mul3A_944 = arith.constant 8 : i32
        %mul3A_945 = arith.muli %scan3A_439, %mul3A_944 : i32
        %add3A_946 = arith.constant 3 : i32
        %add3A_947 = arith.addi %mul3A_945, %add3A_946 : i32
        %swap3A_948 = arith.index_cast %add3A_947 : i32 to index
        %swap3A_949 = arith.constant 32 : index
        %swap3A_950 = tpu.vector_load %arg12[%swap3A_948, %swap3A_949] {strides = array<i32>} : memref<64x128xf32, #tpu.memory_space<vmem>>, vector<1x16xf32>,
        %swap3A_951 = vector.shape_cast %swap3A_950 : vector<1x16xf32> to vector<16xf32>
        %swap3A_952 = vector.shape_cast %add3A_943 : vector<16xf32> to vector<1x16xf32>
        tpu.vector_store %arg12[%swap3A_948, %swap3A_949], %swap3A_952 {strides = array<i32>} : memref<64x128xf32, #tpu.memory_space<vmem>>, vector<1x16xf32>,
        %get3A_953 = arith.index_cast %scan3A_439 : i32 to index
        %get3A_954 = arith.constant 48 : index
        %get3A_955 = tpu.vector_load %arg10[%get3A_953, %get3A_954] {strides = array<i32>} : memref<8x128xf32, #tpu.memory_space<vmem>>, vector<1x16xf32>,
        %get3A_956 = vector.shape_cast %get3A_955 : vector<1x16xf32> to vector<16xf32>
        %get3A_957 = arith.constant 3 : i32
        %get3A_958 = arith.index_cast %get3A_957 : i32 to index
        %get3A_959 = arith.constant 48 : index
        %get3A_960 = tpu.vector_load %arg11[%get3A_958, %get3A_959] {strides = array<i32>} : memref<8x128xf32, #tpu.memory_space<vmem>>, vector<1x16xf32>,
        %get3A_961 = vector.shape_cast %get3A_960 : vector<1x16xf32> to vector<16xf32>
        %add3A_962 = arith.addf %get3A_956, %get3A_961 : vector<16xf32>
        %mul3A_963 = arith.constant 8 : i32
        %mul3A_964 = arith.muli %scan3A_439, %mul3A_963 : i32
        %add3A_965 = arith.constant 3 : i32
        %add3A_966 = arith.addi %mul3A_964, %add3A_965 : i32
        %swap3A_967 = arith.index_cast %add3A_966 : i32 to index
        %swap3A_968 = arith.constant 48 : index
        %swap3A_969 = tpu.vector_load %arg12[%swap3A_967, %swap3A_968] {strides = array<i32>} : memref<64x128xf32, #tpu.memory_space<vmem>>, vector<1x16xf32>,
        %swap3A_970 = vector.shape_cast %swap3A_969 : vector<1x16xf32> to vector<16xf32>
        %swap3A_971 = vector.shape_cast %add3A_962 : vector<16xf32> to vector<1x16xf32>
        tpu.vector_store %arg12[%swap3A_967, %swap3A_968], %swap3A_971 {strides = array<i32>} : memref<64x128xf32, #tpu.memory_space<vmem>>, vector<1x16xf32>,
        %get3A_972 = arith.index_cast %scan3A_439 : i32 to index
        %get3A_973 = arith.constant 64 : index
        %get3A_974 = tpu.vector_load %arg10[%get3A_972, %get3A_973] {strides = array<i32>} : memref<8x128xf32, #tpu.memory_space<vmem>>, vector<1x16xf32>,
        %get3A_975 = vector.shape_cast %get3A_974 : vector<1x16xf32> to vector<16xf32>
        %get3A_976 = arith.constant 3 : i32
        %get3A_977 = arith.index_cast %get3A_976 : i32 to index
        %get3A_978 = arith.constant 64 : index
        %get3A_979 = tpu.vector_load %arg11[%get3A_977, %get3A_978] {strides = array<i32>} : memref<8x128xf32, #tpu.memory_space<vmem>>, vector<1x16xf32>,
        %get3A_980 = vector.shape_cast %get3A_979 : vector<1x16xf32> to vector<16xf32>
        %add3A_981 = arith.addf %get3A_975, %get3A_980 : vector<16xf32>
        %mul3A_982 = arith.constant 8 : i32
        %mul3A_983 = arith.muli %scan3A_439, %mul3A_982 : i32
        %add3A_984 = arith.constant 3 : i32
        %add3A_985 = arith.addi %mul3A_983, %add3A_984 : i32
        %swap3A_986 = arith.index_cast %add3A_985 : i32 to index
        %swap3A_987 = arith.constant 64 : index
        %swap3A_988 = tpu.vector_load %arg12[%swap3A_986, %swap3A_987] {strides = array<i32>} : memref<64x128xf32, #tpu.memory_space<vmem>>, vector<1x16xf32>,
        %swap3A_989 = vector.shape_cast %swap3A_988 : vector<1x16xf32> to vector<16xf32>
        %swap3A_990 = vector.shape_cast %add3A_981 : vector<16xf32> to vector<1x16xf32>
        tpu.vector_store %arg12[%swap3A_986, %swap3A_987], %swap3A_990 {strides = array<i32>} : memref<64x128xf32, #tpu.memory_space<vmem>>, vector<1x16xf32>,
        %get3A_991 = arith.index_cast %scan3A_439 : i32 to index
        %get3A_992 = arith.constant 80 : index
        %get3A_993 = tpu.vector_load %arg10[%get3A_991, %get3A_992] {strides = array<i32>} : memref<8x128xf32, #tpu.memory_space<vmem>>, vector<1x16xf32>,
        %get3A_994 = vector.shape_cast %get3A_993 : vector<1x16xf32> to vector<16xf32>
        %get3A_995 = arith.constant 3 : i32
        %get3A_996 = arith.index_cast %get3A_995 : i32 to index
        %get3A_997 = arith.constant 80 : index
        %get3A_998 = tpu.vector_load %arg11[%get3A_996, %get3A_997] {strides = array<i32>} : memref<8x128xf32, #tpu.memory_space<vmem>>, vector<1x16xf32>,
        %get3A_999 = vector.shape_cast %get3A_998 : vector<1x16xf32> to vector<16xf32>
        %add3A_1000 = arith.addf %get3A_994, %get3A_999 : vector<16xf32>
        %mul3A_1001 = arith.constant 8 : i32
        %mul3A_1002 = arith.muli %scan3A_439, %mul3A_1001 : i32
        %add3A_1003 = arith.constant 3 : i32
        %add3A_1004 = arith.addi %mul3A_1002, %add3A_1003 : i32
        %swap3A_1005 = arith.index_cast %add3A_1004 : i32 to index
        %swap3A_1006 = arith.constant 80 : index
        %swap3A_1007 = tpu.vector_load %arg12[%swap3A_1005, %swap3A_1006] {strides = array<i32>} : memref<64x128xf32, #tpu.memory_space<vmem>>, vector<1x16xf32>,
        %swap3A_1008 = vector.shape_cast %swap3A_1007 : vector<1x16xf32> to vector<16xf32>
        %swap3A_1009 = vector.shape_cast %add3A_1000 : vector<16xf32> to vector<1x16xf32>
        tpu.vector_store %arg12[%swap3A_1005, %swap3A_1006], %swap3A_1009 {strides = array<i32>} : memref<64x128xf32, #tpu.memory_space<vmem>>, vector<1x16xf32>,
        %get3A_1010 = arith.index_cast %scan3A_439 : i32 to index
        %get3A_1011 = arith.constant 96 : index
        %get3A_1012 = tpu.vector_load %arg10[%get3A_1010, %get3A_1011] {strides = array<i32>} : memref<8x128xf32, #tpu.memory_space<vmem>>, vector<1x16xf32>,
        %get3A_1013 = vector.shape_cast %get3A_1012 : vector<1x16xf32> to vector<16xf32>
        %get3A_1014 = arith.constant 3 : i32
        %get3A_1015 = arith.index_cast %get3A_1014 : i32 to index
        %get3A_1016 = arith.constant 96 : index
        %get3A_1017 = tpu.vector_load %arg11[%get3A_1015, %get3A_1016] {strides = array<i32>} : memref<8x128xf32, #tpu.memory_space<vmem>>, vector<1x16xf32>,
        %get3A_1018 = vector.shape_cast %get3A_1017 : vector<1x16xf32> to vector<16xf32>
        %add3A_1019 = arith.addf %get3A_1013, %get3A_1018 : vector<16xf32>
        %mul3A_1020 = arith.constant 8 : i32
        %mul3A_1021 = arith.muli %scan3A_439, %mul3A_1020 : i32
        %add3A_1022 = arith.constant 3 : i32
        %add3A_1023 = arith.addi %mul3A_1021, %add3A_1022 : i32
        %swap3A_1024 = arith.index_cast %add3A_1023 : i32 to index
        %swap3A_1025 = arith.constant 96 : index
        %swap3A_1026 = tpu.vector_load %arg12[%swap3A_1024, %swap3A_1025] {strides = array<i32>} : memref<64x128xf32, #tpu.memory_space<vmem>>, vector<1x16xf32>,
        %swap3A_1027 = vector.shape_cast %swap3A_1026 : vector<1x16xf32> to vector<16xf32>
        %swap3A_1028 = vector.shape_cast %add3A_1019 : vector<16xf32> to vector<1x16xf32>
        tpu.vector_store %arg12[%swap3A_1024, %swap3A_1025], %swap3A_1028 {strides = array<i32>} : memref<64x128xf32, #tpu.memory_space<vmem>>, vector<1x16xf32>,
        %get3A_1029 = arith.index_cast %scan3A_439 : i32 to index
        %get3A_1030 = arith.constant 112 : index
        %get3A_1031 = tpu.vector_load %arg10[%get3A_1029, %get3A_1030] {strides = array<i32>} : memref<8x128xf32, #tpu.memory_space<vmem>>, vector<1x16xf32>,
        %get3A_1032 = vector.shape_cast %get3A_1031 : vector<1x16xf32> to vector<16xf32>
        %get3A_1033 = arith.constant 3 : i32
        %get3A_1034 = arith.index_cast %get3A_1033 : i32 to index
        %get3A_1035 = arith.constant 112 : index
        %get3A_1036 = tpu.vector_load %arg11[%get3A_1034, %get3A_1035] {strides = array<i32>} : memref<8x128xf32, #tpu.memory_space<vmem>>, vector<1x16xf32>,
        %get3A_1037 = vector.shape_cast %get3A_1036 : vector<1x16xf32> to vector<16xf32>
        %add3A_1038 = arith.addf %get3A_1032, %get3A_1037 : vector<16xf32>
        %mul3A_1039 = arith.constant 8 : i32
        %mul3A_1040 = arith.muli %scan3A_439, %mul3A_1039 : i32
        %add3A_1041 = arith.constant 3 : i32
        %add3A_1042 = arith.addi %mul3A_1040, %add3A_1041 : i32
        %swap3A_1043 = arith.index_cast %add3A_1042 : i32 to index
        %swap3A_1044 = arith.constant 112 : index
        %swap3A_1045 = tpu.vector_load %arg12[%swap3A_1043, %swap3A_1044] {strides = array<i32>} : memref<64x128xf32, #tpu.memory_space<vmem>>, vector<1x16xf32>,
        %swap3A_1046 = vector.shape_cast %swap3A_1045 : vector<1x16xf32> to vector<16xf32>
        %swap3A_1047 = vector.shape_cast %add3A_1038 : vector<16xf32> to vector<1x16xf32>
        tpu.vector_store %arg12[%swap3A_1043, %swap3A_1044], %swap3A_1047 {strides = array<i32>} : memref<64x128xf32, #tpu.memory_space<vmem>>, vector<1x16xf32>,
        %get3A_1048 = arith.index_cast %scan3A_439 : i32 to index
        %get3A_1049 = arith.constant 0 : index
        %get3A_1050 = tpu.vector_load %arg10[%get3A_1048, %get3A_1049] {strides = array<i32>} : memref<8x128xf32, #tpu.memory_space<vmem>>, vector<1x16xf32>,
        %get3A_1051 = vector.shape_cast %get3A_1050 : vector<1x16xf32> to vector<16xf32>
        %get3A_1052 = arith.constant 4 : i32
        %get3A_1053 = arith.index_cast %get3A_1052 : i32 to index
        %get3A_1054 = arith.constant 0 : index
        %get3A_1055 = tpu.vector_load %arg11[%get3A_1053, %get3A_1054] {strides = array<i32>} : memref<8x128xf32, #tpu.memory_space<vmem>>, vector<1x16xf32>,
        %get3A_1056 = vector.shape_cast %get3A_1055 : vector<1x16xf32> to vector<16xf32>
        %add3A_1057 = arith.addf %get3A_1051, %get3A_1056 : vector<16xf32>
        %mul3A_1058 = arith.constant 8 : i32
        %mul3A_1059 = arith.muli %scan3A_439, %mul3A_1058 : i32
        %add3A_1060 = arith.constant 4 : i32
        %add3A_1061 = arith.addi %mul3A_1059, %add3A_1060 : i32
        %swap3A_1062 = arith.index_cast %add3A_1061 : i32 to index
        %swap3A_1063 = arith.constant 0 : index
        %swap3A_1064 = tpu.vector_load %arg12[%swap3A_1062, %swap3A_1063] {strides = array<i32>} : memref<64x128xf32, #tpu.memory_space<vmem>>, vector<1x16xf32>,
        %swap3A_1065 = vector.shape_cast %swap3A_1064 : vector<1x16xf32> to vector<16xf32>
        %swap3A_1066 = vector.shape_cast %add3A_1057 : vector<16xf32> to vector<1x16xf32>
        tpu.vector_store %arg12[%swap3A_1062, %swap3A_1063], %swap3A_1066 {strides = array<i32>} : memref<64x128xf32, #tpu.memory_space<vmem>>, vector<1x16xf32>,
        %get3A_1067 = arith.index_cast %scan3A_439 : i32 to index
        %get3A_1068 = arith.constant 16 : index
        %get3A_1069 = tpu.vector_load %arg10[%get3A_1067, %get3A_1068] {strides = array<i32>} : memref<8x128xf32, #tpu.memory_space<vmem>>, vector<1x16xf32>,
        %get3A_1070 = vector.shape_cast %get3A_1069 : vector<1x16xf32> to vector<16xf32>
        %get3A_1071 = arith.constant 4 : i32
        %get3A_1072 = arith.index_cast %get3A_1071 : i32 to index
        %get3A_1073 = arith.constant 16 : index
        %get3A_1074 = tpu.vector_load %arg11[%get3A_1072, %get3A_1073] {strides = array<i32>} : memref<8x128xf32, #tpu.memory_space<vmem>>, vector<1x16xf32>,
        %get3A_1075 = vector.shape_cast %get3A_1074 : vector<1x16xf32> to vector<16xf32>
        %add3A_1076 = arith.addf %get3A_1070, %get3A_1075 : vector<16xf32>
        %mul3A_1077 = arith.constant 8 : i32
        %mul3A_1078 = arith.muli %scan3A_439, %mul3A_1077 : i32
        %add3A_1079 = arith.constant 4 : i32
        %add3A_1080 = arith.addi %mul3A_1078, %add3A_1079 : i32
        %swap3A_1081 = arith.index_cast %add3A_1080 : i32 to index
        %swap3A_1082 = arith.constant 16 : index
        %swap3A_1083 = tpu.vector_load %arg12[%swap3A_1081, %swap3A_1082] {strides = array<i32>} : memref<64x128xf32, #tpu.memory_space<vmem>>, vector<1x16xf32>,
        %swap3A_1084 = vector.shape_cast %swap3A_1083 : vector<1x16xf32> to vector<16xf32>
        %swap3A_1085 = vector.shape_cast %add3A_1076 : vector<16xf32> to vector<1x16xf32>
        tpu.vector_store %arg12[%swap3A_1081, %swap3A_1082], %swap3A_1085 {strides = array<i32>} : memref<64x128xf32, #tpu.memory_space<vmem>>, vector<1x16xf32>,
        %get3A_1086 = arith.index_cast %scan3A_439 : i32 to index
        %get3A_1087 = arith.constant 32 : index
        %get3A_1088 = tpu.vector_load %arg10[%get3A_1086, %get3A_1087] {strides = array<i32>} : memref<8x128xf32, #tpu.memory_space<vmem>>, vector<1x16xf32>,
        %get3A_1089 = vector.shape_cast %get3A_1088 : vector<1x16xf32> to vector<16xf32>
        %get3A_1090 = arith.constant 4 : i32
        %get3A_1091 = arith.index_cast %get3A_1090 : i32 to index
        %get3A_1092 = arith.constant 32 : index
        %get3A_1093 = tpu.vector_load %arg11[%get3A_1091, %get3A_1092] {strides = array<i32>} : memref<8x128xf32, #tpu.memory_space<vmem>>, vector<1x16xf32>,
        %get3A_1094 = vector.shape_cast %get3A_1093 : vector<1x16xf32> to vector<16xf32>
        %add3A_1095 = arith.addf %get3A_1089, %get3A_1094 : vector<16xf32>
        %mul3A_1096 = arith.constant 8 : i32
        %mul3A_1097 = arith.muli %scan3A_439, %mul3A_1096 : i32
        %add3A_1098 = arith.constant 4 : i32
        %add3A_1099 = arith.addi %mul3A_1097, %add3A_1098 : i32
        %swap3A_1100 = arith.index_cast %add3A_1099 : i32 to index
        %swap3A_1101 = arith.constant 32 : index
        %swap3A_1102 = tpu.vector_load %arg12[%swap3A_1100, %swap3A_1101] {strides = array<i32>} : memref<64x128xf32, #tpu.memory_space<vmem>>, vector<1x16xf32>,
        %swap3A_1103 = vector.shape_cast %swap3A_1102 : vector<1x16xf32> to vector<16xf32>
        %swap3A_1104 = vector.shape_cast %add3A_1095 : vector<16xf32> to vector<1x16xf32>
        tpu.vector_store %arg12[%swap3A_1100, %swap3A_1101], %swap3A_1104 {strides = array<i32>} : memref<64x128xf32, #tpu.memory_space<vmem>>, vector<1x16xf32>,
        %get3A_1105 = arith.index_cast %scan3A_439 : i32 to index
        %get3A_1106 = arith.constant 48 : index
        %get3A_1107 = tpu.vector_load %arg10[%get3A_1105, %get3A_1106] {strides = array<i32>} : memref<8x128xf32, #tpu.memory_space<vmem>>, vector<1x16xf32>,
        %get3A_1108 = vector.shape_cast %get3A_1107 : vector<1x16xf32> to vector<16xf32>
        %get3A_1109 = arith.constant 4 : i32
        %get3A_1110 = arith.index_cast %get3A_1109 : i32 to index
        %get3A_1111 = arith.constant 48 : index
        %get3A_1112 = tpu.vector_load %arg11[%get3A_1110, %get3A_1111] {strides = array<i32>} : memref<8x128xf32, #tpu.memory_space<vmem>>, vector<1x16xf32>,
        %get3A_1113 = vector.shape_cast %get3A_1112 : vector<1x16xf32> to vector<16xf32>
        %add3A_1114 = arith.addf %get3A_1108, %get3A_1113 : vector<16xf32>
        %mul3A_1115 = arith.constant 8 : i32
        %mul3A_1116 = arith.muli %scan3A_439, %mul3A_1115 : i32
        %add3A_1117 = arith.constant 4 : i32
        %add3A_1118 = arith.addi %mul3A_1116, %add3A_1117 : i32
        %swap3A_1119 = arith.index_cast %add3A_1118 : i32 to index
        %swap3A_1120 = arith.constant 48 : index
        %swap3A_1121 = tpu.vector_load %arg12[%swap3A_1119, %swap3A_1120] {strides = array<i32>} : memref<64x128xf32, #tpu.memory_space<vmem>>, vector<1x16xf32>,
        %swap3A_1122 = vector.shape_cast %swap3A_1121 : vector<1x16xf32> to vector<16xf32>
        %swap3A_1123 = vector.shape_cast %add3A_1114 : vector<16xf32> to vector<1x16xf32>
        tpu.vector_store %arg12[%swap3A_1119, %swap3A_1120], %swap3A_1123 {strides = array<i32>} : memref<64x128xf32, #tpu.memory_space<vmem>>, vector<1x16xf32>,
        %get3A_1124 = arith.index_cast %scan3A_439 : i32 to index
        %get3A_1125 = arith.constant 64 : index
        %get3A_1126 = tpu.vector_load %arg10[%get3A_1124, %get3A_1125] {strides = array<i32>} : memref<8x128xf32, #tpu.memory_space<vmem>>, vector<1x16xf32>,
        %get3A_1127 = vector.shape_cast %get3A_1126 : vector<1x16xf32> to vector<16xf32>
        %get3A_1128 = arith.constant 4 : i32
        %get3A_1129 = arith.index_cast %get3A_1128 : i32 to index
        %get3A_1130 = arith.constant 64 : index
        %get3A_1131 = tpu.vector_load %arg11[%get3A_1129, %get3A_1130] {strides = array<i32>} : memref<8x128xf32, #tpu.memory_space<vmem>>, vector<1x16xf32>,
        %get3A_1132 = vector.shape_cast %get3A_1131 : vector<1x16xf32> to vector<16xf32>
        %add3A_1133 = arith.addf %get3A_1127, %get3A_1132 : vector<16xf32>
        %mul3A_1134 = arith.constant 8 : i32
        %mul3A_1135 = arith.muli %scan3A_439, %mul3A_1134 : i32
        %add3A_1136 = arith.constant 4 : i32
        %add3A_1137 = arith.addi %mul3A_1135, %add3A_1136 : i32
        %swap3A_1138 = arith.index_cast %add3A_1137 : i32 to index
        %swap3A_1139 = arith.constant 64 : index
        %swap3A_1140 = tpu.vector_load %arg12[%swap3A_1138, %swap3A_1139] {strides = array<i32>} : memref<64x128xf32, #tpu.memory_space<vmem>>, vector<1x16xf32>,
        %swap3A_1141 = vector.shape_cast %swap3A_1140 : vector<1x16xf32> to vector<16xf32>
        %swap3A_1142 = vector.shape_cast %add3A_1133 : vector<16xf32> to vector<1x16xf32>
        tpu.vector_store %arg12[%swap3A_1138, %swap3A_1139], %swap3A_1142 {strides = array<i32>} : memref<64x128xf32, #tpu.memory_space<vmem>>, vector<1x16xf32>,
        %get3A_1143 = arith.index_cast %scan3A_439 : i32 to index
        %get3A_1144 = arith.constant 80 : index
        %get3A_1145 = tpu.vector_load %arg10[%get3A_1143, %get3A_1144] {strides = array<i32>} : memref<8x128xf32, #tpu.memory_space<vmem>>, vector<1x16xf32>,
        %get3A_1146 = vector.shape_cast %get3A_1145 : vector<1x16xf32> to vector<16xf32>
        %get3A_1147 = arith.constant 4 : i32
        %get3A_1148 = arith.index_cast %get3A_1147 : i32 to index
        %get3A_1149 = arith.constant 80 : index
        %get3A_1150 = tpu.vector_load %arg11[%get3A_1148, %get3A_1149] {strides = array<i32>} : memref<8x128xf32, #tpu.memory_space<vmem>>, vector<1x16xf32>,
        %get3A_1151 = vector.shape_cast %get3A_1150 : vector<1x16xf32> to vector<16xf32>
        %add3A_1152 = arith.addf %get3A_1146, %get3A_1151 : vector<16xf32>
        %mul3A_1153 = arith.constant 8 : i32
        %mul3A_1154 = arith.muli %scan3A_439, %mul3A_1153 : i32
        %add3A_1155 = arith.constant 4 : i32
        %add3A_1156 = arith.addi %mul3A_1154, %add3A_1155 : i32
        %swap3A_1157 = arith.index_cast %add3A_1156 : i32 to index
        %swap3A_1158 = arith.constant 80 : index
        %swap3A_1159 = tpu.vector_load %arg12[%swap3A_1157, %swap3A_1158] {strides = array<i32>} : memref<64x128xf32, #tpu.memory_space<vmem>>, vector<1x16xf32>,
        %swap3A_1160 = vector.shape_cast %swap3A_1159 : vector<1x16xf32> to vector<16xf32>
        %swap3A_1161 = vector.shape_cast %add3A_1152 : vector<16xf32> to vector<1x16xf32>
        tpu.vector_store %arg12[%swap3A_1157, %swap3A_1158], %swap3A_1161 {strides = array<i32>} : memref<64x128xf32, #tpu.memory_space<vmem>>, vector<1x16xf32>,
        %get3A_1162 = arith.index_cast %scan3A_439 : i32 to index
        %get3A_1163 = arith.constant 96 : index
        %get3A_1164 = tpu.vector_load %arg10[%get3A_1162, %get3A_1163] {strides = array<i32>} : memref<8x128xf32, #tpu.memory_space<vmem>>, vector<1x16xf32>,
        %get3A_1165 = vector.shape_cast %get3A_1164 : vector<1x16xf32> to vector<16xf32>
        %get3A_1166 = arith.constant 4 : i32
        %get3A_1167 = arith.index_cast %get3A_1166 : i32 to index
        %get3A_1168 = arith.constant 96 : index
        %get3A_1169 = tpu.vector_load %arg11[%get3A_1167, %get3A_1168] {strides = array<i32>} : memref<8x128xf32, #tpu.memory_space<vmem>>, vector<1x16xf32>,
        %get3A_1170 = vector.shape_cast %get3A_1169 : vector<1x16xf32> to vector<16xf32>
        %add3A_1171 = arith.addf %get3A_1165, %get3A_1170 : vector<16xf32>
        %mul3A_1172 = arith.constant 8 : i32
        %mul3A_1173 = arith.muli %scan3A_439, %mul3A_1172 : i32
        %add3A_1174 = arith.constant 4 : i32
        %add3A_1175 = arith.addi %mul3A_1173, %add3A_1174 : i32
        %swap3A_1176 = arith.index_cast %add3A_1175 : i32 to index
        %swap3A_1177 = arith.constant 96 : index
        %swap3A_1178 = tpu.vector_load %arg12[%swap3A_1176, %swap3A_1177] {strides = array<i32>} : memref<64x128xf32, #tpu.memory_space<vmem>>, vector<1x16xf32>,
        %swap3A_1179 = vector.shape_cast %swap3A_1178 : vector<1x16xf32> to vector<16xf32>
        %swap3A_1180 = vector.shape_cast %add3A_1171 : vector<16xf32> to vector<1x16xf32>
        tpu.vector_store %arg12[%swap3A_1176, %swap3A_1177], %swap3A_1180 {strides = array<i32>} : memref<64x128xf32, #tpu.memory_space<vmem>>, vector<1x16xf32>,
        %get3A_1181 = arith.index_cast %scan3A_439 : i32 to index
        %get3A_1182 = arith.constant 112 : index
        %get3A_1183 = tpu.vector_load %arg10[%get3A_1181, %get3A_1182] {strides = array<i32>} : memref<8x128xf32, #tpu.memory_space<vmem>>, vector<1x16xf32>,
        %get3A_1184 = vector.shape_cast %get3A_1183 : vector<1x16xf32> to vector<16xf32>
        %get3A_1185 = arith.constant 4 : i32
        %get3A_1186 = arith.index_cast %get3A_1185 : i32 to index
        %get3A_1187 = arith.constant 112 : index
        %get3A_1188 = tpu.vector_load %arg11[%get3A_1186, %get3A_1187] {strides = array<i32>} : memref<8x128xf32, #tpu.memory_space<vmem>>, vector<1x16xf32>,
        %get3A_1189 = vector.shape_cast %get3A_1188 : vector<1x16xf32> to vector<16xf32>
        %add3A_1190 = arith.addf %get3A_1184, %get3A_1189 : vector<16xf32>
        %mul3A_1191 = arith.constant 8 : i32
        %mul3A_1192 = arith.muli %scan3A_439, %mul3A_1191 : i32
        %add3A_1193 = arith.constant 4 : i32
        %add3A_1194 = arith.addi %mul3A_1192, %add3A_1193 : i32
        %swap3A_1195 = arith.index_cast %add3A_1194 : i32 to index
        %swap3A_1196 = arith.constant 112 : index
        %swap3A_1197 = tpu.vector_load %arg12[%swap3A_1195, %swap3A_1196] {strides = array<i32>} : memref<64x128xf32, #tpu.memory_space<vmem>>, vector<1x16xf32>,
        %swap3A_1198 = vector.shape_cast %swap3A_1197 : vector<1x16xf32> to vector<16xf32>
        %swap3A_1199 = vector.shape_cast %add3A_1190 : vector<16xf32> to vector<1x16xf32>
        tpu.vector_store %arg12[%swap3A_1195, %swap3A_1196], %swap3A_1199 {strides = array<i32>} : memref<64x128xf32, #tpu.memory_space<vmem>>, vector<1x16xf32>,
        %get3A_1200 = arith.index_cast %scan3A_439 : i32 to index
        %get3A_1201 = arith.constant 0 : index
        %get3A_1202 = tpu.vector_load %arg10[%get3A_1200, %get3A_1201] {strides = array<i32>} : memref<8x128xf32, #tpu.memory_space<vmem>>, vector<1x16xf32>,
        %get3A_1203 = vector.shape_cast %get3A_1202 : vector<1x16xf32> to vector<16xf32>
        %get3A_1204 = arith.constant 5 : i32
        %get3A_1205 = arith.index_cast %get3A_1204 : i32 to index
        %get3A_1206 = arith.constant 0 : index
        %get3A_1207 = tpu.vector_load %arg11[%get3A_1205, %get3A_1206] {strides = array<i32>} : memref<8x128xf32, #tpu.memory_space<vmem>>, vector<1x16xf32>,
        %get3A_1208 = vector.shape_cast %get3A_1207 : vector<1x16xf32> to vector<16xf32>
        %add3A_1209 = arith.addf %get3A_1203, %get3A_1208 : vector<16xf32>
        %mul3A_1210 = arith.constant 8 : i32
        %mul3A_1211 = arith.muli %scan3A_439, %mul3A_1210 : i32
        %add3A_1212 = arith.constant 5 : i32
        %add3A_1213 = arith.addi %mul3A_1211, %add3A_1212 : i32
        %swap3A_1214 = arith.index_cast %add3A_1213 : i32 to index
        %swap3A_1215 = arith.constant 0 : index
        %swap3A_1216 = tpu.vector_load %arg12[%swap3A_1214, %swap3A_1215] {strides = array<i32>} : memref<64x128xf32, #tpu.memory_space<vmem>>, vector<1x16xf32>,
        %swap3A_1217 = vector.shape_cast %swap3A_1216 : vector<1x16xf32> to vector<16xf32>
        %swap3A_1218 = vector.shape_cast %add3A_1209 : vector<16xf32> to vector<1x16xf32>
        tpu.vector_store %arg12[%swap3A_1214, %swap3A_1215], %swap3A_1218 {strides = array<i32>} : memref<64x128xf32, #tpu.memory_space<vmem>>, vector<1x16xf32>,
        %get3A_1219 = arith.index_cast %scan3A_439 : i32 to index
        %get3A_1220 = arith.constant 16 : index
        %get3A_1221 = tpu.vector_load %arg10[%get3A_1219, %get3A_1220] {strides = array<i32>} : memref<8x128xf32, #tpu.memory_space<vmem>>, vector<1x16xf32>,
        %get3A_1222 = vector.shape_cast %get3A_1221 : vector<1x16xf32> to vector<16xf32>
        %get3A_1223 = arith.constant 5 : i32
        %get3A_1224 = arith.index_cast %get3A_1223 : i32 to index
        %get3A_1225 = arith.constant 16 : index
        %get3A_1226 = tpu.vector_load %arg11[%get3A_1224, %get3A_1225] {strides = array<i32>} : memref<8x128xf32, #tpu.memory_space<vmem>>, vector<1x16xf32>,
        %get3A_1227 = vector.shape_cast %get3A_1226 : vector<1x16xf32> to vector<16xf32>
        %add3A_1228 = arith.addf %get3A_1222, %get3A_1227 : vector<16xf32>
        %mul3A_1229 = arith.constant 8 : i32
        %mul3A_1230 = arith.muli %scan3A_439, %mul3A_1229 : i32
        %add3A_1231 = arith.constant 5 : i32
        %add3A_1232 = arith.addi %mul3A_1230, %add3A_1231 : i32
        %swap3A_1233 = arith.index_cast %add3A_1232 : i32 to index
        %swap3A_1234 = arith.constant 16 : index
        %swap3A_1235 = tpu.vector_load %arg12[%swap3A_1233, %swap3A_1234] {strides = array<i32>} : memref<64x128xf32, #tpu.memory_space<vmem>>, vector<1x16xf32>,
        %swap3A_1236 = vector.shape_cast %swap3A_1235 : vector<1x16xf32> to vector<16xf32>
        %swap3A_1237 = vector.shape_cast %add3A_1228 : vector<16xf32> to vector<1x16xf32>
        tpu.vector_store %arg12[%swap3A_1233, %swap3A_1234], %swap3A_1237 {strides = array<i32>} : memref<64x128xf32, #tpu.memory_space<vmem>>, vector<1x16xf32>,
        %get3A_1238 = arith.index_cast %scan3A_439 : i32 to index
        %get3A_1239 = arith.constant 32 : index
        %get3A_1240 = tpu.vector_load %arg10[%get3A_1238, %get3A_1239] {strides = array<i32>} : memref<8x128xf32, #tpu.memory_space<vmem>>, vector<1x16xf32>,
        %get3A_1241 = vector.shape_cast %get3A_1240 : vector<1x16xf32> to vector<16xf32>
        %get3A_1242 = arith.constant 5 : i32
        %get3A_1243 = arith.index_cast %get3A_1242 : i32 to index
        %get3A_1244 = arith.constant 32 : index
        %get3A_1245 = tpu.vector_load %arg11[%get3A_1243, %get3A_1244] {strides = array<i32>} : memref<8x128xf32, #tpu.memory_space<vmem>>, vector<1x16xf32>,
        %get3A_1246 = vector.shape_cast %get3A_1245 : vector<1x16xf32> to vector<16xf32>
        %add3A_1247 = arith.addf %get3A_1241, %get3A_1246 : vector<16xf32>
        %mul3A_1248 = arith.constant 8 : i32
        %mul3A_1249 = arith.muli %scan3A_439, %mul3A_1248 : i32
        %add3A_1250 = arith.constant 5 : i32
        %add3A_1251 = arith.addi %mul3A_1249, %add3A_1250 : i32
        %swap3A_1252 = arith.index_cast %add3A_1251 : i32 to index
        %swap3A_1253 = arith.constant 32 : index
        %swap3A_1254 = tpu.vector_load %arg12[%swap3A_1252, %swap3A_1253] {strides = array<i32>} : memref<64x128xf32, #tpu.memory_space<vmem>>, vector<1x16xf32>,
        %swap3A_1255 = vector.shape_cast %swap3A_1254 : vector<1x16xf32> to vector<16xf32>
        %swap3A_1256 = vector.shape_cast %add3A_1247 : vector<16xf32> to vector<1x16xf32>
        tpu.vector_store %arg12[%swap3A_1252, %swap3A_1253], %swap3A_1256 {strides = array<i32>} : memref<64x128xf32, #tpu.memory_space<vmem>>, vector<1x16xf32>,
        %get3A_1257 = arith.index_cast %scan3A_439 : i32 to index
        %get3A_1258 = arith.constant 48 : index
        %get3A_1259 = tpu.vector_load %arg10[%get3A_1257, %get3A_1258] {strides = array<i32>} : memref<8x128xf32, #tpu.memory_space<vmem>>, vector<1x16xf32>,
        %get3A_1260 = vector.shape_cast %get3A_1259 : vector<1x16xf32> to vector<16xf32>
        %get3A_1261 = arith.constant 5 : i32
        %get3A_1262 = arith.index_cast %get3A_1261 : i32 to index
        %get3A_1263 = arith.constant 48 : index
        %get3A_1264 = tpu.vector_load %arg11[%get3A_1262, %get3A_1263] {strides = array<i32>} : memref<8x128xf32, #tpu.memory_space<vmem>>, vector<1x16xf32>,
        %get3A_1265 = vector.shape_cast %get3A_1264 : vector<1x16xf32> to vector<16xf32>
        %add3A_1266 = arith.addf %get3A_1260, %get3A_1265 : vector<16xf32>
        %mul3A_1267 = arith.constant 8 : i32
        %mul3A_1268 = arith.muli %scan3A_439, %mul3A_1267 : i32
        %add3A_1269 = arith.constant 5 : i32
        %add3A_1270 = arith.addi %mul3A_1268, %add3A_1269 : i32
        %swap3A_1271 = arith.index_cast %add3A_1270 : i32 to index
        %swap3A_1272 = arith.constant 48 : index
        %swap3A_1273 = tpu.vector_load %arg12[%swap3A_1271, %swap3A_1272] {strides = array<i32>} : memref<64x128xf32, #tpu.memory_space<vmem>>, vector<1x16xf32>,
        %swap3A_1274 = vector.shape_cast %swap3A_1273 : vector<1x16xf32> to vector<16xf32>
        %swap3A_1275 = vector.shape_cast %add3A_1266 : vector<16xf32> to vector<1x16xf32>
        tpu.vector_store %arg12[%swap3A_1271, %swap3A_1272], %swap3A_1275 {strides = array<i32>} : memref<64x128xf32, #tpu.memory_space<vmem>>, vector<1x16xf32>,
        %get3A_1276 = arith.index_cast %scan3A_439 : i32 to index
        %get3A_1277 = arith.constant 64 : index
        %get3A_1278 = tpu.vector_load %arg10[%get3A_1276, %get3A_1277] {strides = array<i32>} : memref<8x128xf32, #tpu.memory_space<vmem>>, vector<1x16xf32>,
        %get3A_1279 = vector.shape_cast %get3A_1278 : vector<1x16xf32> to vector<16xf32>
        %get3A_1280 = arith.constant 5 : i32
        %get3A_1281 = arith.index_cast %get3A_1280 : i32 to index
        %get3A_1282 = arith.constant 64 : index
        %get3A_1283 = tpu.vector_load %arg11[%get3A_1281, %get3A_1282] {strides = array<i32>} : memref<8x128xf32, #tpu.memory_space<vmem>>, vector<1x16xf32>,
        %get3A_1284 = vector.shape_cast %get3A_1283 : vector<1x16xf32> to vector<16xf32>
        %add3A_1285 = arith.addf %get3A_1279, %get3A_1284 : vector<16xf32>
        %mul3A_1286 = arith.constant 8 : i32
        %mul3A_1287 = arith.muli %scan3A_439, %mul3A_1286 : i32
        %add3A_1288 = arith.constant 5 : i32
        %add3A_1289 = arith.addi %mul3A_1287, %add3A_1288 : i32
        %swap3A_1290 = arith.index_cast %add3A_1289 : i32 to index
        %swap3A_1291 = arith.constant 64 : index
        %swap3A_1292 = tpu.vector_load %arg12[%swap3A_1290, %swap3A_1291] {strides = array<i32>} : memref<64x128xf32, #tpu.memory_space<vmem>>, vector<1x16xf32>,
        %swap3A_1293 = vector.shape_cast %swap3A_1292 : vector<1x16xf32> to vector<16xf32>
        %swap3A_1294 = vector.shape_cast %add3A_1285 : vector<16xf32> to vector<1x16xf32>
        tpu.vector_store %arg12[%swap3A_1290, %swap3A_1291], %swap3A_1294 {strides = array<i32>} : memref<64x128xf32, #tpu.memory_space<vmem>>, vector<1x16xf32>,
        %get3A_1295 = arith.index_cast %scan3A_439 : i32 to index
        %get3A_1296 = arith.constant 80 : index
        %get3A_1297 = tpu.vector_load %arg10[%get3A_1295, %get3A_1296] {strides = array<i32>} : memref<8x128xf32, #tpu.memory_space<vmem>>, vector<1x16xf32>,
        %get3A_1298 = vector.shape_cast %get3A_1297 : vector<1x16xf32> to vector<16xf32>
        %get3A_1299 = arith.constant 5 : i32
        %get3A_1300 = arith.index_cast %get3A_1299 : i32 to index
        %get3A_1301 = arith.constant 80 : index
        %get3A_1302 = tpu.vector_load %arg11[%get3A_1300, %get3A_1301] {strides = array<i32>} : memref<8x128xf32, #tpu.memory_space<vmem>>, vector<1x16xf32>,
        %get3A_1303 = vector.shape_cast %get3A_1302 : vector<1x16xf32> to vector<16xf32>
        %add3A_1304 = arith.addf %get3A_1298, %get3A_1303 : vector<16xf32>
        %mul3A_1305 = arith.constant 8 : i32
        %mul3A_1306 = arith.muli %scan3A_439, %mul3A_1305 : i32
        %add3A_1307 = arith.constant 5 : i32
        %add3A_1308 = arith.addi %mul3A_1306, %add3A_1307 : i32
        %swap3A_1309 = arith.index_cast %add3A_1308 : i32 to index
        %swap3A_1310 = arith.constant 80 : index
        %swap3A_1311 = tpu.vector_load %arg12[%swap3A_1309, %swap3A_1310] {strides = array<i32>} : memref<64x128xf32, #tpu.memory_space<vmem>>, vector<1x16xf32>,
        %swap3A_1312 = vector.shape_cast %swap3A_1311 : vector<1x16xf32> to vector<16xf32>
        %swap3A_1313 = vector.shape_cast %add3A_1304 : vector<16xf32> to vector<1x16xf32>
        tpu.vector_store %arg12[%swap3A_1309, %swap3A_1310], %swap3A_1313 {strides = array<i32>} : memref<64x128xf32, #tpu.memory_space<vmem>>, vector<1x16xf32>,
        %get3A_1314 = arith.index_cast %scan3A_439 : i32 to index
        %get3A_1315 = arith.constant 96 : index
        %get3A_1316 = tpu.vector_load %arg10[%get3A_1314, %get3A_1315] {strides = array<i32>} : memref<8x128xf32, #tpu.memory_space<vmem>>, vector<1x16xf32>,
        %get3A_1317 = vector.shape_cast %get3A_1316 : vector<1x16xf32> to vector<16xf32>
        %get3A_1318 = arith.constant 5 : i32
        %get3A_1319 = arith.index_cast %get3A_1318 : i32 to index
        %get3A_1320 = arith.constant 96 : index
        %get3A_1321 = tpu.vector_load %arg11[%get3A_1319, %get3A_1320] {strides = array<i32>} : memref<8x128xf32, #tpu.memory_space<vmem>>, vector<1x16xf32>,
        %get3A_1322 = vector.shape_cast %get3A_1321 : vector<1x16xf32> to vector<16xf32>
        %add3A_1323 = arith.addf %get3A_1317, %get3A_1322 : vector<16xf32>
        %mul3A_1324 = arith.constant 8 : i32
        %mul3A_1325 = arith.muli %scan3A_439, %mul3A_1324 : i32
        %add3A_1326 = arith.constant 5 : i32
        %add3A_1327 = arith.addi %mul3A_1325, %add3A_1326 : i32
        %swap3A_1328 = arith.index_cast %add3A_1327 : i32 to index
        %swap3A_1329 = arith.constant 96 : index
        %swap3A_1330 = tpu.vector_load %arg12[%swap3A_1328, %swap3A_1329] {strides = array<i32>} : memref<64x128xf32, #tpu.memory_space<vmem>>, vector<1x16xf32>,
        %swap3A_1331 = vector.shape_cast %swap3A_1330 : vector<1x16xf32> to vector<16xf32>
        %swap3A_1332 = vector.shape_cast %add3A_1323 : vector<16xf32> to vector<1x16xf32>
        tpu.vector_store %arg12[%swap3A_1328, %swap3A_1329], %swap3A_1332 {strides = array<i32>} : memref<64x128xf32, #tpu.memory_space<vmem>>, vector<1x16xf32>,
        %get3A_1333 = arith.index_cast %scan3A_439 : i32 to index
        %get3A_1334 = arith.constant 112 : index
        %get3A_1335 = tpu.vector_load %arg10[%get3A_1333, %get3A_1334] {strides = array<i32>} : memref<8x128xf32, #tpu.memory_space<vmem>>, vector<1x16xf32>,
        %get3A_1336 = vector.shape_cast %get3A_1335 : vector<1x16xf32> to vector<16xf32>
        %get3A_1337 = arith.constant 5 : i32
        %get3A_1338 = arith.index_cast %get3A_1337 : i32 to index
        %get3A_1339 = arith.constant 112 : index
        %get3A_1340 = tpu.vector_load %arg11[%get3A_1338, %get3A_1339] {strides = array<i32>} : memref<8x128xf32, #tpu.memory_space<vmem>>, vector<1x16xf32>,
        %get3A_1341 = vector.shape_cast %get3A_1340 : vector<1x16xf32> to vector<16xf32>
        %add3A_1342 = arith.addf %get3A_1336, %get3A_1341 : vector<16xf32>
        %mul3A_1343 = arith.constant 8 : i32
        %mul3A_1344 = arith.muli %scan3A_439, %mul3A_1343 : i32
        %add3A_1345 = arith.constant 5 : i32
        %add3A_1346 = arith.addi %mul3A_1344, %add3A_1345 : i32
        %swap3A_1347 = arith.index_cast %add3A_1346 : i32 to index
        %swap3A_1348 = arith.constant 112 : index
        %swap3A_1349 = tpu.vector_load %arg12[%swap3A_1347, %swap3A_1348] {strides = array<i32>} : memref<64x128xf32, #tpu.memory_space<vmem>>, vector<1x16xf32>,
        %swap3A_1350 = vector.shape_cast %swap3A_1349 : vector<1x16xf32> to vector<16xf32>
        %swap3A_1351 = vector.shape_cast %add3A_1342 : vector<16xf32> to vector<1x16xf32>
        tpu.vector_store %arg12[%swap3A_1347, %swap3A_1348], %swap3A_1351 {strides = array<i32>} : memref<64x128xf32, #tpu.memory_space<vmem>>, vector<1x16xf32>,
        %get3A_1352 = arith.index_cast %scan3A_439 : i32 to index
        %get3A_1353 = arith.constant 0 : index
        %get3A_1354 = tpu.vector_load %arg10[%get3A_1352, %get3A_1353] {strides = array<i32>} : memref<8x128xf32, #tpu.memory_space<vmem>>, vector<1x16xf32>,
        %get3A_1355 = vector.shape_cast %get3A_1354 : vector<1x16xf32> to vector<16xf32>
        %get3A_1356 = arith.constant 6 : i32
        %get3A_1357 = arith.index_cast %get3A_1356 : i32 to index
        %get3A_1358 = arith.constant 0 : index
        %get3A_1359 = tpu.vector_load %arg11[%get3A_1357, %get3A_1358] {strides = array<i32>} : memref<8x128xf32, #tpu.memory_space<vmem>>, vector<1x16xf32>,
        %get3A_1360 = vector.shape_cast %get3A_1359 : vector<1x16xf32> to vector<16xf32>
        %add3A_1361 = arith.addf %get3A_1355, %get3A_1360 : vector<16xf32>
        %mul3A_1362 = arith.constant 8 : i32
        %mul3A_1363 = arith.muli %scan3A_439, %mul3A_1362 : i32
        %add3A_1364 = arith.constant 6 : i32
        %add3A_1365 = arith.addi %mul3A_1363, %add3A_1364 : i32
        %swap3A_1366 = arith.index_cast %add3A_1365 : i32 to index
        %swap3A_1367 = arith.constant 0 : index
        %swap3A_1368 = tpu.vector_load %arg12[%swap3A_1366, %swap3A_1367] {strides = array<i32>} : memref<64x128xf32, #tpu.memory_space<vmem>>, vector<1x16xf32>,
        %swap3A_1369 = vector.shape_cast %swap3A_1368 : vector<1x16xf32> to vector<16xf32>
        %swap3A_1370 = vector.shape_cast %add3A_1361 : vector<16xf32> to vector<1x16xf32>
        tpu.vector_store %arg12[%swap3A_1366, %swap3A_1367], %swap3A_1370 {strides = array<i32>} : memref<64x128xf32, #tpu.memory_space<vmem>>, vector<1x16xf32>,
        %get3A_1371 = arith.index_cast %scan3A_439 : i32 to index
        %get3A_1372 = arith.constant 16 : index
        %get3A_1373 = tpu.vector_load %arg10[%get3A_1371, %get3A_1372] {strides = array<i32>} : memref<8x128xf32, #tpu.memory_space<vmem>>, vector<1x16xf32>,
        %get3A_1374 = vector.shape_cast %get3A_1373 : vector<1x16xf32> to vector<16xf32>
        %get3A_1375 = arith.constant 6 : i32
        %get3A_1376 = arith.index_cast %get3A_1375 : i32 to index
        %get3A_1377 = arith.constant 16 : index
        %get3A_1378 = tpu.vector_load %arg11[%get3A_1376, %get3A_1377] {strides = array<i32>} : memref<8x128xf32, #tpu.memory_space<vmem>>, vector<1x16xf32>,
        %get3A_1379 = vector.shape_cast %get3A_1378 : vector<1x16xf32> to vector<16xf32>
        %add3A_1380 = arith.addf %get3A_1374, %get3A_1379 : vector<16xf32>
        %mul3A_1381 = arith.constant 8 : i32
        %mul3A_1382 = arith.muli %scan3A_439, %mul3A_1381 : i32
        %add3A_1383 = arith.constant 6 : i32
        %add3A_1384 = arith.addi %mul3A_1382, %add3A_1383 : i32
        %swap3A_1385 = arith.index_cast %add3A_1384 : i32 to index
        %swap3A_1386 = arith.constant 16 : index
        %swap3A_1387 = tpu.vector_load %arg12[%swap3A_1385, %swap3A_1386] {strides = array<i32>} : memref<64x128xf32, #tpu.memory_space<vmem>>, vector<1x16xf32>,
        %swap3A_1388 = vector.shape_cast %swap3A_1387 : vector<1x16xf32> to vector<16xf32>
        %swap3A_1389 = vector.shape_cast %add3A_1380 : vector<16xf32> to vector<1x16xf32>
        tpu.vector_store %arg12[%swap3A_1385, %swap3A_1386], %swap3A_1389 {strides = array<i32>} : memref<64x128xf32, #tpu.memory_space<vmem>>, vector<1x16xf32>,
        %get3A_1390 = arith.index_cast %scan3A_439 : i32 to index
        %get3A_1391 = arith.constant 32 : index
        %get3A_1392 = tpu.vector_load %arg10[%get3A_1390, %get3A_1391] {strides = array<i32>} : memref<8x128xf32, #tpu.memory_space<vmem>>, vector<1x16xf32>,
        %get3A_1393 = vector.shape_cast %get3A_1392 : vector<1x16xf32> to vector<16xf32>
        %get3A_1394 = arith.constant 6 : i32
        %get3A_1395 = arith.index_cast %get3A_1394 : i32 to index
        %get3A_1396 = arith.constant 32 : index
        %get3A_1397 = tpu.vector_load %arg11[%get3A_1395, %get3A_1396] {strides = array<i32>} : memref<8x128xf32, #tpu.memory_space<vmem>>, vector<1x16xf32>,
        %get3A_1398 = vector.shape_cast %get3A_1397 : vector<1x16xf32> to vector<16xf32>
        %add3A_1399 = arith.addf %get3A_1393, %get3A_1398 : vector<16xf32>
        %mul3A_1400 = arith.constant 8 : i32
        %mul3A_1401 = arith.muli %scan3A_439, %mul3A_1400 : i32
        %add3A_1402 = arith.constant 6 : i32
        %add3A_1403 = arith.addi %mul3A_1401, %add3A_1402 : i32
        %swap3A_1404 = arith.index_cast %add3A_1403 : i32 to index
        %swap3A_1405 = arith.constant 32 : index
        %swap3A_1406 = tpu.vector_load %arg12[%swap3A_1404, %swap3A_1405] {strides = array<i32>} : memref<64x128xf32, #tpu.memory_space<vmem>>, vector<1x16xf32>,
        %swap3A_1407 = vector.shape_cast %swap3A_1406 : vector<1x16xf32> to vector<16xf32>
        %swap3A_1408 = vector.shape_cast %add3A_1399 : vector<16xf32> to vector<1x16xf32>
        tpu.vector_store %arg12[%swap3A_1404, %swap3A_1405], %swap3A_1408 {strides = array<i32>} : memref<64x128xf32, #tpu.memory_space<vmem>>, vector<1x16xf32>,
        %get3A_1409 = arith.index_cast %scan3A_439 : i32 to index
        %get3A_1410 = arith.constant 48 : index
        %get3A_1411 = tpu.vector_load %arg10[%get3A_1409, %get3A_1410] {strides = array<i32>} : memref<8x128xf32, #tpu.memory_space<vmem>>, vector<1x16xf32>,
        %get3A_1412 = vector.shape_cast %get3A_1411 : vector<1x16xf32> to vector<16xf32>
        %get3A_1413 = arith.constant 6 : i32
        %get3A_1414 = arith.index_cast %get3A_1413 : i32 to index
        %get3A_1415 = arith.constant 48 : index
        %get3A_1416 = tpu.vector_load %arg11[%get3A_1414, %get3A_1415] {strides = array<i32>} : memref<8x128xf32, #tpu.memory_space<vmem>>, vector<1x16xf32>,
        %get3A_1417 = vector.shape_cast %get3A_1416 : vector<1x16xf32> to vector<16xf32>
        %add3A_1418 = arith.addf %get3A_1412, %get3A_1417 : vector<16xf32>
        %mul3A_1419 = arith.constant 8 : i32
        %mul3A_1420 = arith.muli %scan3A_439, %mul3A_1419 : i32
        %add3A_1421 = arith.constant 6 : i32
        %add3A_1422 = arith.addi %mul3A_1420, %add3A_1421 : i32
        %swap3A_1423 = arith.index_cast %add3A_1422 : i32 to index
        %swap3A_1424 = arith.constant 48 : index
        %swap3A_1425 = tpu.vector_load %arg12[%swap3A_1423, %swap3A_1424] {strides = array<i32>} : memref<64x128xf32, #tpu.memory_space<vmem>>, vector<1x16xf32>,
        %swap3A_1426 = vector.shape_cast %swap3A_1425 : vector<1x16xf32> to vector<16xf32>
        %swap3A_1427 = vector.shape_cast %add3A_1418 : vector<16xf32> to vector<1x16xf32>
        tpu.vector_store %arg12[%swap3A_1423, %swap3A_1424], %swap3A_1427 {strides = array<i32>} : memref<64x128xf32, #tpu.memory_space<vmem>>, vector<1x16xf32>,
        %get3A_1428 = arith.index_cast %scan3A_439 : i32 to index
        %get3A_1429 = arith.constant 64 : index
        %get3A_1430 = tpu.vector_load %arg10[%get3A_1428, %get3A_1429] {strides = array<i32>} : memref<8x128xf32, #tpu.memory_space<vmem>>, vector<1x16xf32>,
        %get3A_1431 = vector.shape_cast %get3A_1430 : vector<1x16xf32> to vector<16xf32>
        %get3A_1432 = arith.constant 6 : i32
        %get3A_1433 = arith.index_cast %get3A_1432 : i32 to index
        %get3A_1434 = arith.constant 64 : index
        %get3A_1435 = tpu.vector_load %arg11[%get3A_1433, %get3A_1434] {strides = array<i32>} : memref<8x128xf32, #tpu.memory_space<vmem>>, vector<1x16xf32>,
        %get3A_1436 = vector.shape_cast %get3A_1435 : vector<1x16xf32> to vector<16xf32>
        %add3A_1437 = arith.addf %get3A_1431, %get3A_1436 : vector<16xf32>
        %mul3A_1438 = arith.constant 8 : i32
        %mul3A_1439 = arith.muli %scan3A_439, %mul3A_1438 : i32
        %add3A_1440 = arith.constant 6 : i32
        %add3A_1441 = arith.addi %mul3A_1439, %add3A_1440 : i32
        %swap3A_1442 = arith.index_cast %add3A_1441 : i32 to index
        %swap3A_1443 = arith.constant 64 : index
        %swap3A_1444 = tpu.vector_load %arg12[%swap3A_1442, %swap3A_1443] {strides = array<i32>} : memref<64x128xf32, #tpu.memory_space<vmem>>, vector<1x16xf32>,
        %swap3A_1445 = vector.shape_cast %swap3A_1444 : vector<1x16xf32> to vector<16xf32>
        %swap3A_1446 = vector.shape_cast %add3A_1437 : vector<16xf32> to vector<1x16xf32>
        tpu.vector_store %arg12[%swap3A_1442, %swap3A_1443], %swap3A_1446 {strides = array<i32>} : memref<64x128xf32, #tpu.memory_space<vmem>>, vector<1x16xf32>,
        %get3A_1447 = arith.index_cast %scan3A_439 : i32 to index
        %get3A_1448 = arith.constant 80 : index
        %get3A_1449 = tpu.vector_load %arg10[%get3A_1447, %get3A_1448] {strides = array<i32>} : memref<8x128xf32, #tpu.memory_space<vmem>>, vector<1x16xf32>,
        %get3A_1450 = vector.shape_cast %get3A_1449 : vector<1x16xf32> to vector<16xf32>
        %get3A_1451 = arith.constant 6 : i32
        %get3A_1452 = arith.index_cast %get3A_1451 : i32 to index
        %get3A_1453 = arith.constant 80 : index
        %get3A_1454 = tpu.vector_load %arg11[%get3A_1452, %get3A_1453] {strides = array<i32>} : memref<8x128xf32, #tpu.memory_space<vmem>>, vector<1x16xf32>,
        %get3A_1455 = vector.shape_cast %get3A_1454 : vector<1x16xf32> to vector<16xf32>
        %add3A_1456 = arith.addf %get3A_1450, %get3A_1455 : vector<16xf32>
        %mul3A_1457 = arith.constant 8 : i32
        %mul3A_1458 = arith.muli %scan3A_439, %mul3A_1457 : i32
        %add3A_1459 = arith.constant 6 : i32
        %add3A_1460 = arith.addi %mul3A_1458, %add3A_1459 : i32
        %swap3A_1461 = arith.index_cast %add3A_1460 : i32 to index
        %swap3A_1462 = arith.constant 80 : index
        %swap3A_1463 = tpu.vector_load %arg12[%swap3A_1461, %swap3A_1462] {strides = array<i32>} : memref<64x128xf32, #tpu.memory_space<vmem>>, vector<1x16xf32>,
        %swap3A_1464 = vector.shape_cast %swap3A_1463 : vector<1x16xf32> to vector<16xf32>
        %swap3A_1465 = vector.shape_cast %add3A_1456 : vector<16xf32> to vector<1x16xf32>
        tpu.vector_store %arg12[%swap3A_1461, %swap3A_1462], %swap3A_1465 {strides = array<i32>} : memref<64x128xf32, #tpu.memory_space<vmem>>, vector<1x16xf32>,
        %get3A_1466 = arith.index_cast %scan3A_439 : i32 to index
        %get3A_1467 = arith.constant 96 : index
        %get3A_1468 = tpu.vector_load %arg10[%get3A_1466, %get3A_1467] {strides = array<i32>} : memref<8x128xf32, #tpu.memory_space<vmem>>, vector<1x16xf32>,
        %get3A_1469 = vector.shape_cast %get3A_1468 : vector<1x16xf32> to vector<16xf32>
        %get3A_1470 = arith.constant 6 : i32
        %get3A_1471 = arith.index_cast %get3A_1470 : i32 to index
        %get3A_1472 = arith.constant 96 : index
        %get3A_1473 = tpu.vector_load %arg11[%get3A_1471, %get3A_1472] {strides = array<i32>} : memref<8x128xf32, #tpu.memory_space<vmem>>, vector<1x16xf32>,
        %get3A_1474 = vector.shape_cast %get3A_1473 : vector<1x16xf32> to vector<16xf32>
        %add3A_1475 = arith.addf %get3A_1469, %get3A_1474 : vector<16xf32>
        %mul3A_1476 = arith.constant 8 : i32
        %mul3A_1477 = arith.muli %scan3A_439, %mul3A_1476 : i32
        %add3A_1478 = arith.constant 6 : i32
        %add3A_1479 = arith.addi %mul3A_1477, %add3A_1478 : i32
        %swap3A_1480 = arith.index_cast %add3A_1479 : i32 to index
        %swap3A_1481 = arith.constant 96 : index
        %swap3A_1482 = tpu.vector_load %arg12[%swap3A_1480, %swap3A_1481] {strides = array<i32>} : memref<64x128xf32, #tpu.memory_space<vmem>>, vector<1x16xf32>,
        %swap3A_1483 = vector.shape_cast %swap3A_1482 : vector<1x16xf32> to vector<16xf32>
        %swap3A_1484 = vector.shape_cast %add3A_1475 : vector<16xf32> to vector<1x16xf32>
        tpu.vector_store %arg12[%swap3A_1480, %swap3A_1481], %swap3A_1484 {strides = array<i32>} : memref<64x128xf32, #tpu.memory_space<vmem>>, vector<1x16xf32>,
        %get3A_1485 = arith.index_cast %scan3A_439 : i32 to index
        %get3A_1486 = arith.constant 112 : index
        %get3A_1487 = tpu.vector_load %arg10[%get3A_1485, %get3A_1486] {strides = array<i32>} : memref<8x128xf32, #tpu.memory_space<vmem>>, vector<1x16xf32>,
        %get3A_1488 = vector.shape_cast %get3A_1487 : vector<1x16xf32> to vector<16xf32>
        %get3A_1489 = arith.constant 6 : i32
        %get3A_1490 = arith.index_cast %get3A_1489 : i32 to index
        %get3A_1491 = arith.constant 112 : index
        %get3A_1492 = tpu.vector_load %arg11[%get3A_1490, %get3A_1491] {strides = array<i32>} : memref<8x128xf32, #tpu.memory_space<vmem>>, vector<1x16xf32>,
        %get3A_1493 = vector.shape_cast %get3A_1492 : vector<1x16xf32> to vector<16xf32>
        %add3A_1494 = arith.addf %get3A_1488, %get3A_1493 : vector<16xf32>
        %mul3A_1495 = arith.constant 8 : i32
        %mul3A_1496 = arith.muli %scan3A_439, %mul3A_1495 : i32
        %add3A_1497 = arith.constant 6 : i32
        %add3A_1498 = arith.addi %mul3A_1496, %add3A_1497 : i32
        %swap3A_1499 = arith.index_cast %add3A_1498 : i32 to index
        %swap3A_1500 = arith.constant 112 : index
        %swap3A_1501 = tpu.vector_load %arg12[%swap3A_1499, %swap3A_1500] {strides = array<i32>} : memref<64x128xf32, #tpu.memory_space<vmem>>, vector<1x16xf32>,
        %swap3A_1502 = vector.shape_cast %swap3A_1501 : vector<1x16xf32> to vector<16xf32>
        %swap3A_1503 = vector.shape_cast %add3A_1494 : vector<16xf32> to vector<1x16xf32>
        tpu.vector_store %arg12[%swap3A_1499, %swap3A_1500], %swap3A_1503 {strides = array<i32>} : memref<64x128xf32, #tpu.memory_space<vmem>>, vector<1x16xf32>,
        %get3A_1504 = arith.index_cast %scan3A_439 : i32 to index
        %get3A_1505 = arith.constant 0 : index
        %get3A_1506 = tpu.vector_load %arg10[%get3A_1504, %get3A_1505] {strides = array<i32>} : memref<8x128xf32, #tpu.memory_space<vmem>>, vector<1x16xf32>,
        %get3A_1507 = vector.shape_cast %get3A_1506 : vector<1x16xf32> to vector<16xf32>
        %get3A_1508 = arith.constant 7 : i32
        %get3A_1509 = arith.index_cast %get3A_1508 : i32 to index
        %get3A_1510 = arith.constant 0 : index
        %get3A_1511 = tpu.vector_load %arg11[%get3A_1509, %get3A_1510] {strides = array<i32>} : memref<8x128xf32, #tpu.memory_space<vmem>>, vector<1x16xf32>,
        %get3A_1512 = vector.shape_cast %get3A_1511 : vector<1x16xf32> to vector<16xf32>
        %add3A_1513 = arith.addf %get3A_1507, %get3A_1512 : vector<16xf32>
        %mul3A_1514 = arith.constant 8 : i32
        %mul3A_1515 = arith.muli %scan3A_439, %mul3A_1514 : i32
        %add3A_1516 = arith.constant 7 : i32
        %add3A_1517 = arith.addi %mul3A_1515, %add3A_1516 : i32
        %swap3A_1518 = arith.index_cast %add3A_1517 : i32 to index
        %swap3A_1519 = arith.constant 0 : index
        %swap3A_1520 = tpu.vector_load %arg12[%swap3A_1518, %swap3A_1519] {strides = array<i32>} : memref<64x128xf32, #tpu.memory_space<vmem>>, vector<1x16xf32>,
        %swap3A_1521 = vector.shape_cast %swap3A_1520 : vector<1x16xf32> to vector<16xf32>
        %swap3A_1522 = vector.shape_cast %add3A_1513 : vector<16xf32> to vector<1x16xf32>
        tpu.vector_store %arg12[%swap3A_1518, %swap3A_1519], %swap3A_1522 {strides = array<i32>} : memref<64x128xf32, #tpu.memory_space<vmem>>, vector<1x16xf32>,
        %get3A_1523 = arith.index_cast %scan3A_439 : i32 to index
        %get3A_1524 = arith.constant 16 : index
        %get3A_1525 = tpu.vector_load %arg10[%get3A_1523, %get3A_1524] {strides = array<i32>} : memref<8x128xf32, #tpu.memory_space<vmem>>, vector<1x16xf32>,
        %get3A_1526 = vector.shape_cast %get3A_1525 : vector<1x16xf32> to vector<16xf32>
        %get3A_1527 = arith.constant 7 : i32
        %get3A_1528 = arith.index_cast %get3A_1527 : i32 to index
        %get3A_1529 = arith.constant 16 : index
        %get3A_1530 = tpu.vector_load %arg11[%get3A_1528, %get3A_1529] {strides = array<i32>} : memref<8x128xf32, #tpu.memory_space<vmem>>, vector<1x16xf32>,
        %get3A_1531 = vector.shape_cast %get3A_1530 : vector<1x16xf32> to vector<16xf32>
        %add3A_1532 = arith.addf %get3A_1526, %get3A_1531 : vector<16xf32>
        %mul3A_1533 = arith.constant 8 : i32
        %mul3A_1534 = arith.muli %scan3A_439, %mul3A_1533 : i32
        %add3A_1535 = arith.constant 7 : i32
        %add3A_1536 = arith.addi %mul3A_1534, %add3A_1535 : i32
        %swap3A_1537 = arith.index_cast %add3A_1536 : i32 to index
        %swap3A_1538 = arith.constant 16 : index
        %swap3A_1539 = tpu.vector_load %arg12[%swap3A_1537, %swap3A_1538] {strides = array<i32>} : memref<64x128xf32, #tpu.memory_space<vmem>>, vector<1x16xf32>,
        %swap3A_1540 = vector.shape_cast %swap3A_1539 : vector<1x16xf32> to vector<16xf32>
        %swap3A_1541 = vector.shape_cast %add3A_1532 : vector<16xf32> to vector<1x16xf32>
        tpu.vector_store %arg12[%swap3A_1537, %swap3A_1538], %swap3A_1541 {strides = array<i32>} : memref<64x128xf32, #tpu.memory_space<vmem>>, vector<1x16xf32>,
        %get3A_1542 = arith.index_cast %scan3A_439 : i32 to index
        %get3A_1543 = arith.constant 32 : index
        %get3A_1544 = tpu.vector_load %arg10[%get3A_1542, %get3A_1543] {strides = array<i32>} : memref<8x128xf32, #tpu.memory_space<vmem>>, vector<1x16xf32>,
        %get3A_1545 = vector.shape_cast %get3A_1544 : vector<1x16xf32> to vector<16xf32>
        %get3A_1546 = arith.constant 7 : i32
        %get3A_1547 = arith.index_cast %get3A_1546 : i32 to index
        %get3A_1548 = arith.constant 32 : index
        %get3A_1549 = tpu.vector_load %arg11[%get3A_1547, %get3A_1548] {strides = array<i32>} : memref<8x128xf32, #tpu.memory_space<vmem>>, vector<1x16xf32>,
        %get3A_1550 = vector.shape_cast %get3A_1549 : vector<1x16xf32> to vector<16xf32>
        %add3A_1551 = arith.addf %get3A_1545, %get3A_1550 : vector<16xf32>
        %mul3A_1552 = arith.constant 8 : i32
        %mul3A_1553 = arith.muli %scan3A_439, %mul3A_1552 : i32
        %add3A_1554 = arith.constant 7 : i32
        %add3A_1555 = arith.addi %mul3A_1553, %add3A_1554 : i32
        %swap3A_1556 = arith.index_cast %add3A_1555 : i32 to index
        %swap3A_1557 = arith.constant 32 : index
        %swap3A_1558 = tpu.vector_load %arg12[%swap3A_1556, %swap3A_1557] {strides = array<i32>} : memref<64x128xf32, #tpu.memory_space<vmem>>, vector<1x16xf32>,
        %swap3A_1559 = vector.shape_cast %swap3A_1558 : vector<1x16xf32> to vector<16xf32>
        %swap3A_1560 = vector.shape_cast %add3A_1551 : vector<16xf32> to vector<1x16xf32>
        tpu.vector_store %arg12[%swap3A_1556, %swap3A_1557], %swap3A_1560 {strides = array<i32>} : memref<64x128xf32, #tpu.memory_space<vmem>>, vector<1x16xf32>,
        %get3A_1561 = arith.index_cast %scan3A_439 : i32 to index
        %get3A_1562 = arith.constant 48 : index
        %get3A_1563 = tpu.vector_load %arg10[%get3A_1561, %get3A_1562] {strides = array<i32>} : memref<8x128xf32, #tpu.memory_space<vmem>>, vector<1x16xf32>,
        %get3A_1564 = vector.shape_cast %get3A_1563 : vector<1x16xf32> to vector<16xf32>
        %get3A_1565 = arith.constant 7 : i32
        %get3A_1566 = arith.index_cast %get3A_1565 : i32 to index
        %get3A_1567 = arith.constant 48 : index
        %get3A_1568 = tpu.vector_load %arg11[%get3A_1566, %get3A_1567] {strides = array<i32>} : memref<8x128xf32, #tpu.memory_space<vmem>>, vector<1x16xf32>,
        %get3A_1569 = vector.shape_cast %get3A_1568 : vector<1x16xf32> to vector<16xf32>
        %add3A_1570 = arith.addf %get3A_1564, %get3A_1569 : vector<16xf32>
        %mul3A_1571 = arith.constant 8 : i32
        %mul3A_1572 = arith.muli %scan3A_439, %mul3A_1571 : i32
        %add3A_1573 = arith.constant 7 : i32
        %add3A_1574 = arith.addi %mul3A_1572, %add3A_1573 : i32
        %swap3A_1575 = arith.index_cast %add3A_1574 : i32 to index
        %swap3A_1576 = arith.constant 48 : index
        %swap3A_1577 = tpu.vector_load %arg12[%swap3A_1575, %swap3A_1576] {strides = array<i32>} : memref<64x128xf32, #tpu.memory_space<vmem>>, vector<1x16xf32>,
        %swap3A_1578 = vector.shape_cast %swap3A_1577 : vector<1x16xf32> to vector<16xf32>
        %swap3A_1579 = vector.shape_cast %add3A_1570 : vector<16xf32> to vector<1x16xf32>
        tpu.vector_store %arg12[%swap3A_1575, %swap3A_1576], %swap3A_1579 {strides = array<i32>} : memref<64x128xf32, #tpu.memory_space<vmem>>, vector<1x16xf32>,
        %get3A_1580 = arith.index_cast %scan3A_439 : i32 to index
        %get3A_1581 = arith.constant 64 : index
        %get3A_1582 = tpu.vector_load %arg10[%get3A_1580, %get3A_1581] {strides = array<i32>} : memref<8x128xf32, #tpu.memory_space<vmem>>, vector<1x16xf32>,
        %get3A_1583 = vector.shape_cast %get3A_1582 : vector<1x16xf32> to vector<16xf32>
        %get3A_1584 = arith.constant 7 : i32
        %get3A_1585 = arith.index_cast %get3A_1584 : i32 to index
        %get3A_1586 = arith.constant 64 : index
        %get3A_1587 = tpu.vector_load %arg11[%get3A_1585, %get3A_1586] {strides = array<i32>} : memref<8x128xf32, #tpu.memory_space<vmem>>, vector<1x16xf32>,
        %get3A_1588 = vector.shape_cast %get3A_1587 : vector<1x16xf32> to vector<16xf32>
        %add3A_1589 = arith.addf %get3A_1583, %get3A_1588 : vector<16xf32>
        %mul3A_1590 = arith.constant 8 : i32
        %mul3A_1591 = arith.muli %scan3A_439, %mul3A_1590 : i32
        %add3A_1592 = arith.constant 7 : i32
        %add3A_1593 = arith.addi %mul3A_1591, %add3A_1592 : i32
        %swap3A_1594 = arith.index_cast %add3A_1593 : i32 to index
        %swap3A_1595 = arith.constant 64 : index
        %swap3A_1596 = tpu.vector_load %arg12[%swap3A_1594, %swap3A_1595] {strides = array<i32>} : memref<64x128xf32, #tpu.memory_space<vmem>>, vector<1x16xf32>,
        %swap3A_1597 = vector.shape_cast %swap3A_1596 : vector<1x16xf32> to vector<16xf32>
        %swap3A_1598 = vector.shape_cast %add3A_1589 : vector<16xf32> to vector<1x16xf32>
        tpu.vector_store %arg12[%swap3A_1594, %swap3A_1595], %swap3A_1598 {strides = array<i32>} : memref<64x128xf32, #tpu.memory_space<vmem>>, vector<1x16xf32>,
        %get3A_1599 = arith.index_cast %scan3A_439 : i32 to index
        %get3A_1600 = arith.constant 80 : index
        %get3A_1601 = tpu.vector_load %arg10[%get3A_1599, %get3A_1600] {strides = array<i32>} : memref<8x128xf32, #tpu.memory_space<vmem>>, vector<1x16xf32>,
        %get3A_1602 = vector.shape_cast %get3A_1601 : vector<1x16xf32> to vector<16xf32>
        %get3A_1603 = arith.constant 7 : i32
        %get3A_1604 = arith.index_cast %get3A_1603 : i32 to index
        %get3A_1605 = arith.constant 80 : index
        %get3A_1606 = tpu.vector_load %arg11[%get3A_1604, %get3A_1605] {strides = array<i32>} : memref<8x128xf32, #tpu.memory_space<vmem>>, vector<1x16xf32>,
        %get3A_1607 = vector.shape_cast %get3A_1606 : vector<1x16xf32> to vector<16xf32>
        %add3A_1608 = arith.addf %get3A_1602, %get3A_1607 : vector<16xf32>
        %mul3A_1609 = arith.constant 8 : i32
        %mul3A_1610 = arith.muli %scan3A_439, %mul3A_1609 : i32
        %add3A_1611 = arith.constant 7 : i32
        %add3A_1612 = arith.addi %mul3A_1610, %add3A_1611 : i32
        %swap3A_1613 = arith.index_cast %add3A_1612 : i32 to index
        %swap3A_1614 = arith.constant 80 : index
        %swap3A_1615 = tpu.vector_load %arg12[%swap3A_1613, %swap3A_1614] {strides = array<i32>} : memref<64x128xf32, #tpu.memory_space<vmem>>, vector<1x16xf32>,
        %swap3A_1616 = vector.shape_cast %swap3A_1615 : vector<1x16xf32> to vector<16xf32>
        %swap3A_1617 = vector.shape_cast %add3A_1608 : vector<16xf32> to vector<1x16xf32>
        tpu.vector_store %arg12[%swap3A_1613, %swap3A_1614], %swap3A_1617 {strides = array<i32>} : memref<64x128xf32, #tpu.memory_space<vmem>>, vector<1x16xf32>,
        %get3A_1618 = arith.index_cast %scan3A_439 : i32 to index
        %get3A_1619 = arith.constant 96 : index
        %get3A_1620 = tpu.vector_load %arg10[%get3A_1618, %get3A_1619] {strides = array<i32>} : memref<8x128xf32, #tpu.memory_space<vmem>>, vector<1x16xf32>,
        %get3A_1621 = vector.shape_cast %get3A_1620 : vector<1x16xf32> to vector<16xf32>
        %get3A_1622 = arith.constant 7 : i32
        %get3A_1623 = arith.index_cast %get3A_1622 : i32 to index
        %get3A_1624 = arith.constant 96 : index
        %get3A_1625 = tpu.vector_load %arg11[%get3A_1623, %get3A_1624] {strides = array<i32>} : memref<8x128xf32, #tpu.memory_space<vmem>>, vector<1x16xf32>,
        %get3A_1626 = vector.shape_cast %get3A_1625 : vector<1x16xf32> to vector<16xf32>
        %add3A_1627 = arith.addf %get3A_1621, %get3A_1626 : vector<16xf32>
        %mul3A_1628 = arith.constant 8 : i32
        %mul3A_1629 = arith.muli %scan3A_439, %mul3A_1628 : i32
        %add3A_1630 = arith.constant 7 : i32
        %add3A_1631 = arith.addi %mul3A_1629, %add3A_1630 : i32
        %swap3A_1632 = arith.index_cast %add3A_1631 : i32 to index
        %swap3A_1633 = arith.constant 96 : index
        %swap3A_1634 = tpu.vector_load %arg12[%swap3A_1632, %swap3A_1633] {strides = array<i32>} : memref<64x128xf32, #tpu.memory_space<vmem>>, vector<1x16xf32>,
        %swap3A_1635 = vector.shape_cast %swap3A_1634 : vector<1x16xf32> to vector<16xf32>
        %swap3A_1636 = vector.shape_cast %add3A_1627 : vector<16xf32> to vector<1x16xf32>
        tpu.vector_store %arg12[%swap3A_1632, %swap3A_1633], %swap3A_1636 {strides = array<i32>} : memref<64x128xf32, #tpu.memory_space<vmem>>, vector<1x16xf32>,
        %get3A_1637 = arith.index_cast %scan3A_439 : i32 to index
        %get3A_1638 = arith.constant 112 : index
        %get3A_1639 = tpu.vector_load %arg10[%get3A_1637, %get3A_1638] {strides = array<i32>} : memref<8x128xf32, #tpu.memory_space<vmem>>, vector<1x16xf32>,
        %get3A_1640 = vector.shape_cast %get3A_1639 : vector<1x16xf32> to vector<16xf32>
        %get3A_1641 = arith.constant 7 : i32
        %get3A_1642 = arith.index_cast %get3A_1641 : i32 to index
        %get3A_1643 = arith.constant 112 : index
        %get3A_1644 = tpu.vector_load %arg11[%get3A_1642, %get3A_1643] {strides = array<i32>} : memref<8x128xf32, #tpu.memory_space<vmem>>, vector<1x16xf32>,
        %get3A_1645 = vector.shape_cast %get3A_1644 : vector<1x16xf32> to vector<16xf32>
        %add3A_1646 = arith.addf %get3A_1640, %get3A_1645 : vector<16xf32>
        %mul3A_1647 = arith.constant 8 : i32
        %mul3A_1648 = arith.muli %scan3A_439, %mul3A_1647 : i32
        %add3A_1649 = arith.constant 7 : i32
        %add3A_1650 = arith.addi %mul3A_1648, %add3A_1649 : i32
        %swap3A_1651 = arith.index_cast %add3A_1650 : i32 to index
        %swap3A_1652 = arith.constant 112 : index
        %swap3A_1653 = tpu.vector_load %arg12[%swap3A_1651, %swap3A_1652] {strides = array<i32>} : memref<64x128xf32, #tpu.memory_space<vmem>>, vector<1x16xf32>,
        %swap3A_1654 = vector.shape_cast %swap3A_1653 : vector<1x16xf32> to vector<16xf32>
        %swap3A_1655 = vector.shape_cast %add3A_1646 : vector<16xf32> to vector<1x16xf32>
        tpu.vector_store %arg12[%swap3A_1651, %swap3A_1652], %swap3A_1655 {strides = array<i32>} : memref<64x128xf32, #tpu.memory_space<vmem>>, vector<1x16xf32>,
      }
      %scan3A_438 = arith.constant 8 : i32
      "tpu.region"() ({
        %run_scoped3A = tpu.sem_alloc : memref<!tpu.dma_semaphore, #tpu.memory_space<semaphore_mem>>
        tpu.enqueue_dma source(%arg12 : memref<64x128xf32, #tpu.memory_space<vmem>>) target(%arg13 : memref<64x128xf32, #tpu.memory_space<vmem_shared>>) target_semaphore(%run_scoped3A : memref<!tpu.dma_semaphore, #tpu.memory_space<semaphore_mem>>)
        tpu.wait_dma2 semaphore(%run_scoped3A : memref<!tpu.dma_semaphore, #tpu.memory_space<semaphore_mem>>) src(%arg12 : memref<64x128xf32, #tpu.memory_space<vmem>>) dst(%arg13 : memref<64x128xf32, #tpu.memory_space<vmem_shared>>)
        tpu.yield
      }) : () -> ()
      "tpu.region"() ({
        %run_scoped3A = tpu.sem_alloc : memref<!tpu.dma_semaphore, #tpu.memory_space<semaphore_mem>>
        tpu.enqueue_dma source(%arg6 : memref<200x128xf32, #tpu.memory_space<hbm>>) target(%arg14 : memref<200x128xf32, #tpu.memory_space<vmem_shared>>) target_semaphore(%run_scoped3A : memref<!tpu.dma_semaphore, #tpu.memory_space<semaphore_mem>>)
        tpu.wait_dma2 semaphore(%run_scoped3A : memref<!tpu.dma_semaphore, #tpu.memory_space<semaphore_mem>>) src(%arg6 : memref<200x128xf32, #tpu.memory_space<hbm>>) dst(%arg14 : memref<200x128xf32, #tpu.memory_space<vmem_shared>>)
        tpu.yield
      }) : () -> ()
    } else {
    }
    %iota3A = tpu.iota {dimensions = array<i32: 0>} : vector<16xi32>
    %add3A_5 = arith.constant 0 : i32
    %add3A_6 = vector.broadcast %add3A_5 : i32 to vector<16xi32>
    %add3A_7 = arith.addi %iota3A, %add3A_6 : vector<16xi32>
    %swap3A = arith.constant 0 : index
    %swap3A_8 = tpu.vector_load %arg15[%swap3A] {strides = array<i32>} : memref<200xi32, #tpu.memory_space<vmem>>, vector<16xi32>,
    %swap3A_9 = vector.shape_cast %swap3A_8 : vector<16xi32> to vector<16xi32>
    %swap3A_10 = vector.shape_cast %add3A_7 : vector<16xi32> to vector<16xi32>
    tpu.vector_store %arg15[%swap3A], %swap3A_10 {strides = array<i32>} : memref<200xi32, #tpu.memory_space<vmem>>, vector<16xi32>,
    %add3A_11 = arith.constant 16 : i32
    %add3A_12 = vector.broadcast %add3A_11 : i32 to vector<16xi32>
    %add3A_13 = arith.addi %iota3A, %add3A_12 : vector<16xi32>
    %swap3A_14 = arith.constant 16 : index
    %swap3A_15 = tpu.vector_load %arg15[%swap3A_14] {strides = array<i32>} : memref<200xi32, #tpu.memory_space<vmem>>, vector<16xi32>,
    %swap3A_16 = vector.shape_cast %swap3A_15 : vector<16xi32> to vector<16xi32>
    %swap3A_17 = vector.shape_cast %add3A_13 : vector<16xi32> to vector<16xi32>
    tpu.vector_store %arg15[%swap3A_14], %swap3A_17 {strides = array<i32>} : memref<200xi32, #tpu.memory_space<vmem>>, vector<16xi32>,
    %add3A_18 = arith.constant 32 : i32
    %add3A_19 = vector.broadcast %add3A_18 : i32 to vector<16xi32>
    %add3A_20 = arith.addi %iota3A, %add3A_19 : vector<16xi32>
    %swap3A_21 = arith.constant 32 : index
    %swap3A_22 = tpu.vector_load %arg15[%swap3A_21] {strides = array<i32>} : memref<200xi32, #tpu.memory_space<vmem>>, vector<16xi32>,
    %swap3A_23 = vector.shape_cast %swap3A_22 : vector<16xi32> to vector<16xi32>
    %swap3A_24 = vector.shape_cast %add3A_20 : vector<16xi32> to vector<16xi32>
    tpu.vector_store %arg15[%swap3A_21], %swap3A_24 {strides = array<i32>} : memref<200xi32, #tpu.memory_space<vmem>>, vector<16xi32>,
    %add3A_25 = arith.constant 48 : i32
    %add3A_26 = vector.broadcast %add3A_25 : i32 to vector<16xi32>
    %add3A_27 = arith.addi %iota3A, %add3A_26 : vector<16xi32>
    %swap3A_28 = arith.constant 48 : index
    %swap3A_29 = tpu.vector_load %arg15[%swap3A_28] {strides = array<i32>} : memref<200xi32, #tpu.memory_space<vmem>>, vector<16xi32>,
    %swap3A_30 = vector.shape_cast %swap3A_29 : vector<16xi32> to vector<16xi32>
    %swap3A_31 = vector.shape_cast %add3A_27 : vector<16xi32> to vector<16xi32>
    tpu.vector_store %arg15[%swap3A_28], %swap3A_31 {strides = array<i32>} : memref<200xi32, #tpu.memory_space<vmem>>, vector<16xi32>,
    %add3A_32 = arith.constant 64 : i32
    %add3A_33 = vector.broadcast %add3A_32 : i32 to vector<16xi32>
    %add3A_34 = arith.addi %iota3A, %add3A_33 : vector<16xi32>
    %swap3A_35 = arith.constant 64 : index
    %swap3A_36 = tpu.vector_load %arg15[%swap3A_35] {strides = array<i32>} : memref<200xi32, #tpu.memory_space<vmem>>, vector<16xi32>,
    %swap3A_37 = vector.shape_cast %swap3A_36 : vector<16xi32> to vector<16xi32>
    %swap3A_38 = vector.shape_cast %add3A_34 : vector<16xi32> to vector<16xi32>
    tpu.vector_store %arg15[%swap3A_35], %swap3A_38 {strides = array<i32>} : memref<200xi32, #tpu.memory_space<vmem>>, vector<16xi32>,
    %add3A_39 = arith.constant 80 : i32
    %add3A_40 = vector.broadcast %add3A_39 : i32 to vector<16xi32>
    %add3A_41 = arith.addi %iota3A, %add3A_40 : vector<16xi32>
    %swap3A_42 = arith.constant 80 : index
    %swap3A_43 = tpu.vector_load %arg15[%swap3A_42] {strides = array<i32>} : memref<200xi32, #tpu.memory_space<vmem>>, vector<16xi32>,
    %swap3A_44 = vector.shape_cast %swap3A_43 : vector<16xi32> to vector<16xi32>
    %swap3A_45 = vector.shape_cast %add3A_41 : vector<16xi32> to vector<16xi32>
    tpu.vector_store %arg15[%swap3A_42], %swap3A_45 {strides = array<i32>} : memref<200xi32, #tpu.memory_space<vmem>>, vector<16xi32>,
    %add3A_46 = arith.constant 96 : i32
    %add3A_47 = vector.broadcast %add3A_46 : i32 to vector<16xi32>
    %add3A_48 = arith.addi %iota3A, %add3A_47 : vector<16xi32>
    %swap3A_49 = arith.constant 96 : index
    %swap3A_50 = tpu.vector_load %arg15[%swap3A_49] {strides = array<i32>} : memref<200xi32, #tpu.memory_space<vmem>>, vector<16xi32>,
    %swap3A_51 = vector.shape_cast %swap3A_50 : vector<16xi32> to vector<16xi32>
    %swap3A_52 = vector.shape_cast %add3A_48 : vector<16xi32> to vector<16xi32>
    tpu.vector_store %arg15[%swap3A_49], %swap3A_52 {strides = array<i32>} : memref<200xi32, #tpu.memory_space<vmem>>, vector<16xi32>,
    %add3A_53 = arith.constant 112 : i32
    %add3A_54 = vector.broadcast %add3A_53 : i32 to vector<16xi32>
    %add3A_55 = arith.addi %iota3A, %add3A_54 : vector<16xi32>
    %swap3A_56 = arith.constant 112 : index
    %swap3A_57 = tpu.vector_load %arg15[%swap3A_56] {strides = array<i32>} : memref<200xi32, #tpu.memory_space<vmem>>, vector<16xi32>,
    %swap3A_58 = vector.shape_cast %swap3A_57 : vector<16xi32> to vector<16xi32>
    %swap3A_59 = vector.shape_cast %add3A_55 : vector<16xi32> to vector<16xi32>
    tpu.vector_store %arg15[%swap3A_56], %swap3A_59 {strides = array<i32>} : memref<200xi32, #tpu.memory_space<vmem>>, vector<16xi32>,
    %add3A_60 = arith.constant 128 : i32
    %add3A_61 = vector.broadcast %add3A_60 : i32 to vector<16xi32>
    %add3A_62 = arith.addi %iota3A, %add3A_61 : vector<16xi32>
    %swap3A_63 = arith.constant 128 : index
    %swap3A_64 = tpu.vector_load %arg15[%swap3A_63] {strides = array<i32>} : memref<200xi32, #tpu.memory_space<vmem>>, vector<16xi32>,
    %swap3A_65 = vector.shape_cast %swap3A_64 : vector<16xi32> to vector<16xi32>
    %swap3A_66 = vector.shape_cast %add3A_62 : vector<16xi32> to vector<16xi32>
    tpu.vector_store %arg15[%swap3A_63], %swap3A_66 {strides = array<i32>} : memref<200xi32, #tpu.memory_space<vmem>>, vector<16xi32>,
    %add3A_67 = arith.constant 144 : i32
    %add3A_68 = vector.broadcast %add3A_67 : i32 to vector<16xi32>
    %add3A_69 = arith.addi %iota3A, %add3A_68 : vector<16xi32>
    %swap3A_70 = arith.constant 144 : index
    %swap3A_71 = tpu.vector_load %arg15[%swap3A_70] {strides = array<i32>} : memref<200xi32, #tpu.memory_space<vmem>>, vector<16xi32>,
    %swap3A_72 = vector.shape_cast %swap3A_71 : vector<16xi32> to vector<16xi32>
    %swap3A_73 = vector.shape_cast %add3A_69 : vector<16xi32> to vector<16xi32>
    tpu.vector_store %arg15[%swap3A_70], %swap3A_73 {strides = array<i32>} : memref<200xi32, #tpu.memory_space<vmem>>, vector<16xi32>,
    %add3A_74 = arith.constant 160 : i32
    %add3A_75 = vector.broadcast %add3A_74 : i32 to vector<16xi32>
    %add3A_76 = arith.addi %iota3A, %add3A_75 : vector<16xi32>
    %swap3A_77 = arith.constant 160 : index
    %swap3A_78 = tpu.vector_load %arg15[%swap3A_77] {strides = array<i32>} : memref<200xi32, #tpu.memory_space<vmem>>, vector<16xi32>,
    %swap3A_79 = vector.shape_cast %swap3A_78 : vector<16xi32> to vector<16xi32>
    %swap3A_80 = vector.shape_cast %add3A_76 : vector<16xi32> to vector<16xi32>
    tpu.vector_store %arg15[%swap3A_77], %swap3A_80 {strides = array<i32>} : memref<200xi32, #tpu.memory_space<vmem>>, vector<16xi32>,
    %add3A_81 = arith.constant 176 : i32
    %add3A_82 = vector.broadcast %add3A_81 : i32 to vector<16xi32>
    %add3A_83 = arith.addi %iota3A, %add3A_82 : vector<16xi32>
    %swap3A_84 = arith.constant 176 : index
    %swap3A_85 = tpu.vector_load %arg15[%swap3A_84] {strides = array<i32>} : memref<200xi32, #tpu.memory_space<vmem>>, vector<16xi32>,
    %swap3A_86 = vector.shape_cast %swap3A_85 : vector<16xi32> to vector<16xi32>
    %swap3A_87 = vector.shape_cast %add3A_83 : vector<16xi32> to vector<16xi32>
    tpu.vector_store %arg15[%swap3A_84], %swap3A_87 {strides = array<i32>} : memref<200xi32, #tpu.memory_space<vmem>>, vector<16xi32>,
    %add3A_88 = arith.constant 184 : i32
    %add3A_89 = vector.broadcast %add3A_88 : i32 to vector<16xi32>
    %add3A_90 = arith.addi %iota3A, %add3A_89 : vector<16xi32>
    %swap3A_91 = arith.constant 184 : index
    %swap3A_92 = tpu.vector_load %arg15[%swap3A_91] {strides = array<i32>} : memref<200xi32, #tpu.memory_space<vmem>>, vector<16xi32>,
    %swap3A_93 = vector.shape_cast %swap3A_92 : vector<16xi32> to vector<16xi32>
    %swap3A_94 = vector.shape_cast %add3A_90 : vector<16xi32> to vector<16xi32>
    tpu.vector_store %arg15[%swap3A_91], %swap3A_94 {strides = array<i32>} : memref<200xi32, #tpu.memory_space<vmem>>, vector<16xi32>,
    %barrier3A = arith.constant 0 : index
    tpu.barrier barrier_id(%barrier3A)
    %add3A_95 = arith.constant 0 : i32
    %add3A_96 = arith.addi %mul3A_2, %add3A_95 : i32
    %mul3A_97 = arith.constant 200 : i32
    %mul3A_98 = arith.muli %add3A_96, %mul3A_97 : i32
    %add3A_99 = arith.constant 128 : i32
    %add3A_100 = arith.addi %mul3A_98, %add3A_99 : i32
    %dma_start3A = arith.constant 0 : i32
    %dma_start3A_101 = tpu.memref_slice %arg16[%dma_start3A] : memref<200xi32, #tpu.memory_space<vmem>> -> memref<128xi32, #tpu.memory_space<vmem>>
    %dma_start3A_102 = tpu.memref_slice %arg2[%mul3A_98] : memref<204800xi32, #tpu.memory_space<hbm>> -> memref<128xi32, #tpu.memory_space<hbm>>
    %dma_start3A_103 = arith.constant 0 : i32
    %dma_start3A_104 = tpu.memref_slice %arg16[%dma_start3A_103] : memref<200xi32, #tpu.memory_space<vmem>> -> memref<128xi32, #tpu.memory_space<vmem>>
    %dma_start3A_105 = tpu.memref_slice %arg2[%mul3A_98] : memref<204800xi32, #tpu.memory_space<hbm>> -> memref<128xi32, #tpu.memory_space<hbm>>
    tpu.enqueue_dma source(%dma_start3A_105 : memref<128xi32, #tpu.memory_space<hbm>>) target(%dma_start3A_104 : memref<128xi32, #tpu.memory_space<vmem>>) target_semaphore(%arg23 : memref<!tpu.dma_semaphore, #tpu.memory_space<semaphore_mem>>)
    %dma_start3A_106 = arith.constant 128 : i32
    %dma_start3A_107 = tpu.memref_slice %arg16[%dma_start3A_106] : memref<200xi32, #tpu.memory_space<vmem>> -> memref<72xi32, #tpu.memory_space<vmem>>
    %dma_start3A_108 = tpu.memref_slice %arg2[%add3A_100] : memref<204800xi32, #tpu.memory_space<hbm>> -> memref<72xi32, #tpu.memory_space<hbm>>
    %dma_start3A_109 = arith.constant 128 : i32
    %dma_start3A_110 = tpu.memref_slice %arg16[%dma_start3A_109] : memref<200xi32, #tpu.memory_space<vmem>> -> memref<72xi32, #tpu.memory_space<vmem>>
    %dma_start3A_111 = tpu.memref_slice %arg2[%add3A_100] : memref<204800xi32, #tpu.memory_space<hbm>> -> memref<72xi32, #tpu.memory_space<hbm>>
    tpu.enqueue_dma source(%dma_start3A_111 : memref<72xi32, #tpu.memory_space<hbm>>) target(%dma_start3A_110 : memref<72xi32, #tpu.memory_space<vmem>>) target_semaphore(%arg23 : memref<!tpu.dma_semaphore, #tpu.memory_space<semaphore_mem>>)
    %dma_start3A_112 = tpu.memref_slice %arg3[%mul3A_98] : memref<204800xi32, #tpu.memory_space<hbm>> -> memref<200xi32, #tpu.memory_space<hbm>>
    %dma_start3A_113 = tpu.memref_slice %arg3[%mul3A_98] : memref<204800xi32, #tpu.memory_space<hbm>> -> memref<200xi32, #tpu.memory_space<hbm>>
    tpu.enqueue_dma source(%dma_start3A_113 : memref<200xi32, #tpu.memory_space<hbm>>) target(%arg17 : memref<200xi32, #tpu.memory_space<vmem>>) target_semaphore(%arg23 : memref<!tpu.dma_semaphore, #tpu.memory_space<semaphore_mem>>)
    %dma_start3A_114 = tpu.memref_slice %arg4[%mul3A_98] : memref<204800xi32, #tpu.memory_space<hbm>> -> memref<200xi32, #tpu.memory_space<hbm>>
    %dma_start3A_115 = tpu.memref_slice %arg4[%mul3A_98] : memref<204800xi32, #tpu.memory_space<hbm>> -> memref<200xi32, #tpu.memory_space<hbm>>
    tpu.enqueue_dma source(%dma_start3A_115 : memref<200xi32, #tpu.memory_space<hbm>>) target(%arg18 : memref<200xi32, #tpu.memory_space<vmem>>) target_semaphore(%arg23 : memref<!tpu.dma_semaphore, #tpu.memory_space<semaphore_mem>>)
    %add3A_116 = arith.constant 1 : i32
    %add3A_117 = arith.addi %mul3A_2, %add3A_116 : i32
    %mul3A_118 = arith.constant 200 : i32
    %mul3A_119 = arith.muli %add3A_117, %mul3A_118 : i32
    %add3A_120 = arith.constant 128 : i32
    %add3A_121 = arith.addi %mul3A_119, %add3A_120 : i32
    %dma_start3A_122 = arith.constant 0 : i32
    %dma_start3A_123 = tpu.memref_slice %arg26[%dma_start3A_122] : memref<200xi32, #tpu.memory_space<vmem>> -> memref<128xi32, #tpu.memory_space<vmem>>
    %dma_start3A_124 = tpu.memref_slice %arg2[%mul3A_119] : memref<204800xi32, #tpu.memory_space<hbm>> -> memref<128xi32, #tpu.memory_space<hbm>>
    %dma_start3A_125 = arith.constant 0 : i32
    %dma_start3A_126 = tpu.memref_slice %arg26[%dma_start3A_125] : memref<200xi32, #tpu.memory_space<vmem>> -> memref<128xi32, #tpu.memory_space<vmem>>
    %dma_start3A_127 = tpu.memref_slice %arg2[%mul3A_119] : memref<204800xi32, #tpu.memory_space<hbm>> -> memref<128xi32, #tpu.memory_space<hbm>>
    tpu.enqueue_dma source(%dma_start3A_127 : memref<128xi32, #tpu.memory_space<hbm>>) target(%dma_start3A_126 : memref<128xi32, #tpu.memory_space<vmem>>) target_semaphore(%arg33 : memref<!tpu.dma_semaphore, #tpu.memory_space<semaphore_mem>>)
    %dma_start3A_128 = arith.constant 128 : i32
    %dma_start3A_129 = tpu.memref_slice %arg26[%dma_start3A_128] : memref<200xi32, #tpu.memory_space<vmem>> -> memref<72xi32, #tpu.memory_space<vmem>>
    %dma_start3A_130 = tpu.memref_slice %arg2[%add3A_121] : memref<204800xi32, #tpu.memory_space<hbm>> -> memref<72xi32, #tpu.memory_space<hbm>>
    %dma_start3A_131 = arith.constant 128 : i32
    %dma_start3A_132 = tpu.memref_slice %arg26[%dma_start3A_131] : memref<200xi32, #tpu.memory_space<vmem>> -> memref<72xi32, #tpu.memory_space<vmem>>
    %dma_start3A_133 = tpu.memref_slice %arg2[%add3A_121] : memref<204800xi32, #tpu.memory_space<hbm>> -> memref<72xi32, #tpu.memory_space<hbm>>
    tpu.enqueue_dma source(%dma_start3A_133 : memref<72xi32, #tpu.memory_space<hbm>>) target(%dma_start3A_132 : memref<72xi32, #tpu.memory_space<vmem>>) target_semaphore(%arg33 : memref<!tpu.dma_semaphore, #tpu.memory_space<semaphore_mem>>)
    %dma_start3A_134 = tpu.memref_slice %arg3[%mul3A_119] : memref<204800xi32, #tpu.memory_space<hbm>> -> memref<200xi32, #tpu.memory_space<hbm>>
    %dma_start3A_135 = tpu.memref_slice %arg3[%mul3A_119] : memref<204800xi32, #tpu.memory_space<hbm>> -> memref<200xi32, #tpu.memory_space<hbm>>
    tpu.enqueue_dma source(%dma_start3A_135 : memref<200xi32, #tpu.memory_space<hbm>>) target(%arg27 : memref<200xi32, #tpu.memory_space<vmem>>) target_semaphore(%arg33 : memref<!tpu.dma_semaphore, #tpu.memory_space<semaphore_mem>>)
    %dma_start3A_136 = tpu.memref_slice %arg4[%mul3A_119] : memref<204800xi32, #tpu.memory_space<hbm>> -> memref<200xi32, #tpu.memory_space<hbm>>
    %dma_start3A_137 = tpu.memref_slice %arg4[%mul3A_119] : memref<204800xi32, #tpu.memory_space<hbm>> -> memref<200xi32, #tpu.memory_space<hbm>>
    tpu.enqueue_dma source(%dma_start3A_137 : memref<200xi32, #tpu.memory_space<hbm>>) target(%arg28 : memref<200xi32, #tpu.memory_space<vmem>>) target_semaphore(%arg33 : memref<!tpu.dma_semaphore, #tpu.memory_space<semaphore_mem>>)
    %add3A_138 = arith.constant 0 : i32
    %add3A_139 = arith.addi %mul3A_2, %add3A_138 : i32
    %mul3A_140 = arith.constant 200 : i32
    %mul3A_141 = arith.muli %add3A_139, %mul3A_140 : i32
    %add3A_142 = arith.constant 128 : i32
    %add3A_143 = arith.addi %mul3A_141, %add3A_142 : i32
    %dma_wait3A = arith.constant 0 : i32
    %dma_wait3A_144 = tpu.memref_slice %arg16[%dma_wait3A] : memref<200xi32, #tpu.memory_space<vmem>> -> memref<128xi32, #tpu.memory_space<vmem>>
    %dma_wait3A_145 = tpu.memref_slice %arg2[%mul3A_141] : memref<204800xi32, #tpu.memory_space<hbm>> -> memref<128xi32, #tpu.memory_space<hbm>>
    %dma_wait3A_146 = arith.constant 0 : i32
    %dma_wait3A_147 = tpu.memref_slice %arg16[%dma_wait3A_146] : memref<200xi32, #tpu.memory_space<vmem>> -> memref<128xi32, #tpu.memory_space<vmem>>
    %dma_wait3A_148 = tpu.memref_slice %arg2[%mul3A_141] : memref<204800xi32, #tpu.memory_space<hbm>> -> memref<128xi32, #tpu.memory_space<hbm>>
    tpu.wait_dma2 semaphore(%arg23 : memref<!tpu.dma_semaphore, #tpu.memory_space<semaphore_mem>>) src(%dma_wait3A_148 : memref<128xi32, #tpu.memory_space<hbm>>) dst(%dma_wait3A_147 : memref<128xi32, #tpu.memory_space<vmem>>)
    %dma_wait3A_149 = arith.constant 128 : i32
    %dma_wait3A_150 = tpu.memref_slice %arg16[%dma_wait3A_149] : memref<200xi32, #tpu.memory_space<vmem>> -> memref<72xi32, #tpu.memory_space<vmem>>
    %dma_wait3A_151 = tpu.memref_slice %arg2[%add3A_143] : memref<204800xi32, #tpu.memory_space<hbm>> -> memref<72xi32, #tpu.memory_space<hbm>>
    %dma_wait3A_152 = arith.constant 128 : i32
    %dma_wait3A_153 = tpu.memref_slice %arg16[%dma_wait3A_152] : memref<200xi32, #tpu.memory_space<vmem>> -> memref<72xi32, #tpu.memory_space<vmem>>
    %dma_wait3A_154 = tpu.memref_slice %arg2[%add3A_143] : memref<204800xi32, #tpu.memory_space<hbm>> -> memref<72xi32, #tpu.memory_space<hbm>>
    tpu.wait_dma2 semaphore(%arg23 : memref<!tpu.dma_semaphore, #tpu.memory_space<semaphore_mem>>) src(%dma_wait3A_154 : memref<72xi32, #tpu.memory_space<hbm>>) dst(%dma_wait3A_153 : memref<72xi32, #tpu.memory_space<vmem>>)
    %dma_wait3A_155 = tpu.memref_slice %arg3[%mul3A_141] : memref<204800xi32, #tpu.memory_space<hbm>> -> memref<200xi32, #tpu.memory_space<hbm>>
    %dma_wait3A_156 = tpu.memref_slice %arg3[%mul3A_141] : memref<204800xi32, #tpu.memory_space<hbm>> -> memref<200xi32, #tpu.memory_space<hbm>>
    tpu.wait_dma2 semaphore(%arg23 : memref<!tpu.dma_semaphore, #tpu.memory_space<semaphore_mem>>) src(%dma_wait3A_156 : memref<200xi32, #tpu.memory_space<hbm>>) dst(%arg17 : memref<200xi32, #tpu.memory_space<vmem>>)
    %dma_wait3A_157 = tpu.memref_slice %arg4[%mul3A_141] : memref<204800xi32, #tpu.memory_space<hbm>> -> memref<200xi32, #tpu.memory_space<hbm>>
    %dma_wait3A_158 = tpu.memref_slice %arg4[%mul3A_141] : memref<204800xi32, #tpu.memory_space<hbm>> -> memref<200xi32, #tpu.memory_space<hbm>>
    tpu.wait_dma2 semaphore(%arg23 : memref<!tpu.dma_semaphore, #tpu.memory_space<semaphore_mem>>) src(%dma_wait3A_158 : memref<200xi32, #tpu.memory_space<hbm>>) dst(%arg18 : memref<200xi32, #tpu.memory_space<vmem>>)
    %dma_start3A_159 = arith.constant 0 : i32
    %dma_start3A_160 = arith.constant 0 : i32
    %dma_start3A_161 = tpu.memref_slice %arg20[%dma_start3A_159, %dma_start3A_160] : memref<200x128xf32, #tpu.memory_space<vmem>> -> memref<128x128xf32, #tpu.memory_space<vmem>>
    %dma_start3A_162 = arith.constant 0 : i32
    %dma_start3A_163 = tpu.memref_slice %arg16[%dma_start3A_162] : memref<200xi32, #tpu.memory_space<vmem>> -> memref<128xi32, #tpu.memory_space<vmem>>
    %dma_start3A_164 = arith.constant 0 : i32
    %dma_start3A_165 = arith.constant 0 : i32
    %dma_start3A_166 = tpu.memref_slice %arg5[%dma_start3A_164, %dma_start3A_165] : memref<100000x128xf32, #tpu.memory_space<hbm>> -> memref<100000x128xf32, #tpu.memory_space<hbm>>
    tpu.enqueue_indirect_dma source(%dma_start3A_166 : memref<100000x128xf32, #tpu.memory_space<hbm>>) target(%dma_start3A_161 : memref<128x128xf32, #tpu.memory_space<vmem>>) offsets(%dma_start3A_163 : memref<128xi32, #tpu.memory_space<vmem>>) semaphore(%arg21 : memref<!tpu.dma_semaphore, #tpu.memory_space<semaphore_mem>>)
    %dma_start3A_167 = arith.constant 128 : i32
    %dma_start3A_168 = arith.constant 0 : i32
    %dma_start3A_169 = tpu.memref_slice %arg20[%dma_start3A_167, %dma_start3A_168] : memref<200x128xf32, #tpu.memory_space<vmem>> -> memref<72x128xf32, #tpu.memory_space<vmem>>
    %dma_start3A_170 = arith.constant 128 : i32
    %dma_start3A_171 = tpu.memref_slice %arg16[%dma_start3A_170] : memref<200xi32, #tpu.memory_space<vmem>> -> memref<72xi32, #tpu.memory_space<vmem>>
    %dma_start3A_172 = arith.constant 0 : i32
    %dma_start3A_173 = arith.constant 0 : i32
    %dma_start3A_174 = tpu.memref_slice %arg5[%dma_start3A_172, %dma_start3A_173] : memref<100000x128xf32, #tpu.memory_space<hbm>> -> memref<100000x128xf32, #tpu.memory_space<hbm>>
    tpu.enqueue_indirect_dma source(%dma_start3A_174 : memref<100000x128xf32, #tpu.memory_space<hbm>>) target(%dma_start3A_169 : memref<72x128xf32, #tpu.memory_space<vmem>>) offsets(%dma_start3A_171 : memref<72xi32, #tpu.memory_space<vmem>>) semaphore(%arg21 : memref<!tpu.dma_semaphore, #tpu.memory_space<semaphore_mem>>)
    %get3A = arith.constant 0 : index
    %get3A_175 = tpu.vector_load %arg17[%get3A] {strides = array<i32>} : memref<200xi32, #tpu.memory_space<vmem>>, vector<16xi32>,
    %get3A_176 = vector.shape_cast %get3A_175 : vector<16xi32> to vector<16xi32>
    %mul3A_177 = arith.constant 8 : i32
    %mul3A_178 = vector.broadcast %mul3A_177 : i32 to vector<16xi32>
    %mul3A_179 = arith.muli %get3A_176, %mul3A_178 : vector<16xi32>
    %get3A_180 = arith.constant 0 : index
    %get3A_181 = tpu.vector_load %arg18[%get3A_180] {strides = array<i32>} : memref<200xi32, #tpu.memory_space<vmem>>, vector<16xi32>,
    %get3A_182 = vector.shape_cast %get3A_181 : vector<16xi32> to vector<16xi32>
    %add3A_183 = arith.addi %mul3A_179, %get3A_182 : vector<16xi32>
    %swap3A_184 = arith.constant 0 : index
    %swap3A_185 = tpu.vector_load %arg19[%swap3A_184] {strides = array<i32>} : memref<216xi32, #tpu.memory_space<vmem>>, vector<16xi32>,
    %swap3A_186 = vector.shape_cast %swap3A_185 : vector<16xi32> to vector<16xi32>
    %swap3A_187 = vector.shape_cast %add3A_183 : vector<16xi32> to vector<16xi32>
    tpu.vector_store %arg19[%swap3A_184], %swap3A_187 {strides = array<i32>} : memref<216xi32, #tpu.memory_space<vmem>>, vector<16xi32>,
    %get3A_188 = arith.constant 16 : index
    %get3A_189 = tpu.vector_load %arg17[%get3A_188] {strides = array<i32>} : memref<200xi32, #tpu.memory_space<vmem>>, vector<16xi32>,
    %get3A_190 = vector.shape_cast %get3A_189 : vector<16xi32> to vector<16xi32>
    %mul3A_191 = arith.constant 8 : i32
    %mul3A_192 = vector.broadcast %mul3A_191 : i32 to vector<16xi32>
    %mul3A_193 = arith.muli %get3A_190, %mul3A_192 : vector<16xi32>
    %get3A_194 = arith.constant 16 : index
    %get3A_195 = tpu.vector_load %arg18[%get3A_194] {strides = array<i32>} : memref<200xi32, #tpu.memory_space<vmem>>, vector<16xi32>,
    %get3A_196 = vector.shape_cast %get3A_195 : vector<16xi32> to vector<16xi32>
    %add3A_197 = arith.addi %mul3A_193, %get3A_196 : vector<16xi32>
    %swap3A_198 = arith.constant 16 : index
    %swap3A_199 = tpu.vector_load %arg19[%swap3A_198] {strides = array<i32>} : memref<216xi32, #tpu.memory_space<vmem>>, vector<16xi32>,
    %swap3A_200 = vector.shape_cast %swap3A_199 : vector<16xi32> to vector<16xi32>
    %swap3A_201 = vector.shape_cast %add3A_197 : vector<16xi32> to vector<16xi32>
    tpu.vector_store %arg19[%swap3A_198], %swap3A_201 {strides = array<i32>} : memref<216xi32, #tpu.memory_space<vmem>>, vector<16xi32>,
    %get3A_202 = arith.constant 32 : index
    %get3A_203 = tpu.vector_load %arg17[%get3A_202] {strides = array<i32>} : memref<200xi32, #tpu.memory_space<vmem>>, vector<16xi32>,
    %get3A_204 = vector.shape_cast %get3A_203 : vector<16xi32> to vector<16xi32>
    %mul3A_205 = arith.constant 8 : i32
    %mul3A_206 = vector.broadcast %mul3A_205 : i32 to vector<16xi32>
    %mul3A_207 = arith.muli %get3A_204, %mul3A_206 : vector<16xi32>
    %get3A_208 = arith.constant 32 : index
    %get3A_209 = tpu.vector_load %arg18[%get3A_208] {strides = array<i32>} : memref<200xi32, #tpu.memory_space<vmem>>, vector<16xi32>,
    %get3A_210 = vector.shape_cast %get3A_209 : vector<16xi32> to vector<16xi32>
    %add3A_211 = arith.addi %mul3A_207, %get3A_210 : vector<16xi32>
    %swap3A_212 = arith.constant 32 : index
    %swap3A_213 = tpu.vector_load %arg19[%swap3A_212] {strides = array<i32>} : memref<216xi32, #tpu.memory_space<vmem>>, vector<16xi32>,
    %swap3A_214 = vector.shape_cast %swap3A_213 : vector<16xi32> to vector<16xi32>
    %swap3A_215 = vector.shape_cast %add3A_211 : vector<16xi32> to vector<16xi32>
    tpu.vector_store %arg19[%swap3A_212], %swap3A_215 {strides = array<i32>} : memref<216xi32, #tpu.memory_space<vmem>>, vector<16xi32>,
    %get3A_216 = arith.constant 48 : index
    %get3A_217 = tpu.vector_load %arg17[%get3A_216] {strides = array<i32>} : memref<200xi32, #tpu.memory_space<vmem>>, vector<16xi32>,
    %get3A_218 = vector.shape_cast %get3A_217 : vector<16xi32> to vector<16xi32>
    %mul3A_219 = arith.constant 8 : i32
    %mul3A_220 = vector.broadcast %mul3A_219 : i32 to vector<16xi32>
    %mul3A_221 = arith.muli %get3A_218, %mul3A_220 : vector<16xi32>
    %get3A_222 = arith.constant 48 : index
    %get3A_223 = tpu.vector_load %arg18[%get3A_222] {strides = array<i32>} : memref<200xi32, #tpu.memory_space<vmem>>, vector<16xi32>,
    %get3A_224 = vector.shape_cast %get3A_223 : vector<16xi32> to vector<16xi32>
    %add3A_225 = arith.addi %mul3A_221, %get3A_224 : vector<16xi32>
    %swap3A_226 = arith.constant 48 : index
    %swap3A_227 = tpu.vector_load %arg19[%swap3A_226] {strides = array<i32>} : memref<216xi32, #tpu.memory_space<vmem>>, vector<16xi32>,
    %swap3A_228 = vector.shape_cast %swap3A_227 : vector<16xi32> to vector<16xi32>
    %swap3A_229 = vector.shape_cast %add3A_225 : vector<16xi32> to vector<16xi32>
    tpu.vector_store %arg19[%swap3A_226], %swap3A_229 {strides = array<i32>} : memref<216xi32, #tpu.memory_space<vmem>>, vector<16xi32>,
    %get3A_230 = arith.constant 64 : index
    %get3A_231 = tpu.vector_load %arg17[%get3A_230] {strides = array<i32>} : memref<200xi32, #tpu.memory_space<vmem>>, vector<16xi32>,
    %get3A_232 = vector.shape_cast %get3A_231 : vector<16xi32> to vector<16xi32>
    %mul3A_233 = arith.constant 8 : i32
    %mul3A_234 = vector.broadcast %mul3A_233 : i32 to vector<16xi32>
    %mul3A_235 = arith.muli %get3A_232, %mul3A_234 : vector<16xi32>
    %get3A_236 = arith.constant 64 : index
    %get3A_237 = tpu.vector_load %arg18[%get3A_236] {strides = array<i32>} : memref<200xi32, #tpu.memory_space<vmem>>, vector<16xi32>,
    %get3A_238 = vector.shape_cast %get3A_237 : vector<16xi32> to vector<16xi32>
    %add3A_239 = arith.addi %mul3A_235, %get3A_238 : vector<16xi32>
    %swap3A_240 = arith.constant 64 : index
    %swap3A_241 = tpu.vector_load %arg19[%swap3A_240] {strides = array<i32>} : memref<216xi32, #tpu.memory_space<vmem>>, vector<16xi32>,
    %swap3A_242 = vector.shape_cast %swap3A_241 : vector<16xi32> to vector<16xi32>
    %swap3A_243 = vector.shape_cast %add3A_239 : vector<16xi32> to vector<16xi32>
    tpu.vector_store %arg19[%swap3A_240], %swap3A_243 {strides = array<i32>} : memref<216xi32, #tpu.memory_space<vmem>>, vector<16xi32>,
    %get3A_244 = arith.constant 80 : index
    %get3A_245 = tpu.vector_load %arg17[%get3A_244] {strides = array<i32>} : memref<200xi32, #tpu.memory_space<vmem>>, vector<16xi32>,
    %get3A_246 = vector.shape_cast %get3A_245 : vector<16xi32> to vector<16xi32>
    %mul3A_247 = arith.constant 8 : i32
    %mul3A_248 = vector.broadcast %mul3A_247 : i32 to vector<16xi32>
    %mul3A_249 = arith.muli %get3A_246, %mul3A_248 : vector<16xi32>
    %get3A_250 = arith.constant 80 : index
    %get3A_251 = tpu.vector_load %arg18[%get3A_250] {strides = array<i32>} : memref<200xi32, #tpu.memory_space<vmem>>, vector<16xi32>,
    %get3A_252 = vector.shape_cast %get3A_251 : vector<16xi32> to vector<16xi32>
    %add3A_253 = arith.addi %mul3A_249, %get3A_252 : vector<16xi32>
    %swap3A_254 = arith.constant 80 : index
    %swap3A_255 = tpu.vector_load %arg19[%swap3A_254] {strides = array<i32>} : memref<216xi32, #tpu.memory_space<vmem>>, vector<16xi32>,
    %swap3A_256 = vector.shape_cast %swap3A_255 : vector<16xi32> to vector<16xi32>
    %swap3A_257 = vector.shape_cast %add3A_253 : vector<16xi32> to vector<16xi32>
    tpu.vector_store %arg19[%swap3A_254], %swap3A_257 {strides = array<i32>} : memref<216xi32, #tpu.memory_space<vmem>>, vector<16xi32>,
    %get3A_258 = arith.constant 96 : index
    %get3A_259 = tpu.vector_load %arg17[%get3A_258] {strides = array<i32>} : memref<200xi32, #tpu.memory_space<vmem>>, vector<16xi32>,
    %get3A_260 = vector.shape_cast %get3A_259 : vector<16xi32> to vector<16xi32>
    %mul3A_261 = arith.constant 8 : i32
    %mul3A_262 = vector.broadcast %mul3A_261 : i32 to vector<16xi32>
    %mul3A_263 = arith.muli %get3A_260, %mul3A_262 : vector<16xi32>
    %get3A_264 = arith.constant 96 : index
    %get3A_265 = tpu.vector_load %arg18[%get3A_264] {strides = array<i32>} : memref<200xi32, #tpu.memory_space<vmem>>, vector<16xi32>,
    %get3A_266 = vector.shape_cast %get3A_265 : vector<16xi32> to vector<16xi32>
    %add3A_267 = arith.addi %mul3A_263, %get3A_266 : vector<16xi32>
    %swap3A_268 = arith.constant 96 : index
    %swap3A_269 = tpu.vector_load %arg19[%swap3A_268] {strides = array<i32>} : memref<216xi32, #tpu.memory_space<vmem>>, vector<16xi32>,
    %swap3A_270 = vector.shape_cast %swap3A_269 : vector<16xi32> to vector<16xi32>
    %swap3A_271 = vector.shape_cast %add3A_267 : vector<16xi32> to vector<16xi32>
    tpu.vector_store %arg19[%swap3A_268], %swap3A_271 {strides = array<i32>} : memref<216xi32, #tpu.memory_space<vmem>>, vector<16xi32>,
    %get3A_272 = arith.constant 112 : index
    %get3A_273 = tpu.vector_load %arg17[%get3A_272] {strides = array<i32>} : memref<200xi32, #tpu.memory_space<vmem>>, vector<16xi32>,
    %get3A_274 = vector.shape_cast %get3A_273 : vector<16xi32> to vector<16xi32>
    %mul3A_275 = arith.constant 8 : i32
    %mul3A_276 = vector.broadcast %mul3A_275 : i32 to vector<16xi32>
    %mul3A_277 = arith.muli %get3A_274, %mul3A_276 : vector<16xi32>
    %get3A_278 = arith.constant 112 : index
    %get3A_279 = tpu.vector_load %arg18[%get3A_278] {strides = array<i32>} : memref<200xi32, #tpu.memory_space<vmem>>, vector<16xi32>,
    %get3A_280 = vector.shape_cast %get3A_279 : vector<16xi32> to vector<16xi32>
    %add3A_281 = arith.addi %mul3A_277, %get3A_280 : vector<16xi32>
    %swap3A_282 = arith.constant 112 : index
    %swap3A_283 = tpu.vector_load %arg19[%swap3A_282] {strides = array<i32>} : memref<216xi32, #tpu.memory_space<vmem>>, vector<16xi32>,
    %swap3A_284 = vector.shape_cast %swap3A_283 : vector<16xi32> to vector<16xi32>
    %swap3A_285 = vector.shape_cast %add3A_281 : vector<16xi32> to vector<16xi32>
    tpu.vector_store %arg19[%swap3A_282], %swap3A_285 {strides = array<i32>} : memref<216xi32, #tpu.memory_space<vmem>>, vector<16xi32>,
    %get3A_286 = arith.constant 128 : index
    %get3A_287 = tpu.vector_load %arg17[%get3A_286] {strides = array<i32>} : memref<200xi32, #tpu.memory_space<vmem>>, vector<16xi32>,
    %get3A_288 = vector.shape_cast %get3A_287 : vector<16xi32> to vector<16xi32>
    %mul3A_289 = arith.constant 8 : i32
    %mul3A_290 = vector.broadcast %mul3A_289 : i32 to vector<16xi32>
    %mul3A_291 = arith.muli %get3A_288, %mul3A_290 : vector<16xi32>
    %get3A_292 = arith.constant 128 : index
    %get3A_293 = tpu.vector_load %arg18[%get3A_292] {strides = array<i32>} : memref<200xi32, #tpu.memory_space<vmem>>, vector<16xi32>,
    %get3A_294 = vector.shape_cast %get3A_293 : vector<16xi32> to vector<16xi32>
    %add3A_295 = arith.addi %mul3A_291, %get3A_294 : vector<16xi32>
    %swap3A_296 = arith.constant 128 : index
    %swap3A_297 = tpu.vector_load %arg19[%swap3A_296] {strides = array<i32>} : memref<216xi32, #tpu.memory_space<vmem>>, vector<16xi32>,
    %swap3A_298 = vector.shape_cast %swap3A_297 : vector<16xi32> to vector<16xi32>
    %swap3A_299 = vector.shape_cast %add3A_295 : vector<16xi32> to vector<16xi32>
    tpu.vector_store %arg19[%swap3A_296], %swap3A_299 {strides = array<i32>} : memref<216xi32, #tpu.memory_space<vmem>>, vector<16xi32>,
    %get3A_300 = arith.constant 144 : index
    %get3A_301 = tpu.vector_load %arg17[%get3A_300] {strides = array<i32>} : memref<200xi32, #tpu.memory_space<vmem>>, vector<16xi32>,
    %get3A_302 = vector.shape_cast %get3A_301 : vector<16xi32> to vector<16xi32>
    %mul3A_303 = arith.constant 8 : i32
    %mul3A_304 = vector.broadcast %mul3A_303 : i32 to vector<16xi32>
    %mul3A_305 = arith.muli %get3A_302, %mul3A_304 : vector<16xi32>
    %get3A_306 = arith.constant 144 : index
    %get3A_307 = tpu.vector_load %arg18[%get3A_306] {strides = array<i32>} : memref<200xi32, #tpu.memory_space<vmem>>, vector<16xi32>,
    %get3A_308 = vector.shape_cast %get3A_307 : vector<16xi32> to vector<16xi32>
    %add3A_309 = arith.addi %mul3A_305, %get3A_308 : vector<16xi32>
    %swap3A_310 = arith.constant 144 : index
    %swap3A_311 = tpu.vector_load %arg19[%swap3A_310] {strides = array<i32>} : memref<216xi32, #tpu.memory_space<vmem>>, vector<16xi32>,
    %swap3A_312 = vector.shape_cast %swap3A_311 : vector<16xi32> to vector<16xi32>
    %swap3A_313 = vector.shape_cast %add3A_309 : vector<16xi32> to vector<16xi32>
    tpu.vector_store %arg19[%swap3A_310], %swap3A_313 {strides = array<i32>} : memref<216xi32, #tpu.memory_space<vmem>>, vector<16xi32>,
    %get3A_314 = arith.constant 160 : index
    %get3A_315 = tpu.vector_load %arg17[%get3A_314] {strides = array<i32>} : memref<200xi32, #tpu.memory_space<vmem>>, vector<16xi32>,
    %get3A_316 = vector.shape_cast %get3A_315 : vector<16xi32> to vector<16xi32>
    %mul3A_317 = arith.constant 8 : i32
    %mul3A_318 = vector.broadcast %mul3A_317 : i32 to vector<16xi32>
    %mul3A_319 = arith.muli %get3A_316, %mul3A_318 : vector<16xi32>
    %get3A_320 = arith.constant 160 : index
    %get3A_321 = tpu.vector_load %arg18[%get3A_320] {strides = array<i32>} : memref<200xi32, #tpu.memory_space<vmem>>, vector<16xi32>,
    %get3A_322 = vector.shape_cast %get3A_321 : vector<16xi32> to vector<16xi32>
    %add3A_323 = arith.addi %mul3A_319, %get3A_322 : vector<16xi32>
    %swap3A_324 = arith.constant 160 : index
    %swap3A_325 = tpu.vector_load %arg19[%swap3A_324] {strides = array<i32>} : memref<216xi32, #tpu.memory_space<vmem>>, vector<16xi32>,
    %swap3A_326 = vector.shape_cast %swap3A_325 : vector<16xi32> to vector<16xi32>
    %swap3A_327 = vector.shape_cast %add3A_323 : vector<16xi32> to vector<16xi32>
    tpu.vector_store %arg19[%swap3A_324], %swap3A_327 {strides = array<i32>} : memref<216xi32, #tpu.memory_space<vmem>>, vector<16xi32>,
    %get3A_328 = arith.constant 176 : index
    %get3A_329 = tpu.vector_load %arg17[%get3A_328] {strides = array<i32>} : memref<200xi32, #tpu.memory_space<vmem>>, vector<16xi32>,
    %get3A_330 = vector.shape_cast %get3A_329 : vector<16xi32> to vector<16xi32>
    %mul3A_331 = arith.constant 8 : i32
    %mul3A_332 = vector.broadcast %mul3A_331 : i32 to vector<16xi32>
    %mul3A_333 = arith.muli %get3A_330, %mul3A_332 : vector<16xi32>
    %get3A_334 = arith.constant 176 : index
    %get3A_335 = tpu.vector_load %arg18[%get3A_334] {strides = array<i32>} : memref<200xi32, #tpu.memory_space<vmem>>, vector<16xi32>,
    %get3A_336 = vector.shape_cast %get3A_335 : vector<16xi32> to vector<16xi32>
    %add3A_337 = arith.addi %mul3A_333, %get3A_336 : vector<16xi32>
    %swap3A_338 = arith.constant 176 : index
    %swap3A_339 = tpu.vector_load %arg19[%swap3A_338] {strides = array<i32>} : memref<216xi32, #tpu.memory_space<vmem>>, vector<16xi32>,
    %swap3A_340 = vector.shape_cast %swap3A_339 : vector<16xi32> to vector<16xi32>
    %swap3A_341 = vector.shape_cast %add3A_337 : vector<16xi32> to vector<16xi32>
    tpu.vector_store %arg19[%swap3A_338], %swap3A_341 {strides = array<i32>} : memref<216xi32, #tpu.memory_space<vmem>>, vector<16xi32>,
    %get3A_342 = arith.constant 184 : index
    %get3A_343 = tpu.vector_load %arg17[%get3A_342] {strides = array<i32>} : memref<200xi32, #tpu.memory_space<vmem>>, vector<16xi32>,
    %get3A_344 = vector.shape_cast %get3A_343 : vector<16xi32> to vector<16xi32>
    %mul3A_345 = arith.constant 8 : i32
    %mul3A_346 = vector.broadcast %mul3A_345 : i32 to vector<16xi32>
    %mul3A_347 = arith.muli %get3A_344, %mul3A_346 : vector<16xi32>
    %get3A_348 = arith.constant 184 : index
    %get3A_349 = tpu.vector_load %arg18[%get3A_348] {strides = array<i32>} : memref<200xi32, #tpu.memory_space<vmem>>, vector<16xi32>,
    %get3A_350 = vector.shape_cast %get3A_349 : vector<16xi32> to vector<16xi32>
    %add3A_351 = arith.addi %mul3A_347, %get3A_350 : vector<16xi32>
    %swap3A_352 = arith.constant 184 : index
    %swap3A_353 = tpu.vector_load %arg19[%swap3A_352] {strides = array<i32>} : memref<216xi32, #tpu.memory_space<vmem>>, vector<16xi32>,
    %swap3A_354 = vector.shape_cast %swap3A_353 : vector<16xi32> to vector<16xi32>
    %swap3A_355 = vector.shape_cast %add3A_351 : vector<16xi32> to vector<16xi32>
    tpu.vector_store %arg19[%swap3A_352], %swap3A_355 {strides = array<i32>} : memref<216xi32, #tpu.memory_space<vmem>>, vector<16xi32>,
    %scan3A = arith.constant 0 : i32
    %scan3A_356 = arith.constant 0 : i32
    %scan3A_357 = arith.constant 8 : i32
    %scan3A_358 = arith.addi %scan3A_356, %scan3A_357 : i32
    %scan3A_359 = arith.constant 1 : i32
    scf.for %scan3A_433 = %scan3A_356 to %scan3A_358 step %scan3A_359  : i32 {
      %mul3A_434 = arith.constant 4 : i32
      %mul3A_435 = arith.muli %mul3A_434, %scan3A_433 : i32
      %add3A_436 = arith.constant 0 : i32
      %add3A_437 = arith.addi %mul3A_435, %add3A_436 : i32
      %lt3A = arith.constant 30 : i32
      %lt3A_438 = arith.cmpi slt, %add3A_437, %lt3A : i32
      %convert_element_type3A_439 = arith.extui %lt3A_438 : i1 to i32
      %cond3A_440 = arith.constant 0 : i32
      %cond3A_441 = arith.cmpi ne, %convert_element_type3A_439, %cond3A_440 : i32
      scf.if %cond3A_441 {
        %add3A_713 = arith.constant 2 : i32
        %add3A_714 = arith.addi %add3A_437, %add3A_713 : i32
        %add3A_715 = arith.addi %mul3A_2, %add3A_714 : i32
        %mul3A_716 = arith.constant 200 : i32
        %mul3A_717 = arith.muli %add3A_715, %mul3A_716 : i32
        %add3A_718 = arith.constant 128 : i32
        %add3A_719 = arith.addi %mul3A_717, %add3A_718 : i32
        %dma_start3A_720 = arith.constant 0 : i32
        %dma_start3A_721 = tpu.memref_slice %arg36[%dma_start3A_720] : memref<200xi32, #tpu.memory_space<vmem>> -> memref<128xi32, #tpu.memory_space<vmem>>
        %dma_start3A_722 = tpu.memref_slice %arg2[%mul3A_717] : memref<204800xi32, #tpu.memory_space<hbm>> -> memref<128xi32, #tpu.memory_space<hbm>>
        %dma_start3A_723 = arith.constant 0 : i32
        %dma_start3A_724 = tpu.memref_slice %arg36[%dma_start3A_723] : memref<200xi32, #tpu.memory_space<vmem>> -> memref<128xi32, #tpu.memory_space<vmem>>
        %dma_start3A_725 = tpu.memref_slice %arg2[%mul3A_717] : memref<204800xi32, #tpu.memory_space<hbm>> -> memref<128xi32, #tpu.memory_space<hbm>>
        tpu.enqueue_dma source(%dma_start3A_725 : memref<128xi32, #tpu.memory_space<hbm>>) target(%dma_start3A_724 : memref<128xi32, #tpu.memory_space<vmem>>) target_semaphore(%arg43 : memref<!tpu.dma_semaphore, #tpu.memory_space<semaphore_mem>>)
        %dma_start3A_726 = arith.constant 128 : i32
        %dma_start3A_727 = tpu.memref_slice %arg36[%dma_start3A_726] : memref<200xi32, #tpu.memory_space<vmem>> -> memref<72xi32, #tpu.memory_space<vmem>>
        %dma_start3A_728 = tpu.memref_slice %arg2[%add3A_719] : memref<204800xi32, #tpu.memory_space<hbm>> -> memref<72xi32, #tpu.memory_space<hbm>>
        %dma_start3A_729 = arith.constant 128 : i32
        %dma_start3A_730 = tpu.memref_slice %arg36[%dma_start3A_729] : memref<200xi32, #tpu.memory_space<vmem>> -> memref<72xi32, #tpu.memory_space<vmem>>
        %dma_start3A_731 = tpu.memref_slice %arg2[%add3A_719] : memref<204800xi32, #tpu.memory_space<hbm>> -> memref<72xi32, #tpu.memory_space<hbm>>
        tpu.enqueue_dma source(%dma_start3A_731 : memref<72xi32, #tpu.memory_space<hbm>>) target(%dma_start3A_730 : memref<72xi32, #tpu.memory_space<vmem>>) target_semaphore(%arg43 : memref<!tpu.dma_semaphore, #tpu.memory_space<semaphore_mem>>)
        %dma_start3A_732 = tpu.memref_slice %arg3[%mul3A_717] : memref<204800xi32, #tpu.memory_space<hbm>> -> memref<200xi32, #tpu.memory_space<hbm>>
        %dma_start3A_733 = tpu.memref_slice %arg3[%mul3A_717] : memref<204800xi32, #tpu.memory_space<hbm>> -> memref<200xi32, #tpu.memory_space<hbm>>
        tpu.enqueue_dma source(%dma_start3A_733 : memref<200xi32, #tpu.memory_space<hbm>>) target(%arg37 : memref<200xi32, #tpu.memory_space<vmem>>) target_semaphore(%arg43 : memref<!tpu.dma_semaphore, #tpu.memory_space<semaphore_mem>>)
        %dma_start3A_734 = tpu.memref_slice %arg4[%mul3A_717] : memref<204800xi32, #tpu.memory_space<hbm>> -> memref<200xi32, #tpu.memory_space<hbm>>
        %dma_start3A_735 = tpu.memref_slice %arg4[%mul3A_717] : memref<204800xi32, #tpu.memory_space<hbm>> -> memref<200xi32, #tpu.memory_space<hbm>>
        tpu.enqueue_dma source(%dma_start3A_735 : memref<200xi32, #tpu.memory_space<hbm>>) target(%arg38 : memref<200xi32, #tpu.memory_space<vmem>>) target_semaphore(%arg43 : memref<!tpu.dma_semaphore, #tpu.memory_space<semaphore_mem>>)
      } else {
      }
      %gt3A = arith.constant 0 : i32
      %gt3A_442 = arith.cmpi sgt, %add3A_437, %gt3A : i32
      %convert_element_type3A_443 = arith.extui %gt3A_442 : i1 to i32
      %cond3A_444 = arith.constant 0 : i32
      %cond3A_445 = arith.cmpi ne, %convert_element_type3A_443, %cond3A_444 : i32
      scf.if %cond3A_445 {
        %dma_wait3A_713 = arith.constant 0 : i32
        %dma_wait3A_714 = arith.constant 0 : i32
        %dma_wait3A_715 = tpu.memref_slice %arg50[%dma_wait3A_713, %dma_wait3A_714] : memref<200x128xf32, #tpu.memory_space<vmem>> -> memref<128x128xf32, #tpu.memory_space<vmem>>
        %dma_wait3A_716 = arith.constant 0 : i32
        %dma_wait3A_717 = tpu.memref_slice %arg49[%dma_wait3A_716] : memref<216xi32, #tpu.memory_space<vmem>> -> memref<128xi32, #tpu.memory_space<vmem>>
        %dma_wait3A_718 = arith.constant 0 : i32
        %dma_wait3A_719 = arith.constant 0 : i32
        %dma_wait3A_720 = tpu.memref_slice %arg13[%dma_wait3A_718, %dma_wait3A_719] : memref<64x128xf32, #tpu.memory_space<vmem_shared>> -> memref<64x128xf32, #tpu.memory_space<vmem_shared>>
        tpu.wait_indirect_dma semaphore(%arg54 : memref<!tpu.dma_semaphore, #tpu.memory_space<semaphore_mem>>) src(%dma_wait3A_720 : memref<64x128xf32, #tpu.memory_space<vmem_shared>>) dst(%dma_wait3A_715 : memref<128x128xf32, #tpu.memory_space<vmem>>)
        %dma_wait3A_721 = arith.constant 128 : i32
        %dma_wait3A_722 = arith.constant 0 : i32
        %dma_wait3A_723 = tpu.memref_slice %arg50[%dma_wait3A_721, %dma_wait3A_722] : memref<200x128xf32, #tpu.memory_space<vmem>> -> memref<72x128xf32, #tpu.memory_space<vmem>>
        %dma_wait3A_724 = arith.constant 128 : i32
        %dma_wait3A_725 = tpu.memref_slice %arg49[%dma_wait3A_724] : memref<216xi32, #tpu.memory_space<vmem>> -> memref<72xi32, #tpu.memory_space<vmem>>
        %dma_wait3A_726 = arith.constant 0 : i32
        %dma_wait3A_727 = arith.constant 0 : i32
        %dma_wait3A_728 = tpu.memref_slice %arg13[%dma_wait3A_726, %dma_wait3A_727] : memref<64x128xf32, #tpu.memory_space<vmem_shared>> -> memref<64x128xf32, #tpu.memory_space<vmem_shared>>
        tpu.wait_indirect_dma semaphore(%arg54 : memref<!tpu.dma_semaphore, #tpu.memory_space<semaphore_mem>>) src(%dma_wait3A_728 : memref<64x128xf32, #tpu.memory_space<vmem_shared>>) dst(%dma_wait3A_723 : memref<72x128xf32, #tpu.memory_space<vmem>>)
        %dma_wait3A_729 = arith.constant 0 : i32
        %dma_wait3A_730 = arith.constant 0 : i32
        %dma_wait3A_731 = tpu.memref_slice %arg50[%dma_wait3A_729, %dma_wait3A_730] : memref<200x128xf32, #tpu.memory_space<vmem>> -> memref<128x128xf32, #tpu.memory_space<vmem>>
        %dma_wait3A_732 = arith.constant 0 : i32
        %dma_wait3A_733 = tpu.memref_slice %arg15[%dma_wait3A_732] : memref<200xi32, #tpu.memory_space<vmem>> -> memref<128xi32, #tpu.memory_space<vmem>>
        %dma_wait3A_734 = arith.constant 0 : i32
        %dma_wait3A_735 = arith.constant 0 : i32
        %dma_wait3A_736 = tpu.memref_slice %arg14[%dma_wait3A_734, %dma_wait3A_735] : memref<200x128xf32, #tpu.memory_space<vmem_shared>> -> memref<200x128xf32, #tpu.memory_space<vmem_shared>>
        tpu.wait_indirect_dma semaphore(%arg54 : memref<!tpu.dma_semaphore, #tpu.memory_space<semaphore_mem>>) src(%dma_wait3A_736 : memref<200x128xf32, #tpu.memory_space<vmem_shared>>) dst(%dma_wait3A_731 : memref<128x128xf32, #tpu.memory_space<vmem>>)
        %dma_wait3A_737 = arith.constant 128 : i32
        %dma_wait3A_738 = arith.constant 0 : i32
        %dma_wait3A_739 = tpu.memref_slice %arg50[%dma_wait3A_737, %dma_wait3A_738] : memref<200x128xf32, #tpu.memory_space<vmem>> -> memref<72x128xf32, #tpu.memory_space<vmem>>
        %dma_wait3A_740 = arith.constant 128 : i32
        %dma_wait3A_741 = tpu.memref_slice %arg15[%dma_wait3A_740] : memref<200xi32, #tpu.memory_space<vmem>> -> memref<72xi32, #tpu.memory_space<vmem>>
        %dma_wait3A_742 = arith.constant 0 : i32
        %dma_wait3A_743 = arith.constant 0 : i32
        %dma_wait3A_744 = tpu.memref_slice %arg14[%dma_wait3A_742, %dma_wait3A_743] : memref<200x128xf32, #tpu.memory_space<vmem_shared>> -> memref<200x128xf32, #tpu.memory_space<vmem_shared>>
        tpu.wait_indirect_dma semaphore(%arg54 : memref<!tpu.dma_semaphore, #tpu.memory_space<semaphore_mem>>) src(%dma_wait3A_744 : memref<200x128xf32, #tpu.memory_space<vmem_shared>>) dst(%dma_wait3A_739 : memref<72x128xf32, #tpu.memory_space<vmem>>)
        %sub3A = arith.constant 1 : i32
        %sub3A_745 = arith.subi %add3A_437, %sub3A : i32
        %add3A_746 = arith.addi %mul3A_2, %sub3A_745 : i32
        %dma_start3A_747 = arith.constant 0 : i32
        %dma_start3A_748 = arith.constant 0 : i32
        %dma_start3A_749 = tpu.memref_slice %arg9[%add3A_746, %dma_start3A_747, %dma_start3A_748] : memref<1024x200x128xf32, #tpu.memory_space<hbm>> -> memref<1x200x128xf32, #tpu.memory_space<hbm>>
        %dma_start3A_750 = tpu.memref_squeeze %dma_start3A_749 : memref<1x200x128xf32, #tpu.memory_space<hbm>> -> memref<200x128xf32, #tpu.memory_space<hbm>>
        %dma_start3A_751 = arith.constant 0 : i32
        %dma_start3A_752 = arith.constant 0 : i32
        %dma_start3A_753 = tpu.memref_slice %arg9[%add3A_746, %dma_start3A_751, %dma_start3A_752] : memref<1024x200x128xf32, #tpu.memory_space<hbm>> -> memref<1x200x128xf32, #tpu.memory_space<hbm>>
        %dma_start3A_754 = tpu.memref_squeeze %dma_start3A_753 : memref<1x200x128xf32, #tpu.memory_space<hbm>> -> memref<200x128xf32, #tpu.memory_space<hbm>>
        tpu.enqueue_dma source(%arg50 : memref<200x128xf32, #tpu.memory_space<vmem>>) target(%dma_start3A_754 : memref<200x128xf32, #tpu.memory_space<hbm>>) target_semaphore(%arg52 : memref<!tpu.dma_semaphore, #tpu.memory_space<semaphore_mem>>)
      } else {
      }
      %ge3A = arith.constant 3 : i32
      %ge3A_446 = arith.cmpi sge, %add3A_437, %ge3A : i32
      %convert_element_type3A_447 = arith.extui %ge3A_446 : i1 to i32
      %cond3A_448 = arith.constant 0 : i32
      %cond3A_449 = arith.cmpi ne, %convert_element_type3A_447, %cond3A_448 : i32
      scf.if %cond3A_449 {
        %sub3A = arith.constant 3 : i32
        %sub3A_713 = arith.subi %add3A_437, %sub3A : i32
        %add3A_714 = arith.addi %mul3A_2, %sub3A_713 : i32
        %dma_wait3A_715 = arith.constant 0 : i32
        %dma_wait3A_716 = arith.constant 0 : i32
        %dma_wait3A_717 = tpu.memref_slice %arg9[%add3A_714, %dma_wait3A_715, %dma_wait3A_716] : memref<1024x200x128xf32, #tpu.memory_space<hbm>> -> memref<1x200x128xf32, #tpu.memory_space<hbm>>
        %dma_wait3A_718 = tpu.memref_squeeze %dma_wait3A_717 : memref<1x200x128xf32, #tpu.memory_space<hbm>> -> memref<200x128xf32, #tpu.memory_space<hbm>>
        %dma_wait3A_719 = arith.constant 0 : i32
        %dma_wait3A_720 = arith.constant 0 : i32
        %dma_wait3A_721 = tpu.memref_slice %arg9[%add3A_714, %dma_wait3A_719, %dma_wait3A_720] : memref<1024x200x128xf32, #tpu.memory_space<hbm>> -> memref<1x200x128xf32, #tpu.memory_space<hbm>>
        %dma_wait3A_722 = tpu.memref_squeeze %dma_wait3A_721 : memref<1x200x128xf32, #tpu.memory_space<hbm>> -> memref<200x128xf32, #tpu.memory_space<hbm>>
        tpu.wait_dma2 semaphore(%arg32 : memref<!tpu.dma_semaphore, #tpu.memory_space<semaphore_mem>>) src(%arg30 : memref<200x128xf32, #tpu.memory_space<vmem>>) dst(%dma_wait3A_722 : memref<200x128xf32, #tpu.memory_space<hbm>>)
      } else {
      }
      %lt3A_450 = arith.constant 31 : i32
      %lt3A_451 = arith.cmpi slt, %add3A_437, %lt3A_450 : i32
      %convert_element_type3A_452 = arith.extui %lt3A_451 : i1 to i32
      %cond3A_453 = arith.constant 0 : i32
      %cond3A_454 = arith.cmpi ne, %convert_element_type3A_452, %cond3A_453 : i32
      scf.if %cond3A_454 {
        %add3A_713 = arith.constant 1 : i32
        %add3A_714 = arith.addi %add3A_437, %add3A_713 : i32
        %add3A_715 = arith.addi %mul3A_2, %add3A_714 : i32
        %mul3A_716 = arith.constant 200 : i32
        %mul3A_717 = arith.muli %add3A_715, %mul3A_716 : i32
        %add3A_718 = arith.constant 128 : i32
        %add3A_719 = arith.addi %mul3A_717, %add3A_718 : i32
        %dma_wait3A_720 = arith.constant 0 : i32
        %dma_wait3A_721 = tpu.memref_slice %arg26[%dma_wait3A_720] : memref<200xi32, #tpu.memory_space<vmem>> -> memref<128xi32, #tpu.memory_space<vmem>>
        %dma_wait3A_722 = tpu.memref_slice %arg2[%mul3A_717] : memref<204800xi32, #tpu.memory_space<hbm>> -> memref<128xi32, #tpu.memory_space<hbm>>
        %dma_wait3A_723 = arith.constant 0 : i32
        %dma_wait3A_724 = tpu.memref_slice %arg26[%dma_wait3A_723] : memref<200xi32, #tpu.memory_space<vmem>> -> memref<128xi32, #tpu.memory_space<vmem>>
        %dma_wait3A_725 = tpu.memref_slice %arg2[%mul3A_717] : memref<204800xi32, #tpu.memory_space<hbm>> -> memref<128xi32, #tpu.memory_space<hbm>>
        tpu.wait_dma2 semaphore(%arg33 : memref<!tpu.dma_semaphore, #tpu.memory_space<semaphore_mem>>) src(%dma_wait3A_725 : memref<128xi32, #tpu.memory_space<hbm>>) dst(%dma_wait3A_724 : memref<128xi32, #tpu.memory_space<vmem>>)
        %dma_wait3A_726 = arith.constant 128 : i32
        %dma_wait3A_727 = tpu.memref_slice %arg26[%dma_wait3A_726] : memref<200xi32, #tpu.memory_space<vmem>> -> memref<72xi32, #tpu.memory_space<vmem>>
        %dma_wait3A_728 = tpu.memref_slice %arg2[%add3A_719] : memref<204800xi32, #tpu.memory_space<hbm>> -> memref<72xi32, #tpu.memory_space<hbm>>
        %dma_wait3A_729 = arith.constant 128 : i32
        %dma_wait3A_730 = tpu.memref_slice %arg26[%dma_wait3A_729] : memref<200xi32, #tpu.memory_space<vmem>> -> memref<72xi32, #tpu.memory_space<vmem>>
        %dma_wait3A_731 = tpu.memref_slice %arg2[%add3A_719] : memref<204800xi32, #tpu.memory_space<hbm>> -> memref<72xi32, #tpu.memory_space<hbm>>
        tpu.wait_dma2 semaphore(%arg33 : memref<!tpu.dma_semaphore, #tpu.memory_space<semaphore_mem>>) src(%dma_wait3A_731 : memref<72xi32, #tpu.memory_space<hbm>>) dst(%dma_wait3A_730 : memref<72xi32, #tpu.memory_space<vmem>>)
        %dma_wait3A_732 = tpu.memref_slice %arg3[%mul3A_717] : memref<204800xi32, #tpu.memory_space<hbm>> -> memref<200xi32, #tpu.memory_space<hbm>>
        %dma_wait3A_733 = tpu.memref_slice %arg3[%mul3A_717] : memref<204800xi32, #tpu.memory_space<hbm>> -> memref<200xi32, #tpu.memory_space<hbm>>
        tpu.wait_dma2 semaphore(%arg33 : memref<!tpu.dma_semaphore, #tpu.memory_space<semaphore_mem>>) src(%dma_wait3A_733 : memref<200xi32, #tpu.memory_space<hbm>>) dst(%arg27 : memref<200xi32, #tpu.memory_space<vmem>>)
        %dma_wait3A_734 = tpu.memref_slice %arg4[%mul3A_717] : memref<204800xi32, #tpu.memory_space<hbm>> -> memref<200xi32, #tpu.memory_space<hbm>>
        %dma_wait3A_735 = tpu.memref_slice %arg4[%mul3A_717] : memref<204800xi32, #tpu.memory_space<hbm>> -> memref<200xi32, #tpu.memory_space<hbm>>
        tpu.wait_dma2 semaphore(%arg33 : memref<!tpu.dma_semaphore, #tpu.memory_space<semaphore_mem>>) src(%dma_wait3A_735 : memref<200xi32, #tpu.memory_space<hbm>>) dst(%arg28 : memref<200xi32, #tpu.memory_space<vmem>>)
        %dma_start3A_736 = arith.constant 0 : i32
        %dma_start3A_737 = arith.constant 0 : i32
        %dma_start3A_738 = tpu.memref_slice %arg30[%dma_start3A_736, %dma_start3A_737] : memref<200x128xf32, #tpu.memory_space<vmem>> -> memref<128x128xf32, #tpu.memory_space<vmem>>
        %dma_start3A_739 = arith.constant 0 : i32
        %dma_start3A_740 = tpu.memref_slice %arg26[%dma_start3A_739] : memref<200xi32, #tpu.memory_space<vmem>> -> memref<128xi32, #tpu.memory_space<vmem>>
        %dma_start3A_741 = arith.constant 0 : i32
        %dma_start3A_742 = arith.constant 0 : i32
        %dma_start3A_743 = tpu.memref_slice %arg5[%dma_start3A_741, %dma_start3A_742] : memref<100000x128xf32, #tpu.memory_space<hbm>> -> memref<100000x128xf32, #tpu.memory_space<hbm>>
        tpu.enqueue_indirect_dma source(%dma_start3A_743 : memref<100000x128xf32, #tpu.memory_space<hbm>>) target(%dma_start3A_738 : memref<128x128xf32, #tpu.memory_space<vmem>>) offsets(%dma_start3A_740 : memref<128xi32, #tpu.memory_space<vmem>>) semaphore(%arg31 : memref<!tpu.dma_semaphore, #tpu.memory_space<semaphore_mem>>)
        %dma_start3A_744 = arith.constant 128 : i32
        %dma_start3A_745 = arith.constant 0 : i32
        %dma_start3A_746 = tpu.memref_slice %arg30[%dma_start3A_744, %dma_start3A_745] : memref<200x128xf32, #tpu.memory_space<vmem>> -> memref<72x128xf32, #tpu.memory_space<vmem>>
        %dma_start3A_747 = arith.constant 128 : i32
        %dma_start3A_748 = tpu.memref_slice %arg26[%dma_start3A_747] : memref<200xi32, #tpu.memory_space<vmem>> -> memref<72xi32, #tpu.memory_space<vmem>>
        %dma_start3A_749 = arith.constant 0 : i32
        %dma_start3A_750 = arith.constant 0 : i32
        %dma_start3A_751 = tpu.memref_slice %arg5[%dma_start3A_749, %dma_start3A_750] : memref<100000x128xf32, #tpu.memory_space<hbm>> -> memref<100000x128xf32, #tpu.memory_space<hbm>>
        tpu.enqueue_indirect_dma source(%dma_start3A_751 : memref<100000x128xf32, #tpu.memory_space<hbm>>) target(%dma_start3A_746 : memref<72x128xf32, #tpu.memory_space<vmem>>) offsets(%dma_start3A_748 : memref<72xi32, #tpu.memory_space<vmem>>) semaphore(%arg31 : memref<!tpu.dma_semaphore, #tpu.memory_space<semaphore_mem>>)
        %get3A_752 = arith.constant 0 : index
        %get3A_753 = tpu.vector_load %arg27[%get3A_752] {strides = array<i32>} : memref<200xi32, #tpu.memory_space<vmem>>, vector<16xi32>,
        %get3A_754 = vector.shape_cast %get3A_753 : vector<16xi32> to vector<16xi32>
        %mul3A_755 = arith.constant 8 : i32
        %mul3A_756 = vector.broadcast %mul3A_755 : i32 to vector<16xi32>
        %mul3A_757 = arith.muli %get3A_754, %mul3A_756 : vector<16xi32>
        %get3A_758 = arith.constant 0 : index
        %get3A_759 = tpu.vector_load %arg28[%get3A_758] {strides = array<i32>} : memref<200xi32, #tpu.memory_space<vmem>>, vector<16xi32>,
        %get3A_760 = vector.shape_cast %get3A_759 : vector<16xi32> to vector<16xi32>
        %add3A_761 = arith.addi %mul3A_757, %get3A_760 : vector<16xi32>
        %swap3A_762 = arith.constant 0 : index
        %swap3A_763 = tpu.vector_load %arg29[%swap3A_762] {strides = array<i32>} : memref<216xi32, #tpu.memory_space<vmem>>, vector<16xi32>,
        %swap3A_764 = vector.shape_cast %swap3A_763 : vector<16xi32> to vector<16xi32>
        %swap3A_765 = vector.shape_cast %add3A_761 : vector<16xi32> to vector<16xi32>
        tpu.vector_store %arg29[%swap3A_762], %swap3A_765 {strides = array<i32>} : memref<216xi32, #tpu.memory_space<vmem>>, vector<16xi32>,
        %get3A_766 = arith.constant 16 : index
        %get3A_767 = tpu.vector_load %arg27[%get3A_766] {strides = array<i32>} : memref<200xi32, #tpu.memory_space<vmem>>, vector<16xi32>,
        %get3A_768 = vector.shape_cast %get3A_767 : vector<16xi32> to vector<16xi32>
        %mul3A_769 = arith.constant 8 : i32
        %mul3A_770 = vector.broadcast %mul3A_769 : i32 to vector<16xi32>
        %mul3A_771 = arith.muli %get3A_768, %mul3A_770 : vector<16xi32>
        %get3A_772 = arith.constant 16 : index
        %get3A_773 = tpu.vector_load %arg28[%get3A_772] {strides = array<i32>} : memref<200xi32, #tpu.memory_space<vmem>>, vector<16xi32>,
        %get3A_774 = vector.shape_cast %get3A_773 : vector<16xi32> to vector<16xi32>
        %add3A_775 = arith.addi %mul3A_771, %get3A_774 : vector<16xi32>
        %swap3A_776 = arith.constant 16 : index
        %swap3A_777 = tpu.vector_load %arg29[%swap3A_776] {strides = array<i32>} : memref<216xi32, #tpu.memory_space<vmem>>, vector<16xi32>,
        %swap3A_778 = vector.shape_cast %swap3A_777 : vector<16xi32> to vector<16xi32>
        %swap3A_779 = vector.shape_cast %add3A_775 : vector<16xi32> to vector<16xi32>
        tpu.vector_store %arg29[%swap3A_776], %swap3A_779 {strides = array<i32>} : memref<216xi32, #tpu.memory_space<vmem>>, vector<16xi32>,
        %get3A_780 = arith.constant 32 : index
        %get3A_781 = tpu.vector_load %arg27[%get3A_780] {strides = array<i32>} : memref<200xi32, #tpu.memory_space<vmem>>, vector<16xi32>,
        %get3A_782 = vector.shape_cast %get3A_781 : vector<16xi32> to vector<16xi32>
        %mul3A_783 = arith.constant 8 : i32
        %mul3A_784 = vector.broadcast %mul3A_783 : i32 to vector<16xi32>
        %mul3A_785 = arith.muli %get3A_782, %mul3A_784 : vector<16xi32>
        %get3A_786 = arith.constant 32 : index
        %get3A_787 = tpu.vector_load %arg28[%get3A_786] {strides = array<i32>} : memref<200xi32, #tpu.memory_space<vmem>>, vector<16xi32>,
        %get3A_788 = vector.shape_cast %get3A_787 : vector<16xi32> to vector<16xi32>
        %add3A_789 = arith.addi %mul3A_785, %get3A_788 : vector<16xi32>
        %swap3A_790 = arith.constant 32 : index
        %swap3A_791 = tpu.vector_load %arg29[%swap3A_790] {strides = array<i32>} : memref<216xi32, #tpu.memory_space<vmem>>, vector<16xi32>,
        %swap3A_792 = vector.shape_cast %swap3A_791 : vector<16xi32> to vector<16xi32>
        %swap3A_793 = vector.shape_cast %add3A_789 : vector<16xi32> to vector<16xi32>
        tpu.vector_store %arg29[%swap3A_790], %swap3A_793 {strides = array<i32>} : memref<216xi32, #tpu.memory_space<vmem>>, vector<16xi32>,
        %get3A_794 = arith.constant 48 : index
        %get3A_795 = tpu.vector_load %arg27[%get3A_794] {strides = array<i32>} : memref<200xi32, #tpu.memory_space<vmem>>, vector<16xi32>,
        %get3A_796 = vector.shape_cast %get3A_795 : vector<16xi32> to vector<16xi32>
        %mul3A_797 = arith.constant 8 : i32
        %mul3A_798 = vector.broadcast %mul3A_797 : i32 to vector<16xi32>
        %mul3A_799 = arith.muli %get3A_796, %mul3A_798 : vector<16xi32>
        %get3A_800 = arith.constant 48 : index
        %get3A_801 = tpu.vector_load %arg28[%get3A_800] {strides = array<i32>} : memref<200xi32, #tpu.memory_space<vmem>>, vector<16xi32>,
        %get3A_802 = vector.shape_cast %get3A_801 : vector<16xi32> to vector<16xi32>
        %add3A_803 = arith.addi %mul3A_799, %get3A_802 : vector<16xi32>
        %swap3A_804 = arith.constant 48 : index
        %swap3A_805 = tpu.vector_load %arg29[%swap3A_804] {strides = array<i32>} : memref<216xi32, #tpu.memory_space<vmem>>, vector<16xi32>,
        %swap3A_806 = vector.shape_cast %swap3A_805 : vector<16xi32> to vector<16xi32>
        %swap3A_807 = vector.shape_cast %add3A_803 : vector<16xi32> to vector<16xi32>
        tpu.vector_store %arg29[%swap3A_804], %swap3A_807 {strides = array<i32>} : memref<216xi32, #tpu.memory_space<vmem>>, vector<16xi32>,
        %get3A_808 = arith.constant 64 : index
        %get3A_809 = tpu.vector_load %arg27[%get3A_808] {strides = array<i32>} : memref<200xi32, #tpu.memory_space<vmem>>, vector<16xi32>,
        %get3A_810 = vector.shape_cast %get3A_809 : vector<16xi32> to vector<16xi32>
        %mul3A_811 = arith.constant 8 : i32
        %mul3A_812 = vector.broadcast %mul3A_811 : i32 to vector<16xi32>
        %mul3A_813 = arith.muli %get3A_810, %mul3A_812 : vector<16xi32>
        %get3A_814 = arith.constant 64 : index
        %get3A_815 = tpu.vector_load %arg28[%get3A_814] {strides = array<i32>} : memref<200xi32, #tpu.memory_space<vmem>>, vector<16xi32>,
        %get3A_816 = vector.shape_cast %get3A_815 : vector<16xi32> to vector<16xi32>
        %add3A_817 = arith.addi %mul3A_813, %get3A_816 : vector<16xi32>
        %swap3A_818 = arith.constant 64 : index
        %swap3A_819 = tpu.vector_load %arg29[%swap3A_818] {strides = array<i32>} : memref<216xi32, #tpu.memory_space<vmem>>, vector<16xi32>,
        %swap3A_820 = vector.shape_cast %swap3A_819 : vector<16xi32> to vector<16xi32>
        %swap3A_821 = vector.shape_cast %add3A_817 : vector<16xi32> to vector<16xi32>
        tpu.vector_store %arg29[%swap3A_818], %swap3A_821 {strides = array<i32>} : memref<216xi32, #tpu.memory_space<vmem>>, vector<16xi32>,
        %get3A_822 = arith.constant 80 : index
        %get3A_823 = tpu.vector_load %arg27[%get3A_822] {strides = array<i32>} : memref<200xi32, #tpu.memory_space<vmem>>, vector<16xi32>,
        %get3A_824 = vector.shape_cast %get3A_823 : vector<16xi32> to vector<16xi32>
        %mul3A_825 = arith.constant 8 : i32
        %mul3A_826 = vector.broadcast %mul3A_825 : i32 to vector<16xi32>
        %mul3A_827 = arith.muli %get3A_824, %mul3A_826 : vector<16xi32>
        %get3A_828 = arith.constant 80 : index
        %get3A_829 = tpu.vector_load %arg28[%get3A_828] {strides = array<i32>} : memref<200xi32, #tpu.memory_space<vmem>>, vector<16xi32>,
        %get3A_830 = vector.shape_cast %get3A_829 : vector<16xi32> to vector<16xi32>
        %add3A_831 = arith.addi %mul3A_827, %get3A_830 : vector<16xi32>
        %swap3A_832 = arith.constant 80 : index
        %swap3A_833 = tpu.vector_load %arg29[%swap3A_832] {strides = array<i32>} : memref<216xi32, #tpu.memory_space<vmem>>, vector<16xi32>,
        %swap3A_834 = vector.shape_cast %swap3A_833 : vector<16xi32> to vector<16xi32>
        %swap3A_835 = vector.shape_cast %add3A_831 : vector<16xi32> to vector<16xi32>
        tpu.vector_store %arg29[%swap3A_832], %swap3A_835 {strides = array<i32>} : memref<216xi32, #tpu.memory_space<vmem>>, vector<16xi32>,
        %get3A_836 = arith.constant 96 : index
        %get3A_837 = tpu.vector_load %arg27[%get3A_836] {strides = array<i32>} : memref<200xi32, #tpu.memory_space<vmem>>, vector<16xi32>,
        %get3A_838 = vector.shape_cast %get3A_837 : vector<16xi32> to vector<16xi32>
        %mul3A_839 = arith.constant 8 : i32
        %mul3A_840 = vector.broadcast %mul3A_839 : i32 to vector<16xi32>
        %mul3A_841 = arith.muli %get3A_838, %mul3A_840 : vector<16xi32>
        %get3A_842 = arith.constant 96 : index
        %get3A_843 = tpu.vector_load %arg28[%get3A_842] {strides = array<i32>} : memref<200xi32, #tpu.memory_space<vmem>>, vector<16xi32>,
        %get3A_844 = vector.shape_cast %get3A_843 : vector<16xi32> to vector<16xi32>
        %add3A_845 = arith.addi %mul3A_841, %get3A_844 : vector<16xi32>
        %swap3A_846 = arith.constant 96 : index
        %swap3A_847 = tpu.vector_load %arg29[%swap3A_846] {strides = array<i32>} : memref<216xi32, #tpu.memory_space<vmem>>, vector<16xi32>,
        %swap3A_848 = vector.shape_cast %swap3A_847 : vector<16xi32> to vector<16xi32>
        %swap3A_849 = vector.shape_cast %add3A_845 : vector<16xi32> to vector<16xi32>
        tpu.vector_store %arg29[%swap3A_846], %swap3A_849 {strides = array<i32>} : memref<216xi32, #tpu.memory_space<vmem>>, vector<16xi32>,
        %get3A_850 = arith.constant 112 : index
        %get3A_851 = tpu.vector_load %arg27[%get3A_850] {strides = array<i32>} : memref<200xi32, #tpu.memory_space<vmem>>, vector<16xi32>,
        %get3A_852 = vector.shape_cast %get3A_851 : vector<16xi32> to vector<16xi32>
        %mul3A_853 = arith.constant 8 : i32
        %mul3A_854 = vector.broadcast %mul3A_853 : i32 to vector<16xi32>
        %mul3A_855 = arith.muli %get3A_852, %mul3A_854 : vector<16xi32>
        %get3A_856 = arith.constant 112 : index
        %get3A_857 = tpu.vector_load %arg28[%get3A_856] {strides = array<i32>} : memref<200xi32, #tpu.memory_space<vmem>>, vector<16xi32>,
        %get3A_858 = vector.shape_cast %get3A_857 : vector<16xi32> to vector<16xi32>
        %add3A_859 = arith.addi %mul3A_855, %get3A_858 : vector<16xi32>
        %swap3A_860 = arith.constant 112 : index
        %swap3A_861 = tpu.vector_load %arg29[%swap3A_860] {strides = array<i32>} : memref<216xi32, #tpu.memory_space<vmem>>, vector<16xi32>,
        %swap3A_862 = vector.shape_cast %swap3A_861 : vector<16xi32> to vector<16xi32>
        %swap3A_863 = vector.shape_cast %add3A_859 : vector<16xi32> to vector<16xi32>
        tpu.vector_store %arg29[%swap3A_860], %swap3A_863 {strides = array<i32>} : memref<216xi32, #tpu.memory_space<vmem>>, vector<16xi32>,
        %get3A_864 = arith.constant 128 : index
        %get3A_865 = tpu.vector_load %arg27[%get3A_864] {strides = array<i32>} : memref<200xi32, #tpu.memory_space<vmem>>, vector<16xi32>,
        %get3A_866 = vector.shape_cast %get3A_865 : vector<16xi32> to vector<16xi32>
        %mul3A_867 = arith.constant 8 : i32
        %mul3A_868 = vector.broadcast %mul3A_867 : i32 to vector<16xi32>
        %mul3A_869 = arith.muli %get3A_866, %mul3A_868 : vector<16xi32>
        %get3A_870 = arith.constant 128 : index
        %get3A_871 = tpu.vector_load %arg28[%get3A_870] {strides = array<i32>} : memref<200xi32, #tpu.memory_space<vmem>>, vector<16xi32>,
        %get3A_872 = vector.shape_cast %get3A_871 : vector<16xi32> to vector<16xi32>
        %add3A_873 = arith.addi %mul3A_869, %get3A_872 : vector<16xi32>
        %swap3A_874 = arith.constant 128 : index
        %swap3A_875 = tpu.vector_load %arg29[%swap3A_874] {strides = array<i32>} : memref<216xi32, #tpu.memory_space<vmem>>, vector<16xi32>,
        %swap3A_876 = vector.shape_cast %swap3A_875 : vector<16xi32> to vector<16xi32>
        %swap3A_877 = vector.shape_cast %add3A_873 : vector<16xi32> to vector<16xi32>
        tpu.vector_store %arg29[%swap3A_874], %swap3A_877 {strides = array<i32>} : memref<216xi32, #tpu.memory_space<vmem>>, vector<16xi32>,
        %get3A_878 = arith.constant 144 : index
        %get3A_879 = tpu.vector_load %arg27[%get3A_878] {strides = array<i32>} : memref<200xi32, #tpu.memory_space<vmem>>, vector<16xi32>,
        %get3A_880 = vector.shape_cast %get3A_879 : vector<16xi32> to vector<16xi32>
        %mul3A_881 = arith.constant 8 : i32
        %mul3A_882 = vector.broadcast %mul3A_881 : i32 to vector<16xi32>
        %mul3A_883 = arith.muli %get3A_880, %mul3A_882 : vector<16xi32>
        %get3A_884 = arith.constant 144 : index
        %get3A_885 = tpu.vector_load %arg28[%get3A_884] {strides = array<i32>} : memref<200xi32, #tpu.memory_space<vmem>>, vector<16xi32>,
        %get3A_886 = vector.shape_cast %get3A_885 : vector<16xi32> to vector<16xi32>
        %add3A_887 = arith.addi %mul3A_883, %get3A_886 : vector<16xi32>
        %swap3A_888 = arith.constant 144 : index
        %swap3A_889 = tpu.vector_load %arg29[%swap3A_888] {strides = array<i32>} : memref<216xi32, #tpu.memory_space<vmem>>, vector<16xi32>,
        %swap3A_890 = vector.shape_cast %swap3A_889 : vector<16xi32> to vector<16xi32>
        %swap3A_891 = vector.shape_cast %add3A_887 : vector<16xi32> to vector<16xi32>
        tpu.vector_store %arg29[%swap3A_888], %swap3A_891 {strides = array<i32>} : memref<216xi32, #tpu.memory_space<vmem>>, vector<16xi32>,
        %get3A_892 = arith.constant 160 : index
        %get3A_893 = tpu.vector_load %arg27[%get3A_892] {strides = array<i32>} : memref<200xi32, #tpu.memory_space<vmem>>, vector<16xi32>,
        %get3A_894 = vector.shape_cast %get3A_893 : vector<16xi32> to vector<16xi32>
        %mul3A_895 = arith.constant 8 : i32
        %mul3A_896 = vector.broadcast %mul3A_895 : i32 to vector<16xi32>
        %mul3A_897 = arith.muli %get3A_894, %mul3A_896 : vector<16xi32>
        %get3A_898 = arith.constant 160 : index
        %get3A_899 = tpu.vector_load %arg28[%get3A_898] {strides = array<i32>} : memref<200xi32, #tpu.memory_space<vmem>>, vector<16xi32>,
        %get3A_900 = vector.shape_cast %get3A_899 : vector<16xi32> to vector<16xi32>
        %add3A_901 = arith.addi %mul3A_897, %get3A_900 : vector<16xi32>
        %swap3A_902 = arith.constant 160 : index
        %swap3A_903 = tpu.vector_load %arg29[%swap3A_902] {strides = array<i32>} : memref<216xi32, #tpu.memory_space<vmem>>, vector<16xi32>,
        %swap3A_904 = vector.shape_cast %swap3A_903 : vector<16xi32> to vector<16xi32>
        %swap3A_905 = vector.shape_cast %add3A_901 : vector<16xi32> to vector<16xi32>
        tpu.vector_store %arg29[%swap3A_902], %swap3A_905 {strides = array<i32>} : memref<216xi32, #tpu.memory_space<vmem>>, vector<16xi32>,
        %get3A_906 = arith.constant 176 : index
        %get3A_907 = tpu.vector_load %arg27[%get3A_906] {strides = array<i32>} : memref<200xi32, #tpu.memory_space<vmem>>, vector<16xi32>,
        %get3A_908 = vector.shape_cast %get3A_907 : vector<16xi32> to vector<16xi32>
        %mul3A_909 = arith.constant 8 : i32
        %mul3A_910 = vector.broadcast %mul3A_909 : i32 to vector<16xi32>
        %mul3A_911 = arith.muli %get3A_908, %mul3A_910 : vector<16xi32>
        %get3A_912 = arith.constant 176 : index
        %get3A_913 = tpu.vector_load %arg28[%get3A_912] {strides = array<i32>} : memref<200xi32, #tpu.memory_space<vmem>>, vector<16xi32>,
        %get3A_914 = vector.shape_cast %get3A_913 : vector<16xi32> to vector<16xi32>
        %add3A_915 = arith.addi %mul3A_911, %get3A_914 : vector<16xi32>
        %swap3A_916 = arith.constant 176 : index
        %swap3A_917 = tpu.vector_load %arg29[%swap3A_916] {strides = array<i32>} : memref<216xi32, #tpu.memory_space<vmem>>, vector<16xi32>,
        %swap3A_918 = vector.shape_cast %swap3A_917 : vector<16xi32> to vector<16xi32>
        %swap3A_919 = vector.shape_cast %add3A_915 : vector<16xi32> to vector<16xi32>
        tpu.vector_store %arg29[%swap3A_916], %swap3A_919 {strides = array<i32>} : memref<216xi32, #tpu.memory_space<vmem>>, vector<16xi32>,
        %get3A_920 = arith.constant 184 : index
        %get3A_921 = tpu.vector_load %arg27[%get3A_920] {strides = array<i32>} : memref<200xi32, #tpu.memory_space<vmem>>, vector<16xi32>,
        %get3A_922 = vector.shape_cast %get3A_921 : vector<16xi32> to vector<16xi32>
        %mul3A_923 = arith.constant 8 : i32
        %mul3A_924 = vector.broadcast %mul3A_923 : i32 to vector<16xi32>
        %mul3A_925 = arith.muli %get3A_922, %mul3A_924 : vector<16xi32>
        %get3A_926 = arith.constant 184 : index
        %get3A_927 = tpu.vector_load %arg28[%get3A_926] {strides = array<i32>} : memref<200xi32, #tpu.memory_space<vmem>>, vector<16xi32>,
        %get3A_928 = vector.shape_cast %get3A_927 : vector<16xi32> to vector<16xi32>
        %add3A_929 = arith.addi %mul3A_925, %get3A_928 : vector<16xi32>
        %swap3A_930 = arith.constant 184 : index
        %swap3A_931 = tpu.vector_load %arg29[%swap3A_930] {strides = array<i32>} : memref<216xi32, #tpu.memory_space<vmem>>, vector<16xi32>,
        %swap3A_932 = vector.shape_cast %swap3A_931 : vector<16xi32> to vector<16xi32>
        %swap3A_933 = vector.shape_cast %add3A_929 : vector<16xi32> to vector<16xi32>
        tpu.vector_store %arg29[%swap3A_930], %swap3A_933 {strides = array<i32>} : memref<216xi32, #tpu.memory_space<vmem>>, vector<16xi32>,
      } else {
      }
      %dma_wait3A_455 = arith.constant 0 : i32
      %dma_wait3A_456 = arith.constant 0 : i32
      %dma_wait3A_457 = tpu.memref_slice %arg20[%dma_wait3A_455, %dma_wait3A_456] : memref<200x128xf32, #tpu.memory_space<vmem>> -> memref<128x128xf32, #tpu.memory_space<vmem>>
      %dma_wait3A_458 = arith.constant 0 : i32
      %dma_wait3A_459 = tpu.memref_slice %arg16[%dma_wait3A_458] : memref<200xi32, #tpu.memory_space<vmem>> -> memref<128xi32, #tpu.memory_space<vmem>>
      %dma_wait3A_460 = arith.constant 0 : i32
      %dma_wait3A_461 = arith.constant 0 : i32
      %dma_wait3A_462 = tpu.memref_slice %arg5[%dma_wait3A_460, %dma_wait3A_461] : memref<100000x128xf32, #tpu.memory_space<hbm>> -> memref<100000x128xf32, #tpu.memory_space<hbm>>
      tpu.wait_indirect_dma semaphore(%arg21 : memref<!tpu.dma_semaphore, #tpu.memory_space<semaphore_mem>>) src(%dma_wait3A_462 : memref<100000x128xf32, #tpu.memory_space<hbm>>) dst(%dma_wait3A_457 : memref<128x128xf32, #tpu.memory_space<vmem>>)
      %dma_wait3A_463 = arith.constant 128 : i32
      %dma_wait3A_464 = arith.constant 0 : i32
      %dma_wait3A_465 = tpu.memref_slice %arg20[%dma_wait3A_463, %dma_wait3A_464] : memref<200x128xf32, #tpu.memory_space<vmem>> -> memref<72x128xf32, #tpu.memory_space<vmem>>
      %dma_wait3A_466 = arith.constant 128 : i32
      %dma_wait3A_467 = tpu.memref_slice %arg16[%dma_wait3A_466] : memref<200xi32, #tpu.memory_space<vmem>> -> memref<72xi32, #tpu.memory_space<vmem>>
      %dma_wait3A_468 = arith.constant 0 : i32
      %dma_wait3A_469 = arith.constant 0 : i32
      %dma_wait3A_470 = tpu.memref_slice %arg5[%dma_wait3A_468, %dma_wait3A_469] : memref<100000x128xf32, #tpu.memory_space<hbm>> -> memref<100000x128xf32, #tpu.memory_space<hbm>>
      tpu.wait_indirect_dma semaphore(%arg21 : memref<!tpu.dma_semaphore, #tpu.memory_space<semaphore_mem>>) src(%dma_wait3A_470 : memref<100000x128xf32, #tpu.memory_space<hbm>>) dst(%dma_wait3A_465 : memref<72x128xf32, #tpu.memory_space<vmem>>)
      %dma_start3A_471 = arith.constant 0 : i32
      %dma_start3A_472 = arith.constant 0 : i32
      %dma_start3A_473 = tpu.memref_slice %arg20[%dma_start3A_471, %dma_start3A_472] : memref<200x128xf32, #tpu.memory_space<vmem>> -> memref<128x128xf32, #tpu.memory_space<vmem>>
      %dma_start3A_474 = arith.constant 0 : i32
      %dma_start3A_475 = tpu.memref_slice %arg19[%dma_start3A_474] : memref<216xi32, #tpu.memory_space<vmem>> -> memref<128xi32, #tpu.memory_space<vmem>>
      %dma_start3A_476 = arith.constant 0 : i32
      %dma_start3A_477 = arith.constant 0 : i32
      %dma_start3A_478 = tpu.memref_slice %arg13[%dma_start3A_476, %dma_start3A_477] : memref<64x128xf32, #tpu.memory_space<vmem_shared>> -> memref<64x128xf32, #tpu.memory_space<vmem_shared>>
      tpu.enqueue_indirect_dma source(%dma_start3A_478 : memref<64x128xf32, #tpu.memory_space<vmem_shared>>) target(%dma_start3A_473 : memref<128x128xf32, #tpu.memory_space<vmem>>) offsets(%dma_start3A_475 : memref<128xi32, #tpu.memory_space<vmem>>) semaphore(%arg24 : memref<!tpu.dma_semaphore, #tpu.memory_space<semaphore_mem>>) {add = true}
      %dma_start3A_479 = arith.constant 128 : i32
      %dma_start3A_480 = arith.constant 0 : i32
      %dma_start3A_481 = tpu.memref_slice %arg20[%dma_start3A_479, %dma_start3A_480] : memref<200x128xf32, #tpu.memory_space<vmem>> -> memref<72x128xf32, #tpu.memory_space<vmem>>
      %dma_start3A_482 = arith.constant 128 : i32
      %dma_start3A_483 = tpu.memref_slice %arg19[%dma_start3A_482] : memref<216xi32, #tpu.memory_space<vmem>> -> memref<72xi32, #tpu.memory_space<vmem>>
      %dma_start3A_484 = arith.constant 0 : i32
      %dma_start3A_485 = arith.constant 0 : i32
      %dma_start3A_486 = tpu.memref_slice %arg13[%dma_start3A_484, %dma_start3A_485] : memref<64x128xf32, #tpu.memory_space<vmem_shared>> -> memref<64x128xf32, #tpu.memory_space<vmem_shared>>
      tpu.enqueue_indirect_dma source(%dma_start3A_486 : memref<64x128xf32, #tpu.memory_space<vmem_shared>>) target(%dma_start3A_481 : memref<72x128xf32, #tpu.memory_space<vmem>>) offsets(%dma_start3A_483 : memref<72xi32, #tpu.memory_space<vmem>>) semaphore(%arg24 : memref<!tpu.dma_semaphore, #tpu.memory_space<semaphore_mem>>) {add = true}
      %dma_start3A_487 = arith.constant 0 : i32
      %dma_start3A_488 = arith.constant 0 : i32
      %dma_start3A_489 = tpu.memref_slice %arg20[%dma_start3A_487, %dma_start3A_488] : memref<200x128xf32, #tpu.memory_space<vmem>> -> memref<128x128xf32, #tpu.memory_space<vmem>>
      %dma_start3A_490 = arith.constant 0 : i32
      %dma_start3A_491 = tpu.memref_slice %arg15[%dma_start3A_490] : memref<200xi32, #tpu.memory_space<vmem>> -> memref<128xi32, #tpu.memory_space<vmem>>
      %dma_start3A_492 = arith.constant 0 : i32
      %dma_start3A_493 = arith.constant 0 : i32
      %dma_start3A_494 = tpu.memref_slice %arg14[%dma_start3A_492, %dma_start3A_493] : memref<200x128xf32, #tpu.memory_space<vmem_shared>> -> memref<200x128xf32, #tpu.memory_space<vmem_shared>>
      tpu.enqueue_indirect_dma source(%dma_start3A_494 : memref<200x128xf32, #tpu.memory_space<vmem_shared>>) target(%dma_start3A_489 : memref<128x128xf32, #tpu.memory_space<vmem>>) offsets(%dma_start3A_491 : memref<128xi32, #tpu.memory_space<vmem>>) semaphore(%arg24 : memref<!tpu.dma_semaphore, #tpu.memory_space<semaphore_mem>>) {add = true}
      %dma_start3A_495 = arith.constant 128 : i32
      %dma_start3A_496 = arith.constant 0 : i32
      %dma_start3A_497 = tpu.memref_slice %arg20[%dma_start3A_495, %dma_start3A_496] : memref<200x128xf32, #tpu.memory_space<vmem>> -> memref<72x128xf32, #tpu.memory_space<vmem>>
      %dma_start3A_498 = arith.constant 128 : i32
      %dma_start3A_499 = tpu.memref_slice %arg15[%dma_start3A_498] : memref<200xi32, #tpu.memory_space<vmem>> -> memref<72xi32, #tpu.memory_space<vmem>>
      %dma_start3A_500 = arith.constant 0 : i32
      %dma_start3A_501 = arith.constant 0 : i32
      %dma_start3A_502 = tpu.memref_slice %arg14[%dma_start3A_500, %dma_start3A_501] : memref<200x128xf32, #tpu.memory_space<vmem_shared>> -> memref<200x128xf32, #tpu.memory_space<vmem_shared>>
      tpu.enqueue_indirect_dma source(%dma_start3A_502 : memref<200x128xf32, #tpu.memory_space<vmem_shared>>) target(%dma_start3A_497 : memref<72x128xf32, #tpu.memory_space<vmem>>) offsets(%dma_start3A_499 : memref<72xi32, #tpu.memory_space<vmem>>) semaphore(%arg24 : memref<!tpu.dma_semaphore, #tpu.memory_space<semaphore_mem>>) {add = true}
      %add3A_503 = arith.constant 1 : i32
      %add3A_504 = arith.addi %mul3A_435, %add3A_503 : i32
      %lt3A_505 = arith.constant 30 : i32
      %lt3A_506 = arith.cmpi slt, %add3A_504, %lt3A_505 : i32
      %convert_element_type3A_507 = arith.extui %lt3A_506 : i1 to i32
      %cond3A_508 = arith.constant 0 : i32
      %cond3A_509 = arith.cmpi ne, %convert_element_type3A_507, %cond3A_508 : i32
      scf.if %cond3A_509 {
        %add3A_713 = arith.constant 2 : i32
        %add3A_714 = arith.addi %add3A_504, %add3A_713 : i32
        %add3A_715 = arith.addi %mul3A_2, %add3A_714 : i32
        %mul3A_716 = arith.constant 200 : i32
        %mul3A_717 = arith.muli %add3A_715, %mul3A_716 : i32
        %add3A_718 = arith.constant 128 : i32
        %add3A_719 = arith.addi %mul3A_717, %add3A_718 : i32
        %dma_start3A_720 = arith.constant 0 : i32
        %dma_start3A_721 = tpu.memref_slice %arg46[%dma_start3A_720] : memref<200xi32, #tpu.memory_space<vmem>> -> memref<128xi32, #tpu.memory_space<vmem>>
        %dma_start3A_722 = tpu.memref_slice %arg2[%mul3A_717] : memref<204800xi32, #tpu.memory_space<hbm>> -> memref<128xi32, #tpu.memory_space<hbm>>
        %dma_start3A_723 = arith.constant 0 : i32
        %dma_start3A_724 = tpu.memref_slice %arg46[%dma_start3A_723] : memref<200xi32, #tpu.memory_space<vmem>> -> memref<128xi32, #tpu.memory_space<vmem>>
        %dma_start3A_725 = tpu.memref_slice %arg2[%mul3A_717] : memref<204800xi32, #tpu.memory_space<hbm>> -> memref<128xi32, #tpu.memory_space<hbm>>
        tpu.enqueue_dma source(%dma_start3A_725 : memref<128xi32, #tpu.memory_space<hbm>>) target(%dma_start3A_724 : memref<128xi32, #tpu.memory_space<vmem>>) target_semaphore(%arg53 : memref<!tpu.dma_semaphore, #tpu.memory_space<semaphore_mem>>)
        %dma_start3A_726 = arith.constant 128 : i32
        %dma_start3A_727 = tpu.memref_slice %arg46[%dma_start3A_726] : memref<200xi32, #tpu.memory_space<vmem>> -> memref<72xi32, #tpu.memory_space<vmem>>
        %dma_start3A_728 = tpu.memref_slice %arg2[%add3A_719] : memref<204800xi32, #tpu.memory_space<hbm>> -> memref<72xi32, #tpu.memory_space<hbm>>
        %dma_start3A_729 = arith.constant 128 : i32
        %dma_start3A_730 = tpu.memref_slice %arg46[%dma_start3A_729] : memref<200xi32, #tpu.memory_space<vmem>> -> memref<72xi32, #tpu.memory_space<vmem>>
        %dma_start3A_731 = tpu.memref_slice %arg2[%add3A_719] : memref<204800xi32, #tpu.memory_space<hbm>> -> memref<72xi32, #tpu.memory_space<hbm>>
        tpu.enqueue_dma source(%dma_start3A_731 : memref<72xi32, #tpu.memory_space<hbm>>) target(%dma_start3A_730 : memref<72xi32, #tpu.memory_space<vmem>>) target_semaphore(%arg53 : memref<!tpu.dma_semaphore, #tpu.memory_space<semaphore_mem>>)
        %dma_start3A_732 = tpu.memref_slice %arg3[%mul3A_717] : memref<204800xi32, #tpu.memory_space<hbm>> -> memref<200xi32, #tpu.memory_space<hbm>>
        %dma_start3A_733 = tpu.memref_slice %arg3[%mul3A_717] : memref<204800xi32, #tpu.memory_space<hbm>> -> memref<200xi32, #tpu.memory_space<hbm>>
        tpu.enqueue_dma source(%dma_start3A_733 : memref<200xi32, #tpu.memory_space<hbm>>) target(%arg47 : memref<200xi32, #tpu.memory_space<vmem>>) target_semaphore(%arg53 : memref<!tpu.dma_semaphore, #tpu.memory_space<semaphore_mem>>)
        %dma_start3A_734 = tpu.memref_slice %arg4[%mul3A_717] : memref<204800xi32, #tpu.memory_space<hbm>> -> memref<200xi32, #tpu.memory_space<hbm>>
        %dma_start3A_735 = tpu.memref_slice %arg4[%mul3A_717] : memref<204800xi32, #tpu.memory_space<hbm>> -> memref<200xi32, #tpu.memory_space<hbm>>
        tpu.enqueue_dma source(%dma_start3A_735 : memref<200xi32, #tpu.memory_space<hbm>>) target(%arg48 : memref<200xi32, #tpu.memory_space<vmem>>) target_semaphore(%arg53 : memref<!tpu.dma_semaphore, #tpu.memory_space<semaphore_mem>>)
      } else {
      }
      %gt3A_510 = arith.constant 0 : i32
      %gt3A_511 = arith.cmpi sgt, %add3A_504, %gt3A_510 : i32
      %convert_element_type3A_512 = arith.extui %gt3A_511 : i1 to i32
      %cond3A_513 = arith.constant 0 : i32
      %cond3A_514 = arith.cmpi ne, %convert_element_type3A_512, %cond3A_513 : i32
      scf.if %cond3A_514 {
        %dma_wait3A_713 = arith.constant 0 : i32
        %dma_wait3A_714 = arith.constant 0 : i32
        %dma_wait3A_715 = tpu.memref_slice %arg20[%dma_wait3A_713, %dma_wait3A_714] : memref<200x128xf32, #tpu.memory_space<vmem>> -> memref<128x128xf32, #tpu.memory_space<vmem>>
        %dma_wait3A_716 = arith.constant 0 : i32
        %dma_wait3A_717 = tpu.memref_slice %arg19[%dma_wait3A_716] : memref<216xi32, #tpu.memory_space<vmem>> -> memref<128xi32, #tpu.memory_space<vmem>>
        %dma_wait3A_718 = arith.constant 0 : i32
        %dma_wait3A_719 = arith.constant 0 : i32
        %dma_wait3A_720 = tpu.memref_slice %arg13[%dma_wait3A_718, %dma_wait3A_719] : memref<64x128xf32, #tpu.memory_space<vmem_shared>> -> memref<64x128xf32, #tpu.memory_space<vmem_shared>>
        tpu.wait_indirect_dma semaphore(%arg24 : memref<!tpu.dma_semaphore, #tpu.memory_space<semaphore_mem>>) src(%dma_wait3A_720 : memref<64x128xf32, #tpu.memory_space<vmem_shared>>) dst(%dma_wait3A_715 : memref<128x128xf32, #tpu.memory_space<vmem>>)
        %dma_wait3A_721 = arith.constant 128 : i32
        %dma_wait3A_722 = arith.constant 0 : i32
        %dma_wait3A_723 = tpu.memref_slice %arg20[%dma_wait3A_721, %dma_wait3A_722] : memref<200x128xf32, #tpu.memory_space<vmem>> -> memref<72x128xf32, #tpu.memory_space<vmem>>
        %dma_wait3A_724 = arith.constant 128 : i32
        %dma_wait3A_725 = tpu.memref_slice %arg19[%dma_wait3A_724] : memref<216xi32, #tpu.memory_space<vmem>> -> memref<72xi32, #tpu.memory_space<vmem>>
        %dma_wait3A_726 = arith.constant 0 : i32
        %dma_wait3A_727 = arith.constant 0 : i32
        %dma_wait3A_728 = tpu.memref_slice %arg13[%dma_wait3A_726, %dma_wait3A_727] : memref<64x128xf32, #tpu.memory_space<vmem_shared>> -> memref<64x128xf32, #tpu.memory_space<vmem_shared>>
        tpu.wait_indirect_dma semaphore(%arg24 : memref<!tpu.dma_semaphore, #tpu.memory_space<semaphore_mem>>) src(%dma_wait3A_728 : memref<64x128xf32, #tpu.memory_space<vmem_shared>>) dst(%dma_wait3A_723 : memref<72x128xf32, #tpu.memory_space<vmem>>)
        %dma_wait3A_729 = arith.constant 0 : i32
        %dma_wait3A_730 = arith.constant 0 : i32
        %dma_wait3A_731 = tpu.memref_slice %arg20[%dma_wait3A_729, %dma_wait3A_730] : memref<200x128xf32, #tpu.memory_space<vmem>> -> memref<128x128xf32, #tpu.memory_space<vmem>>
        %dma_wait3A_732 = arith.constant 0 : i32
        %dma_wait3A_733 = tpu.memref_slice %arg15[%dma_wait3A_732] : memref<200xi32, #tpu.memory_space<vmem>> -> memref<128xi32, #tpu.memory_space<vmem>>
        %dma_wait3A_734 = arith.constant 0 : i32
        %dma_wait3A_735 = arith.constant 0 : i32
        %dma_wait3A_736 = tpu.memref_slice %arg14[%dma_wait3A_734, %dma_wait3A_735] : memref<200x128xf32, #tpu.memory_space<vmem_shared>> -> memref<200x128xf32, #tpu.memory_space<vmem_shared>>
        tpu.wait_indirect_dma semaphore(%arg24 : memref<!tpu.dma_semaphore, #tpu.memory_space<semaphore_mem>>) src(%dma_wait3A_736 : memref<200x128xf32, #tpu.memory_space<vmem_shared>>) dst(%dma_wait3A_731 : memref<128x128xf32, #tpu.memory_space<vmem>>)
        %dma_wait3A_737 = arith.constant 128 : i32
        %dma_wait3A_738 = arith.constant 0 : i32
        %dma_wait3A_739 = tpu.memref_slice %arg20[%dma_wait3A_737, %dma_wait3A_738] : memref<200x128xf32, #tpu.memory_space<vmem>> -> memref<72x128xf32, #tpu.memory_space<vmem>>
        %dma_wait3A_740 = arith.constant 128 : i32
        %dma_wait3A_741 = tpu.memref_slice %arg15[%dma_wait3A_740] : memref<200xi32, #tpu.memory_space<vmem>> -> memref<72xi32, #tpu.memory_space<vmem>>
        %dma_wait3A_742 = arith.constant 0 : i32
        %dma_wait3A_743 = arith.constant 0 : i32
        %dma_wait3A_744 = tpu.memref_slice %arg14[%dma_wait3A_742, %dma_wait3A_743] : memref<200x128xf32, #tpu.memory_space<vmem_shared>> -> memref<200x128xf32, #tpu.memory_space<vmem_shared>>
        tpu.wait_indirect_dma semaphore(%arg24 : memref<!tpu.dma_semaphore, #tpu.memory_space<semaphore_mem>>) src(%dma_wait3A_744 : memref<200x128xf32, #tpu.memory_space<vmem_shared>>) dst(%dma_wait3A_739 : memref<72x128xf32, #tpu.memory_space<vmem>>)
        %sub3A = arith.constant 1 : i32
        %sub3A_745 = arith.subi %add3A_504, %sub3A : i32
        %add3A_746 = arith.addi %mul3A_2, %sub3A_745 : i32
        %dma_start3A_747 = arith.constant 0 : i32
        %dma_start3A_748 = arith.constant 0 : i32
        %dma_start3A_749 = tpu.memref_slice %arg9[%add3A_746, %dma_start3A_747, %dma_start3A_748] : memref<1024x200x128xf32, #tpu.memory_space<hbm>> -> memref<1x200x128xf32, #tpu.memory_space<hbm>>
        %dma_start3A_750 = tpu.memref_squeeze %dma_start3A_749 : memref<1x200x128xf32, #tpu.memory_space<hbm>> -> memref<200x128xf32, #tpu.memory_space<hbm>>
        %dma_start3A_751 = arith.constant 0 : i32
        %dma_start3A_752 = arith.constant 0 : i32
        %dma_start3A_753 = tpu.memref_slice %arg9[%add3A_746, %dma_start3A_751, %dma_start3A_752] : memref<1024x200x128xf32, #tpu.memory_space<hbm>> -> memref<1x200x128xf32, #tpu.memory_space<hbm>>
        %dma_start3A_754 = tpu.memref_squeeze %dma_start3A_753 : memref<1x200x128xf32, #tpu.memory_space<hbm>> -> memref<200x128xf32, #tpu.memory_space<hbm>>
        tpu.enqueue_dma source(%arg20 : memref<200x128xf32, #tpu.memory_space<vmem>>) target(%dma_start3A_754 : memref<200x128xf32, #tpu.memory_space<hbm>>) target_semaphore(%arg22 : memref<!tpu.dma_semaphore, #tpu.memory_space<semaphore_mem>>)
      } else {
      }
      %ge3A_515 = arith.constant 3 : i32
      %ge3A_516 = arith.cmpi sge, %add3A_504, %ge3A_515 : i32
      %convert_element_type3A_517 = arith.extui %ge3A_516 : i1 to i32
      %cond3A_518 = arith.constant 0 : i32
      %cond3A_519 = arith.cmpi ne, %convert_element_type3A_517, %cond3A_518 : i32
      scf.if %cond3A_519 {
        %sub3A = arith.constant 3 : i32
        %sub3A_713 = arith.subi %add3A_504, %sub3A : i32
        %add3A_714 = arith.addi %mul3A_2, %sub3A_713 : i32
        %dma_wait3A_715 = arith.constant 0 : i32
        %dma_wait3A_716 = arith.constant 0 : i32
        %dma_wait3A_717 = tpu.memref_slice %arg9[%add3A_714, %dma_wait3A_715, %dma_wait3A_716] : memref<1024x200x128xf32, #tpu.memory_space<hbm>> -> memref<1x200x128xf32, #tpu.memory_space<hbm>>
        %dma_wait3A_718 = tpu.memref_squeeze %dma_wait3A_717 : memref<1x200x128xf32, #tpu.memory_space<hbm>> -> memref<200x128xf32, #tpu.memory_space<hbm>>
        %dma_wait3A_719 = arith.constant 0 : i32
        %dma_wait3A_720 = arith.constant 0 : i32
        %dma_wait3A_721 = tpu.memref_slice %arg9[%add3A_714, %dma_wait3A_719, %dma_wait3A_720] : memref<1024x200x128xf32, #tpu.memory_space<hbm>> -> memref<1x200x128xf32, #tpu.memory_space<hbm>>
        %dma_wait3A_722 = tpu.memref_squeeze %dma_wait3A_721 : memref<1x200x128xf32, #tpu.memory_space<hbm>> -> memref<200x128xf32, #tpu.memory_space<hbm>>
        tpu.wait_dma2 semaphore(%arg42 : memref<!tpu.dma_semaphore, #tpu.memory_space<semaphore_mem>>) src(%arg40 : memref<200x128xf32, #tpu.memory_space<vmem>>) dst(%dma_wait3A_722 : memref<200x128xf32, #tpu.memory_space<hbm>>)
      } else {
      }
      %lt3A_520 = arith.constant 31 : i32
      %lt3A_521 = arith.cmpi slt, %add3A_504, %lt3A_520 : i32
      %convert_element_type3A_522 = arith.extui %lt3A_521 : i1 to i32
      %cond3A_523 = arith.constant 0 : i32
      %cond3A_524 = arith.cmpi ne, %convert_element_type3A_522, %cond3A_523 : i32
      scf.if %cond3A_524 {
        %add3A_713 = arith.constant 1 : i32
        %add3A_714 = arith.addi %add3A_504, %add3A_713 : i32
        %add3A_715 = arith.addi %mul3A_2, %add3A_714 : i32
        %mul3A_716 = arith.constant 200 : i32
        %mul3A_717 = arith.muli %add3A_715, %mul3A_716 : i32
        %add3A_718 = arith.constant 128 : i32
        %add3A_719 = arith.addi %mul3A_717, %add3A_718 : i32
        %dma_wait3A_720 = arith.constant 0 : i32
        %dma_wait3A_721 = tpu.memref_slice %arg36[%dma_wait3A_720] : memref<200xi32, #tpu.memory_space<vmem>> -> memref<128xi32, #tpu.memory_space<vmem>>
        %dma_wait3A_722 = tpu.memref_slice %arg2[%mul3A_717] : memref<204800xi32, #tpu.memory_space<hbm>> -> memref<128xi32, #tpu.memory_space<hbm>>
        %dma_wait3A_723 = arith.constant 0 : i32
        %dma_wait3A_724 = tpu.memref_slice %arg36[%dma_wait3A_723] : memref<200xi32, #tpu.memory_space<vmem>> -> memref<128xi32, #tpu.memory_space<vmem>>
        %dma_wait3A_725 = tpu.memref_slice %arg2[%mul3A_717] : memref<204800xi32, #tpu.memory_space<hbm>> -> memref<128xi32, #tpu.memory_space<hbm>>
        tpu.wait_dma2 semaphore(%arg43 : memref<!tpu.dma_semaphore, #tpu.memory_space<semaphore_mem>>) src(%dma_wait3A_725 : memref<128xi32, #tpu.memory_space<hbm>>) dst(%dma_wait3A_724 : memref<128xi32, #tpu.memory_space<vmem>>)
        %dma_wait3A_726 = arith.constant 128 : i32
        %dma_wait3A_727 = tpu.memref_slice %arg36[%dma_wait3A_726] : memref<200xi32, #tpu.memory_space<vmem>> -> memref<72xi32, #tpu.memory_space<vmem>>
        %dma_wait3A_728 = tpu.memref_slice %arg2[%add3A_719] : memref<204800xi32, #tpu.memory_space<hbm>> -> memref<72xi32, #tpu.memory_space<hbm>>
        %dma_wait3A_729 = arith.constant 128 : i32
        %dma_wait3A_730 = tpu.memref_slice %arg36[%dma_wait3A_729] : memref<200xi32, #tpu.memory_space<vmem>> -> memref<72xi32, #tpu.memory_space<vmem>>
        %dma_wait3A_731 = tpu.memref_slice %arg2[%add3A_719] : memref<204800xi32, #tpu.memory_space<hbm>> -> memref<72xi32, #tpu.memory_space<hbm>>
        tpu.wait_dma2 semaphore(%arg43 : memref<!tpu.dma_semaphore, #tpu.memory_space<semaphore_mem>>) src(%dma_wait3A_731 : memref<72xi32, #tpu.memory_space<hbm>>) dst(%dma_wait3A_730 : memref<72xi32, #tpu.memory_space<vmem>>)
        %dma_wait3A_732 = tpu.memref_slice %arg3[%mul3A_717] : memref<204800xi32, #tpu.memory_space<hbm>> -> memref<200xi32, #tpu.memory_space<hbm>>
        %dma_wait3A_733 = tpu.memref_slice %arg3[%mul3A_717] : memref<204800xi32, #tpu.memory_space<hbm>> -> memref<200xi32, #tpu.memory_space<hbm>>
        tpu.wait_dma2 semaphore(%arg43 : memref<!tpu.dma_semaphore, #tpu.memory_space<semaphore_mem>>) src(%dma_wait3A_733 : memref<200xi32, #tpu.memory_space<hbm>>) dst(%arg37 : memref<200xi32, #tpu.memory_space<vmem>>)
        %dma_wait3A_734 = tpu.memref_slice %arg4[%mul3A_717] : memref<204800xi32, #tpu.memory_space<hbm>> -> memref<200xi32, #tpu.memory_space<hbm>>
        %dma_wait3A_735 = tpu.memref_slice %arg4[%mul3A_717] : memref<204800xi32, #tpu.memory_space<hbm>> -> memref<200xi32, #tpu.memory_space<hbm>>
        tpu.wait_dma2 semaphore(%arg43 : memref<!tpu.dma_semaphore, #tpu.memory_space<semaphore_mem>>) src(%dma_wait3A_735 : memref<200xi32, #tpu.memory_space<hbm>>) dst(%arg38 : memref<200xi32, #tpu.memory_space<vmem>>)
        %dma_start3A_736 = arith.constant 0 : i32
        %dma_start3A_737 = arith.constant 0 : i32
        %dma_start3A_738 = tpu.memref_slice %arg40[%dma_start3A_736, %dma_start3A_737] : memref<200x128xf32, #tpu.memory_space<vmem>> -> memref<128x128xf32, #tpu.memory_space<vmem>>
        %dma_start3A_739 = arith.constant 0 : i32
        %dma_start3A_740 = tpu.memref_slice %arg36[%dma_start3A_739] : memref<200xi32, #tpu.memory_space<vmem>> -> memref<128xi32, #tpu.memory_space<vmem>>
        %dma_start3A_741 = arith.constant 0 : i32
        %dma_start3A_742 = arith.constant 0 : i32
        %dma_start3A_743 = tpu.memref_slice %arg5[%dma_start3A_741, %dma_start3A_742] : memref<100000x128xf32, #tpu.memory_space<hbm>> -> memref<100000x128xf32, #tpu.memory_space<hbm>>
        tpu.enqueue_indirect_dma source(%dma_start3A_743 : memref<100000x128xf32, #tpu.memory_space<hbm>>) target(%dma_start3A_738 : memref<128x128xf32, #tpu.memory_space<vmem>>) offsets(%dma_start3A_740 : memref<128xi32, #tpu.memory_space<vmem>>) semaphore(%arg41 : memref<!tpu.dma_semaphore, #tpu.memory_space<semaphore_mem>>)
        %dma_start3A_744 = arith.constant 128 : i32
        %dma_start3A_745 = arith.constant 0 : i32
        %dma_start3A_746 = tpu.memref_slice %arg40[%dma_start3A_744, %dma_start3A_745] : memref<200x128xf32, #tpu.memory_space<vmem>> -> memref<72x128xf32, #tpu.memory_space<vmem>>
        %dma_start3A_747 = arith.constant 128 : i32
        %dma_start3A_748 = tpu.memref_slice %arg36[%dma_start3A_747] : memref<200xi32, #tpu.memory_space<vmem>> -> memref<72xi32, #tpu.memory_space<vmem>>
        %dma_start3A_749 = arith.constant 0 : i32
        %dma_start3A_750 = arith.constant 0 : i32
        %dma_start3A_751 = tpu.memref_slice %arg5[%dma_start3A_749, %dma_start3A_750] : memref<100000x128xf32, #tpu.memory_space<hbm>> -> memref<100000x128xf32, #tpu.memory_space<hbm>>
        tpu.enqueue_indirect_dma source(%dma_start3A_751 : memref<100000x128xf32, #tpu.memory_space<hbm>>) target(%dma_start3A_746 : memref<72x128xf32, #tpu.memory_space<vmem>>) offsets(%dma_start3A_748 : memref<72xi32, #tpu.memory_space<vmem>>) semaphore(%arg41 : memref<!tpu.dma_semaphore, #tpu.memory_space<semaphore_mem>>)
        %get3A_752 = arith.constant 0 : index
        %get3A_753 = tpu.vector_load %arg37[%get3A_752] {strides = array<i32>} : memref<200xi32, #tpu.memory_space<vmem>>, vector<16xi32>,
        %get3A_754 = vector.shape_cast %get3A_753 : vector<16xi32> to vector<16xi32>
        %mul3A_755 = arith.constant 8 : i32
        %mul3A_756 = vector.broadcast %mul3A_755 : i32 to vector<16xi32>
        %mul3A_757 = arith.muli %get3A_754, %mul3A_756 : vector<16xi32>
        %get3A_758 = arith.constant 0 : index
        %get3A_759 = tpu.vector_load %arg38[%get3A_758] {strides = array<i32>} : memref<200xi32, #tpu.memory_space<vmem>>, vector<16xi32>,
        %get3A_760 = vector.shape_cast %get3A_759 : vector<16xi32> to vector<16xi32>
        %add3A_761 = arith.addi %mul3A_757, %get3A_760 : vector<16xi32>
        %swap3A_762 = arith.constant 0 : index
        %swap3A_763 = tpu.vector_load %arg39[%swap3A_762] {strides = array<i32>} : memref<216xi32, #tpu.memory_space<vmem>>, vector<16xi32>,
        %swap3A_764 = vector.shape_cast %swap3A_763 : vector<16xi32> to vector<16xi32>
        %swap3A_765 = vector.shape_cast %add3A_761 : vector<16xi32> to vector<16xi32>
        tpu.vector_store %arg39[%swap3A_762], %swap3A_765 {strides = array<i32>} : memref<216xi32, #tpu.memory_space<vmem>>, vector<16xi32>,
        %get3A_766 = arith.constant 16 : index
        %get3A_767 = tpu.vector_load %arg37[%get3A_766] {strides = array<i32>} : memref<200xi32, #tpu.memory_space<vmem>>, vector<16xi32>,
        %get3A_768 = vector.shape_cast %get3A_767 : vector<16xi32> to vector<16xi32>
        %mul3A_769 = arith.constant 8 : i32
        %mul3A_770 = vector.broadcast %mul3A_769 : i32 to vector<16xi32>
        %mul3A_771 = arith.muli %get3A_768, %mul3A_770 : vector<16xi32>
        %get3A_772 = arith.constant 16 : index
        %get3A_773 = tpu.vector_load %arg38[%get3A_772] {strides = array<i32>} : memref<200xi32, #tpu.memory_space<vmem>>, vector<16xi32>,
        %get3A_774 = vector.shape_cast %get3A_773 : vector<16xi32> to vector<16xi32>
        %add3A_775 = arith.addi %mul3A_771, %get3A_774 : vector<16xi32>
        %swap3A_776 = arith.constant 16 : index
        %swap3A_777 = tpu.vector_load %arg39[%swap3A_776] {strides = array<i32>} : memref<216xi32, #tpu.memory_space<vmem>>, vector<16xi32>,
        %swap3A_778 = vector.shape_cast %swap3A_777 : vector<16xi32> to vector<16xi32>
        %swap3A_779 = vector.shape_cast %add3A_775 : vector<16xi32> to vector<16xi32>
        tpu.vector_store %arg39[%swap3A_776], %swap3A_779 {strides = array<i32>} : memref<216xi32, #tpu.memory_space<vmem>>, vector<16xi32>,
        %get3A_780 = arith.constant 32 : index
        %get3A_781 = tpu.vector_load %arg37[%get3A_780] {strides = array<i32>} : memref<200xi32, #tpu.memory_space<vmem>>, vector<16xi32>,
        %get3A_782 = vector.shape_cast %get3A_781 : vector<16xi32> to vector<16xi32>
        %mul3A_783 = arith.constant 8 : i32
        %mul3A_784 = vector.broadcast %mul3A_783 : i32 to vector<16xi32>
        %mul3A_785 = arith.muli %get3A_782, %mul3A_784 : vector<16xi32>
        %get3A_786 = arith.constant 32 : index
        %get3A_787 = tpu.vector_load %arg38[%get3A_786] {strides = array<i32>} : memref<200xi32, #tpu.memory_space<vmem>>, vector<16xi32>,
        %get3A_788 = vector.shape_cast %get3A_787 : vector<16xi32> to vector<16xi32>
        %add3A_789 = arith.addi %mul3A_785, %get3A_788 : vector<16xi32>
        %swap3A_790 = arith.constant 32 : index
        %swap3A_791 = tpu.vector_load %arg39[%swap3A_790] {strides = array<i32>} : memref<216xi32, #tpu.memory_space<vmem>>, vector<16xi32>,
        %swap3A_792 = vector.shape_cast %swap3A_791 : vector<16xi32> to vector<16xi32>
        %swap3A_793 = vector.shape_cast %add3A_789 : vector<16xi32> to vector<16xi32>
        tpu.vector_store %arg39[%swap3A_790], %swap3A_793 {strides = array<i32>} : memref<216xi32, #tpu.memory_space<vmem>>, vector<16xi32>,
        %get3A_794 = arith.constant 48 : index
        %get3A_795 = tpu.vector_load %arg37[%get3A_794] {strides = array<i32>} : memref<200xi32, #tpu.memory_space<vmem>>, vector<16xi32>,
        %get3A_796 = vector.shape_cast %get3A_795 : vector<16xi32> to vector<16xi32>
        %mul3A_797 = arith.constant 8 : i32
        %mul3A_798 = vector.broadcast %mul3A_797 : i32 to vector<16xi32>
        %mul3A_799 = arith.muli %get3A_796, %mul3A_798 : vector<16xi32>
        %get3A_800 = arith.constant 48 : index
        %get3A_801 = tpu.vector_load %arg38[%get3A_800] {strides = array<i32>} : memref<200xi32, #tpu.memory_space<vmem>>, vector<16xi32>,
        %get3A_802 = vector.shape_cast %get3A_801 : vector<16xi32> to vector<16xi32>
        %add3A_803 = arith.addi %mul3A_799, %get3A_802 : vector<16xi32>
        %swap3A_804 = arith.constant 48 : index
        %swap3A_805 = tpu.vector_load %arg39[%swap3A_804] {strides = array<i32>} : memref<216xi32, #tpu.memory_space<vmem>>, vector<16xi32>,
        %swap3A_806 = vector.shape_cast %swap3A_805 : vector<16xi32> to vector<16xi32>
        %swap3A_807 = vector.shape_cast %add3A_803 : vector<16xi32> to vector<16xi32>
        tpu.vector_store %arg39[%swap3A_804], %swap3A_807 {strides = array<i32>} : memref<216xi32, #tpu.memory_space<vmem>>, vector<16xi32>,
        %get3A_808 = arith.constant 64 : index
        %get3A_809 = tpu.vector_load %arg37[%get3A_808] {strides = array<i32>} : memref<200xi32, #tpu.memory_space<vmem>>, vector<16xi32>,
        %get3A_810 = vector.shape_cast %get3A_809 : vector<16xi32> to vector<16xi32>
        %mul3A_811 = arith.constant 8 : i32
        %mul3A_812 = vector.broadcast %mul3A_811 : i32 to vector<16xi32>
        %mul3A_813 = arith.muli %get3A_810, %mul3A_812 : vector<16xi32>
        %get3A_814 = arith.constant 64 : index
        %get3A_815 = tpu.vector_load %arg38[%get3A_814] {strides = array<i32>} : memref<200xi32, #tpu.memory_space<vmem>>, vector<16xi32>,
        %get3A_816 = vector.shape_cast %get3A_815 : vector<16xi32> to vector<16xi32>
        %add3A_817 = arith.addi %mul3A_813, %get3A_816 : vector<16xi32>
        %swap3A_818 = arith.constant 64 : index
        %swap3A_819 = tpu.vector_load %arg39[%swap3A_818] {strides = array<i32>} : memref<216xi32, #tpu.memory_space<vmem>>, vector<16xi32>,
        %swap3A_820 = vector.shape_cast %swap3A_819 : vector<16xi32> to vector<16xi32>
        %swap3A_821 = vector.shape_cast %add3A_817 : vector<16xi32> to vector<16xi32>
        tpu.vector_store %arg39[%swap3A_818], %swap3A_821 {strides = array<i32>} : memref<216xi32, #tpu.memory_space<vmem>>, vector<16xi32>,
        %get3A_822 = arith.constant 80 : index
        %get3A_823 = tpu.vector_load %arg37[%get3A_822] {strides = array<i32>} : memref<200xi32, #tpu.memory_space<vmem>>, vector<16xi32>,
        %get3A_824 = vector.shape_cast %get3A_823 : vector<16xi32> to vector<16xi32>
        %mul3A_825 = arith.constant 8 : i32
        %mul3A_826 = vector.broadcast %mul3A_825 : i32 to vector<16xi32>
        %mul3A_827 = arith.muli %get3A_824, %mul3A_826 : vector<16xi32>
        %get3A_828 = arith.constant 80 : index
        %get3A_829 = tpu.vector_load %arg38[%get3A_828] {strides = array<i32>} : memref<200xi32, #tpu.memory_space<vmem>>, vector<16xi32>,
        %get3A_830 = vector.shape_cast %get3A_829 : vector<16xi32> to vector<16xi32>
        %add3A_831 = arith.addi %mul3A_827, %get3A_830 : vector<16xi32>
        %swap3A_832 = arith.constant 80 : index
        %swap3A_833 = tpu.vector_load %arg39[%swap3A_832] {strides = array<i32>} : memref<216xi32, #tpu.memory_space<vmem>>, vector<16xi32>,
        %swap3A_834 = vector.shape_cast %swap3A_833 : vector<16xi32> to vector<16xi32>
        %swap3A_835 = vector.shape_cast %add3A_831 : vector<16xi32> to vector<16xi32>
        tpu.vector_store %arg39[%swap3A_832], %swap3A_835 {strides = array<i32>} : memref<216xi32, #tpu.memory_space<vmem>>, vector<16xi32>,
        %get3A_836 = arith.constant 96 : index
        %get3A_837 = tpu.vector_load %arg37[%get3A_836] {strides = array<i32>} : memref<200xi32, #tpu.memory_space<vmem>>, vector<16xi32>,
        %get3A_838 = vector.shape_cast %get3A_837 : vector<16xi32> to vector<16xi32>
        %mul3A_839 = arith.constant 8 : i32
        %mul3A_840 = vector.broadcast %mul3A_839 : i32 to vector<16xi32>
        %mul3A_841 = arith.muli %get3A_838, %mul3A_840 : vector<16xi32>
        %get3A_842 = arith.constant 96 : index
        %get3A_843 = tpu.vector_load %arg38[%get3A_842] {strides = array<i32>} : memref<200xi32, #tpu.memory_space<vmem>>, vector<16xi32>,
        %get3A_844 = vector.shape_cast %get3A_843 : vector<16xi32> to vector<16xi32>
        %add3A_845 = arith.addi %mul3A_841, %get3A_844 : vector<16xi32>
        %swap3A_846 = arith.constant 96 : index
        %swap3A_847 = tpu.vector_load %arg39[%swap3A_846] {strides = array<i32>} : memref<216xi32, #tpu.memory_space<vmem>>, vector<16xi32>,
        %swap3A_848 = vector.shape_cast %swap3A_847 : vector<16xi32> to vector<16xi32>
        %swap3A_849 = vector.shape_cast %add3A_845 : vector<16xi32> to vector<16xi32>
        tpu.vector_store %arg39[%swap3A_846], %swap3A_849 {strides = array<i32>} : memref<216xi32, #tpu.memory_space<vmem>>, vector<16xi32>,
        %get3A_850 = arith.constant 112 : index
        %get3A_851 = tpu.vector_load %arg37[%get3A_850] {strides = array<i32>} : memref<200xi32, #tpu.memory_space<vmem>>, vector<16xi32>,
        %get3A_852 = vector.shape_cast %get3A_851 : vector<16xi32> to vector<16xi32>
        %mul3A_853 = arith.constant 8 : i32
        %mul3A_854 = vector.broadcast %mul3A_853 : i32 to vector<16xi32>
        %mul3A_855 = arith.muli %get3A_852, %mul3A_854 : vector<16xi32>
        %get3A_856 = arith.constant 112 : index
        %get3A_857 = tpu.vector_load %arg38[%get3A_856] {strides = array<i32>} : memref<200xi32, #tpu.memory_space<vmem>>, vector<16xi32>,
        %get3A_858 = vector.shape_cast %get3A_857 : vector<16xi32> to vector<16xi32>
        %add3A_859 = arith.addi %mul3A_855, %get3A_858 : vector<16xi32>
        %swap3A_860 = arith.constant 112 : index
        %swap3A_861 = tpu.vector_load %arg39[%swap3A_860] {strides = array<i32>} : memref<216xi32, #tpu.memory_space<vmem>>, vector<16xi32>,
        %swap3A_862 = vector.shape_cast %swap3A_861 : vector<16xi32> to vector<16xi32>
        %swap3A_863 = vector.shape_cast %add3A_859 : vector<16xi32> to vector<16xi32>
        tpu.vector_store %arg39[%swap3A_860], %swap3A_863 {strides = array<i32>} : memref<216xi32, #tpu.memory_space<vmem>>, vector<16xi32>,
        %get3A_864 = arith.constant 128 : index
        %get3A_865 = tpu.vector_load %arg37[%get3A_864] {strides = array<i32>} : memref<200xi32, #tpu.memory_space<vmem>>, vector<16xi32>,
        %get3A_866 = vector.shape_cast %get3A_865 : vector<16xi32> to vector<16xi32>
        %mul3A_867 = arith.constant 8 : i32
        %mul3A_868 = vector.broadcast %mul3A_867 : i32 to vector<16xi32>
        %mul3A_869 = arith.muli %get3A_866, %mul3A_868 : vector<16xi32>
        %get3A_870 = arith.constant 128 : index
        %get3A_871 = tpu.vector_load %arg38[%get3A_870] {strides = array<i32>} : memref<200xi32, #tpu.memory_space<vmem>>, vector<16xi32>,
        %get3A_872 = vector.shape_cast %get3A_871 : vector<16xi32> to vector<16xi32>
        %add3A_873 = arith.addi %mul3A_869, %get3A_872 : vector<16xi32>
        %swap3A_874 = arith.constant 128 : index
        %swap3A_875 = tpu.vector_load %arg39[%swap3A_874] {strides = array<i32>} : memref<216xi32, #tpu.memory_space<vmem>>, vector<16xi32>,
        %swap3A_876 = vector.shape_cast %swap3A_875 : vector<16xi32> to vector<16xi32>
        %swap3A_877 = vector.shape_cast %add3A_873 : vector<16xi32> to vector<16xi32>
        tpu.vector_store %arg39[%swap3A_874], %swap3A_877 {strides = array<i32>} : memref<216xi32, #tpu.memory_space<vmem>>, vector<16xi32>,
        %get3A_878 = arith.constant 144 : index
        %get3A_879 = tpu.vector_load %arg37[%get3A_878] {strides = array<i32>} : memref<200xi32, #tpu.memory_space<vmem>>, vector<16xi32>,
        %get3A_880 = vector.shape_cast %get3A_879 : vector<16xi32> to vector<16xi32>
        %mul3A_881 = arith.constant 8 : i32
        %mul3A_882 = vector.broadcast %mul3A_881 : i32 to vector<16xi32>
        %mul3A_883 = arith.muli %get3A_880, %mul3A_882 : vector<16xi32>
        %get3A_884 = arith.constant 144 : index
        %get3A_885 = tpu.vector_load %arg38[%get3A_884] {strides = array<i32>} : memref<200xi32, #tpu.memory_space<vmem>>, vector<16xi32>,
        %get3A_886 = vector.shape_cast %get3A_885 : vector<16xi32> to vector<16xi32>
        %add3A_887 = arith.addi %mul3A_883, %get3A_886 : vector<16xi32>
        %swap3A_888 = arith.constant 144 : index
        %swap3A_889 = tpu.vector_load %arg39[%swap3A_888] {strides = array<i32>} : memref<216xi32, #tpu.memory_space<vmem>>, vector<16xi32>,
        %swap3A_890 = vector.shape_cast %swap3A_889 : vector<16xi32> to vector<16xi32>
        %swap3A_891 = vector.shape_cast %add3A_887 : vector<16xi32> to vector<16xi32>
        tpu.vector_store %arg39[%swap3A_888], %swap3A_891 {strides = array<i32>} : memref<216xi32, #tpu.memory_space<vmem>>, vector<16xi32>,
        %get3A_892 = arith.constant 160 : index
        %get3A_893 = tpu.vector_load %arg37[%get3A_892] {strides = array<i32>} : memref<200xi32, #tpu.memory_space<vmem>>, vector<16xi32>,
        %get3A_894 = vector.shape_cast %get3A_893 : vector<16xi32> to vector<16xi32>
        %mul3A_895 = arith.constant 8 : i32
        %mul3A_896 = vector.broadcast %mul3A_895 : i32 to vector<16xi32>
        %mul3A_897 = arith.muli %get3A_894, %mul3A_896 : vector<16xi32>
        %get3A_898 = arith.constant 160 : index
        %get3A_899 = tpu.vector_load %arg38[%get3A_898] {strides = array<i32>} : memref<200xi32, #tpu.memory_space<vmem>>, vector<16xi32>,
        %get3A_900 = vector.shape_cast %get3A_899 : vector<16xi32> to vector<16xi32>
        %add3A_901 = arith.addi %mul3A_897, %get3A_900 : vector<16xi32>
        %swap3A_902 = arith.constant 160 : index
        %swap3A_903 = tpu.vector_load %arg39[%swap3A_902] {strides = array<i32>} : memref<216xi32, #tpu.memory_space<vmem>>, vector<16xi32>,
        %swap3A_904 = vector.shape_cast %swap3A_903 : vector<16xi32> to vector<16xi32>
        %swap3A_905 = vector.shape_cast %add3A_901 : vector<16xi32> to vector<16xi32>
        tpu.vector_store %arg39[%swap3A_902], %swap3A_905 {strides = array<i32>} : memref<216xi32, #tpu.memory_space<vmem>>, vector<16xi32>,
        %get3A_906 = arith.constant 176 : index
        %get3A_907 = tpu.vector_load %arg37[%get3A_906] {strides = array<i32>} : memref<200xi32, #tpu.memory_space<vmem>>, vector<16xi32>,
        %get3A_908 = vector.shape_cast %get3A_907 : vector<16xi32> to vector<16xi32>
        %mul3A_909 = arith.constant 8 : i32
        %mul3A_910 = vector.broadcast %mul3A_909 : i32 to vector<16xi32>
        %mul3A_911 = arith.muli %get3A_908, %mul3A_910 : vector<16xi32>
        %get3A_912 = arith.constant 176 : index
        %get3A_913 = tpu.vector_load %arg38[%get3A_912] {strides = array<i32>} : memref<200xi32, #tpu.memory_space<vmem>>, vector<16xi32>,
        %get3A_914 = vector.shape_cast %get3A_913 : vector<16xi32> to vector<16xi32>
        %add3A_915 = arith.addi %mul3A_911, %get3A_914 : vector<16xi32>
        %swap3A_916 = arith.constant 176 : index
        %swap3A_917 = tpu.vector_load %arg39[%swap3A_916] {strides = array<i32>} : memref<216xi32, #tpu.memory_space<vmem>>, vector<16xi32>,
        %swap3A_918 = vector.shape_cast %swap3A_917 : vector<16xi32> to vector<16xi32>
        %swap3A_919 = vector.shape_cast %add3A_915 : vector<16xi32> to vector<16xi32>
        tpu.vector_store %arg39[%swap3A_916], %swap3A_919 {strides = array<i32>} : memref<216xi32, #tpu.memory_space<vmem>>, vector<16xi32>,
        %get3A_920 = arith.constant 184 : index
        %get3A_921 = tpu.vector_load %arg37[%get3A_920] {strides = array<i32>} : memref<200xi32, #tpu.memory_space<vmem>>, vector<16xi32>,
        %get3A_922 = vector.shape_cast %get3A_921 : vector<16xi32> to vector<16xi32>
        %mul3A_923 = arith.constant 8 : i32
        %mul3A_924 = vector.broadcast %mul3A_923 : i32 to vector<16xi32>
        %mul3A_925 = arith.muli %get3A_922, %mul3A_924 : vector<16xi32>
        %get3A_926 = arith.constant 184 : index
        %get3A_927 = tpu.vector_load %arg38[%get3A_926] {strides = array<i32>} : memref<200xi32, #tpu.memory_space<vmem>>, vector<16xi32>,
        %get3A_928 = vector.shape_cast %get3A_927 : vector<16xi32> to vector<16xi32>
        %add3A_929 = arith.addi %mul3A_925, %get3A_928 : vector<16xi32>
        %swap3A_930 = arith.constant 184 : index
        %swap3A_931 = tpu.vector_load %arg39[%swap3A_930] {strides = array<i32>} : memref<216xi32, #tpu.memory_space<vmem>>, vector<16xi32>,
        %swap3A_932 = vector.shape_cast %swap3A_931 : vector<16xi32> to vector<16xi32>
        %swap3A_933 = vector.shape_cast %add3A_929 : vector<16xi32> to vector<16xi32>
        tpu.vector_store %arg39[%swap3A_930], %swap3A_933 {strides = array<i32>} : memref<216xi32, #tpu.memory_space<vmem>>, vector<16xi32>,
      } else {
      }
      %dma_wait3A_525 = arith.constant 0 : i32
      %dma_wait3A_526 = arith.constant 0 : i32
      %dma_wait3A_527 = tpu.memref_slice %arg30[%dma_wait3A_525, %dma_wait3A_526] : memref<200x128xf32, #tpu.memory_space<vmem>> -> memref<128x128xf32, #tpu.memory_space<vmem>>
      %dma_wait3A_528 = arith.constant 0 : i32
      %dma_wait3A_529 = tpu.memref_slice %arg26[%dma_wait3A_528] : memref<200xi32, #tpu.memory_space<vmem>> -> memref<128xi32, #tpu.memory_space<vmem>>
      %dma_wait3A_530 = arith.constant 0 : i32
      %dma_wait3A_531 = arith.constant 0 : i32
      %dma_wait3A_532 = tpu.memref_slice %arg5[%dma_wait3A_530, %dma_wait3A_531] : memref<100000x128xf32, #tpu.memory_space<hbm>> -> memref<100000x128xf32, #tpu.memory_space<hbm>>
      tpu.wait_indirect_dma semaphore(%arg31 : memref<!tpu.dma_semaphore, #tpu.memory_space<semaphore_mem>>) src(%dma_wait3A_532 : memref<100000x128xf32, #tpu.memory_space<hbm>>) dst(%dma_wait3A_527 : memref<128x128xf32, #tpu.memory_space<vmem>>)
      %dma_wait3A_533 = arith.constant 128 : i32
      %dma_wait3A_534 = arith.constant 0 : i32
      %dma_wait3A_535 = tpu.memref_slice %arg30[%dma_wait3A_533, %dma_wait3A_534] : memref<200x128xf32, #tpu.memory_space<vmem>> -> memref<72x128xf32, #tpu.memory_space<vmem>>
      %dma_wait3A_536 = arith.constant 128 : i32
      %dma_wait3A_537 = tpu.memref_slice %arg26[%dma_wait3A_536] : memref<200xi32, #tpu.memory_space<vmem>> -> memref<72xi32, #tpu.memory_space<vmem>>
      %dma_wait3A_538 = arith.constant 0 : i32
      %dma_wait3A_539 = arith.constant 0 : i32
      %dma_wait3A_540 = tpu.memref_slice %arg5[%dma_wait3A_538, %dma_wait3A_539] : memref<100000x128xf32, #tpu.memory_space<hbm>> -> memref<100000x128xf32, #tpu.memory_space<hbm>>
      tpu.wait_indirect_dma semaphore(%arg31 : memref<!tpu.dma_semaphore, #tpu.memory_space<semaphore_mem>>) src(%dma_wait3A_540 : memref<100000x128xf32, #tpu.memory_space<hbm>>) dst(%dma_wait3A_535 : memref<72x128xf32, #tpu.memory_space<vmem>>)
      %dma_start3A_541 = arith.constant 0 : i32
      %dma_start3A_542 = arith.constant 0 : i32
      %dma_start3A_543 = tpu.memref_slice %arg30[%dma_start3A_541, %dma_start3A_542] : memref<200x128xf32, #tpu.memory_space<vmem>> -> memref<128x128xf32, #tpu.memory_space<vmem>>
      %dma_start3A_544 = arith.constant 0 : i32
      %dma_start3A_545 = tpu.memref_slice %arg29[%dma_start3A_544] : memref<216xi32, #tpu.memory_space<vmem>> -> memref<128xi32, #tpu.memory_space<vmem>>
      %dma_start3A_546 = arith.constant 0 : i32
      %dma_start3A_547 = arith.constant 0 : i32
      %dma_start3A_548 = tpu.memref_slice %arg13[%dma_start3A_546, %dma_start3A_547] : memref<64x128xf32, #tpu.memory_space<vmem_shared>> -> memref<64x128xf32, #tpu.memory_space<vmem_shared>>
      tpu.enqueue_indirect_dma source(%dma_start3A_548 : memref<64x128xf32, #tpu.memory_space<vmem_shared>>) target(%dma_start3A_543 : memref<128x128xf32, #tpu.memory_space<vmem>>) offsets(%dma_start3A_545 : memref<128xi32, #tpu.memory_space<vmem>>) semaphore(%arg34 : memref<!tpu.dma_semaphore, #tpu.memory_space<semaphore_mem>>) {add = true}
      %dma_start3A_549 = arith.constant 128 : i32
      %dma_start3A_550 = arith.constant 0 : i32
      %dma_start3A_551 = tpu.memref_slice %arg30[%dma_start3A_549, %dma_start3A_550] : memref<200x128xf32, #tpu.memory_space<vmem>> -> memref<72x128xf32, #tpu.memory_space<vmem>>
      %dma_start3A_552 = arith.constant 128 : i32
      %dma_start3A_553 = tpu.memref_slice %arg29[%dma_start3A_552] : memref<216xi32, #tpu.memory_space<vmem>> -> memref<72xi32, #tpu.memory_space<vmem>>
      %dma_start3A_554 = arith.constant 0 : i32
      %dma_start3A_555 = arith.constant 0 : i32
      %dma_start3A_556 = tpu.memref_slice %arg13[%dma_start3A_554, %dma_start3A_555] : memref<64x128xf32, #tpu.memory_space<vmem_shared>> -> memref<64x128xf32, #tpu.memory_space<vmem_shared>>
      tpu.enqueue_indirect_dma source(%dma_start3A_556 : memref<64x128xf32, #tpu.memory_space<vmem_shared>>) target(%dma_start3A_551 : memref<72x128xf32, #tpu.memory_space<vmem>>) offsets(%dma_start3A_553 : memref<72xi32, #tpu.memory_space<vmem>>) semaphore(%arg34 : memref<!tpu.dma_semaphore, #tpu.memory_space<semaphore_mem>>) {add = true}
      %dma_start3A_557 = arith.constant 0 : i32
      %dma_start3A_558 = arith.constant 0 : i32
      %dma_start3A_559 = tpu.memref_slice %arg30[%dma_start3A_557, %dma_start3A_558] : memref<200x128xf32, #tpu.memory_space<vmem>> -> memref<128x128xf32, #tpu.memory_space<vmem>>
      %dma_start3A_560 = arith.constant 0 : i32
      %dma_start3A_561 = tpu.memref_slice %arg15[%dma_start3A_560] : memref<200xi32, #tpu.memory_space<vmem>> -> memref<128xi32, #tpu.memory_space<vmem>>
      %dma_start3A_562 = arith.constant 0 : i32
      %dma_start3A_563 = arith.constant 0 : i32
      %dma_start3A_564 = tpu.memref_slice %arg14[%dma_start3A_562, %dma_start3A_563] : memref<200x128xf32, #tpu.memory_space<vmem_shared>> -> memref<200x128xf32, #tpu.memory_space<vmem_shared>>
      tpu.enqueue_indirect_dma source(%dma_start3A_564 : memref<200x128xf32, #tpu.memory_space<vmem_shared>>) target(%dma_start3A_559 : memref<128x128xf32, #tpu.memory_space<vmem>>) offsets(%dma_start3A_561 : memref<128xi32, #tpu.memory_space<vmem>>) semaphore(%arg34 : memref<!tpu.dma_semaphore, #tpu.memory_space<semaphore_mem>>) {add = true}
      %dma_start3A_565 = arith.constant 128 : i32
      %dma_start3A_566 = arith.constant 0 : i32
      %dma_start3A_567 = tpu.memref_slice %arg30[%dma_start3A_565, %dma_start3A_566] : memref<200x128xf32, #tpu.memory_space<vmem>> -> memref<72x128xf32, #tpu.memory_space<vmem>>
      %dma_start3A_568 = arith.constant 128 : i32
      %dma_start3A_569 = tpu.memref_slice %arg15[%dma_start3A_568] : memref<200xi32, #tpu.memory_space<vmem>> -> memref<72xi32, #tpu.memory_space<vmem>>
      %dma_start3A_570 = arith.constant 0 : i32
      %dma_start3A_571 = arith.constant 0 : i32
      %dma_start3A_572 = tpu.memref_slice %arg14[%dma_start3A_570, %dma_start3A_571] : memref<200x128xf32, #tpu.memory_space<vmem_shared>> -> memref<200x128xf32, #tpu.memory_space<vmem_shared>>
      tpu.enqueue_indirect_dma source(%dma_start3A_572 : memref<200x128xf32, #tpu.memory_space<vmem_shared>>) target(%dma_start3A_567 : memref<72x128xf32, #tpu.memory_space<vmem>>) offsets(%dma_start3A_569 : memref<72xi32, #tpu.memory_space<vmem>>) semaphore(%arg34 : memref<!tpu.dma_semaphore, #tpu.memory_space<semaphore_mem>>) {add = true}
      %add3A_573 = arith.constant 2 : i32
      %add3A_574 = arith.addi %mul3A_435, %add3A_573 : i32
      %lt3A_575 = arith.constant 30 : i32
      %lt3A_576 = arith.cmpi slt, %add3A_574, %lt3A_575 : i32
      %convert_element_type3A_577 = arith.extui %lt3A_576 : i1 to i32
      %cond3A_578 = arith.constant 0 : i32
      %cond3A_579 = arith.cmpi ne, %convert_element_type3A_577, %cond3A_578 : i32
      scf.if %cond3A_579 {
        %add3A_713 = arith.constant 2 : i32
        %add3A_714 = arith.addi %add3A_574, %add3A_713 : i32
        %add3A_715 = arith.addi %mul3A_2, %add3A_714 : i32
        %mul3A_716 = arith.constant 200 : i32
        %mul3A_717 = arith.muli %add3A_715, %mul3A_716 : i32
        %add3A_718 = arith.constant 128 : i32
        %add3A_719 = arith.addi %mul3A_717, %add3A_718 : i32
        %dma_start3A_720 = arith.constant 0 : i32
        %dma_start3A_721 = tpu.memref_slice %arg16[%dma_start3A_720] : memref<200xi32, #tpu.memory_space<vmem>> -> memref<128xi32, #tpu.memory_space<vmem>>
        %dma_start3A_722 = tpu.memref_slice %arg2[%mul3A_717] : memref<204800xi32, #tpu.memory_space<hbm>> -> memref<128xi32, #tpu.memory_space<hbm>>
        %dma_start3A_723 = arith.constant 0 : i32
        %dma_start3A_724 = tpu.memref_slice %arg16[%dma_start3A_723] : memref<200xi32, #tpu.memory_space<vmem>> -> memref<128xi32, #tpu.memory_space<vmem>>
        %dma_start3A_725 = tpu.memref_slice %arg2[%mul3A_717] : memref<204800xi32, #tpu.memory_space<hbm>> -> memref<128xi32, #tpu.memory_space<hbm>>
        tpu.enqueue_dma source(%dma_start3A_725 : memref<128xi32, #tpu.memory_space<hbm>>) target(%dma_start3A_724 : memref<128xi32, #tpu.memory_space<vmem>>) target_semaphore(%arg23 : memref<!tpu.dma_semaphore, #tpu.memory_space<semaphore_mem>>)
        %dma_start3A_726 = arith.constant 128 : i32
        %dma_start3A_727 = tpu.memref_slice %arg16[%dma_start3A_726] : memref<200xi32, #tpu.memory_space<vmem>> -> memref<72xi32, #tpu.memory_space<vmem>>
        %dma_start3A_728 = tpu.memref_slice %arg2[%add3A_719] : memref<204800xi32, #tpu.memory_space<hbm>> -> memref<72xi32, #tpu.memory_space<hbm>>
        %dma_start3A_729 = arith.constant 128 : i32
        %dma_start3A_730 = tpu.memref_slice %arg16[%dma_start3A_729] : memref<200xi32, #tpu.memory_space<vmem>> -> memref<72xi32, #tpu.memory_space<vmem>>
        %dma_start3A_731 = tpu.memref_slice %arg2[%add3A_719] : memref<204800xi32, #tpu.memory_space<hbm>> -> memref<72xi32, #tpu.memory_space<hbm>>
        tpu.enqueue_dma source(%dma_start3A_731 : memref<72xi32, #tpu.memory_space<hbm>>) target(%dma_start3A_730 : memref<72xi32, #tpu.memory_space<vmem>>) target_semaphore(%arg23 : memref<!tpu.dma_semaphore, #tpu.memory_space<semaphore_mem>>)
        %dma_start3A_732 = tpu.memref_slice %arg3[%mul3A_717] : memref<204800xi32, #tpu.memory_space<hbm>> -> memref<200xi32, #tpu.memory_space<hbm>>
        %dma_start3A_733 = tpu.memref_slice %arg3[%mul3A_717] : memref<204800xi32, #tpu.memory_space<hbm>> -> memref<200xi32, #tpu.memory_space<hbm>>
        tpu.enqueue_dma source(%dma_start3A_733 : memref<200xi32, #tpu.memory_space<hbm>>) target(%arg17 : memref<200xi32, #tpu.memory_space<vmem>>) target_semaphore(%arg23 : memref<!tpu.dma_semaphore, #tpu.memory_space<semaphore_mem>>)
        %dma_start3A_734 = tpu.memref_slice %arg4[%mul3A_717] : memref<204800xi32, #tpu.memory_space<hbm>> -> memref<200xi32, #tpu.memory_space<hbm>>
        %dma_start3A_735 = tpu.memref_slice %arg4[%mul3A_717] : memref<204800xi32, #tpu.memory_space<hbm>> -> memref<200xi32, #tpu.memory_space<hbm>>
        tpu.enqueue_dma source(%dma_start3A_735 : memref<200xi32, #tpu.memory_space<hbm>>) target(%arg18 : memref<200xi32, #tpu.memory_space<vmem>>) target_semaphore(%arg23 : memref<!tpu.dma_semaphore, #tpu.memory_space<semaphore_mem>>)
      } else {
      }
      %gt3A_580 = arith.constant 0 : i32
      %gt3A_581 = arith.cmpi sgt, %add3A_574, %gt3A_580 : i32
      %convert_element_type3A_582 = arith.extui %gt3A_581 : i1 to i32
      %cond3A_583 = arith.constant 0 : i32
      %cond3A_584 = arith.cmpi ne, %convert_element_type3A_582, %cond3A_583 : i32
      scf.if %cond3A_584 {
        %dma_wait3A_713 = arith.constant 0 : i32
        %dma_wait3A_714 = arith.constant 0 : i32
        %dma_wait3A_715 = tpu.memref_slice %arg30[%dma_wait3A_713, %dma_wait3A_714] : memref<200x128xf32, #tpu.memory_space<vmem>> -> memref<128x128xf32, #tpu.memory_space<vmem>>
        %dma_wait3A_716 = arith.constant 0 : i32
        %dma_wait3A_717 = tpu.memref_slice %arg29[%dma_wait3A_716] : memref<216xi32, #tpu.memory_space<vmem>> -> memref<128xi32, #tpu.memory_space<vmem>>
        %dma_wait3A_718 = arith.constant 0 : i32
        %dma_wait3A_719 = arith.constant 0 : i32
        %dma_wait3A_720 = tpu.memref_slice %arg13[%dma_wait3A_718, %dma_wait3A_719] : memref<64x128xf32, #tpu.memory_space<vmem_shared>> -> memref<64x128xf32, #tpu.memory_space<vmem_shared>>
        tpu.wait_indirect_dma semaphore(%arg34 : memref<!tpu.dma_semaphore, #tpu.memory_space<semaphore_mem>>) src(%dma_wait3A_720 : memref<64x128xf32, #tpu.memory_space<vmem_shared>>) dst(%dma_wait3A_715 : memref<128x128xf32, #tpu.memory_space<vmem>>)
        %dma_wait3A_721 = arith.constant 128 : i32
        %dma_wait3A_722 = arith.constant 0 : i32
        %dma_wait3A_723 = tpu.memref_slice %arg30[%dma_wait3A_721, %dma_wait3A_722] : memref<200x128xf32, #tpu.memory_space<vmem>> -> memref<72x128xf32, #tpu.memory_space<vmem>>
        %dma_wait3A_724 = arith.constant 128 : i32
        %dma_wait3A_725 = tpu.memref_slice %arg29[%dma_wait3A_724] : memref<216xi32, #tpu.memory_space<vmem>> -> memref<72xi32, #tpu.memory_space<vmem>>
        %dma_wait3A_726 = arith.constant 0 : i32
        %dma_wait3A_727 = arith.constant 0 : i32
        %dma_wait3A_728 = tpu.memref_slice %arg13[%dma_wait3A_726, %dma_wait3A_727] : memref<64x128xf32, #tpu.memory_space<vmem_shared>> -> memref<64x128xf32, #tpu.memory_space<vmem_shared>>
        tpu.wait_indirect_dma semaphore(%arg34 : memref<!tpu.dma_semaphore, #tpu.memory_space<semaphore_mem>>) src(%dma_wait3A_728 : memref<64x128xf32, #tpu.memory_space<vmem_shared>>) dst(%dma_wait3A_723 : memref<72x128xf32, #tpu.memory_space<vmem>>)
        %dma_wait3A_729 = arith.constant 0 : i32
        %dma_wait3A_730 = arith.constant 0 : i32
        %dma_wait3A_731 = tpu.memref_slice %arg30[%dma_wait3A_729, %dma_wait3A_730] : memref<200x128xf32, #tpu.memory_space<vmem>> -> memref<128x128xf32, #tpu.memory_space<vmem>>
        %dma_wait3A_732 = arith.constant 0 : i32
        %dma_wait3A_733 = tpu.memref_slice %arg15[%dma_wait3A_732] : memref<200xi32, #tpu.memory_space<vmem>> -> memref<128xi32, #tpu.memory_space<vmem>>
        %dma_wait3A_734 = arith.constant 0 : i32
        %dma_wait3A_735 = arith.constant 0 : i32
        %dma_wait3A_736 = tpu.memref_slice %arg14[%dma_wait3A_734, %dma_wait3A_735] : memref<200x128xf32, #tpu.memory_space<vmem_shared>> -> memref<200x128xf32, #tpu.memory_space<vmem_shared>>
        tpu.wait_indirect_dma semaphore(%arg34 : memref<!tpu.dma_semaphore, #tpu.memory_space<semaphore_mem>>) src(%dma_wait3A_736 : memref<200x128xf32, #tpu.memory_space<vmem_shared>>) dst(%dma_wait3A_731 : memref<128x128xf32, #tpu.memory_space<vmem>>)
        %dma_wait3A_737 = arith.constant 128 : i32
        %dma_wait3A_738 = arith.constant 0 : i32
        %dma_wait3A_739 = tpu.memref_slice %arg30[%dma_wait3A_737, %dma_wait3A_738] : memref<200x128xf32, #tpu.memory_space<vmem>> -> memref<72x128xf32, #tpu.memory_space<vmem>>
        %dma_wait3A_740 = arith.constant 128 : i32
        %dma_wait3A_741 = tpu.memref_slice %arg15[%dma_wait3A_740] : memref<200xi32, #tpu.memory_space<vmem>> -> memref<72xi32, #tpu.memory_space<vmem>>
        %dma_wait3A_742 = arith.constant 0 : i32
        %dma_wait3A_743 = arith.constant 0 : i32
        %dma_wait3A_744 = tpu.memref_slice %arg14[%dma_wait3A_742, %dma_wait3A_743] : memref<200x128xf32, #tpu.memory_space<vmem_shared>> -> memref<200x128xf32, #tpu.memory_space<vmem_shared>>
        tpu.wait_indirect_dma semaphore(%arg34 : memref<!tpu.dma_semaphore, #tpu.memory_space<semaphore_mem>>) src(%dma_wait3A_744 : memref<200x128xf32, #tpu.memory_space<vmem_shared>>) dst(%dma_wait3A_739 : memref<72x128xf32, #tpu.memory_space<vmem>>)
        %sub3A = arith.constant 1 : i32
        %sub3A_745 = arith.subi %add3A_574, %sub3A : i32
        %add3A_746 = arith.addi %mul3A_2, %sub3A_745 : i32
        %dma_start3A_747 = arith.constant 0 : i32
        %dma_start3A_748 = arith.constant 0 : i32
        %dma_start3A_749 = tpu.memref_slice %arg9[%add3A_746, %dma_start3A_747, %dma_start3A_748] : memref<1024x200x128xf32, #tpu.memory_space<hbm>> -> memref<1x200x128xf32, #tpu.memory_space<hbm>>
        %dma_start3A_750 = tpu.memref_squeeze %dma_start3A_749 : memref<1x200x128xf32, #tpu.memory_space<hbm>> -> memref<200x128xf32, #tpu.memory_space<hbm>>
        %dma_start3A_751 = arith.constant 0 : i32
        %dma_start3A_752 = arith.constant 0 : i32
        %dma_start3A_753 = tpu.memref_slice %arg9[%add3A_746, %dma_start3A_751, %dma_start3A_752] : memref<1024x200x128xf32, #tpu.memory_space<hbm>> -> memref<1x200x128xf32, #tpu.memory_space<hbm>>
        %dma_start3A_754 = tpu.memref_squeeze %dma_start3A_753 : memref<1x200x128xf32, #tpu.memory_space<hbm>> -> memref<200x128xf32, #tpu.memory_space<hbm>>
        tpu.enqueue_dma source(%arg30 : memref<200x128xf32, #tpu.memory_space<vmem>>) target(%dma_start3A_754 : memref<200x128xf32, #tpu.memory_space<hbm>>) target_semaphore(%arg32 : memref<!tpu.dma_semaphore, #tpu.memory_space<semaphore_mem>>)
      } else {
      }
      %ge3A_585 = arith.constant 3 : i32
      %ge3A_586 = arith.cmpi sge, %add3A_574, %ge3A_585 : i32
      %convert_element_type3A_587 = arith.extui %ge3A_586 : i1 to i32
      %cond3A_588 = arith.constant 0 : i32
      %cond3A_589 = arith.cmpi ne, %convert_element_type3A_587, %cond3A_588 : i32
      scf.if %cond3A_589 {
        %sub3A = arith.constant 3 : i32
        %sub3A_713 = arith.subi %add3A_574, %sub3A : i32
        %add3A_714 = arith.addi %mul3A_2, %sub3A_713 : i32
        %dma_wait3A_715 = arith.constant 0 : i32
        %dma_wait3A_716 = arith.constant 0 : i32
        %dma_wait3A_717 = tpu.memref_slice %arg9[%add3A_714, %dma_wait3A_715, %dma_wait3A_716] : memref<1024x200x128xf32, #tpu.memory_space<hbm>> -> memref<1x200x128xf32, #tpu.memory_space<hbm>>
        %dma_wait3A_718 = tpu.memref_squeeze %dma_wait3A_717 : memref<1x200x128xf32, #tpu.memory_space<hbm>> -> memref<200x128xf32, #tpu.memory_space<hbm>>
        %dma_wait3A_719 = arith.constant 0 : i32
        %dma_wait3A_720 = arith.constant 0 : i32
        %dma_wait3A_721 = tpu.memref_slice %arg9[%add3A_714, %dma_wait3A_719, %dma_wait3A_720] : memref<1024x200x128xf32, #tpu.memory_space<hbm>> -> memref<1x200x128xf32, #tpu.memory_space<hbm>>
        %dma_wait3A_722 = tpu.memref_squeeze %dma_wait3A_721 : memref<1x200x128xf32, #tpu.memory_space<hbm>> -> memref<200x128xf32, #tpu.memory_space<hbm>>
        tpu.wait_dma2 semaphore(%arg52 : memref<!tpu.dma_semaphore, #tpu.memory_space<semaphore_mem>>) src(%arg50 : memref<200x128xf32, #tpu.memory_space<vmem>>) dst(%dma_wait3A_722 : memref<200x128xf32, #tpu.memory_space<hbm>>)
      } else {
      }
      %lt3A_590 = arith.constant 31 : i32
      %lt3A_591 = arith.cmpi slt, %add3A_574, %lt3A_590 : i32
      %convert_element_type3A_592 = arith.extui %lt3A_591 : i1 to i32
      %cond3A_593 = arith.constant 0 : i32
      %cond3A_594 = arith.cmpi ne, %convert_element_type3A_592, %cond3A_593 : i32
      scf.if %cond3A_594 {
        %add3A_713 = arith.constant 1 : i32
        %add3A_714 = arith.addi %add3A_574, %add3A_713 : i32
        %add3A_715 = arith.addi %mul3A_2, %add3A_714 : i32
        %mul3A_716 = arith.constant 200 : i32
        %mul3A_717 = arith.muli %add3A_715, %mul3A_716 : i32
        %add3A_718 = arith.constant 128 : i32
        %add3A_719 = arith.addi %mul3A_717, %add3A_718 : i32
        %dma_wait3A_720 = arith.constant 0 : i32
        %dma_wait3A_721 = tpu.memref_slice %arg46[%dma_wait3A_720] : memref<200xi32, #tpu.memory_space<vmem>> -> memref<128xi32, #tpu.memory_space<vmem>>
        %dma_wait3A_722 = tpu.memref_slice %arg2[%mul3A_717] : memref<204800xi32, #tpu.memory_space<hbm>> -> memref<128xi32, #tpu.memory_space<hbm>>
        %dma_wait3A_723 = arith.constant 0 : i32
        %dma_wait3A_724 = tpu.memref_slice %arg46[%dma_wait3A_723] : memref<200xi32, #tpu.memory_space<vmem>> -> memref<128xi32, #tpu.memory_space<vmem>>
        %dma_wait3A_725 = tpu.memref_slice %arg2[%mul3A_717] : memref<204800xi32, #tpu.memory_space<hbm>> -> memref<128xi32, #tpu.memory_space<hbm>>
        tpu.wait_dma2 semaphore(%arg53 : memref<!tpu.dma_semaphore, #tpu.memory_space<semaphore_mem>>) src(%dma_wait3A_725 : memref<128xi32, #tpu.memory_space<hbm>>) dst(%dma_wait3A_724 : memref<128xi32, #tpu.memory_space<vmem>>)
        %dma_wait3A_726 = arith.constant 128 : i32
        %dma_wait3A_727 = tpu.memref_slice %arg46[%dma_wait3A_726] : memref<200xi32, #tpu.memory_space<vmem>> -> memref<72xi32, #tpu.memory_space<vmem>>
        %dma_wait3A_728 = tpu.memref_slice %arg2[%add3A_719] : memref<204800xi32, #tpu.memory_space<hbm>> -> memref<72xi32, #tpu.memory_space<hbm>>
        %dma_wait3A_729 = arith.constant 128 : i32
        %dma_wait3A_730 = tpu.memref_slice %arg46[%dma_wait3A_729] : memref<200xi32, #tpu.memory_space<vmem>> -> memref<72xi32, #tpu.memory_space<vmem>>
        %dma_wait3A_731 = tpu.memref_slice %arg2[%add3A_719] : memref<204800xi32, #tpu.memory_space<hbm>> -> memref<72xi32, #tpu.memory_space<hbm>>
        tpu.wait_dma2 semaphore(%arg53 : memref<!tpu.dma_semaphore, #tpu.memory_space<semaphore_mem>>) src(%dma_wait3A_731 : memref<72xi32, #tpu.memory_space<hbm>>) dst(%dma_wait3A_730 : memref<72xi32, #tpu.memory_space<vmem>>)
        %dma_wait3A_732 = tpu.memref_slice %arg3[%mul3A_717] : memref<204800xi32, #tpu.memory_space<hbm>> -> memref<200xi32, #tpu.memory_space<hbm>>
        %dma_wait3A_733 = tpu.memref_slice %arg3[%mul3A_717] : memref<204800xi32, #tpu.memory_space<hbm>> -> memref<200xi32, #tpu.memory_space<hbm>>
        tpu.wait_dma2 semaphore(%arg53 : memref<!tpu.dma_semaphore, #tpu.memory_space<semaphore_mem>>) src(%dma_wait3A_733 : memref<200xi32, #tpu.memory_space<hbm>>) dst(%arg47 : memref<200xi32, #tpu.memory_space<vmem>>)
        %dma_wait3A_734 = tpu.memref_slice %arg4[%mul3A_717] : memref<204800xi32, #tpu.memory_space<hbm>> -> memref<200xi32, #tpu.memory_space<hbm>>
        %dma_wait3A_735 = tpu.memref_slice %arg4[%mul3A_717] : memref<204800xi32, #tpu.memory_space<hbm>> -> memref<200xi32, #tpu.memory_space<hbm>>
        tpu.wait_dma2 semaphore(%arg53 : memref<!tpu.dma_semaphore, #tpu.memory_space<semaphore_mem>>) src(%dma_wait3A_735 : memref<200xi32, #tpu.memory_space<hbm>>) dst(%arg48 : memref<200xi32, #tpu.memory_space<vmem>>)
        %dma_start3A_736 = arith.constant 0 : i32
        %dma_start3A_737 = arith.constant 0 : i32
        %dma_start3A_738 = tpu.memref_slice %arg50[%dma_start3A_736, %dma_start3A_737] : memref<200x128xf32, #tpu.memory_space<vmem>> -> memref<128x128xf32, #tpu.memory_space<vmem>>
        %dma_start3A_739 = arith.constant 0 : i32
        %dma_start3A_740 = tpu.memref_slice %arg46[%dma_start3A_739] : memref<200xi32, #tpu.memory_space<vmem>> -> memref<128xi32, #tpu.memory_space<vmem>>
        %dma_start3A_741 = arith.constant 0 : i32
        %dma_start3A_742 = arith.constant 0 : i32
        %dma_start3A_743 = tpu.memref_slice %arg5[%dma_start3A_741, %dma_start3A_742] : memref<100000x128xf32, #tpu.memory_space<hbm>> -> memref<100000x128xf32, #tpu.memory_space<hbm>>
        tpu.enqueue_indirect_dma source(%dma_start3A_743 : memref<100000x128xf32, #tpu.memory_space<hbm>>) target(%dma_start3A_738 : memref<128x128xf32, #tpu.memory_space<vmem>>) offsets(%dma_start3A_740 : memref<128xi32, #tpu.memory_space<vmem>>) semaphore(%arg51 : memref<!tpu.dma_semaphore, #tpu.memory_space<semaphore_mem>>)
        %dma_start3A_744 = arith.constant 128 : i32
        %dma_start3A_745 = arith.constant 0 : i32
        %dma_start3A_746 = tpu.memref_slice %arg50[%dma_start3A_744, %dma_start3A_745] : memref<200x128xf32, #tpu.memory_space<vmem>> -> memref<72x128xf32, #tpu.memory_space<vmem>>
        %dma_start3A_747 = arith.constant 128 : i32
        %dma_start3A_748 = tpu.memref_slice %arg46[%dma_start3A_747] : memref<200xi32, #tpu.memory_space<vmem>> -> memref<72xi32, #tpu.memory_space<vmem>>
        %dma_start3A_749 = arith.constant 0 : i32
        %dma_start3A_750 = arith.constant 0 : i32
        %dma_start3A_751 = tpu.memref_slice %arg5[%dma_start3A_749, %dma_start3A_750] : memref<100000x128xf32, #tpu.memory_space<hbm>> -> memref<100000x128xf32, #tpu.memory_space<hbm>>
        tpu.enqueue_indirect_dma source(%dma_start3A_751 : memref<100000x128xf32, #tpu.memory_space<hbm>>) target(%dma_start3A_746 : memref<72x128xf32, #tpu.memory_space<vmem>>) offsets(%dma_start3A_748 : memref<72xi32, #tpu.memory_space<vmem>>) semaphore(%arg51 : memref<!tpu.dma_semaphore, #tpu.memory_space<semaphore_mem>>)
        %get3A_752 = arith.constant 0 : index
        %get3A_753 = tpu.vector_load %arg47[%get3A_752] {strides = array<i32>} : memref<200xi32, #tpu.memory_space<vmem>>, vector<16xi32>,
        %get3A_754 = vector.shape_cast %get3A_753 : vector<16xi32> to vector<16xi32>
        %mul3A_755 = arith.constant 8 : i32
        %mul3A_756 = vector.broadcast %mul3A_755 : i32 to vector<16xi32>
        %mul3A_757 = arith.muli %get3A_754, %mul3A_756 : vector<16xi32>
        %get3A_758 = arith.constant 0 : index
        %get3A_759 = tpu.vector_load %arg48[%get3A_758] {strides = array<i32>} : memref<200xi32, #tpu.memory_space<vmem>>, vector<16xi32>,
        %get3A_760 = vector.shape_cast %get3A_759 : vector<16xi32> to vector<16xi32>
        %add3A_761 = arith.addi %mul3A_757, %get3A_760 : vector<16xi32>
        %swap3A_762 = arith.constant 0 : index
        %swap3A_763 = tpu.vector_load %arg49[%swap3A_762] {strides = array<i32>} : memref<216xi32, #tpu.memory_space<vmem>>, vector<16xi32>,
        %swap3A_764 = vector.shape_cast %swap3A_763 : vector<16xi32> to vector<16xi32>
        %swap3A_765 = vector.shape_cast %add3A_761 : vector<16xi32> to vector<16xi32>
        tpu.vector_store %arg49[%swap3A_762], %swap3A_765 {strides = array<i32>} : memref<216xi32, #tpu.memory_space<vmem>>, vector<16xi32>,
        %get3A_766 = arith.constant 16 : index
        %get3A_767 = tpu.vector_load %arg47[%get3A_766] {strides = array<i32>} : memref<200xi32, #tpu.memory_space<vmem>>, vector<16xi32>,
        %get3A_768 = vector.shape_cast %get3A_767 : vector<16xi32> to vector<16xi32>
        %mul3A_769 = arith.constant 8 : i32
        %mul3A_770 = vector.broadcast %mul3A_769 : i32 to vector<16xi32>
        %mul3A_771 = arith.muli %get3A_768, %mul3A_770 : vector<16xi32>
        %get3A_772 = arith.constant 16 : index
        %get3A_773 = tpu.vector_load %arg48[%get3A_772] {strides = array<i32>} : memref<200xi32, #tpu.memory_space<vmem>>, vector<16xi32>,
        %get3A_774 = vector.shape_cast %get3A_773 : vector<16xi32> to vector<16xi32>
        %add3A_775 = arith.addi %mul3A_771, %get3A_774 : vector<16xi32>
        %swap3A_776 = arith.constant 16 : index
        %swap3A_777 = tpu.vector_load %arg49[%swap3A_776] {strides = array<i32>} : memref<216xi32, #tpu.memory_space<vmem>>, vector<16xi32>,
        %swap3A_778 = vector.shape_cast %swap3A_777 : vector<16xi32> to vector<16xi32>
        %swap3A_779 = vector.shape_cast %add3A_775 : vector<16xi32> to vector<16xi32>
        tpu.vector_store %arg49[%swap3A_776], %swap3A_779 {strides = array<i32>} : memref<216xi32, #tpu.memory_space<vmem>>, vector<16xi32>,
        %get3A_780 = arith.constant 32 : index
        %get3A_781 = tpu.vector_load %arg47[%get3A_780] {strides = array<i32>} : memref<200xi32, #tpu.memory_space<vmem>>, vector<16xi32>,
        %get3A_782 = vector.shape_cast %get3A_781 : vector<16xi32> to vector<16xi32>
        %mul3A_783 = arith.constant 8 : i32
        %mul3A_784 = vector.broadcast %mul3A_783 : i32 to vector<16xi32>
        %mul3A_785 = arith.muli %get3A_782, %mul3A_784 : vector<16xi32>
        %get3A_786 = arith.constant 32 : index
        %get3A_787 = tpu.vector_load %arg48[%get3A_786] {strides = array<i32>} : memref<200xi32, #tpu.memory_space<vmem>>, vector<16xi32>,
        %get3A_788 = vector.shape_cast %get3A_787 : vector<16xi32> to vector<16xi32>
        %add3A_789 = arith.addi %mul3A_785, %get3A_788 : vector<16xi32>
        %swap3A_790 = arith.constant 32 : index
        %swap3A_791 = tpu.vector_load %arg49[%swap3A_790] {strides = array<i32>} : memref<216xi32, #tpu.memory_space<vmem>>, vector<16xi32>,
        %swap3A_792 = vector.shape_cast %swap3A_791 : vector<16xi32> to vector<16xi32>
        %swap3A_793 = vector.shape_cast %add3A_789 : vector<16xi32> to vector<16xi32>
        tpu.vector_store %arg49[%swap3A_790], %swap3A_793 {strides = array<i32>} : memref<216xi32, #tpu.memory_space<vmem>>, vector<16xi32>,
        %get3A_794 = arith.constant 48 : index
        %get3A_795 = tpu.vector_load %arg47[%get3A_794] {strides = array<i32>} : memref<200xi32, #tpu.memory_space<vmem>>, vector<16xi32>,
        %get3A_796 = vector.shape_cast %get3A_795 : vector<16xi32> to vector<16xi32>
        %mul3A_797 = arith.constant 8 : i32
        %mul3A_798 = vector.broadcast %mul3A_797 : i32 to vector<16xi32>
        %mul3A_799 = arith.muli %get3A_796, %mul3A_798 : vector<16xi32>
        %get3A_800 = arith.constant 48 : index
        %get3A_801 = tpu.vector_load %arg48[%get3A_800] {strides = array<i32>} : memref<200xi32, #tpu.memory_space<vmem>>, vector<16xi32>,
        %get3A_802 = vector.shape_cast %get3A_801 : vector<16xi32> to vector<16xi32>
        %add3A_803 = arith.addi %mul3A_799, %get3A_802 : vector<16xi32>
        %swap3A_804 = arith.constant 48 : index
        %swap3A_805 = tpu.vector_load %arg49[%swap3A_804] {strides = array<i32>} : memref<216xi32, #tpu.memory_space<vmem>>, vector<16xi32>,
        %swap3A_806 = vector.shape_cast %swap3A_805 : vector<16xi32> to vector<16xi32>
        %swap3A_807 = vector.shape_cast %add3A_803 : vector<16xi32> to vector<16xi32>
        tpu.vector_store %arg49[%swap3A_804], %swap3A_807 {strides = array<i32>} : memref<216xi32, #tpu.memory_space<vmem>>, vector<16xi32>,
        %get3A_808 = arith.constant 64 : index
        %get3A_809 = tpu.vector_load %arg47[%get3A_808] {strides = array<i32>} : memref<200xi32, #tpu.memory_space<vmem>>, vector<16xi32>,
        %get3A_810 = vector.shape_cast %get3A_809 : vector<16xi32> to vector<16xi32>
        %mul3A_811 = arith.constant 8 : i32
        %mul3A_812 = vector.broadcast %mul3A_811 : i32 to vector<16xi32>
        %mul3A_813 = arith.muli %get3A_810, %mul3A_812 : vector<16xi32>
        %get3A_814 = arith.constant 64 : index
        %get3A_815 = tpu.vector_load %arg48[%get3A_814] {strides = array<i32>} : memref<200xi32, #tpu.memory_space<vmem>>, vector<16xi32>,
        %get3A_816 = vector.shape_cast %get3A_815 : vector<16xi32> to vector<16xi32>
        %add3A_817 = arith.addi %mul3A_813, %get3A_816 : vector<16xi32>
        %swap3A_818 = arith.constant 64 : index
        %swap3A_819 = tpu.vector_load %arg49[%swap3A_818] {strides = array<i32>} : memref<216xi32, #tpu.memory_space<vmem>>, vector<16xi32>,
        %swap3A_820 = vector.shape_cast %swap3A_819 : vector<16xi32> to vector<16xi32>
        %swap3A_821 = vector.shape_cast %add3A_817 : vector<16xi32> to vector<16xi32>
        tpu.vector_store %arg49[%swap3A_818], %swap3A_821 {strides = array<i32>} : memref<216xi32, #tpu.memory_space<vmem>>, vector<16xi32>,
        %get3A_822 = arith.constant 80 : index
        %get3A_823 = tpu.vector_load %arg47[%get3A_822] {strides = array<i32>} : memref<200xi32, #tpu.memory_space<vmem>>, vector<16xi32>,
        %get3A_824 = vector.shape_cast %get3A_823 : vector<16xi32> to vector<16xi32>
        %mul3A_825 = arith.constant 8 : i32
        %mul3A_826 = vector.broadcast %mul3A_825 : i32 to vector<16xi32>
        %mul3A_827 = arith.muli %get3A_824, %mul3A_826 : vector<16xi32>
        %get3A_828 = arith.constant 80 : index
        %get3A_829 = tpu.vector_load %arg48[%get3A_828] {strides = array<i32>} : memref<200xi32, #tpu.memory_space<vmem>>, vector<16xi32>,
        %get3A_830 = vector.shape_cast %get3A_829 : vector<16xi32> to vector<16xi32>
        %add3A_831 = arith.addi %mul3A_827, %get3A_830 : vector<16xi32>
        %swap3A_832 = arith.constant 80 : index
        %swap3A_833 = tpu.vector_load %arg49[%swap3A_832] {strides = array<i32>} : memref<216xi32, #tpu.memory_space<vmem>>, vector<16xi32>,
        %swap3A_834 = vector.shape_cast %swap3A_833 : vector<16xi32> to vector<16xi32>
        %swap3A_835 = vector.shape_cast %add3A_831 : vector<16xi32> to vector<16xi32>
        tpu.vector_store %arg49[%swap3A_832], %swap3A_835 {strides = array<i32>} : memref<216xi32, #tpu.memory_space<vmem>>, vector<16xi32>,
        %get3A_836 = arith.constant 96 : index
        %get3A_837 = tpu.vector_load %arg47[%get3A_836] {strides = array<i32>} : memref<200xi32, #tpu.memory_space<vmem>>, vector<16xi32>,
        %get3A_838 = vector.shape_cast %get3A_837 : vector<16xi32> to vector<16xi32>
        %mul3A_839 = arith.constant 8 : i32
        %mul3A_840 = vector.broadcast %mul3A_839 : i32 to vector<16xi32>
        %mul3A_841 = arith.muli %get3A_838, %mul3A_840 : vector<16xi32>
        %get3A_842 = arith.constant 96 : index
        %get3A_843 = tpu.vector_load %arg48[%get3A_842] {strides = array<i32>} : memref<200xi32, #tpu.memory_space<vmem>>, vector<16xi32>,
        %get3A_844 = vector.shape_cast %get3A_843 : vector<16xi32> to vector<16xi32>
        %add3A_845 = arith.addi %mul3A_841, %get3A_844 : vector<16xi32>
        %swap3A_846 = arith.constant 96 : index
        %swap3A_847 = tpu.vector_load %arg49[%swap3A_846] {strides = array<i32>} : memref<216xi32, #tpu.memory_space<vmem>>, vector<16xi32>,
        %swap3A_848 = vector.shape_cast %swap3A_847 : vector<16xi32> to vector<16xi32>
        %swap3A_849 = vector.shape_cast %add3A_845 : vector<16xi32> to vector<16xi32>
        tpu.vector_store %arg49[%swap3A_846], %swap3A_849 {strides = array<i32>} : memref<216xi32, #tpu.memory_space<vmem>>, vector<16xi32>,
        %get3A_850 = arith.constant 112 : index
        %get3A_851 = tpu.vector_load %arg47[%get3A_850] {strides = array<i32>} : memref<200xi32, #tpu.memory_space<vmem>>, vector<16xi32>,
        %get3A_852 = vector.shape_cast %get3A_851 : vector<16xi32> to vector<16xi32>
        %mul3A_853 = arith.constant 8 : i32
        %mul3A_854 = vector.broadcast %mul3A_853 : i32 to vector<16xi32>
        %mul3A_855 = arith.muli %get3A_852, %mul3A_854 : vector<16xi32>
        %get3A_856 = arith.constant 112 : index
        %get3A_857 = tpu.vector_load %arg48[%get3A_856] {strides = array<i32>} : memref<200xi32, #tpu.memory_space<vmem>>, vector<16xi32>,
        %get3A_858 = vector.shape_cast %get3A_857 : vector<16xi32> to vector<16xi32>
        %add3A_859 = arith.addi %mul3A_855, %get3A_858 : vector<16xi32>
        %swap3A_860 = arith.constant 112 : index
        %swap3A_861 = tpu.vector_load %arg49[%swap3A_860] {strides = array<i32>} : memref<216xi32, #tpu.memory_space<vmem>>, vector<16xi32>,
        %swap3A_862 = vector.shape_cast %swap3A_861 : vector<16xi32> to vector<16xi32>
        %swap3A_863 = vector.shape_cast %add3A_859 : vector<16xi32> to vector<16xi32>
        tpu.vector_store %arg49[%swap3A_860], %swap3A_863 {strides = array<i32>} : memref<216xi32, #tpu.memory_space<vmem>>, vector<16xi32>,
        %get3A_864 = arith.constant 128 : index
        %get3A_865 = tpu.vector_load %arg47[%get3A_864] {strides = array<i32>} : memref<200xi32, #tpu.memory_space<vmem>>, vector<16xi32>,
        %get3A_866 = vector.shape_cast %get3A_865 : vector<16xi32> to vector<16xi32>
        %mul3A_867 = arith.constant 8 : i32
        %mul3A_868 = vector.broadcast %mul3A_867 : i32 to vector<16xi32>
        %mul3A_869 = arith.muli %get3A_866, %mul3A_868 : vector<16xi32>
        %get3A_870 = arith.constant 128 : index
        %get3A_871 = tpu.vector_load %arg48[%get3A_870] {strides = array<i32>} : memref<200xi32, #tpu.memory_space<vmem>>, vector<16xi32>,
        %get3A_872 = vector.shape_cast %get3A_871 : vector<16xi32> to vector<16xi32>
        %add3A_873 = arith.addi %mul3A_869, %get3A_872 : vector<16xi32>
        %swap3A_874 = arith.constant 128 : index
        %swap3A_875 = tpu.vector_load %arg49[%swap3A_874] {strides = array<i32>} : memref<216xi32, #tpu.memory_space<vmem>>, vector<16xi32>,
        %swap3A_876 = vector.shape_cast %swap3A_875 : vector<16xi32> to vector<16xi32>
        %swap3A_877 = vector.shape_cast %add3A_873 : vector<16xi32> to vector<16xi32>
        tpu.vector_store %arg49[%swap3A_874], %swap3A_877 {strides = array<i32>} : memref<216xi32, #tpu.memory_space<vmem>>, vector<16xi32>,
        %get3A_878 = arith.constant 144 : index
        %get3A_879 = tpu.vector_load %arg47[%get3A_878] {strides = array<i32>} : memref<200xi32, #tpu.memory_space<vmem>>, vector<16xi32>,
        %get3A_880 = vector.shape_cast %get3A_879 : vector<16xi32> to vector<16xi32>
        %mul3A_881 = arith.constant 8 : i32
        %mul3A_882 = vector.broadcast %mul3A_881 : i32 to vector<16xi32>
        %mul3A_883 = arith.muli %get3A_880, %mul3A_882 : vector<16xi32>
        %get3A_884 = arith.constant 144 : index
        %get3A_885 = tpu.vector_load %arg48[%get3A_884] {strides = array<i32>} : memref<200xi32, #tpu.memory_space<vmem>>, vector<16xi32>,
        %get3A_886 = vector.shape_cast %get3A_885 : vector<16xi32> to vector<16xi32>
        %add3A_887 = arith.addi %mul3A_883, %get3A_886 : vector<16xi32>
        %swap3A_888 = arith.constant 144 : index
        %swap3A_889 = tpu.vector_load %arg49[%swap3A_888] {strides = array<i32>} : memref<216xi32, #tpu.memory_space<vmem>>, vector<16xi32>,
        %swap3A_890 = vector.shape_cast %swap3A_889 : vector<16xi32> to vector<16xi32>
        %swap3A_891 = vector.shape_cast %add3A_887 : vector<16xi32> to vector<16xi32>
        tpu.vector_store %arg49[%swap3A_888], %swap3A_891 {strides = array<i32>} : memref<216xi32, #tpu.memory_space<vmem>>, vector<16xi32>,
        %get3A_892 = arith.constant 160 : index
        %get3A_893 = tpu.vector_load %arg47[%get3A_892] {strides = array<i32>} : memref<200xi32, #tpu.memory_space<vmem>>, vector<16xi32>,
        %get3A_894 = vector.shape_cast %get3A_893 : vector<16xi32> to vector<16xi32>
        %mul3A_895 = arith.constant 8 : i32
        %mul3A_896 = vector.broadcast %mul3A_895 : i32 to vector<16xi32>
        %mul3A_897 = arith.muli %get3A_894, %mul3A_896 : vector<16xi32>
        %get3A_898 = arith.constant 160 : index
        %get3A_899 = tpu.vector_load %arg48[%get3A_898] {strides = array<i32>} : memref<200xi32, #tpu.memory_space<vmem>>, vector<16xi32>,
        %get3A_900 = vector.shape_cast %get3A_899 : vector<16xi32> to vector<16xi32>
        %add3A_901 = arith.addi %mul3A_897, %get3A_900 : vector<16xi32>
        %swap3A_902 = arith.constant 160 : index
        %swap3A_903 = tpu.vector_load %arg49[%swap3A_902] {strides = array<i32>} : memref<216xi32, #tpu.memory_space<vmem>>, vector<16xi32>,
        %swap3A_904 = vector.shape_cast %swap3A_903 : vector<16xi32> to vector<16xi32>
        %swap3A_905 = vector.shape_cast %add3A_901 : vector<16xi32> to vector<16xi32>
        tpu.vector_store %arg49[%swap3A_902], %swap3A_905 {strides = array<i32>} : memref<216xi32, #tpu.memory_space<vmem>>, vector<16xi32>,
        %get3A_906 = arith.constant 176 : index
        %get3A_907 = tpu.vector_load %arg47[%get3A_906] {strides = array<i32>} : memref<200xi32, #tpu.memory_space<vmem>>, vector<16xi32>,
        %get3A_908 = vector.shape_cast %get3A_907 : vector<16xi32> to vector<16xi32>
        %mul3A_909 = arith.constant 8 : i32
        %mul3A_910 = vector.broadcast %mul3A_909 : i32 to vector<16xi32>
        %mul3A_911 = arith.muli %get3A_908, %mul3A_910 : vector<16xi32>
        %get3A_912 = arith.constant 176 : index
        %get3A_913 = tpu.vector_load %arg48[%get3A_912] {strides = array<i32>} : memref<200xi32, #tpu.memory_space<vmem>>, vector<16xi32>,
        %get3A_914 = vector.shape_cast %get3A_913 : vector<16xi32> to vector<16xi32>
        %add3A_915 = arith.addi %mul3A_911, %get3A_914 : vector<16xi32>
        %swap3A_916 = arith.constant 176 : index
        %swap3A_917 = tpu.vector_load %arg49[%swap3A_916] {strides = array<i32>} : memref<216xi32, #tpu.memory_space<vmem>>, vector<16xi32>,
        %swap3A_918 = vector.shape_cast %swap3A_917 : vector<16xi32> to vector<16xi32>
        %swap3A_919 = vector.shape_cast %add3A_915 : vector<16xi32> to vector<16xi32>
        tpu.vector_store %arg49[%swap3A_916], %swap3A_919 {strides = array<i32>} : memref<216xi32, #tpu.memory_space<vmem>>, vector<16xi32>,
        %get3A_920 = arith.constant 184 : index
        %get3A_921 = tpu.vector_load %arg47[%get3A_920] {strides = array<i32>} : memref<200xi32, #tpu.memory_space<vmem>>, vector<16xi32>,
        %get3A_922 = vector.shape_cast %get3A_921 : vector<16xi32> to vector<16xi32>
        %mul3A_923 = arith.constant 8 : i32
        %mul3A_924 = vector.broadcast %mul3A_923 : i32 to vector<16xi32>
        %mul3A_925 = arith.muli %get3A_922, %mul3A_924 : vector<16xi32>
        %get3A_926 = arith.constant 184 : index
        %get3A_927 = tpu.vector_load %arg48[%get3A_926] {strides = array<i32>} : memref<200xi32, #tpu.memory_space<vmem>>, vector<16xi32>,
        %get3A_928 = vector.shape_cast %get3A_927 : vector<16xi32> to vector<16xi32>
        %add3A_929 = arith.addi %mul3A_925, %get3A_928 : vector<16xi32>
        %swap3A_930 = arith.constant 184 : index
        %swap3A_931 = tpu.vector_load %arg49[%swap3A_930] {strides = array<i32>} : memref<216xi32, #tpu.memory_space<vmem>>, vector<16xi32>,
        %swap3A_932 = vector.shape_cast %swap3A_931 : vector<16xi32> to vector<16xi32>
        %swap3A_933 = vector.shape_cast %add3A_929 : vector<16xi32> to vector<16xi32>
        tpu.vector_store %arg49[%swap3A_930], %swap3A_933 {strides = array<i32>} : memref<216xi32, #tpu.memory_space<vmem>>, vector<16xi32>,
      } else {
      }
      %dma_wait3A_595 = arith.constant 0 : i32
      %dma_wait3A_596 = arith.constant 0 : i32
      %dma_wait3A_597 = tpu.memref_slice %arg40[%dma_wait3A_595, %dma_wait3A_596] : memref<200x128xf32, #tpu.memory_space<vmem>> -> memref<128x128xf32, #tpu.memory_space<vmem>>
      %dma_wait3A_598 = arith.constant 0 : i32
      %dma_wait3A_599 = tpu.memref_slice %arg36[%dma_wait3A_598] : memref<200xi32, #tpu.memory_space<vmem>> -> memref<128xi32, #tpu.memory_space<vmem>>
      %dma_wait3A_600 = arith.constant 0 : i32
      %dma_wait3A_601 = arith.constant 0 : i32
      %dma_wait3A_602 = tpu.memref_slice %arg5[%dma_wait3A_600, %dma_wait3A_601] : memref<100000x128xf32, #tpu.memory_space<hbm>> -> memref<100000x128xf32, #tpu.memory_space<hbm>>
      tpu.wait_indirect_dma semaphore(%arg41 : memref<!tpu.dma_semaphore, #tpu.memory_space<semaphore_mem>>) src(%dma_wait3A_602 : memref<100000x128xf32, #tpu.memory_space<hbm>>) dst(%dma_wait3A_597 : memref<128x128xf32, #tpu.memory_space<vmem>>)
      %dma_wait3A_603 = arith.constant 128 : i32
      %dma_wait3A_604 = arith.constant 0 : i32
      %dma_wait3A_605 = tpu.memref_slice %arg40[%dma_wait3A_603, %dma_wait3A_604] : memref<200x128xf32, #tpu.memory_space<vmem>> -> memref<72x128xf32, #tpu.memory_space<vmem>>
      %dma_wait3A_606 = arith.constant 128 : i32
      %dma_wait3A_607 = tpu.memref_slice %arg36[%dma_wait3A_606] : memref<200xi32, #tpu.memory_space<vmem>> -> memref<72xi32, #tpu.memory_space<vmem>>
      %dma_wait3A_608 = arith.constant 0 : i32
      %dma_wait3A_609 = arith.constant 0 : i32
      %dma_wait3A_610 = tpu.memref_slice %arg5[%dma_wait3A_608, %dma_wait3A_609] : memref<100000x128xf32, #tpu.memory_space<hbm>> -> memref<100000x128xf32, #tpu.memory_space<hbm>>
      tpu.wait_indirect_dma semaphore(%arg41 : memref<!tpu.dma_semaphore, #tpu.memory_space<semaphore_mem>>) src(%dma_wait3A_610 : memref<100000x128xf32, #tpu.memory_space<hbm>>) dst(%dma_wait3A_605 : memref<72x128xf32, #tpu.memory_space<vmem>>)
      %dma_start3A_611 = arith.constant 0 : i32
      %dma_start3A_612 = arith.constant 0 : i32
      %dma_start3A_613 = tpu.memref_slice %arg40[%dma_start3A_611, %dma_start3A_612] : memref<200x128xf32, #tpu.memory_space<vmem>> -> memref<128x128xf32, #tpu.memory_space<vmem>>
      %dma_start3A_614 = arith.constant 0 : i32
      %dma_start3A_615 = tpu.memref_slice %arg39[%dma_start3A_614] : memref<216xi32, #tpu.memory_space<vmem>> -> memref<128xi32, #tpu.memory_space<vmem>>
      %dma_start3A_616 = arith.constant 0 : i32
      %dma_start3A_617 = arith.constant 0 : i32
      %dma_start3A_618 = tpu.memref_slice %arg13[%dma_start3A_616, %dma_start3A_617] : memref<64x128xf32, #tpu.memory_space<vmem_shared>> -> memref<64x128xf32, #tpu.memory_space<vmem_shared>>
      tpu.enqueue_indirect_dma source(%dma_start3A_618 : memref<64x128xf32, #tpu.memory_space<vmem_shared>>) target(%dma_start3A_613 : memref<128x128xf32, #tpu.memory_space<vmem>>) offsets(%dma_start3A_615 : memref<128xi32, #tpu.memory_space<vmem>>) semaphore(%arg44 : memref<!tpu.dma_semaphore, #tpu.memory_space<semaphore_mem>>) {add = true}
      %dma_start3A_619 = arith.constant 128 : i32
      %dma_start3A_620 = arith.constant 0 : i32
      %dma_start3A_621 = tpu.memref_slice %arg40[%dma_start3A_619, %dma_start3A_620] : memref<200x128xf32, #tpu.memory_space<vmem>> -> memref<72x128xf32, #tpu.memory_space<vmem>>
      %dma_start3A_622 = arith.constant 128 : i32
      %dma_start3A_623 = tpu.memref_slice %arg39[%dma_start3A_622] : memref<216xi32, #tpu.memory_space<vmem>> -> memref<72xi32, #tpu.memory_space<vmem>>
      %dma_start3A_624 = arith.constant 0 : i32
      %dma_start3A_625 = arith.constant 0 : i32
      %dma_start3A_626 = tpu.memref_slice %arg13[%dma_start3A_624, %dma_start3A_625] : memref<64x128xf32, #tpu.memory_space<vmem_shared>> -> memref<64x128xf32, #tpu.memory_space<vmem_shared>>
      tpu.enqueue_indirect_dma source(%dma_start3A_626 : memref<64x128xf32, #tpu.memory_space<vmem_shared>>) target(%dma_start3A_621 : memref<72x128xf32, #tpu.memory_space<vmem>>) offsets(%dma_start3A_623 : memref<72xi32, #tpu.memory_space<vmem>>) semaphore(%arg44 : memref<!tpu.dma_semaphore, #tpu.memory_space<semaphore_mem>>) {add = true}
      %dma_start3A_627 = arith.constant 0 : i32
      %dma_start3A_628 = arith.constant 0 : i32
      %dma_start3A_629 = tpu.memref_slice %arg40[%dma_start3A_627, %dma_start3A_628] : memref<200x128xf32, #tpu.memory_space<vmem>> -> memref<128x128xf32, #tpu.memory_space<vmem>>
      %dma_start3A_630 = arith.constant 0 : i32
      %dma_start3A_631 = tpu.memref_slice %arg15[%dma_start3A_630] : memref<200xi32, #tpu.memory_space<vmem>> -> memref<128xi32, #tpu.memory_space<vmem>>
      %dma_start3A_632 = arith.constant 0 : i32
      %dma_start3A_633 = arith.constant 0 : i32
      %dma_start3A_634 = tpu.memref_slice %arg14[%dma_start3A_632, %dma_start3A_633] : memref<200x128xf32, #tpu.memory_space<vmem_shared>> -> memref<200x128xf32, #tpu.memory_space<vmem_shared>>
      tpu.enqueue_indirect_dma source(%dma_start3A_634 : memref<200x128xf32, #tpu.memory_space<vmem_shared>>) target(%dma_start3A_629 : memref<128x128xf32, #tpu.memory_space<vmem>>) offsets(%dma_start3A_631 : memref<128xi32, #tpu.memory_space<vmem>>) semaphore(%arg44 : memref<!tpu.dma_semaphore, #tpu.memory_space<semaphore_mem>>) {add = true}
      %dma_start3A_635 = arith.constant 128 : i32
      %dma_start3A_636 = arith.constant 0 : i32
      %dma_start3A_637 = tpu.memref_slice %arg40[%dma_start3A_635, %dma_start3A_636] : memref<200x128xf32, #tpu.memory_space<vmem>> -> memref<72x128xf32, #tpu.memory_space<vmem>>
      %dma_start3A_638 = arith.constant 128 : i32
      %dma_start3A_639 = tpu.memref_slice %arg15[%dma_start3A_638] : memref<200xi32, #tpu.memory_space<vmem>> -> memref<72xi32, #tpu.memory_space<vmem>>
      %dma_start3A_640 = arith.constant 0 : i32
      %dma_start3A_641 = arith.constant 0 : i32
      %dma_start3A_642 = tpu.memref_slice %arg14[%dma_start3A_640, %dma_start3A_641] : memref<200x128xf32, #tpu.memory_space<vmem_shared>> -> memref<200x128xf32, #tpu.memory_space<vmem_shared>>
      tpu.enqueue_indirect_dma source(%dma_start3A_642 : memref<200x128xf32, #tpu.memory_space<vmem_shared>>) target(%dma_start3A_637 : memref<72x128xf32, #tpu.memory_space<vmem>>) offsets(%dma_start3A_639 : memref<72xi32, #tpu.memory_space<vmem>>) semaphore(%arg44 : memref<!tpu.dma_semaphore, #tpu.memory_space<semaphore_mem>>) {add = true}
      %add3A_643 = arith.constant 3 : i32
      %add3A_644 = arith.addi %mul3A_435, %add3A_643 : i32
      %lt3A_645 = arith.constant 30 : i32
      %lt3A_646 = arith.cmpi slt, %add3A_644, %lt3A_645 : i32
      %convert_element_type3A_647 = arith.extui %lt3A_646 : i1 to i32
      %cond3A_648 = arith.constant 0 : i32
      %cond3A_649 = arith.cmpi ne, %convert_element_type3A_647, %cond3A_648 : i32
      scf.if %cond3A_649 {
        %add3A_713 = arith.constant 2 : i32
        %add3A_714 = arith.addi %add3A_644, %add3A_713 : i32
        %add3A_715 = arith.addi %mul3A_2, %add3A_714 : i32
        %mul3A_716 = arith.constant 200 : i32
        %mul3A_717 = arith.muli %add3A_715, %mul3A_716 : i32
        %add3A_718 = arith.constant 128 : i32
        %add3A_719 = arith.addi %mul3A_717, %add3A_718 : i32
        %dma_start3A_720 = arith.constant 0 : i32
        %dma_start3A_721 = tpu.memref_slice %arg26[%dma_start3A_720] : memref<200xi32, #tpu.memory_space<vmem>> -> memref<128xi32, #tpu.memory_space<vmem>>
        %dma_start3A_722 = tpu.memref_slice %arg2[%mul3A_717] : memref<204800xi32, #tpu.memory_space<hbm>> -> memref<128xi32, #tpu.memory_space<hbm>>
        %dma_start3A_723 = arith.constant 0 : i32
        %dma_start3A_724 = tpu.memref_slice %arg26[%dma_start3A_723] : memref<200xi32, #tpu.memory_space<vmem>> -> memref<128xi32, #tpu.memory_space<vmem>>
        %dma_start3A_725 = tpu.memref_slice %arg2[%mul3A_717] : memref<204800xi32, #tpu.memory_space<hbm>> -> memref<128xi32, #tpu.memory_space<hbm>>
        tpu.enqueue_dma source(%dma_start3A_725 : memref<128xi32, #tpu.memory_space<hbm>>) target(%dma_start3A_724 : memref<128xi32, #tpu.memory_space<vmem>>) target_semaphore(%arg33 : memref<!tpu.dma_semaphore, #tpu.memory_space<semaphore_mem>>)
        %dma_start3A_726 = arith.constant 128 : i32
        %dma_start3A_727 = tpu.memref_slice %arg26[%dma_start3A_726] : memref<200xi32, #tpu.memory_space<vmem>> -> memref<72xi32, #tpu.memory_space<vmem>>
        %dma_start3A_728 = tpu.memref_slice %arg2[%add3A_719] : memref<204800xi32, #tpu.memory_space<hbm>> -> memref<72xi32, #tpu.memory_space<hbm>>
        %dma_start3A_729 = arith.constant 128 : i32
        %dma_start3A_730 = tpu.memref_slice %arg26[%dma_start3A_729] : memref<200xi32, #tpu.memory_space<vmem>> -> memref<72xi32, #tpu.memory_space<vmem>>
        %dma_start3A_731 = tpu.memref_slice %arg2[%add3A_719] : memref<204800xi32, #tpu.memory_space<hbm>> -> memref<72xi32, #tpu.memory_space<hbm>>
        tpu.enqueue_dma source(%dma_start3A_731 : memref<72xi32, #tpu.memory_space<hbm>>) target(%dma_start3A_730 : memref<72xi32, #tpu.memory_space<vmem>>) target_semaphore(%arg33 : memref<!tpu.dma_semaphore, #tpu.memory_space<semaphore_mem>>)
        %dma_start3A_732 = tpu.memref_slice %arg3[%mul3A_717] : memref<204800xi32, #tpu.memory_space<hbm>> -> memref<200xi32, #tpu.memory_space<hbm>>
        %dma_start3A_733 = tpu.memref_slice %arg3[%mul3A_717] : memref<204800xi32, #tpu.memory_space<hbm>> -> memref<200xi32, #tpu.memory_space<hbm>>
        tpu.enqueue_dma source(%dma_start3A_733 : memref<200xi32, #tpu.memory_space<hbm>>) target(%arg27 : memref<200xi32, #tpu.memory_space<vmem>>) target_semaphore(%arg33 : memref<!tpu.dma_semaphore, #tpu.memory_space<semaphore_mem>>)
        %dma_start3A_734 = tpu.memref_slice %arg4[%mul3A_717] : memref<204800xi32, #tpu.memory_space<hbm>> -> memref<200xi32, #tpu.memory_space<hbm>>
        %dma_start3A_735 = tpu.memref_slice %arg4[%mul3A_717] : memref<204800xi32, #tpu.memory_space<hbm>> -> memref<200xi32, #tpu.memory_space<hbm>>
        tpu.enqueue_dma source(%dma_start3A_735 : memref<200xi32, #tpu.memory_space<hbm>>) target(%arg28 : memref<200xi32, #tpu.memory_space<vmem>>) target_semaphore(%arg33 : memref<!tpu.dma_semaphore, #tpu.memory_space<semaphore_mem>>)
      } else {
      }
      %gt3A_650 = arith.constant 0 : i32
      %gt3A_651 = arith.cmpi sgt, %add3A_644, %gt3A_650 : i32
      %convert_element_type3A_652 = arith.extui %gt3A_651 : i1 to i32
      %cond3A_653 = arith.constant 0 : i32
      %cond3A_654 = arith.cmpi ne, %convert_element_type3A_652, %cond3A_653 : i32
      scf.if %cond3A_654 {
        %dma_wait3A_713 = arith.constant 0 : i32
        %dma_wait3A_714 = arith.constant 0 : i32
        %dma_wait3A_715 = tpu.memref_slice %arg40[%dma_wait3A_713, %dma_wait3A_714] : memref<200x128xf32, #tpu.memory_space<vmem>> -> memref<128x128xf32, #tpu.memory_space<vmem>>
        %dma_wait3A_716 = arith.constant 0 : i32
        %dma_wait3A_717 = tpu.memref_slice %arg39[%dma_wait3A_716] : memref<216xi32, #tpu.memory_space<vmem>> -> memref<128xi32, #tpu.memory_space<vmem>>
        %dma_wait3A_718 = arith.constant 0 : i32
        %dma_wait3A_719 = arith.constant 0 : i32
        %dma_wait3A_720 = tpu.memref_slice %arg13[%dma_wait3A_718, %dma_wait3A_719] : memref<64x128xf32, #tpu.memory_space<vmem_shared>> -> memref<64x128xf32, #tpu.memory_space<vmem_shared>>
        tpu.wait_indirect_dma semaphore(%arg44 : memref<!tpu.dma_semaphore, #tpu.memory_space<semaphore_mem>>) src(%dma_wait3A_720 : memref<64x128xf32, #tpu.memory_space<vmem_shared>>) dst(%dma_wait3A_715 : memref<128x128xf32, #tpu.memory_space<vmem>>)
        %dma_wait3A_721 = arith.constant 128 : i32
        %dma_wait3A_722 = arith.constant 0 : i32
        %dma_wait3A_723 = tpu.memref_slice %arg40[%dma_wait3A_721, %dma_wait3A_722] : memref<200x128xf32, #tpu.memory_space<vmem>> -> memref<72x128xf32, #tpu.memory_space<vmem>>
        %dma_wait3A_724 = arith.constant 128 : i32
        %dma_wait3A_725 = tpu.memref_slice %arg39[%dma_wait3A_724] : memref<216xi32, #tpu.memory_space<vmem>> -> memref<72xi32, #tpu.memory_space<vmem>>
        %dma_wait3A_726 = arith.constant 0 : i32
        %dma_wait3A_727 = arith.constant 0 : i32
        %dma_wait3A_728 = tpu.memref_slice %arg13[%dma_wait3A_726, %dma_wait3A_727] : memref<64x128xf32, #tpu.memory_space<vmem_shared>> -> memref<64x128xf32, #tpu.memory_space<vmem_shared>>
        tpu.wait_indirect_dma semaphore(%arg44 : memref<!tpu.dma_semaphore, #tpu.memory_space<semaphore_mem>>) src(%dma_wait3A_728 : memref<64x128xf32, #tpu.memory_space<vmem_shared>>) dst(%dma_wait3A_723 : memref<72x128xf32, #tpu.memory_space<vmem>>)
        %dma_wait3A_729 = arith.constant 0 : i32
        %dma_wait3A_730 = arith.constant 0 : i32
        %dma_wait3A_731 = tpu.memref_slice %arg40[%dma_wait3A_729, %dma_wait3A_730] : memref<200x128xf32, #tpu.memory_space<vmem>> -> memref<128x128xf32, #tpu.memory_space<vmem>>
        %dma_wait3A_732 = arith.constant 0 : i32
        %dma_wait3A_733 = tpu.memref_slice %arg15[%dma_wait3A_732] : memref<200xi32, #tpu.memory_space<vmem>> -> memref<128xi32, #tpu.memory_space<vmem>>
        %dma_wait3A_734 = arith.constant 0 : i32
        %dma_wait3A_735 = arith.constant 0 : i32
        %dma_wait3A_736 = tpu.memref_slice %arg14[%dma_wait3A_734, %dma_wait3A_735] : memref<200x128xf32, #tpu.memory_space<vmem_shared>> -> memref<200x128xf32, #tpu.memory_space<vmem_shared>>
        tpu.wait_indirect_dma semaphore(%arg44 : memref<!tpu.dma_semaphore, #tpu.memory_space<semaphore_mem>>) src(%dma_wait3A_736 : memref<200x128xf32, #tpu.memory_space<vmem_shared>>) dst(%dma_wait3A_731 : memref<128x128xf32, #tpu.memory_space<vmem>>)
        %dma_wait3A_737 = arith.constant 128 : i32
        %dma_wait3A_738 = arith.constant 0 : i32
        %dma_wait3A_739 = tpu.memref_slice %arg40[%dma_wait3A_737, %dma_wait3A_738] : memref<200x128xf32, #tpu.memory_space<vmem>> -> memref<72x128xf32, #tpu.memory_space<vmem>>
        %dma_wait3A_740 = arith.constant 128 : i32
        %dma_wait3A_741 = tpu.memref_slice %arg15[%dma_wait3A_740] : memref<200xi32, #tpu.memory_space<vmem>> -> memref<72xi32, #tpu.memory_space<vmem>>
        %dma_wait3A_742 = arith.constant 0 : i32
        %dma_wait3A_743 = arith.constant 0 : i32
        %dma_wait3A_744 = tpu.memref_slice %arg14[%dma_wait3A_742, %dma_wait3A_743] : memref<200x128xf32, #tpu.memory_space<vmem_shared>> -> memref<200x128xf32, #tpu.memory_space<vmem_shared>>
        tpu.wait_indirect_dma semaphore(%arg44 : memref<!tpu.dma_semaphore, #tpu.memory_space<semaphore_mem>>) src(%dma_wait3A_744 : memref<200x128xf32, #tpu.memory_space<vmem_shared>>) dst(%dma_wait3A_739 : memref<72x128xf32, #tpu.memory_space<vmem>>)
        %sub3A = arith.constant 1 : i32
        %sub3A_745 = arith.subi %add3A_644, %sub3A : i32
        %add3A_746 = arith.addi %mul3A_2, %sub3A_745 : i32
        %dma_start3A_747 = arith.constant 0 : i32
        %dma_start3A_748 = arith.constant 0 : i32
        %dma_start3A_749 = tpu.memref_slice %arg9[%add3A_746, %dma_start3A_747, %dma_start3A_748] : memref<1024x200x128xf32, #tpu.memory_space<hbm>> -> memref<1x200x128xf32, #tpu.memory_space<hbm>>
        %dma_start3A_750 = tpu.memref_squeeze %dma_start3A_749 : memref<1x200x128xf32, #tpu.memory_space<hbm>> -> memref<200x128xf32, #tpu.memory_space<hbm>>
        %dma_start3A_751 = arith.constant 0 : i32
        %dma_start3A_752 = arith.constant 0 : i32
        %dma_start3A_753 = tpu.memref_slice %arg9[%add3A_746, %dma_start3A_751, %dma_start3A_752] : memref<1024x200x128xf32, #tpu.memory_space<hbm>> -> memref<1x200x128xf32, #tpu.memory_space<hbm>>
        %dma_start3A_754 = tpu.memref_squeeze %dma_start3A_753 : memref<1x200x128xf32, #tpu.memory_space<hbm>> -> memref<200x128xf32, #tpu.memory_space<hbm>>
        tpu.enqueue_dma source(%arg40 : memref<200x128xf32, #tpu.memory_space<vmem>>) target(%dma_start3A_754 : memref<200x128xf32, #tpu.memory_space<hbm>>) target_semaphore(%arg42 : memref<!tpu.dma_semaphore, #tpu.memory_space<semaphore_mem>>)
      } else {
      }
      %ge3A_655 = arith.constant 3 : i32
      %ge3A_656 = arith.cmpi sge, %add3A_644, %ge3A_655 : i32
      %convert_element_type3A_657 = arith.extui %ge3A_656 : i1 to i32
      %cond3A_658 = arith.constant 0 : i32
      %cond3A_659 = arith.cmpi ne, %convert_element_type3A_657, %cond3A_658 : i32
      scf.if %cond3A_659 {
        %sub3A = arith.constant 3 : i32
        %sub3A_713 = arith.subi %add3A_644, %sub3A : i32
        %add3A_714 = arith.addi %mul3A_2, %sub3A_713 : i32
        %dma_wait3A_715 = arith.constant 0 : i32
        %dma_wait3A_716 = arith.constant 0 : i32
        %dma_wait3A_717 = tpu.memref_slice %arg9[%add3A_714, %dma_wait3A_715, %dma_wait3A_716] : memref<1024x200x128xf32, #tpu.memory_space<hbm>> -> memref<1x200x128xf32, #tpu.memory_space<hbm>>
        %dma_wait3A_718 = tpu.memref_squeeze %dma_wait3A_717 : memref<1x200x128xf32, #tpu.memory_space<hbm>> -> memref<200x128xf32, #tpu.memory_space<hbm>>
        %dma_wait3A_719 = arith.constant 0 : i32
        %dma_wait3A_720 = arith.constant 0 : i32
        %dma_wait3A_721 = tpu.memref_slice %arg9[%add3A_714, %dma_wait3A_719, %dma_wait3A_720] : memref<1024x200x128xf32, #tpu.memory_space<hbm>> -> memref<1x200x128xf32, #tpu.memory_space<hbm>>
        %dma_wait3A_722 = tpu.memref_squeeze %dma_wait3A_721 : memref<1x200x128xf32, #tpu.memory_space<hbm>> -> memref<200x128xf32, #tpu.memory_space<hbm>>
        tpu.wait_dma2 semaphore(%arg22 : memref<!tpu.dma_semaphore, #tpu.memory_space<semaphore_mem>>) src(%arg20 : memref<200x128xf32, #tpu.memory_space<vmem>>) dst(%dma_wait3A_722 : memref<200x128xf32, #tpu.memory_space<hbm>>)
      } else {
      }
      %lt3A_660 = arith.constant 31 : i32
      %lt3A_661 = arith.cmpi slt, %add3A_644, %lt3A_660 : i32
      %convert_element_type3A_662 = arith.extui %lt3A_661 : i1 to i32
      %cond3A_663 = arith.constant 0 : i32
      %cond3A_664 = arith.cmpi ne, %convert_element_type3A_662, %cond3A_663 : i32
      scf.if %cond3A_664 {
        %add3A_713 = arith.constant 1 : i32
        %add3A_714 = arith.addi %add3A_644, %add3A_713 : i32
        %add3A_715 = arith.addi %mul3A_2, %add3A_714 : i32
        %mul3A_716 = arith.constant 200 : i32
        %mul3A_717 = arith.muli %add3A_715, %mul3A_716 : i32
        %add3A_718 = arith.constant 128 : i32
        %add3A_719 = arith.addi %mul3A_717, %add3A_718 : i32
        %dma_wait3A_720 = arith.constant 0 : i32
        %dma_wait3A_721 = tpu.memref_slice %arg16[%dma_wait3A_720] : memref<200xi32, #tpu.memory_space<vmem>> -> memref<128xi32, #tpu.memory_space<vmem>>
        %dma_wait3A_722 = tpu.memref_slice %arg2[%mul3A_717] : memref<204800xi32, #tpu.memory_space<hbm>> -> memref<128xi32, #tpu.memory_space<hbm>>
        %dma_wait3A_723 = arith.constant 0 : i32
        %dma_wait3A_724 = tpu.memref_slice %arg16[%dma_wait3A_723] : memref<200xi32, #tpu.memory_space<vmem>> -> memref<128xi32, #tpu.memory_space<vmem>>
        %dma_wait3A_725 = tpu.memref_slice %arg2[%mul3A_717] : memref<204800xi32, #tpu.memory_space<hbm>> -> memref<128xi32, #tpu.memory_space<hbm>>
        tpu.wait_dma2 semaphore(%arg23 : memref<!tpu.dma_semaphore, #tpu.memory_space<semaphore_mem>>) src(%dma_wait3A_725 : memref<128xi32, #tpu.memory_space<hbm>>) dst(%dma_wait3A_724 : memref<128xi32, #tpu.memory_space<vmem>>)
        %dma_wait3A_726 = arith.constant 128 : i32
        %dma_wait3A_727 = tpu.memref_slice %arg16[%dma_wait3A_726] : memref<200xi32, #tpu.memory_space<vmem>> -> memref<72xi32, #tpu.memory_space<vmem>>
        %dma_wait3A_728 = tpu.memref_slice %arg2[%add3A_719] : memref<204800xi32, #tpu.memory_space<hbm>> -> memref<72xi32, #tpu.memory_space<hbm>>
        %dma_wait3A_729 = arith.constant 128 : i32
        %dma_wait3A_730 = tpu.memref_slice %arg16[%dma_wait3A_729] : memref<200xi32, #tpu.memory_space<vmem>> -> memref<72xi32, #tpu.memory_space<vmem>>
        %dma_wait3A_731 = tpu.memref_slice %arg2[%add3A_719] : memref<204800xi32, #tpu.memory_space<hbm>> -> memref<72xi32, #tpu.memory_space<hbm>>
        tpu.wait_dma2 semaphore(%arg23 : memref<!tpu.dma_semaphore, #tpu.memory_space<semaphore_mem>>) src(%dma_wait3A_731 : memref<72xi32, #tpu.memory_space<hbm>>) dst(%dma_wait3A_730 : memref<72xi32, #tpu.memory_space<vmem>>)
        %dma_wait3A_732 = tpu.memref_slice %arg3[%mul3A_717] : memref<204800xi32, #tpu.memory_space<hbm>> -> memref<200xi32, #tpu.memory_space<hbm>>
        %dma_wait3A_733 = tpu.memref_slice %arg3[%mul3A_717] : memref<204800xi32, #tpu.memory_space<hbm>> -> memref<200xi32, #tpu.memory_space<hbm>>
        tpu.wait_dma2 semaphore(%arg23 : memref<!tpu.dma_semaphore, #tpu.memory_space<semaphore_mem>>) src(%dma_wait3A_733 : memref<200xi32, #tpu.memory_space<hbm>>) dst(%arg17 : memref<200xi32, #tpu.memory_space<vmem>>)
        %dma_wait3A_734 = tpu.memref_slice %arg4[%mul3A_717] : memref<204800xi32, #tpu.memory_space<hbm>> -> memref<200xi32, #tpu.memory_space<hbm>>
        %dma_wait3A_735 = tpu.memref_slice %arg4[%mul3A_717] : memref<204800xi32, #tpu.memory_space<hbm>> -> memref<200xi32, #tpu.memory_space<hbm>>
        tpu.wait_dma2 semaphore(%arg23 : memref<!tpu.dma_semaphore, #tpu.memory_space<semaphore_mem>>) src(%dma_wait3A_735 : memref<200xi32, #tpu.memory_space<hbm>>) dst(%arg18 : memref<200xi32, #tpu.memory_space<vmem>>)
        %dma_start3A_736 = arith.constant 0 : i32
        %dma_start3A_737 = arith.constant 0 : i32
        %dma_start3A_738 = tpu.memref_slice %arg20[%dma_start3A_736, %dma_start3A_737] : memref<200x128xf32, #tpu.memory_space<vmem>> -> memref<128x128xf32, #tpu.memory_space<vmem>>
        %dma_start3A_739 = arith.constant 0 : i32
        %dma_start3A_740 = tpu.memref_slice %arg16[%dma_start3A_739] : memref<200xi32, #tpu.memory_space<vmem>> -> memref<128xi32, #tpu.memory_space<vmem>>
        %dma_start3A_741 = arith.constant 0 : i32
        %dma_start3A_742 = arith.constant 0 : i32
        %dma_start3A_743 = tpu.memref_slice %arg5[%dma_start3A_741, %dma_start3A_742] : memref<100000x128xf32, #tpu.memory_space<hbm>> -> memref<100000x128xf32, #tpu.memory_space<hbm>>
        tpu.enqueue_indirect_dma source(%dma_start3A_743 : memref<100000x128xf32, #tpu.memory_space<hbm>>) target(%dma_start3A_738 : memref<128x128xf32, #tpu.memory_space<vmem>>) offsets(%dma_start3A_740 : memref<128xi32, #tpu.memory_space<vmem>>) semaphore(%arg21 : memref<!tpu.dma_semaphore, #tpu.memory_space<semaphore_mem>>)
        %dma_start3A_744 = arith.constant 128 : i32
        %dma_start3A_745 = arith.constant 0 : i32
        %dma_start3A_746 = tpu.memref_slice %arg20[%dma_start3A_744, %dma_start3A_745] : memref<200x128xf32, #tpu.memory_space<vmem>> -> memref<72x128xf32, #tpu.memory_space<vmem>>
        %dma_start3A_747 = arith.constant 128 : i32
        %dma_start3A_748 = tpu.memref_slice %arg16[%dma_start3A_747] : memref<200xi32, #tpu.memory_space<vmem>> -> memref<72xi32, #tpu.memory_space<vmem>>
        %dma_start3A_749 = arith.constant 0 : i32
        %dma_start3A_750 = arith.constant 0 : i32
        %dma_start3A_751 = tpu.memref_slice %arg5[%dma_start3A_749, %dma_start3A_750] : memref<100000x128xf32, #tpu.memory_space<hbm>> -> memref<100000x128xf32, #tpu.memory_space<hbm>>
        tpu.enqueue_indirect_dma source(%dma_start3A_751 : memref<100000x128xf32, #tpu.memory_space<hbm>>) target(%dma_start3A_746 : memref<72x128xf32, #tpu.memory_space<vmem>>) offsets(%dma_start3A_748 : memref<72xi32, #tpu.memory_space<vmem>>) semaphore(%arg21 : memref<!tpu.dma_semaphore, #tpu.memory_space<semaphore_mem>>)
        %get3A_752 = arith.constant 0 : index
        %get3A_753 = tpu.vector_load %arg17[%get3A_752] {strides = array<i32>} : memref<200xi32, #tpu.memory_space<vmem>>, vector<16xi32>,
        %get3A_754 = vector.shape_cast %get3A_753 : vector<16xi32> to vector<16xi32>
        %mul3A_755 = arith.constant 8 : i32
        %mul3A_756 = vector.broadcast %mul3A_755 : i32 to vector<16xi32>
        %mul3A_757 = arith.muli %get3A_754, %mul3A_756 : vector<16xi32>
        %get3A_758 = arith.constant 0 : index
        %get3A_759 = tpu.vector_load %arg18[%get3A_758] {strides = array<i32>} : memref<200xi32, #tpu.memory_space<vmem>>, vector<16xi32>,
        %get3A_760 = vector.shape_cast %get3A_759 : vector<16xi32> to vector<16xi32>
        %add3A_761 = arith.addi %mul3A_757, %get3A_760 : vector<16xi32>
        %swap3A_762 = arith.constant 0 : index
        %swap3A_763 = tpu.vector_load %arg19[%swap3A_762] {strides = array<i32>} : memref<216xi32, #tpu.memory_space<vmem>>, vector<16xi32>,
        %swap3A_764 = vector.shape_cast %swap3A_763 : vector<16xi32> to vector<16xi32>
        %swap3A_765 = vector.shape_cast %add3A_761 : vector<16xi32> to vector<16xi32>
        tpu.vector_store %arg19[%swap3A_762], %swap3A_765 {strides = array<i32>} : memref<216xi32, #tpu.memory_space<vmem>>, vector<16xi32>,
        %get3A_766 = arith.constant 16 : index
        %get3A_767 = tpu.vector_load %arg17[%get3A_766] {strides = array<i32>} : memref<200xi32, #tpu.memory_space<vmem>>, vector<16xi32>,
        %get3A_768 = vector.shape_cast %get3A_767 : vector<16xi32> to vector<16xi32>
        %mul3A_769 = arith.constant 8 : i32
        %mul3A_770 = vector.broadcast %mul3A_769 : i32 to vector<16xi32>
        %mul3A_771 = arith.muli %get3A_768, %mul3A_770 : vector<16xi32>
        %get3A_772 = arith.constant 16 : index
        %get3A_773 = tpu.vector_load %arg18[%get3A_772] {strides = array<i32>} : memref<200xi32, #tpu.memory_space<vmem>>, vector<16xi32>,
        %get3A_774 = vector.shape_cast %get3A_773 : vector<16xi32> to vector<16xi32>
        %add3A_775 = arith.addi %mul3A_771, %get3A_774 : vector<16xi32>
        %swap3A_776 = arith.constant 16 : index
        %swap3A_777 = tpu.vector_load %arg19[%swap3A_776] {strides = array<i32>} : memref<216xi32, #tpu.memory_space<vmem>>, vector<16xi32>,
        %swap3A_778 = vector.shape_cast %swap3A_777 : vector<16xi32> to vector<16xi32>
        %swap3A_779 = vector.shape_cast %add3A_775 : vector<16xi32> to vector<16xi32>
        tpu.vector_store %arg19[%swap3A_776], %swap3A_779 {strides = array<i32>} : memref<216xi32, #tpu.memory_space<vmem>>, vector<16xi32>,
        %get3A_780 = arith.constant 32 : index
        %get3A_781 = tpu.vector_load %arg17[%get3A_780] {strides = array<i32>} : memref<200xi32, #tpu.memory_space<vmem>>, vector<16xi32>,
        %get3A_782 = vector.shape_cast %get3A_781 : vector<16xi32> to vector<16xi32>
        %mul3A_783 = arith.constant 8 : i32
        %mul3A_784 = vector.broadcast %mul3A_783 : i32 to vector<16xi32>
        %mul3A_785 = arith.muli %get3A_782, %mul3A_784 : vector<16xi32>
        %get3A_786 = arith.constant 32 : index
        %get3A_787 = tpu.vector_load %arg18[%get3A_786] {strides = array<i32>} : memref<200xi32, #tpu.memory_space<vmem>>, vector<16xi32>,
        %get3A_788 = vector.shape_cast %get3A_787 : vector<16xi32> to vector<16xi32>
        %add3A_789 = arith.addi %mul3A_785, %get3A_788 : vector<16xi32>
        %swap3A_790 = arith.constant 32 : index
        %swap3A_791 = tpu.vector_load %arg19[%swap3A_790] {strides = array<i32>} : memref<216xi32, #tpu.memory_space<vmem>>, vector<16xi32>,
        %swap3A_792 = vector.shape_cast %swap3A_791 : vector<16xi32> to vector<16xi32>
        %swap3A_793 = vector.shape_cast %add3A_789 : vector<16xi32> to vector<16xi32>
        tpu.vector_store %arg19[%swap3A_790], %swap3A_793 {strides = array<i32>} : memref<216xi32, #tpu.memory_space<vmem>>, vector<16xi32>,
        %get3A_794 = arith.constant 48 : index
        %get3A_795 = tpu.vector_load %arg17[%get3A_794] {strides = array<i32>} : memref<200xi32, #tpu.memory_space<vmem>>, vector<16xi32>,
        %get3A_796 = vector.shape_cast %get3A_795 : vector<16xi32> to vector<16xi32>
        %mul3A_797 = arith.constant 8 : i32
        %mul3A_798 = vector.broadcast %mul3A_797 : i32 to vector<16xi32>
        %mul3A_799 = arith.muli %get3A_796, %mul3A_798 : vector<16xi32>
        %get3A_800 = arith.constant 48 : index
        %get3A_801 = tpu.vector_load %arg18[%get3A_800] {strides = array<i32>} : memref<200xi32, #tpu.memory_space<vmem>>, vector<16xi32>,
        %get3A_802 = vector.shape_cast %get3A_801 : vector<16xi32> to vector<16xi32>
        %add3A_803 = arith.addi %mul3A_799, %get3A_802 : vector<16xi32>
        %swap3A_804 = arith.constant 48 : index
        %swap3A_805 = tpu.vector_load %arg19[%swap3A_804] {strides = array<i32>} : memref<216xi32, #tpu.memory_space<vmem>>, vector<16xi32>,
        %swap3A_806 = vector.shape_cast %swap3A_805 : vector<16xi32> to vector<16xi32>
        %swap3A_807 = vector.shape_cast %add3A_803 : vector<16xi32> to vector<16xi32>
        tpu.vector_store %arg19[%swap3A_804], %swap3A_807 {strides = array<i32>} : memref<216xi32, #tpu.memory_space<vmem>>, vector<16xi32>,
        %get3A_808 = arith.constant 64 : index
        %get3A_809 = tpu.vector_load %arg17[%get3A_808] {strides = array<i32>} : memref<200xi32, #tpu.memory_space<vmem>>, vector<16xi32>,
        %get3A_810 = vector.shape_cast %get3A_809 : vector<16xi32> to vector<16xi32>
        %mul3A_811 = arith.constant 8 : i32
        %mul3A_812 = vector.broadcast %mul3A_811 : i32 to vector<16xi32>
        %mul3A_813 = arith.muli %get3A_810, %mul3A_812 : vector<16xi32>
        %get3A_814 = arith.constant 64 : index
        %get3A_815 = tpu.vector_load %arg18[%get3A_814] {strides = array<i32>} : memref<200xi32, #tpu.memory_space<vmem>>, vector<16xi32>,
        %get3A_816 = vector.shape_cast %get3A_815 : vector<16xi32> to vector<16xi32>
        %add3A_817 = arith.addi %mul3A_813, %get3A_816 : vector<16xi32>
        %swap3A_818 = arith.constant 64 : index
        %swap3A_819 = tpu.vector_load %arg19[%swap3A_818] {strides = array<i32>} : memref<216xi32, #tpu.memory_space<vmem>>, vector<16xi32>,
        %swap3A_820 = vector.shape_cast %swap3A_819 : vector<16xi32> to vector<16xi32>
        %swap3A_821 = vector.shape_cast %add3A_817 : vector<16xi32> to vector<16xi32>
        tpu.vector_store %arg19[%swap3A_818], %swap3A_821 {strides = array<i32>} : memref<216xi32, #tpu.memory_space<vmem>>, vector<16xi32>,
        %get3A_822 = arith.constant 80 : index
        %get3A_823 = tpu.vector_load %arg17[%get3A_822] {strides = array<i32>} : memref<200xi32, #tpu.memory_space<vmem>>, vector<16xi32>,
        %get3A_824 = vector.shape_cast %get3A_823 : vector<16xi32> to vector<16xi32>
        %mul3A_825 = arith.constant 8 : i32
        %mul3A_826 = vector.broadcast %mul3A_825 : i32 to vector<16xi32>
        %mul3A_827 = arith.muli %get3A_824, %mul3A_826 : vector<16xi32>
        %get3A_828 = arith.constant 80 : index
        %get3A_829 = tpu.vector_load %arg18[%get3A_828] {strides = array<i32>} : memref<200xi32, #tpu.memory_space<vmem>>, vector<16xi32>,
        %get3A_830 = vector.shape_cast %get3A_829 : vector<16xi32> to vector<16xi32>
        %add3A_831 = arith.addi %mul3A_827, %get3A_830 : vector<16xi32>
        %swap3A_832 = arith.constant 80 : index
        %swap3A_833 = tpu.vector_load %arg19[%swap3A_832] {strides = array<i32>} : memref<216xi32, #tpu.memory_space<vmem>>, vector<16xi32>,
        %swap3A_834 = vector.shape_cast %swap3A_833 : vector<16xi32> to vector<16xi32>
        %swap3A_835 = vector.shape_cast %add3A_831 : vector<16xi32> to vector<16xi32>
        tpu.vector_store %arg19[%swap3A_832], %swap3A_835 {strides = array<i32>} : memref<216xi32, #tpu.memory_space<vmem>>, vector<16xi32>,
        %get3A_836 = arith.constant 96 : index
        %get3A_837 = tpu.vector_load %arg17[%get3A_836] {strides = array<i32>} : memref<200xi32, #tpu.memory_space<vmem>>, vector<16xi32>,
        %get3A_838 = vector.shape_cast %get3A_837 : vector<16xi32> to vector<16xi32>
        %mul3A_839 = arith.constant 8 : i32
        %mul3A_840 = vector.broadcast %mul3A_839 : i32 to vector<16xi32>
        %mul3A_841 = arith.muli %get3A_838, %mul3A_840 : vector<16xi32>
        %get3A_842 = arith.constant 96 : index
        %get3A_843 = tpu.vector_load %arg18[%get3A_842] {strides = array<i32>} : memref<200xi32, #tpu.memory_space<vmem>>, vector<16xi32>,
        %get3A_844 = vector.shape_cast %get3A_843 : vector<16xi32> to vector<16xi32>
        %add3A_845 = arith.addi %mul3A_841, %get3A_844 : vector<16xi32>
        %swap3A_846 = arith.constant 96 : index
        %swap3A_847 = tpu.vector_load %arg19[%swap3A_846] {strides = array<i32>} : memref<216xi32, #tpu.memory_space<vmem>>, vector<16xi32>,
        %swap3A_848 = vector.shape_cast %swap3A_847 : vector<16xi32> to vector<16xi32>
        %swap3A_849 = vector.shape_cast %add3A_845 : vector<16xi32> to vector<16xi32>
        tpu.vector_store %arg19[%swap3A_846], %swap3A_849 {strides = array<i32>} : memref<216xi32, #tpu.memory_space<vmem>>, vector<16xi32>,
        %get3A_850 = arith.constant 112 : index
        %get3A_851 = tpu.vector_load %arg17[%get3A_850] {strides = array<i32>} : memref<200xi32, #tpu.memory_space<vmem>>, vector<16xi32>,
        %get3A_852 = vector.shape_cast %get3A_851 : vector<16xi32> to vector<16xi32>
        %mul3A_853 = arith.constant 8 : i32
        %mul3A_854 = vector.broadcast %mul3A_853 : i32 to vector<16xi32>
        %mul3A_855 = arith.muli %get3A_852, %mul3A_854 : vector<16xi32>
        %get3A_856 = arith.constant 112 : index
        %get3A_857 = tpu.vector_load %arg18[%get3A_856] {strides = array<i32>} : memref<200xi32, #tpu.memory_space<vmem>>, vector<16xi32>,
        %get3A_858 = vector.shape_cast %get3A_857 : vector<16xi32> to vector<16xi32>
        %add3A_859 = arith.addi %mul3A_855, %get3A_858 : vector<16xi32>
        %swap3A_860 = arith.constant 112 : index
        %swap3A_861 = tpu.vector_load %arg19[%swap3A_860] {strides = array<i32>} : memref<216xi32, #tpu.memory_space<vmem>>, vector<16xi32>,
        %swap3A_862 = vector.shape_cast %swap3A_861 : vector<16xi32> to vector<16xi32>
        %swap3A_863 = vector.shape_cast %add3A_859 : vector<16xi32> to vector<16xi32>
        tpu.vector_store %arg19[%swap3A_860], %swap3A_863 {strides = array<i32>} : memref<216xi32, #tpu.memory_space<vmem>>, vector<16xi32>,
        %get3A_864 = arith.constant 128 : index
        %get3A_865 = tpu.vector_load %arg17[%get3A_864] {strides = array<i32>} : memref<200xi32, #tpu.memory_space<vmem>>, vector<16xi32>,
        %get3A_866 = vector.shape_cast %get3A_865 : vector<16xi32> to vector<16xi32>
        %mul3A_867 = arith.constant 8 : i32
        %mul3A_868 = vector.broadcast %mul3A_867 : i32 to vector<16xi32>
        %mul3A_869 = arith.muli %get3A_866, %mul3A_868 : vector<16xi32>
        %get3A_870 = arith.constant 128 : index
        %get3A_871 = tpu.vector_load %arg18[%get3A_870] {strides = array<i32>} : memref<200xi32, #tpu.memory_space<vmem>>, vector<16xi32>,
        %get3A_872 = vector.shape_cast %get3A_871 : vector<16xi32> to vector<16xi32>
        %add3A_873 = arith.addi %mul3A_869, %get3A_872 : vector<16xi32>
        %swap3A_874 = arith.constant 128 : index
        %swap3A_875 = tpu.vector_load %arg19[%swap3A_874] {strides = array<i32>} : memref<216xi32, #tpu.memory_space<vmem>>, vector<16xi32>,
        %swap3A_876 = vector.shape_cast %swap3A_875 : vector<16xi32> to vector<16xi32>
        %swap3A_877 = vector.shape_cast %add3A_873 : vector<16xi32> to vector<16xi32>
        tpu.vector_store %arg19[%swap3A_874], %swap3A_877 {strides = array<i32>} : memref<216xi32, #tpu.memory_space<vmem>>, vector<16xi32>,
        %get3A_878 = arith.constant 144 : index
        %get3A_879 = tpu.vector_load %arg17[%get3A_878] {strides = array<i32>} : memref<200xi32, #tpu.memory_space<vmem>>, vector<16xi32>,
        %get3A_880 = vector.shape_cast %get3A_879 : vector<16xi32> to vector<16xi32>
        %mul3A_881 = arith.constant 8 : i32
        %mul3A_882 = vector.broadcast %mul3A_881 : i32 to vector<16xi32>
        %mul3A_883 = arith.muli %get3A_880, %mul3A_882 : vector<16xi32>
        %get3A_884 = arith.constant 144 : index
        %get3A_885 = tpu.vector_load %arg18[%get3A_884] {strides = array<i32>} : memref<200xi32, #tpu.memory_space<vmem>>, vector<16xi32>,
        %get3A_886 = vector.shape_cast %get3A_885 : vector<16xi32> to vector<16xi32>
        %add3A_887 = arith.addi %mul3A_883, %get3A_886 : vector<16xi32>
        %swap3A_888 = arith.constant 144 : index
        %swap3A_889 = tpu.vector_load %arg19[%swap3A_888] {strides = array<i32>} : memref<216xi32, #tpu.memory_space<vmem>>, vector<16xi32>,
        %swap3A_890 = vector.shape_cast %swap3A_889 : vector<16xi32> to vector<16xi32>
        %swap3A_891 = vector.shape_cast %add3A_887 : vector<16xi32> to vector<16xi32>
        tpu.vector_store %arg19[%swap3A_888], %swap3A_891 {strides = array<i32>} : memref<216xi32, #tpu.memory_space<vmem>>, vector<16xi32>,
        %get3A_892 = arith.constant 160 : index
        %get3A_893 = tpu.vector_load %arg17[%get3A_892] {strides = array<i32>} : memref<200xi32, #tpu.memory_space<vmem>>, vector<16xi32>,
        %get3A_894 = vector.shape_cast %get3A_893 : vector<16xi32> to vector<16xi32>
        %mul3A_895 = arith.constant 8 : i32
        %mul3A_896 = vector.broadcast %mul3A_895 : i32 to vector<16xi32>
        %mul3A_897 = arith.muli %get3A_894, %mul3A_896 : vector<16xi32>
        %get3A_898 = arith.constant 160 : index
        %get3A_899 = tpu.vector_load %arg18[%get3A_898] {strides = array<i32>} : memref<200xi32, #tpu.memory_space<vmem>>, vector<16xi32>,
        %get3A_900 = vector.shape_cast %get3A_899 : vector<16xi32> to vector<16xi32>
        %add3A_901 = arith.addi %mul3A_897, %get3A_900 : vector<16xi32>
        %swap3A_902 = arith.constant 160 : index
        %swap3A_903 = tpu.vector_load %arg19[%swap3A_902] {strides = array<i32>} : memref<216xi32, #tpu.memory_space<vmem>>, vector<16xi32>,
        %swap3A_904 = vector.shape_cast %swap3A_903 : vector<16xi32> to vector<16xi32>
        %swap3A_905 = vector.shape_cast %add3A_901 : vector<16xi32> to vector<16xi32>
        tpu.vector_store %arg19[%swap3A_902], %swap3A_905 {strides = array<i32>} : memref<216xi32, #tpu.memory_space<vmem>>, vector<16xi32>,
        %get3A_906 = arith.constant 176 : index
        %get3A_907 = tpu.vector_load %arg17[%get3A_906] {strides = array<i32>} : memref<200xi32, #tpu.memory_space<vmem>>, vector<16xi32>,
        %get3A_908 = vector.shape_cast %get3A_907 : vector<16xi32> to vector<16xi32>
        %mul3A_909 = arith.constant 8 : i32
        %mul3A_910 = vector.broadcast %mul3A_909 : i32 to vector<16xi32>
        %mul3A_911 = arith.muli %get3A_908, %mul3A_910 : vector<16xi32>
        %get3A_912 = arith.constant 176 : index
        %get3A_913 = tpu.vector_load %arg18[%get3A_912] {strides = array<i32>} : memref<200xi32, #tpu.memory_space<vmem>>, vector<16xi32>,
        %get3A_914 = vector.shape_cast %get3A_913 : vector<16xi32> to vector<16xi32>
        %add3A_915 = arith.addi %mul3A_911, %get3A_914 : vector<16xi32>
        %swap3A_916 = arith.constant 176 : index
        %swap3A_917 = tpu.vector_load %arg19[%swap3A_916] {strides = array<i32>} : memref<216xi32, #tpu.memory_space<vmem>>, vector<16xi32>,
        %swap3A_918 = vector.shape_cast %swap3A_917 : vector<16xi32> to vector<16xi32>
        %swap3A_919 = vector.shape_cast %add3A_915 : vector<16xi32> to vector<16xi32>
        tpu.vector_store %arg19[%swap3A_916], %swap3A_919 {strides = array<i32>} : memref<216xi32, #tpu.memory_space<vmem>>, vector<16xi32>,
        %get3A_920 = arith.constant 184 : index
        %get3A_921 = tpu.vector_load %arg17[%get3A_920] {strides = array<i32>} : memref<200xi32, #tpu.memory_space<vmem>>, vector<16xi32>,
        %get3A_922 = vector.shape_cast %get3A_921 : vector<16xi32> to vector<16xi32>
        %mul3A_923 = arith.constant 8 : i32
        %mul3A_924 = vector.broadcast %mul3A_923 : i32 to vector<16xi32>
        %mul3A_925 = arith.muli %get3A_922, %mul3A_924 : vector<16xi32>
        %get3A_926 = arith.constant 184 : index
        %get3A_927 = tpu.vector_load %arg18[%get3A_926] {strides = array<i32>} : memref<200xi32, #tpu.memory_space<vmem>>, vector<16xi32>,
        %get3A_928 = vector.shape_cast %get3A_927 : vector<16xi32> to vector<16xi32>
        %add3A_929 = arith.addi %mul3A_925, %get3A_928 : vector<16xi32>
        %swap3A_930 = arith.constant 184 : index
        %swap3A_931 = tpu.vector_load %arg19[%swap3A_930] {strides = array<i32>} : memref<216xi32, #tpu.memory_space<vmem>>, vector<16xi32>,
        %swap3A_932 = vector.shape_cast %swap3A_931 : vector<16xi32> to vector<16xi32>
        %swap3A_933 = vector.shape_cast %add3A_929 : vector<16xi32> to vector<16xi32>
        tpu.vector_store %arg19[%swap3A_930], %swap3A_933 {strides = array<i32>} : memref<216xi32, #tpu.memory_space<vmem>>, vector<16xi32>,
      } else {
      }
      %dma_wait3A_665 = arith.constant 0 : i32
      %dma_wait3A_666 = arith.constant 0 : i32
      %dma_wait3A_667 = tpu.memref_slice %arg50[%dma_wait3A_665, %dma_wait3A_666] : memref<200x128xf32, #tpu.memory_space<vmem>> -> memref<128x128xf32, #tpu.memory_space<vmem>>
      %dma_wait3A_668 = arith.constant 0 : i32
      %dma_wait3A_669 = tpu.memref_slice %arg46[%dma_wait3A_668] : memref<200xi32, #tpu.memory_space<vmem>> -> memref<128xi32, #tpu.memory_space<vmem>>
      %dma_wait3A_670 = arith.constant 0 : i32
      %dma_wait3A_671 = arith.constant 0 : i32
      %dma_wait3A_672 = tpu.memref_slice %arg5[%dma_wait3A_670, %dma_wait3A_671] : memref<100000x128xf32, #tpu.memory_space<hbm>> -> memref<100000x128xf32, #tpu.memory_space<hbm>>
      tpu.wait_indirect_dma semaphore(%arg51 : memref<!tpu.dma_semaphore, #tpu.memory_space<semaphore_mem>>) src(%dma_wait3A_672 : memref<100000x128xf32, #tpu.memory_space<hbm>>) dst(%dma_wait3A_667 : memref<128x128xf32, #tpu.memory_space<vmem>>)
      %dma_wait3A_673 = arith.constant 128 : i32
      %dma_wait3A_674 = arith.constant 0 : i32
      %dma_wait3A_675 = tpu.memref_slice %arg50[%dma_wait3A_673, %dma_wait3A_674] : memref<200x128xf32, #tpu.memory_space<vmem>> -> memref<72x128xf32, #tpu.memory_space<vmem>>
      %dma_wait3A_676 = arith.constant 128 : i32
      %dma_wait3A_677 = tpu.memref_slice %arg46[%dma_wait3A_676] : memref<200xi32, #tpu.memory_space<vmem>> -> memref<72xi32, #tpu.memory_space<vmem>>
      %dma_wait3A_678 = arith.constant 0 : i32
      %dma_wait3A_679 = arith.constant 0 : i32
      %dma_wait3A_680 = tpu.memref_slice %arg5[%dma_wait3A_678, %dma_wait3A_679] : memref<100000x128xf32, #tpu.memory_space<hbm>> -> memref<100000x128xf32, #tpu.memory_space<hbm>>
      tpu.wait_indirect_dma semaphore(%arg51 : memref<!tpu.dma_semaphore, #tpu.memory_space<semaphore_mem>>) src(%dma_wait3A_680 : memref<100000x128xf32, #tpu.memory_space<hbm>>) dst(%dma_wait3A_675 : memref<72x128xf32, #tpu.memory_space<vmem>>)
      %dma_start3A_681 = arith.constant 0 : i32
      %dma_start3A_682 = arith.constant 0 : i32
      %dma_start3A_683 = tpu.memref_slice %arg50[%dma_start3A_681, %dma_start3A_682] : memref<200x128xf32, #tpu.memory_space<vmem>> -> memref<128x128xf32, #tpu.memory_space<vmem>>
      %dma_start3A_684 = arith.constant 0 : i32
      %dma_start3A_685 = tpu.memref_slice %arg49[%dma_start3A_684] : memref<216xi32, #tpu.memory_space<vmem>> -> memref<128xi32, #tpu.memory_space<vmem>>
      %dma_start3A_686 = arith.constant 0 : i32
      %dma_start3A_687 = arith.constant 0 : i32
      %dma_start3A_688 = tpu.memref_slice %arg13[%dma_start3A_686, %dma_start3A_687] : memref<64x128xf32, #tpu.memory_space<vmem_shared>> -> memref<64x128xf32, #tpu.memory_space<vmem_shared>>
      tpu.enqueue_indirect_dma source(%dma_start3A_688 : memref<64x128xf32, #tpu.memory_space<vmem_shared>>) target(%dma_start3A_683 : memref<128x128xf32, #tpu.memory_space<vmem>>) offsets(%dma_start3A_685 : memref<128xi32, #tpu.memory_space<vmem>>) semaphore(%arg54 : memref<!tpu.dma_semaphore, #tpu.memory_space<semaphore_mem>>) {add = true}
      %dma_start3A_689 = arith.constant 128 : i32
      %dma_start3A_690 = arith.constant 0 : i32
      %dma_start3A_691 = tpu.memref_slice %arg50[%dma_start3A_689, %dma_start3A_690] : memref<200x128xf32, #tpu.memory_space<vmem>> -> memref<72x128xf32, #tpu.memory_space<vmem>>
      %dma_start3A_692 = arith.constant 128 : i32
      %dma_start3A_693 = tpu.memref_slice %arg49[%dma_start3A_692] : memref<216xi32, #tpu.memory_space<vmem>> -> memref<72xi32, #tpu.memory_space<vmem>>
      %dma_start3A_694 = arith.constant 0 : i32
      %dma_start3A_695 = arith.constant 0 : i32
      %dma_start3A_696 = tpu.memref_slice %arg13[%dma_start3A_694, %dma_start3A_695] : memref<64x128xf32, #tpu.memory_space<vmem_shared>> -> memref<64x128xf32, #tpu.memory_space<vmem_shared>>
      tpu.enqueue_indirect_dma source(%dma_start3A_696 : memref<64x128xf32, #tpu.memory_space<vmem_shared>>) target(%dma_start3A_691 : memref<72x128xf32, #tpu.memory_space<vmem>>) offsets(%dma_start3A_693 : memref<72xi32, #tpu.memory_space<vmem>>) semaphore(%arg54 : memref<!tpu.dma_semaphore, #tpu.memory_space<semaphore_mem>>) {add = true}
      %dma_start3A_697 = arith.constant 0 : i32
      %dma_start3A_698 = arith.constant 0 : i32
      %dma_start3A_699 = tpu.memref_slice %arg50[%dma_start3A_697, %dma_start3A_698] : memref<200x128xf32, #tpu.memory_space<vmem>> -> memref<128x128xf32, #tpu.memory_space<vmem>>
      %dma_start3A_700 = arith.constant 0 : i32
      %dma_start3A_701 = tpu.memref_slice %arg15[%dma_start3A_700] : memref<200xi32, #tpu.memory_space<vmem>> -> memref<128xi32, #tpu.memory_space<vmem>>
      %dma_start3A_702 = arith.constant 0 : i32
      %dma_start3A_703 = arith.constant 0 : i32
      %dma_start3A_704 = tpu.memref_slice %arg14[%dma_start3A_702, %dma_start3A_703] : memref<200x128xf32, #tpu.memory_space<vmem_shared>> -> memref<200x128xf32, #tpu.memory_space<vmem_shared>>
      tpu.enqueue_indirect_dma source(%dma_start3A_704 : memref<200x128xf32, #tpu.memory_space<vmem_shared>>) target(%dma_start3A_699 : memref<128x128xf32, #tpu.memory_space<vmem>>) offsets(%dma_start3A_701 : memref<128xi32, #tpu.memory_space<vmem>>) semaphore(%arg54 : memref<!tpu.dma_semaphore, #tpu.memory_space<semaphore_mem>>) {add = true}
      %dma_start3A_705 = arith.constant 128 : i32
      %dma_start3A_706 = arith.constant 0 : i32
      %dma_start3A_707 = tpu.memref_slice %arg50[%dma_start3A_705, %dma_start3A_706] : memref<200x128xf32, #tpu.memory_space<vmem>> -> memref<72x128xf32, #tpu.memory_space<vmem>>
      %dma_start3A_708 = arith.constant 128 : i32
      %dma_start3A_709 = tpu.memref_slice %arg15[%dma_start3A_708] : memref<200xi32, #tpu.memory_space<vmem>> -> memref<72xi32, #tpu.memory_space<vmem>>
      %dma_start3A_710 = arith.constant 0 : i32
      %dma_start3A_711 = arith.constant 0 : i32
      %dma_start3A_712 = tpu.memref_slice %arg14[%dma_start3A_710, %dma_start3A_711] : memref<200x128xf32, #tpu.memory_space<vmem_shared>> -> memref<200x128xf32, #tpu.memory_space<vmem_shared>>
      tpu.enqueue_indirect_dma source(%dma_start3A_712 : memref<200x128xf32, #tpu.memory_space<vmem_shared>>) target(%dma_start3A_707 : memref<72x128xf32, #tpu.memory_space<vmem>>) offsets(%dma_start3A_709 : memref<72xi32, #tpu.memory_space<vmem>>) semaphore(%arg54 : memref<!tpu.dma_semaphore, #tpu.memory_space<semaphore_mem>>) {add = true}
    }
    %scan3A_360 = arith.constant 8 : i32
    %dma_wait3A_361 = arith.constant 0 : i32
    %dma_wait3A_362 = arith.constant 0 : i32
    %dma_wait3A_363 = tpu.memref_slice %arg50[%dma_wait3A_361, %dma_wait3A_362] : memref<200x128xf32, #tpu.memory_space<vmem>> -> memref<128x128xf32, #tpu.memory_space<vmem>>
    %dma_wait3A_364 = arith.constant 0 : i32
    %dma_wait3A_365 = tpu.memref_slice %arg49[%dma_wait3A_364] : memref<216xi32, #tpu.memory_space<vmem>> -> memref<128xi32, #tpu.memory_space<vmem>>
    %dma_wait3A_366 = arith.constant 0 : i32
    %dma_wait3A_367 = arith.constant 0 : i32
    %dma_wait3A_368 = tpu.memref_slice %arg13[%dma_wait3A_366, %dma_wait3A_367] : memref<64x128xf32, #tpu.memory_space<vmem_shared>> -> memref<64x128xf32, #tpu.memory_space<vmem_shared>>
    tpu.wait_indirect_dma semaphore(%arg54 : memref<!tpu.dma_semaphore, #tpu.memory_space<semaphore_mem>>) src(%dma_wait3A_368 : memref<64x128xf32, #tpu.memory_space<vmem_shared>>) dst(%dma_wait3A_363 : memref<128x128xf32, #tpu.memory_space<vmem>>)
    %dma_wait3A_369 = arith.constant 128 : i32
    %dma_wait3A_370 = arith.constant 0 : i32
    %dma_wait3A_371 = tpu.memref_slice %arg50[%dma_wait3A_369, %dma_wait3A_370] : memref<200x128xf32, #tpu.memory_space<vmem>> -> memref<72x128xf32, #tpu.memory_space<vmem>>
    %dma_wait3A_372 = arith.constant 128 : i32
    %dma_wait3A_373 = tpu.memref_slice %arg49[%dma_wait3A_372] : memref<216xi32, #tpu.memory_space<vmem>> -> memref<72xi32, #tpu.memory_space<vmem>>
    %dma_wait3A_374 = arith.constant 0 : i32
    %dma_wait3A_375 = arith.constant 0 : i32
    %dma_wait3A_376 = tpu.memref_slice %arg13[%dma_wait3A_374, %dma_wait3A_375] : memref<64x128xf32, #tpu.memory_space<vmem_shared>> -> memref<64x128xf32, #tpu.memory_space<vmem_shared>>
    tpu.wait_indirect_dma semaphore(%arg54 : memref<!tpu.dma_semaphore, #tpu.memory_space<semaphore_mem>>) src(%dma_wait3A_376 : memref<64x128xf32, #tpu.memory_space<vmem_shared>>) dst(%dma_wait3A_371 : memref<72x128xf32, #tpu.memory_space<vmem>>)
    %dma_wait3A_377 = arith.constant 0 : i32
    %dma_wait3A_378 = arith.constant 0 : i32
    %dma_wait3A_379 = tpu.memref_slice %arg50[%dma_wait3A_377, %dma_wait3A_378] : memref<200x128xf32, #tpu.memory_space<vmem>> -> memref<128x128xf32, #tpu.memory_space<vmem>>
    %dma_wait3A_380 = arith.constant 0 : i32
    %dma_wait3A_381 = tpu.memref_slice %arg15[%dma_wait3A_380] : memref<200xi32, #tpu.memory_space<vmem>> -> memref<128xi32, #tpu.memory_space<vmem>>
    %dma_wait3A_382 = arith.constant 0 : i32
    %dma_wait3A_383 = arith.constant 0 : i32
    %dma_wait3A_384 = tpu.memref_slice %arg14[%dma_wait3A_382, %dma_wait3A_383] : memref<200x128xf32, #tpu.memory_space<vmem_shared>> -> memref<200x128xf32, #tpu.memory_space<vmem_shared>>
    tpu.wait_indirect_dma semaphore(%arg54 : memref<!tpu.dma_semaphore, #tpu.memory_space<semaphore_mem>>) src(%dma_wait3A_384 : memref<200x128xf32, #tpu.memory_space<vmem_shared>>) dst(%dma_wait3A_379 : memref<128x128xf32, #tpu.memory_space<vmem>>)
    %dma_wait3A_385 = arith.constant 128 : i32
    %dma_wait3A_386 = arith.constant 0 : i32
    %dma_wait3A_387 = tpu.memref_slice %arg50[%dma_wait3A_385, %dma_wait3A_386] : memref<200x128xf32, #tpu.memory_space<vmem>> -> memref<72x128xf32, #tpu.memory_space<vmem>>
    %dma_wait3A_388 = arith.constant 128 : i32
    %dma_wait3A_389 = tpu.memref_slice %arg15[%dma_wait3A_388] : memref<200xi32, #tpu.memory_space<vmem>> -> memref<72xi32, #tpu.memory_space<vmem>>
    %dma_wait3A_390 = arith.constant 0 : i32
    %dma_wait3A_391 = arith.constant 0 : i32
    %dma_wait3A_392 = tpu.memref_slice %arg14[%dma_wait3A_390, %dma_wait3A_391] : memref<200x128xf32, #tpu.memory_space<vmem_shared>> -> memref<200x128xf32, #tpu.memory_space<vmem_shared>>
    tpu.wait_indirect_dma semaphore(%arg54 : memref<!tpu.dma_semaphore, #tpu.memory_space<semaphore_mem>>) src(%dma_wait3A_392 : memref<200x128xf32, #tpu.memory_space<vmem_shared>>) dst(%dma_wait3A_387 : memref<72x128xf32, #tpu.memory_space<vmem>>)
    %add3A_393 = arith.constant 31 : i32
    %add3A_394 = arith.addi %mul3A_2, %add3A_393 : i32
    %dma_start3A_395 = arith.constant 0 : i32
    %dma_start3A_396 = arith.constant 0 : i32
    %dma_start3A_397 = tpu.memref_slice %arg9[%add3A_394, %dma_start3A_395, %dma_start3A_396] : memref<1024x200x128xf32, #tpu.memory_space<hbm>> -> memref<1x200x128xf32, #tpu.memory_space<hbm>>
    %dma_start3A_398 = tpu.memref_squeeze %dma_start3A_397 : memref<1x200x128xf32, #tpu.memory_space<hbm>> -> memref<200x128xf32, #tpu.memory_space<hbm>>
    %dma_start3A_399 = arith.constant 0 : i32
    %dma_start3A_400 = arith.constant 0 : i32
    %dma_start3A_401 = tpu.memref_slice %arg9[%add3A_394, %dma_start3A_399, %dma_start3A_400] : memref<1024x200x128xf32, #tpu.memory_space<hbm>> -> memref<1x200x128xf32, #tpu.memory_space<hbm>>
    %dma_start3A_402 = tpu.memref_squeeze %dma_start3A_401 : memref<1x200x128xf32, #tpu.memory_space<hbm>> -> memref<200x128xf32, #tpu.memory_space<hbm>>
    tpu.enqueue_dma source(%arg50 : memref<200x128xf32, #tpu.memory_space<vmem>>) target(%dma_start3A_402 : memref<200x128xf32, #tpu.memory_space<hbm>>) target_semaphore(%arg52 : memref<!tpu.dma_semaphore, #tpu.memory_space<semaphore_mem>>)
    %add3A_403 = arith.constant 29 : i32
    %add3A_404 = arith.addi %mul3A_2, %add3A_403 : i32
    %dma_wait3A_405 = arith.constant 0 : i32
    %dma_wait3A_406 = arith.constant 0 : i32
    %dma_wait3A_407 = tpu.memref_slice %arg9[%add3A_404, %dma_wait3A_405, %dma_wait3A_406] : memref<1024x200x128xf32, #tpu.memory_space<hbm>> -> memref<1x200x128xf32, #tpu.memory_space<hbm>>
    %dma_wait3A_408 = tpu.memref_squeeze %dma_wait3A_407 : memref<1x200x128xf32, #tpu.memory_space<hbm>> -> memref<200x128xf32, #tpu.memory_space<hbm>>
    %dma_wait3A_409 = arith.constant 0 : i32
    %dma_wait3A_410 = arith.constant 0 : i32
    %dma_wait3A_411 = tpu.memref_slice %arg9[%add3A_404, %dma_wait3A_409, %dma_wait3A_410] : memref<1024x200x128xf32, #tpu.memory_space<hbm>> -> memref<1x200x128xf32, #tpu.memory_space<hbm>>
    %dma_wait3A_412 = tpu.memref_squeeze %dma_wait3A_411 : memref<1x200x128xf32, #tpu.memory_space<hbm>> -> memref<200x128xf32, #tpu.memory_space<hbm>>
    tpu.wait_dma2 semaphore(%arg32 : memref<!tpu.dma_semaphore, #tpu.memory_space<semaphore_mem>>) src(%arg30 : memref<200x128xf32, #tpu.memory_space<vmem>>) dst(%dma_wait3A_412 : memref<200x128xf32, #tpu.memory_space<hbm>>)
    %add3A_413 = arith.constant 30 : i32
    %add3A_414 = arith.addi %mul3A_2, %add3A_413 : i32
    %dma_wait3A_415 = arith.constant 0 : i32
    %dma_wait3A_416 = arith.constant 0 : i32
    %dma_wait3A_417 = tpu.memref_slice %arg9[%add3A_414, %dma_wait3A_415, %dma_wait3A_416] : memref<1024x200x128xf32, #tpu.memory_space<hbm>> -> memref<1x200x128xf32, #tpu.memory_space<hbm>>
    %dma_wait3A_418 = tpu.memref_squeeze %dma_wait3A_417 : memref<1x200x128xf32, #tpu.memory_space<hbm>> -> memref<200x128xf32, #tpu.memory_space<hbm>>
    %dma_wait3A_419 = arith.constant 0 : i32
    %dma_wait3A_420 = arith.constant 0 : i32
    %dma_wait3A_421 = tpu.memref_slice %arg9[%add3A_414, %dma_wait3A_419, %dma_wait3A_420] : memref<1024x200x128xf32, #tpu.memory_space<hbm>> -> memref<1x200x128xf32, #tpu.memory_space<hbm>>
    %dma_wait3A_422 = tpu.memref_squeeze %dma_wait3A_421 : memref<1x200x128xf32, #tpu.memory_space<hbm>> -> memref<200x128xf32, #tpu.memory_space<hbm>>
    tpu.wait_dma2 semaphore(%arg42 : memref<!tpu.dma_semaphore, #tpu.memory_space<semaphore_mem>>) src(%arg40 : memref<200x128xf32, #tpu.memory_space<vmem>>) dst(%dma_wait3A_422 : memref<200x128xf32, #tpu.memory_space<hbm>>)
    %add3A_423 = arith.constant 31 : i32
    %add3A_424 = arith.addi %mul3A_2, %add3A_423 : i32
    %dma_wait3A_425 = arith.constant 0 : i32
    %dma_wait3A_426 = arith.constant 0 : i32
    %dma_wait3A_427 = tpu.memref_slice %arg9[%add3A_424, %dma_wait3A_425, %dma_wait3A_426] : memref<1024x200x128xf32, #tpu.memory_space<hbm>> -> memref<1x200x128xf32, #tpu.memory_space<hbm>>
    %dma_wait3A_428 = tpu.memref_squeeze %dma_wait3A_427 : memref<1x200x128xf32, #tpu.memory_space<hbm>> -> memref<200x128xf32, #tpu.memory_space<hbm>>
    %dma_wait3A_429 = arith.constant 0 : i32
    %dma_wait3A_430 = arith.constant 0 : i32
    %dma_wait3A_431 = tpu.memref_slice %arg9[%add3A_424, %dma_wait3A_429, %dma_wait3A_430] : memref<1024x200x128xf32, #tpu.memory_space<hbm>> -> memref<1x200x128xf32, #tpu.memory_space<hbm>>
    %dma_wait3A_432 = tpu.memref_squeeze %dma_wait3A_431 : memref<1x200x128xf32, #tpu.memory_space<hbm>> -> memref<200x128xf32, #tpu.memory_space<hbm>>
    tpu.wait_dma2 semaphore(%arg52 : memref<!tpu.dma_semaphore, #tpu.memory_space<semaphore_mem>>) src(%arg50 : memref<200x128xf32, #tpu.memory_space<vmem>>) dst(%dma_wait3A_432 : memref<200x128xf32, #tpu.memory_space<hbm>>)
    return
  }
}

</mosaic_0001>

<sc_bundles>
// kernel: kernel.3.cloned.1.call-start
scs
__scs_entry_jumppad:
0x0: {  	(pc) =	sbr.rel $0x88, $3  }
0x1: {  	(tag) =	ssettag $0x0;
	lr =	simm.s32 $0x1  }
0x2: {  	[smem:$0x3F9B] =	sst lr;
	_ =	strace $0xD0000000  }
0x3: {  	_ = 	snop  }
0x4: {  	_ = 	snop  }
0x5: {  	_ = 	snop  }
0x6: {  	_ = 	snop  }
0x7: {  	_ = 	snop  }
__scs_overlays_trampoline_lowered:
0x8: {  	[smem:$0x3FAA] =	sst s0  }
0x9: {  	[smem:$0x3FAB] =	sst s1  }
0xa: {  	[smem:$0x3FAC] =	sst s2  }
0xb: {  	[smem:$0x3FAD] =	sst s3  }
0xc: {  	[smem:$0x3FAE] =	sst s4  }
0xd: {  	[smem:$0x3FAF] =	sst s5  }
0xe: {  	[smem:$0x3FB0] =	sst s6  }
0xf: {  	[smem:$0x3FB1] =	sst s7  }
0x10: {  	[smem:$0x3FB2] =	sst s8  }
0x11: {  	[smem:$0x3FB3] =	sst s9;
	s0 =	simm.s32 @!p0 $0x0  }
0x12: {  	s1 =	sld [smem:$0x3F99];
	s0 =	simm.s32 @p0 $0x1  }
0x13: {  	[smem:$0x3FB4] =	sst s0;
	s0 =	simm.s32 @!p1 $0x0  }
0x14: {  	s2 =	sld [smem:$0x3F98];
	s0 =	simm.s32 @p1 $0x1  }
0x15: {  	[smem:$0x3FB5] =	sst s0;
	s0 =	simm.s32 @!p2 $0x0  }
0x16: {  	s3 =	sld [smem:$0x3FDB];
	s0 =	simm.s32 @p2 $0x1  }
0x17: {  	s4 =	simm.s32 $0x1BF5;
	[smem:$0x3FB7] =	sst s0  }
0x18: {  	s0 =	sld [smem:$0x3F9A];
	_ =	swait.ge [sflag:s4], $0x0  }
0x19: {  	s7 =	sld [smem:$0x3F9B]  }
0x1a: {  	s8 =	sadd.s32 $0xFFFFE003, lr  }
0x1b: {  	s9 =	sadd.s32 $0xFFFFFEF7, lr;
	s5 =	simm.s32 $0xFFFFFFFF;
	p2 =	slt.u32 s8, $0xFFFFF086  }
0x1c: {  	p1 =	slt.u32 s9, $0xF7A;
	s5 =	simm.s32 @!p2 $0x0  }
0x1d: {  	s5 =	simm.s32 @p1 $0x1;
	p0 =	seq.s32 s7, s2  }
0x1e: {  	s7 =	smul.u32 @!p0 $0xF7A, s2;
	p2 =	seq.s32 @!p0 s5, $0x0  }
0x1f: {  	s9 =	smul.u32 $0xF7A, s1;
	s8 =	simm.s32 @!p0 $0x1BF5;
	p2 =	por !p2, p0  }
0x20: {  	[sflag:s8] =	ssyncset.s32 @!p0 $0xFFFFF086;
	s6 =	sadd.s32 @!p0 s3, s7;
	s7 =	simm.s32 @!p0 $0x108  }
0x21: {  	s3 =	sadd.s32 s3, s9;
	s6 =	sadd.s32 @!p0 $0x88, s6;
	s7 =	simm.s32 @p2 $0x1082  }
0x22: {  	[simem:s7], [sflag:s8] =	dma.local @!p0 [hbm:s6], $0xF7A  }
0x23: {  	s9 =	sor.u32 $0xD0000000, s2;
	s6 =	simm.s32 $0x108;
	_ =	swait.ge @!p0 [sflag:s8], $0x0  }
0x24: {  	s3 =	sadd.s32 $0x88, s3;
	s6 =	simm.s32 @!p1 $0x1082;
	[sflag:s4] =	ssyncset.s32 $0xFFFFF086  }
0x25: {  	[simem:s6], [sflag:s4] =	dma.local [hbm:s3], $0xF7A  }
0x26: {  	[smem:$0x3F9B] =	sst s1;
	(tag) =	ssettag s2;
	_ =	strace s9  }
0x27: {  	s1 =	sld [smem:$0x3FAB]  }
0x28: {  	s2 =	sld [smem:$0x3FAC]  }
0x29: {  	s4 =	sld [smem:$0x3FAE]  }
0x2a: {  	p0 =	seq.s32 s5, $0x0;
	s5 =	sld [smem:$0x3FAF]  }
0x2b: {  	s6 =	sld [smem:$0x3FB0]  }
0x2c: {  	s7 =	sld [smem:$0x3FB1]  }
0x2d: {  	s3 =	simm.s32 $0x108;
	s8 =	sld [smem:$0x3FB2]  }
0x2e: {  	s3 =	simm.s32 @!p0 $0x1082;
	s9 =	sld [smem:$0x3FB3]  }
0x2f: {  	lr =	sadd.s32 s0, s3;
	s0 =	sld [smem:$0x3FAA]  }
0x30: {  	s3 =	sld [smem:$0x3FAD]  }
0x31: {  	[smem:$0x3FB6] =	sst s10  }
0x32: {  	s10 =	sld [smem:$0x3FB4];
	_ =	sdelay $0x3  }
0x33: {  	p0 =	seq.s32 s10, $0x1;
	s10 =	sld [smem:$0x3FB6];
	_ =	sdelay $0x3  }
0x34: {  	[smem:$0x3FB6] =	sst s10  }
0x35: {  	s10 =	sld [smem:$0x3FB5];
	_ =	sdelay $0x3  }
0x36: {  	p1 =	seq.s32 s10, $0x1;
	s10 =	sld [smem:$0x3FB6];
	_ =	sdelay $0x3  }
0x37: {  	[smem:$0x3FB6] =	sst s10  }
0x38: {  	s10 =	sld [smem:$0x3FB7]  }
0x39: {  	_ = 	snop;
	(pc) =	sbr.ind lr, $3  }
0x3a: {  	_ = 	snop  }
0x3b: {  	_ = 	snop  }
0x3c: {  	p2 =	seq.s32 s10, $0x1;
	s10 =	sld [smem:$0x3FB6]  }
0x3d: {  	_ =	shalt  }
0x3e: {  	_ =	shalt  }
0x3f: {  	_ =	shalt  }
0x40: {  	_ =	shalt  }
0x41: {  	_ =	shalt  }
0x42: {  	_ =	shalt  }
0x43: {  	_ =	shalt  }
0x44: {  	_ =	shalt  }
0x45: {  	_ =	shalt  }
0x46: {  	_ =	shalt  }
0x47: {  	_ =	shalt  }
0x48: {  	_ =	shalt  }
0x49: {  	_ =	shalt  }
0x4a: {  	_ =	shalt  }
0x4b: {  	_ =	shalt  }
0x4c: {  	_ =	shalt  }
0x4d: {  	_ =	shalt  }
0x4e: {  	_ =	shalt  }
0x4f: {  	_ =	shalt  }
0x50: {  	_ =	shalt  }
0x51: {  	_ =	shalt  }
0x52: {  	_ =	shalt  }
0x53: {  	_ =	shalt  }
0x54: {  	_ =	shalt  }
0x55: {  	_ =	shalt  }
0x56: {  	_ =	shalt  }
0x57: {  	_ =	shalt  }
0x58: {  	_ =	shalt  }
0x59: {  	_ =	shalt  }
0x5a: {  	_ =	shalt  }
0x5b: {  	_ =	shalt  }
0x5c: {  	_ =	shalt  }
0x5d: {  	_ =	shalt  }
0x5e: {  	_ =	shalt  }
0x5f: {  	_ =	shalt  }
0x60: {  	_ =	shalt  }
0x61: {  	_ =	shalt  }
0x62: {  	_ =	shalt  }
0x63: {  	_ =	shalt  }
0x64: {  	_ =	shalt  }
0x65: {  	_ =	shalt  }
0x66: {  	_ =	shalt  }
0x67: {  	_ =	shalt  }
0x68: {  	_ =	shalt  }
0x69: {  	_ =	shalt  }
0x6a: {  	_ =	shalt  }
0x6b: {  	_ =	shalt  }
0x6c: {  	_ =	shalt  }
0x6d: {  	_ =	shalt  }
0x6e: {  	_ =	shalt  }
0x6f: {  	_ =	shalt  }
0x70: {  	_ =	shalt  }
0x71: {  	_ =	shalt  }
0x72: {  	_ =	shalt  }
0x73: {  	_ =	shalt  }
0x74: {  	_ =	shalt  }
0x75: {  	_ =	shalt  }
0x76: {  	_ =	shalt  }
0x77: {  	_ =	shalt  }
0x78: {  	_ =	shalt  }
0x79: {  	_ =	shalt  }
0x7a: {  	_ =	shalt  }
0x7b: {  	_ =	shalt  }
0x7c: {  	_ =	shalt  }
0x7d: {  	_ =	shalt  }
0x7e: {  	_ =	shalt  }
0x7f: {  	_ =	shalt  }
0x80: {  	_ =	shalt  }
0x81: {  	_ =	shalt  }
0x82: {  	_ =	shalt  }
0x83: {  	_ =	shalt  }
0x84: {  	_ =	shalt  }
0x85: {  	_ =	shalt  }
0x86: {  	_ =	shalt  }
0x87: {  	_ =	shalt  }
.Lfunc_end0:
.L_simem_size_0:
called_computation_lowered:
.L_overlay_start_0:
0x88: {  	s2 =	sld [smem:$0x3FD9]  }
0x89: {  	s3 =	sld [smem:$0x3FFE];
	_ =	sdelay $0x1  }
0x8a: {  	s1 =	srdreg.scid  }
0x8b: {  	s0 =	sand.u32 $0x1, s1  }
0x8c: {  	s17 =	sshll.u32 s0, $0xA;
	s2 =	sadd.s32 s3, s2  }
0x8d: {  	s2 =	sadd.s32 s2, s17  }
0x8e: {  	[smem:$0x3FC2] =	sst s2  }
0x8f: {  	_ = 	snop  }
0x90: {  	s2 =	sld [smem:$0x3FC7]  }
0x91: {  	s18 =	sld [smem:$0x3FC6]  }
0x92: {  	s4 =	sld [smem:$0x3FC5]  }
0x93: {  	s5 =	sld [smem:$0x3FC4]  }
0x94: {  	s6 =	sld [smem:$0x3FD0];
	(tm) =	ssettm $0x1  }
0x95: {  	s7 =	sld [smem:$0x3FFB];
	_ =	sdelay $0x3  }
0x96: {  	_ =	strace s7  }
0x97: {  	s7 =	sld [smem:$0x3FFC];
	_ =	sdelay $0x3  }
0x98: {  	_ =	strace s7  }
0x99: {  	s7 =	sld [smem:$0x3FFD];
	_ =	sdelay $0x3  }
0x9a: {  	_ =	strace s7  }
0x9b: {  	_ =	strace $0x8FFFFFFF  }
0x9c: {  	s19 =	sld [smem:$0x3FDB];
	_ =	sdelay $0x1  }
0x9d: {  	s8 =	simm.s32 $_scs_section_size  }
0x9e: {  	s9 =	simm.s32 $_size__tile_overlayer_lowered;
	s10 =	simm.s32 $_tile_overlayer_lowered  }
0x9f: {  	s22 =	simm.s32 $0x1BFF;
	s21 =	sshll.u32 s10, $0x1;
	s7 =	sadd.s32 s8, s19  }
0xa0: {  	s11 =	simm.s32 $0x0;
	s20 =	sshll.u32 s9, $0x1;
	s9 =	sadd.s32 s21, s7  }
0xa1: {  	[timem:s11], [sflag:s22] =	dma.local [hbm:s9], s20  }
0xa2: {  	_ =	swait.ge [sflag:s22], s20  }
0xa3: {  	s8 =	ssub.s32 $0x0, s20;
	[sflag:s22] =	ssyncset.done $0x0  }
0xa4: {  	[sflag:s22] =	ssyncadd.s32 s8;
	_ =	sdelay $0x1  }
0xa5: {  	s23 =	simm.s32 $0x1B8B  }
0xa6: {  	_ =	swait.ge [sflag:s23], $0x1  }
0xa7: {  	[sflag:s23] =	ssyncset.done $0x0  }
0xa8: {  	s25 =	simm.s32 $0x1B8E;
	s24 =	sld [smem:$0x3FFE];
	[sflag:s23] =	ssyncadd.s32 $0xFFFFFFFF  }
0xa9: {  	s26 =	simm.s32 $execute0_lowered;
	[smem:$0x3FD2] =	sst s25  }
0xaa: {  	s9 =	sshll.u32 s26, $0x1;
	_ =	strace $0x80000046;
	[dreg:$0x1] =	wrdreg $0xFFFFFFFF  }
0xab: {  	s28 =	simm.s32 $_size_execute0_lowered;
	s7 =	sadd.s32 s7, s9;
	[dreg:$0x0] =	wrdreg $0x0  }
0xac: {  	s9 =	sshll.u32 s28, $0x1;
	[dreg:$0x2] =	wrdreg s7  }
0xad: {  	[dreg:$0x3] =	wrdreg s9  }
0xae: {  	[dreg:$0x4] =	wrdreg $0xC0  }
0xaf: {  	_ =	task [dreg:s11], $0x5FFFF  }
0xb0: {  	[dreg:$0x1] =	wrdreg $0xFFFFFFFF  }
0xb1: {  	[dreg:$0x0] =	wrdreg $0x60  }
0xb2: {  	[dreg:$0x2] =	wrdreg s24  }
0xb3: {  	[dreg:$0x3] =	wrdreg s2  }
0xb4: {  	[dreg:$0x4] =	wrdreg s18  }
0xb5: {  	[dreg:$0x5] =	wrdreg s4  }
0xb6: {  	[dreg:$0x6] =	wrdreg s5  }
0xb7: {  	[dreg:$0x7] =	wrdreg s6  }
0xb8: {  	[dreg:$0x8] =	wrdreg $0x28000  }
0xb9: {  	[dreg:$0x9] =	wrdreg $0x2A000  }
0xba: {  	[dreg:$0xa] =	wrdreg $0x9  }
0xbb: {  	_ =	task.clear_ibuf [dreg:s11], $0xBFFFF;
	_ =	strace $0x90000046  }
0xbc: {  	s29 =	simm.s32 $0x9;
	_ =	strace $0x80000048  }
0xbd: {  	_ =	swait.ge [sflag:s29], $0x1  }
0xbe: {  	[sflag:s29] =	ssyncadd.s32 $0xFFFFFFFF  }
0xbf: {  	_ =	strace $0x90000048  }
0xc0: {  	_ =	sfence  }
0xc1: {  	s30 =	sld [smem:$0x0];
	_ =	sdelay $0x2  }
0xc2: {  	s31 =	sshll.u32 s1, $0xD;
	s1 =	sshrl.u32 s1, $0x2  }
0xc3: {  	s3 =	sand.u32 $0x4000, s31;
	s1 =	sadd.s32 s1, s30  }
0xc4: {  	s0 =	sor.u32 s3, s0;
	s1 =	sshll.u32 s1, $0x11  }
0xc5: {  	s0 =	sor.u32 s1, s0  }
0xc6: {  	s0 =	sadd.s32 $0x8F2B, s0  }
0xc7: {  	[sflag:s0] =	ssyncadd.remote.s32 $0x1  }
0xc8: {  	_ =	sfence.sel $0xFFFF  }
0xc9: {  	[dreg:$0x0] =	wrdreg $0xFFFFFFFF;
	(pc) =	sbr.abs _section_cstart, $3  }
0xca: {  	[dreg:$0x1] =	wrdreg $0xFFFFFFFF  }
0xcb: {  	_ =	task.clear_ibuf [dreg:s11], $0x2FFFF;
	_ =	strace $0x9FFFFFFF  }
0xcc: {  	(tm) =	ssettm $0x7FFFFFFF  }
0xcd: {  	_ =	shalt  }
tec
execute0_lowered:
.L_overlay_start_1:
0x0: {  	(tag) =	ssettag $0x1  }
0x1: {  	s2 =	rddreg [dreg:$0x0]  }
0x2: {  	s3 =	srdreg.scid;
	s1 =	stileid.u32  }
0x3: {  	s16 =	rddreg [dreg:$0x5];
	s0 =	simm.s32 $0x0;
	s29 =	smul.u32 $0x640, s1  }
0x4: {  	s28 =	simm.s32 $0x4;
	s31 =	simm.s32 $0xDD40;
	s30 =	smul.u32 $0x3200, s1  }
0x5: {  	s3 =	sand.u32 $0x1, s3;
	s4 =	sshll.u32 s1, $0x1;
	s15 =	smul.u32 $0x32000, s1  }
0x6: {  	[smem:$0x7FF] =	sst s0;
	s7 =	sadd.s32 $0x600, s2;
	s12 =	smul.u32 $0x320, s3  }
0x7: {  	s8 =	sadd.s32 $0xCE00, s2;
	s2 =	sadd.s32 $0x6A00, s2;
	s5 =	smul.u32 $0x1900, s3  }
0x8: {  	s21 =	sshll.u32 s1, $0x6;
	s4 =	sor.u32 s3, s4;
	s19 =	smul.u32 $0x19000, s3  }
0x9: {  	p0 =	sne.s32 s1, $0x0;
	s9 =	ssub.s32 $0x2, s3;
	s6 =	smul.u32 $0x1900, s4  }
0xa: {  	s3 =	sshll.u32 s3, $0x5;
	s10 =	sshrl.u32 s9, $0x1;
	s4 =	smul.u32 $0xC8000, s4  }
0xb: {  	s3 =	sor.u32 s3, s21;
	s21 =	simm.s32 $0x8;
	s9 =	ssub.s32 s9, s10  }
0xc: {  	s10 =	sadd.s32 s15, s16;
	s3 =	smul.u32 $0x6400, s3;
	s11 =	sshrl.u32 s6, $0x3  }
0xd: {  	s6 =	sadd.s32 $0x148, s6;
	s17 =	sadd.s32 s7, s11;
	s25 =	sadd.s32 s8, s11  }
0xe: {  	s26 =	sadd.s32 s2, s11;
	s11 =	sor.u32 $0x19, s11;
	[dreg:$0xa] =	wrdreg s25  }
0xf: {  	s6 =	sshrl.u32 s6, $0x3;
	[dreg:$0xb] =	wrdreg s26;
	s13 =	sadd.s32 s7, s11  }
0x10: {  	s24 =	sshrl.u32 s4, $0x3;
	s6 =	sadd.s32 s7, s6;
	[dreg:$0xc] =	wrdreg s13  }
0x11: {  	s0 =	sadd.s32 s8, s11;
	s11 =	sadd.s32 s2, s11;
	[dreg:$0xd] =	wrdreg s6  }
0x12: {  	s2 =	sadd.s32 s29, s2;
	s8 =	sadd.s32 s29, s8;
	[dreg:$0xe] =	wrdreg s0  }
0x13: {  	[dreg:$0xf] =	wrdreg s11;
	s2 =	sadd.s32 s12, s2;
	s8 =	sadd.s32 s12, s8  }
0x14: {  	s11 =	sadd.s32 s5, s30;
	s13 =	sadd.s32 s29, s7;
	[dreg:$0x19] =	wrdreg s2  }
0x15: {  	[dreg:$0x1a] =	wrdreg s8;
	s14 =	sadd.s32 $0x468, s11;
	s6 =	sadd.s32 s12, s13  }
0x16: {  	s20 =	sadd.s32 $0x3A0, s11;
	s8 =	sadd.s32 s19, s10;
	[dreg:$0x1b] =	wrdreg s6  }
0x17: {  	s2 =	sadd.s32 $0x2D8, s11;
	s18 =	sshrl.u32 s14, $0x3;
	[dreg:$0x11] =	wrdreg s8  }
0x18: {  	s2 =	sshrl.u32 s2, $0x3;
	s6 =	sadd.s32 s18, s7;
	s18 =	rddreg [dreg:$0x7]  }
0x19: {  	s2 =	sadd.s32 s2, s7;
	[dreg:$0x10] =	wrdreg s6;
	s6 =	sshrl.u32 s20, $0x3  }
0x1a: {  	s22 =	sadd.s32 $0x210, s11;
	[dreg:$0x14] =	wrdreg s2;
	s6 =	sadd.s32 s6, s7  }
0x1b: {  	s26 =	smax.u32 s9, $0x1;
	s23 =	sshrl.u32 s22, $0x3;
	[dreg:$0x12] =	wrdreg s6  }
0x1c: {  	s2 =	sadd.s32 s16, s24;
	s6 =	sadd.s32 s23, s7;
	s23 =	rddreg [dreg:$0x6]  }
0x1d: {  	s9 =	simm.s32 $0xC;
	s25 =	sadd.s32 $0x18380, s2;
	[dreg:$0x13] =	wrdreg s6  }
.Ltmp0:
0x1e: {  	v0 =	vlaneseq.u32;
	_ =	strace $0x80000047;
	[dreg:$0x15] =	wrdreg s25;
	(pc) =	sbr.rel .LBB2_1-.Ltmp0, $4  }
0x1f: {  	v1 =	vor.u32 $0x10, v0;
	v2 =	vor.u32 $0x20, v0;
	v3 =	vor.u32 $0x30, v0;
	s29 =	sadd.s32 $0xFFFF9C00, s3;
	s30 =	sadd.s32 $0x10, s17;
	[dreg:$0x16] =	wrdreg s26  }
0x20: {  	v4 =	vor.u32 $0x40, v0;
	v5 =	vor.u32 $0x50, v0;
	v6 =	vor.u32 $0x60, v0;
	s3 =	simm.s32 $0x80;
	s16 =	simm.s32 $0xF;
	[dreg:$0x17] =	wrdreg s29  }
0x21: {  	v7 =	vor.u32 $0x70, v0;
	v8 =	vor.u32 $0x80, v0;
	v9 =	vor.u32 $0x90, v0;
	s2 =	simm.s32 $0x0;
	s7 =	simm.s32 $0x48;
	[dreg:$0x9] =	wrdreg s17  }
0x22: {  	v10 =	vor.u32 $0xA0, v0;
	v11 =	vor.u32 $0xB0, v0;
	v12 =	vadd.s32 $0xB8, v0;
	s6 =	simm.s32 $0x7;
	[dreg:$0x18] =	wrdreg s30;
	s26 =	simm.s32 $0xB  }
.LBB2_9:
0x23: {  	s0 =	simm.s32 $0x10  }
0x24: {  	_ =	swait.ge [sflag:s0], $0x4000  }
0x25: {  	[sflag:s0] =	ssyncset.done $0x0  }
0x26: {  	[sflag:s0] =	ssyncadd.s32 $0xFFFFC000  }
0x27: {  	_ =	swait.ge [sflag:s0], $0x2400  }
0x28: {  	[sflag:s0] =	ssyncset.done $0x0  }
0x29: {  	[sflag:s0] =	ssyncadd.s32 $0xFFFFDC00  }
0x2a: {  	_ =	swait.ge [sflag:s0], $0x4000  }
0x2b: {  	[sflag:s0] =	ssyncset.done $0x0  }
0x2c: {  	[sflag:s0] =	ssyncadd.s32 $0xFFFFC000  }
0x2d: {  	_ =	swait.ge [sflag:s0], $0x2400  }
0x2e: {  	[sflag:s0] =	ssyncset.done $0x0  }
0x2f: {  	s24 =	simm.s32 $0x6;
	s1 =	rddreg [dreg:$0x15];
	[sflag:s0] =	ssyncadd.s32 $0xFFFFDC00  }
0x30: {  	[hbm4b:s1+s5] =	stream.linear.scatter [tilespmem:s13], [sflag:$0xE], $0x6400, $0x38;
	[tilespmem:$0x1D140] =	vst v63  }
0x31: {  	_ =	swait.ge [sflag:s24], $0x6400  }
0x32: {  	[sflag:s24] =	ssyncset.done $0x0  }
0x33: {  	s25 =	simm.s32 $0xA;
	[sflag:s24] =	ssyncadd.s32 $0xFFFF9C00  }
0x34: {  	_ =	swait.ge [sflag:s25], $0x6400  }
0x35: {  	[sflag:s25] =	ssyncset.done $0x0  }
0x36: {  	s29 =	simm.s32 $0xE;
	[sflag:s25] =	ssyncadd.s32 $0xFFFF9C00  }
0x37: {  	_ =	swait.ge [sflag:s29], $0x6400  }
0x38: {  	s2 =	rddreg [dreg:$0x1c]  }
0x39: {  	s30 =	rddreg [dreg:$0x16];
	s2 =	sadd.s32 $0x1, s2  }
0x3a: {  	p1 =	sne.s32 s2, s30  }
.Ltmp1:
0x3b: {  	_ = 	snop;
	(pc) =	sbr.rel @!p1 .LBB2_10-.Ltmp1, $3  }
0x3c: {  	_ =	sdelay $0x1  }
0x3d: {  	[sflag:s29] =	ssyncset.done $0x0  }
0x3e: {  	[sflag:s29] =	ssyncadd.s32 $0xFFFF9C00  }
.LBB2_1:
.Ltmp2:
0x3f: {  	(pc) =	sbr.rel @p0 .LBB2_5-.Ltmp2, $2  }
0x40: {  	_ =	sdelay $0x2  }
0x41: {  	[dreg:$0x1c] =	wrdreg s2  }
0x42: {  	s8 =	simm.s32 $0x0;
	s1 =	rddreg [dreg:$0x3];
	s10 =	simm.s32 $0x11  }
0x43: {  	[tilespmem:s8], [sflag:$0x11] =	stream.linear.gather [hbm4b:s1+s8], $0x400, $0x38;
	[tilespmem:$0x1D140] =	vst v63  }
0x44: {  	_ =	swait.ge [sflag:s10], $0x400  }
0x45: {  	[sflag:s10] =	ssyncset.done $0x0  }
0x46: {  	[sflag:s10] =	ssyncadd.s32 $0xFFFFFC00  }
0x47: {  	s12 =	simm.s32 $0x400;
	s30 =	rddreg [dreg:$0x4]  }
0x48: {  	[tilespmem:s12], [sflag:$0x11] =	stream.linear.gather [hbm4b:s30+s8], $0x400, $0x38;
	[tilespmem:$0x1D140] =	vst v63  }
0x49: {  	_ =	swait.ge [sflag:s10], $0x400  }
0x4a: {  	[sflag:s10] =	ssyncset.done $0x0  }
0x4b: {  	s12 =	simm.s32 $0xA00;
	[sflag:s10] =	ssyncadd.s32 $0xFFFFFC00  }
.LBB2_3:
0x4c: {  	s19 =	sshra.s32 s8, $0x2;
	v14 =	vld [tilespmem:$0x400]  }
0x4d: {  	v13 =	vld [tilespmem:s19+$0x0];
	_ =	sdelay $0x4  }
0x4e: {  	v13 =	vadd.f32 v14, v13;
	_ =	sdelay $0x1  }
0x4f: {  	[tilespmem:s12+$0xFFFFFE00] =	vst v13  }
0x50: {  	v13 =	vld [tilespmem:s19+$0x10]  }
0x51: {  	v14 =	vld [tilespmem:$0x410];
	_ =	sdelay $0x4  }
0x52: {  	v13 =	vadd.f32 v14, v13;
	_ =	sdelay $0x1  }
0x53: {  	[tilespmem:s12+$0xFFFFFE10] =	vst v13  }
0x54: {  	v13 =	vld [tilespmem:s19+$0x20]  }
0x55: {  	v14 =	vld [tilespmem:$0x420];
	_ =	sdelay $0x4  }
0x56: {  	v13 =	vadd.f32 v14, v13;
	_ =	sdelay $0x1  }
0x57: {  	[tilespmem:s12+$0xFFFFFE20] =	vst v13  }
0x58: {  	v13 =	vld [tilespmem:s19+$0x30]  }
0x59: {  	v14 =	vld [tilespmem:$0x430];
	_ =	sdelay $0x4  }
0x5a: {  	v13 =	vadd.f32 v14, v13;
	_ =	sdelay $0x1  }
0x5b: {  	[tilespmem:s12+$0xFFFFFE30] =	vst v13  }
0x5c: {  	v13 =	vld [tilespmem:s19+$0x40]  }
0x5d: {  	v14 =	vld [tilespmem:$0x440];
	_ =	sdelay $0x4  }
0x5e: {  	v13 =	vadd.f32 v14, v13;
	_ =	sdelay $0x1  }
0x5f: {  	[tilespmem:s12+$0xFFFFFE40] =	vst v13  }
0x60: {  	v13 =	vld [tilespmem:s19+$0x50]  }
0x61: {  	v14 =	vld [tilespmem:$0x450];
	_ =	sdelay $0x4  }
0x62: {  	v13 =	vadd.f32 v14, v13;
	_ =	sdelay $0x1  }
0x63: {  	[tilespmem:s12+$0xFFFFFE50] =	vst v13  }
0x64: {  	v13 =	vld [tilespmem:s19+$0x60]  }
0x65: {  	v14 =	vld [tilespmem:$0x460];
	_ =	sdelay $0x4  }
0x66: {  	v13 =	vadd.f32 v14, v13;
	_ =	sdelay $0x1  }
0x67: {  	[tilespmem:s12+$0xFFFFFE60] =	vst v13  }
0x68: {  	v13 =	vld [tilespmem:s19+$0x70]  }
0x69: {  	v14 =	vld [tilespmem:$0x470];
	_ =	sdelay $0x4  }
0x6a: {  	v13 =	vadd.f32 v14, v13;
	_ =	sdelay $0x1  }
0x6b: {  	[tilespmem:s12+$0xFFFFFE70] =	vst v13  }
0x6c: {  	v13 =	vld [tilespmem:s19+$0x0]  }
0x6d: {  	v14 =	vld [tilespmem:$0x480];
	_ =	sdelay $0x4  }
0x6e: {  	v13 =	vadd.f32 v14, v13;
	_ =	sdelay $0x1  }
0x6f: {  	[tilespmem:s12+$0xFFFFFE80] =	vst v13  }
0x70: {  	v13 =	vld [tilespmem:s19+$0x10]  }
0x71: {  	v14 =	vld [tilespmem:$0x490];
	_ =	sdelay $0x4  }
0x72: {  	v13 =	vadd.f32 v14, v13;
	_ =	sdelay $0x1  }
0x73: {  	[tilespmem:s12+$0xFFFFFE90] =	vst v13  }
0x74: {  	v13 =	vld [tilespmem:s19+$0x20]  }
0x75: {  	v14 =	vld [tilespmem:$0x4A0];
	_ =	sdelay $0x4  }
0x76: {  	v13 =	vadd.f32 v14, v13;
	_ =	sdelay $0x1  }
0x77: {  	[tilespmem:s12+$0xFFFFFEA0] =	vst v13  }
0x78: {  	v13 =	vld [tilespmem:s19+$0x30]  }
0x79: {  	v14 =	vld [tilespmem:$0x4B0];
	_ =	sdelay $0x4  }
0x7a: {  	v13 =	vadd.f32 v14, v13;
	_ =	sdelay $0x1  }
0x7b: {  	[tilespmem:s12+$0xFFFFFEB0] =	vst v13  }
0x7c: {  	v13 =	vld [tilespmem:s19+$0x40]  }
0x7d: {  	v14 =	vld [tilespmem:$0x4C0];
	_ =	sdelay $0x4  }
0x7e: {  	v13 =	vadd.f32 v14, v13;
	_ =	sdelay $0x1  }
0x7f: {  	[tilespmem:s12+$0xFFFFFEC0] =	vst v13  }
0x80: {  	v13 =	vld [tilespmem:s19+$0x50]  }
0x81: {  	v14 =	vld [tilespmem:$0x4D0];
	_ =	sdelay $0x4  }
0x82: {  	v13 =	vadd.f32 v14, v13;
	_ =	sdelay $0x1  }
0x83: {  	[tilespmem:s12+$0xFFFFFED0] =	vst v13  }
0x84: {  	v13 =	vld [tilespmem:s19+$0x60]  }
0x85: {  	v14 =	vld [tilespmem:$0x4E0];
	_ =	sdelay $0x4  }
0x86: {  	v13 =	vadd.f32 v14, v13;
	_ =	sdelay $0x1  }
0x87: {  	[tilespmem:s12+$0xFFFFFEE0] =	vst v13  }
0x88: {  	v13 =	vld [tilespmem:s19+$0x70]  }
0x89: {  	v14 =	vld [tilespmem:$0x4F0];
	_ =	sdelay $0x4  }
0x8a: {  	v13 =	vadd.f32 v14, v13;
	_ =	sdelay $0x1  }
0x8b: {  	[tilespmem:s12+$0xFFFFFEF0] =	vst v13  }
0x8c: {  	v13 =	vld [tilespmem:s19+$0x0]  }
0x8d: {  	v14 =	vld [tilespmem:$0x500];
	_ =	sdelay $0x4  }
0x8e: {  	v13 =	vadd.f32 v14, v13;
	_ =	sdelay $0x1  }
0x8f: {  	[tilespmem:s12+$0xFFFFFF00] =	vst v13  }
0x90: {  	v13 =	vld [tilespmem:s19+$0x10]  }
0x91: {  	v14 =	vld [tilespmem:$0x510];
	_ =	sdelay $0x4  }
0x92: {  	v13 =	vadd.f32 v14, v13;
	_ =	sdelay $0x1  }
0x93: {  	[tilespmem:s12+$0xFFFFFF10] =	vst v13  }
0x94: {  	v13 =	vld [tilespmem:s19+$0x20]  }
0x95: {  	v14 =	vld [tilespmem:$0x520];
	_ =	sdelay $0x4  }
0x96: {  	v13 =	vadd.f32 v14, v13;
	_ =	sdelay $0x1  }
0x97: {  	[tilespmem:s12+$0xFFFFFF20] =	vst v13  }
0x98: {  	v13 =	vld [tilespmem:s19+$0x30]  }
0x99: {  	v14 =	vld [tilespmem:$0x530];
	_ =	sdelay $0x4  }
0x9a: {  	v13 =	vadd.f32 v14, v13;
	_ =	sdelay $0x1  }
0x9b: {  	[tilespmem:s12+$0xFFFFFF30] =	vst v13  }
0x9c: {  	v13 =	vld [tilespmem:s19+$0x40]  }
0x9d: {  	v14 =	vld [tilespmem:$0x540];
	_ =	sdelay $0x4  }
0x9e: {  	v13 =	vadd.f32 v14, v13;
	_ =	sdelay $0x1  }
0x9f: {  	[tilespmem:s12+$0xFFFFFF40] =	vst v13  }
0xa0: {  	v13 =	vld [tilespmem:s19+$0x50]  }
0xa1: {  	v14 =	vld [tilespmem:$0x550];
	_ =	sdelay $0x4  }
0xa2: {  	v13 =	vadd.f32 v14, v13;
	_ =	sdelay $0x1  }
0xa3: {  	[tilespmem:s12+$0xFFFFFF50] =	vst v13  }
0xa4: {  	v13 =	vld [tilespmem:s19+$0x60]  }
0xa5: {  	v14 =	vld [tilespmem:$0x560];
	_ =	sdelay $0x4  }
0xa6: {  	v13 =	vadd.f32 v14, v13;
	_ =	sdelay $0x1  }
0xa7: {  	[tilespmem:s12+$0xFFFFFF60] =	vst v13  }
0xa8: {  	v13 =	vld [tilespmem:s19+$0x70]  }
0xa9: {  	v14 =	vld [tilespmem:$0x570];
	_ =	sdelay $0x4  }
0xaa: {  	v13 =	vadd.f32 v14, v13;
	_ =	sdelay $0x1  }
0xab: {  	[tilespmem:s12+$0xFFFFFF70] =	vst v13  }
0xac: {  	v13 =	vld [tilespmem:s19+$0x0]  }
0xad: {  	v14 =	vld [tilespmem:$0x580];
	_ =	sdelay $0x4  }
0xae: {  	v13 =	vadd.f32 v14, v13;
	_ =	sdelay $0x1  }
0xaf: {  	[tilespmem:s12+$0xFFFFFF80] =	vst v13  }
0xb0: {  	v13 =	vld [tilespmem:s19+$0x10]  }
0xb1: {  	v14 =	vld [tilespmem:$0x590];
	_ =	sdelay $0x4  }
0xb2: {  	v13 =	vadd.f32 v14, v13;
	_ =	sdelay $0x1  }
0xb3: {  	[tilespmem:s12+$0xFFFFFF90] =	vst v13  }
0xb4: {  	v13 =	vld [tilespmem:s19+$0x20]  }
0xb5: {  	v14 =	vld [tilespmem:$0x5A0];
	_ =	sdelay $0x4  }
0xb6: {  	v13 =	vadd.f32 v14, v13;
	_ =	sdelay $0x1  }
0xb7: {  	[tilespmem:s12+$0xFFFFFFA0] =	vst v13  }
0xb8: {  	v13 =	vld [tilespmem:s19+$0x30]  }
0xb9: {  	v14 =	vld [tilespmem:$0x5B0];
	_ =	sdelay $0x4  }
0xba: {  	v13 =	vadd.f32 v14, v13;
	_ =	sdelay $0x1  }
0xbb: {  	[tilespmem:s12+$0xFFFFFFB0] =	vst v13  }
0xbc: {  	v13 =	vld [tilespmem:s19+$0x40]  }
0xbd: {  	v14 =	vld [tilespmem:$0x5C0];
	_ =	sdelay $0x4  }
0xbe: {  	v13 =	vadd.f32 v14, v13;
	_ =	sdelay $0x1  }
0xbf: {  	[tilespmem:s12+$0xFFFFFFC0] =	vst v13  }
0xc0: {  	v13 =	vld [tilespmem:s19+$0x50]  }
0xc1: {  	v14 =	vld [tilespmem:$0x5D0];
	_ =	sdelay $0x4  }
0xc2: {  	v13 =	vadd.f32 v14, v13;
	_ =	sdelay $0x1  }
0xc3: {  	[tilespmem:s12+$0xFFFFFFD0] =	vst v13  }
0xc4: {  	v13 =	vld [tilespmem:s19+$0x60]  }
0xc5: {  	v14 =	vld [tilespmem:$0x5E0];
	_ =	sdelay $0x4  }
0xc6: {  	v13 =	vadd.f32 v14, v13;
	_ =	sdelay $0x1  }
0xc7: {  	[tilespmem:s12+$0xFFFFFFE0] =	vst v13  }
0xc8: {  	v13 =	vld [tilespmem:s19+$0x70]  }
0xc9: {  	v14 =	vld [tilespmem:$0x5F0];
	_ =	sdelay $0x4  }
0xca: {  	v13 =	vadd.f32 v14, v13;
	_ =	sdelay $0x1  }
0xcb: {  	[tilespmem:s12+$0xFFFFFFF0] =	vst v13  }
0xcc: {  	v13 =	vld [tilespmem:s19+$0x0]  }
0xcd: {  	v14 =	vld [tilespmem:$0x600];
	_ =	sdelay $0x4  }
0xce: {  	v13 =	vadd.f32 v14, v13;
	_ =	sdelay $0x1  }
0xcf: {  	[tilespmem:s12+$0x0] =	vst v13  }
0xd0: {  	v13 =	vld [tilespmem:s19+$0x10]  }
0xd1: {  	v14 =	vld [tilespmem:$0x610];
	_ =	sdelay $0x4  }
0xd2: {  	v13 =	vadd.f32 v14, v13;
	_ =	sdelay $0x1  }
0xd3: {  	[tilespmem:s12+$0x10] =	vst v13  }
0xd4: {  	v13 =	vld [tilespmem:s19+$0x20]  }
0xd5: {  	v14 =	vld [tilespmem:$0x620];
	_ =	sdelay $0x4  }
0xd6: {  	v13 =	vadd.f32 v14, v13;
	_ =	sdelay $0x1  }
0xd7: {  	[tilespmem:s12+$0x20] =	vst v13  }
0xd8: {  	v13 =	vld [tilespmem:s19+$0x30]  }
0xd9: {  	v14 =	vld [tilespmem:$0x630];
	_ =	sdelay $0x4  }
0xda: {  	v13 =	vadd.f32 v14, v13;
	_ =	sdelay $0x1  }
0xdb: {  	[tilespmem:s12+$0x30] =	vst v13  }
0xdc: {  	v13 =	vld [tilespmem:s19+$0x40]  }
0xdd: {  	v14 =	vld [tilespmem:$0x640];
	_ =	sdelay $0x4  }
0xde: {  	v13 =	vadd.f32 v14, v13;
	_ =	sdelay $0x1  }
0xdf: {  	[tilespmem:s12+$0x40] =	vst v13  }
0xe0: {  	v13 =	vld [tilespmem:s19+$0x50]  }
0xe1: {  	v14 =	vld [tilespmem:$0x650];
	_ =	sdelay $0x4  }
0xe2: {  	v13 =	vadd.f32 v14, v13;
	_ =	sdelay $0x1  }
0xe3: {  	[tilespmem:s12+$0x50] =	vst v13  }
0xe4: {  	v13 =	vld [tilespmem:s19+$0x60]  }
0xe5: {  	v14 =	vld [tilespmem:$0x660];
	_ =	sdelay $0x4  }
0xe6: {  	v13 =	vadd.f32 v14, v13;
	_ =	sdelay $0x1  }
0xe7: {  	[tilespmem:s12+$0x60] =	vst v13  }
0xe8: {  	v13 =	vld [tilespmem:s19+$0x70]  }
0xe9: {  	v14 =	vld [tilespmem:$0x670];
	_ =	sdelay $0x4  }
0xea: {  	v13 =	vadd.f32 v14, v13;
	_ =	sdelay $0x1  }
0xeb: {  	[tilespmem:s12+$0x70] =	vst v13  }
0xec: {  	v13 =	vld [tilespmem:s19+$0x0]  }
0xed: {  	v14 =	vld [tilespmem:$0x680];
	_ =	sdelay $0x4  }
0xee: {  	v13 =	vadd.f32 v14, v13;
	_ =	sdelay $0x1  }
0xef: {  	[tilespmem:s12+$0x80] =	vst v13  }
0xf0: {  	v13 =	vld [tilespmem:s19+$0x10]  }
0xf1: {  	v14 =	vld [tilespmem:$0x690];
	_ =	sdelay $0x4  }
0xf2: {  	v13 =	vadd.f32 v14, v13;
	_ =	sdelay $0x1  }
0xf3: {  	[tilespmem:s12+$0x90] =	vst v13  }
0xf4: {  	v13 =	vld [tilespmem:s19+$0x20]  }
0xf5: {  	v14 =	vld [tilespmem:$0x6A0];
	_ =	sdelay $0x4  }
0xf6: {  	v13 =	vadd.f32 v14, v13;
	_ =	sdelay $0x1  }
0xf7: {  	[tilespmem:s12+$0xA0] =	vst v13  }
0xf8: {  	v13 =	vld [tilespmem:s19+$0x30]  }
0xf9: {  	v14 =	vld [tilespmem:$0x6B0];
	_ =	sdelay $0x4  }
0xfa: {  	v13 =	vadd.f32 v14, v13;
	_ =	sdelay $0x1  }
0xfb: {  	[tilespmem:s12+$0xB0] =	vst v13  }
0xfc: {  	v13 =	vld [tilespmem:s19+$0x40]  }
0xfd: {  	v14 =	vld [tilespmem:$0x6C0];
	_ =	sdelay $0x4  }
0xfe: {  	v13 =	vadd.f32 v14, v13;
	_ =	sdelay $0x1  }
0xff: {  	[tilespmem:s12+$0xC0] =	vst v13  }
0x100: {  	v13 =	vld [tilespmem:s19+$0x50]  }
0x101: {  	v14 =	vld [tilespmem:$0x6D0];
	_ =	sdelay $0x4  }
0x102: {  	v13 =	vadd.f32 v14, v13;
	_ =	sdelay $0x1  }
0x103: {  	[tilespmem:s12+$0xD0] =	vst v13  }
0x104: {  	v13 =	vld [tilespmem:s19+$0x60]  }
0x105: {  	v14 =	vld [tilespmem:$0x6E0];
	_ =	sdelay $0x4  }
0x106: {  	v13 =	vadd.f32 v14, v13;
	_ =	sdelay $0x1  }
0x107: {  	[tilespmem:s12+$0xE0] =	vst v13  }
0x108: {  	v13 =	vld [tilespmem:s19+$0x70]  }
0x109: {  	v14 =	vld [tilespmem:$0x6F0];
	_ =	sdelay $0x4  }
0x10a: {  	v13 =	vadd.f32 v14, v13;
	_ =	sdelay $0x1  }
0x10b: {  	[tilespmem:s12+$0xF0] =	vst v13  }
0x10c: {  	v13 =	vld [tilespmem:s19+$0x0]  }
0x10d: {  	v14 =	vld [tilespmem:$0x700];
	_ =	sdelay $0x4  }
0x10e: {  	v13 =	vadd.f32 v14, v13;
	_ =	sdelay $0x1  }
0x10f: {  	[tilespmem:s12+$0x100] =	vst v13  }
0x110: {  	v13 =	vld [tilespmem:s19+$0x10]  }
0x111: {  	v14 =	vld [tilespmem:$0x710];
	_ =	sdelay $0x4  }
0x112: {  	v13 =	vadd.f32 v14, v13;
	_ =	sdelay $0x1  }
0x113: {  	[tilespmem:s12+$0x110] =	vst v13  }
0x114: {  	v13 =	vld [tilespmem:s19+$0x20]  }
0x115: {  	v14 =	vld [tilespmem:$0x720];
	_ =	sdelay $0x4  }
0x116: {  	v13 =	vadd.f32 v14, v13;
	_ =	sdelay $0x1  }
0x117: {  	[tilespmem:s12+$0x120] =	vst v13  }
0x118: {  	v13 =	vld [tilespmem:s19+$0x30]  }
0x119: {  	v14 =	vld [tilespmem:$0x730];
	_ =	sdelay $0x4  }
0x11a: {  	v13 =	vadd.f32 v14, v13;
	_ =	sdelay $0x1  }
0x11b: {  	[tilespmem:s12+$0x130] =	vst v13  }
0x11c: {  	v13 =	vld [tilespmem:s19+$0x40]  }
0x11d: {  	v14 =	vld [tilespmem:$0x740];
	_ =	sdelay $0x4  }
0x11e: {  	v13 =	vadd.f32 v14, v13;
	_ =	sdelay $0x1  }
0x11f: {  	[tilespmem:s12+$0x140] =	vst v13  }
0x120: {  	v13 =	vld [tilespmem:s19+$0x50]  }
0x121: {  	v14 =	vld [tilespmem:$0x750];
	_ =	sdelay $0x4  }
0x122: {  	v13 =	vadd.f32 v14, v13;
	_ =	sdelay $0x1  }
0x123: {  	[tilespmem:s12+$0x150] =	vst v13  }
0x124: {  	v13 =	vld [tilespmem:s19+$0x60]  }
0x125: {  	v14 =	vld [tilespmem:$0x760];
	_ =	sdelay $0x4  }
0x126: {  	v13 =	vadd.f32 v14, v13;
	_ =	sdelay $0x1  }
0x127: {  	[tilespmem:s12+$0x160] =	vst v13  }
0x128: {  	v13 =	vld [tilespmem:s19+$0x70]  }
0x129: {  	v14 =	vld [tilespmem:$0x770];
	_ =	sdelay $0x4  }
0x12a: {  	v13 =	vadd.f32 v14, v13;
	_ =	sdelay $0x1  }
0x12b: {  	[tilespmem:s12+$0x170] =	vst v13  }
0x12c: {  	v13 =	vld [tilespmem:s19+$0x0]  }
0x12d: {  	v14 =	vld [tilespmem:$0x780];
	_ =	sdelay $0x4  }
0x12e: {  	v13 =	vadd.f32 v14, v13;
	_ =	sdelay $0x1  }
0x12f: {  	[tilespmem:s12+$0x180] =	vst v13  }
0x130: {  	v13 =	vld [tilespmem:s19+$0x10]  }
0x131: {  	v14 =	vld [tilespmem:$0x790];
	_ =	sdelay $0x4  }
0x132: {  	v13 =	vadd.f32 v14, v13;
	_ =	sdelay $0x1  }
0x133: {  	[tilespmem:s12+$0x190] =	vst v13  }
0x134: {  	v13 =	vld [tilespmem:s19+$0x20]  }
0x135: {  	v14 =	vld [tilespmem:$0x7A0];
	_ =	sdelay $0x4  }
0x136: {  	v13 =	vadd.f32 v14, v13;
	_ =	sdelay $0x1  }
0x137: {  	[tilespmem:s12+$0x1A0] =	vst v13  }
0x138: {  	v13 =	vld [tilespmem:s19+$0x30]  }
0x139: {  	v14 =	vld [tilespmem:$0x7B0];
	_ =	sdelay $0x4  }
0x13a: {  	v13 =	vadd.f32 v14, v13;
	_ =	sdelay $0x1  }
0x13b: {  	[tilespmem:s12+$0x1B0] =	vst v13  }
0x13c: {  	v13 =	vld [tilespmem:s19+$0x40]  }
0x13d: {  	v14 =	vld [tilespmem:$0x7C0];
	_ =	sdelay $0x4  }
0x13e: {  	v13 =	vadd.f32 v14, v13;
	_ =	sdelay $0x1  }
0x13f: {  	[tilespmem:s12+$0x1C0] =	vst v13  }
0x140: {  	v13 =	vld [tilespmem:s19+$0x50]  }
0x141: {  	v14 =	vld [tilespmem:$0x7D0];
	_ =	sdelay $0x4  }
0x142: {  	v13 =	vadd.f32 v14, v13;
	_ =	sdelay $0x1  }
0x143: {  	[tilespmem:s12+$0x1D0] =	vst v13  }
0x144: {  	v13 =	vld [tilespmem:s19+$0x60]  }
0x145: {  	v14 =	vld [tilespmem:$0x7E0];
	_ =	sdelay $0x4  }
0x146: {  	v13 =	vadd.f32 v14, v13;
	_ =	sdelay $0x1  }
0x147: {  	[tilespmem:s12+$0x1E0] =	vst v13  }
0x148: {  	v13 =	vld [tilespmem:s19+$0x70]  }
0x149: {  	v14 =	vld [tilespmem:$0x7F0];
	_ =	sdelay $0x1  }
0x14a: {  	p1 =	sne.s32 s8, $0xE00  }
.Ltmp3:
0x14b: {  	_ = 	snop;
	(pc) =	sbr.rel @p1 .LBB2_3-.Ltmp3, $3  }
0x14c: {  	_ = 	snop  }
0x14d: {  	v13 =	vadd.f32 v14, v13;
	_ =	sdelay $0x1  }
0x14e: {  	s8 =	sadd.s32 $0x200, s8;
	[tilespmem:s12+$0x1F0] =	vst v13;
	s12 =	sadd.s32 $0x400, s12  }
0x14f: {  	s1 =	simm.s32 $0x800;
	s10 =	simm.s32 $0x11  }
0x150: {  	[spmem:s23] =	stream.linear.scatter [tilespmem:s1], [sflag:$0x11], $0x2000, $0x38;
	[tilespmem:$0x1D140] =	vst v63  }
0x151: {  	_ =	swait.ge [sflag:s10], $0x2000  }
0x152: {  	[sflag:s10] =	ssyncset.done $0x0  }
0x153: {  	[sflag:s10] =	ssyncadd.s32 $0xFFFFE000  }
0x154: {  	s8 =	sshrl.u32 s18, $0x3;
	s12 =	simm.s32 $0x1C11;
	s30 =	rddreg [dreg:$0x2]  }
0x155: {  	[spmem:s8], [sflag:s12] =	dma.local [hbm:s30], $0xC80  }
0x156: {  	_ =	swait.ge [sflag:s10], $0xC80  }
0x157: {  	[sflag:s10] =	ssyncset.done $0x0  }
0x158: {  	[sflag:s10] =	ssyncadd.s32 $0xFFFFF380  }
.LBB2_5:
0x159: {  	[tilespmem:$0x3040] =	vst v0  }
0x15a: {  	[tilespmem:$0x3050] =	vst v1  }
0x15b: {  	[tilespmem:$0x3060] =	vst v2  }
0x15c: {  	[tilespmem:$0x3070] =	vst v3  }
0x15d: {  	[tilespmem:$0x3080] =	vst v4  }
0x15e: {  	[tilespmem:$0x3090] =	vst v5  }
0x15f: {  	[tilespmem:$0x30A0] =	vst v6  }
0x160: {  	[tilespmem:$0x30B0] =	vst v7  }
0x161: {  	[tilespmem:$0x30C0] =	vst v8  }
0x162: {  	[tilespmem:$0x30D0] =	vst v9  }
0x163: {  	[tilespmem:$0x30E0] =	vst v10  }
0x164: {  	[tilespmem:$0x30F0] =	vst v11  }
0x165: {  	[tilespmem:$0x30F8] =	vst v12  }
0x166: {  	[bflag:$0x0] =	sbarrier.arrive $0xFFFF  }
0x167: {  	s8 =	simm.s32 $0x0;
	s10 =	simm.s32 $0x3140;
	s1 =	rddreg [dreg:$0x9]  }
0x168: {  	[tilespmem:s10], [sflag:$0x3] =	stream.linear.gather [hbm4b:s1+s8], $0x80, $0x38;
	[tilespmem:$0x1D140] =	vst v63  }
0x169: {  	s12 =	simm.s32 $0x31C0;
	s4 =	rddreg [dreg:$0x18]  }
0x16a: {  	[tilespmem:s12], [sflag:$0x3] =	stream.linear.gather [hbm4b:s4+s8], $0x48, $0x38;
	[tilespmem:$0x1D140] =	vst v63  }
0x16b: {  	s17 =	simm.s32 $0x3240;
	s5 =	rddreg [dreg:$0xa]  }
0x16c: {  	[tilespmem:s17], [sflag:$0x3] =	stream.linear.gather [hbm4b:s5+s8], $0xC8, $0x38;
	[tilespmem:$0x1D140] =	vst v63  }
0x16d: {  	s13 =	simm.s32 $0x3340;
	s11 =	rddreg [dreg:$0xb]  }
0x16e: {  	[tilespmem:s13], [sflag:$0x3] =	stream.linear.gather [hbm4b:s11+s8], $0xC8, $0x38;
	[tilespmem:$0x1D140] =	vst v63  }
0x16f: {  	s15 =	simm.s32 $0x9940;
	s14 =	rddreg [dreg:$0xc]  }
0x170: {  	[tilespmem:s15], [sflag:$0x7] =	stream.linear.gather [hbm4b:s14+s8], $0x80, $0x38;
	[tilespmem:$0x1D140] =	vst v63  }
0x171: {  	s19 =	simm.s32 $0x99C0;
	s17 =	rddreg [dreg:$0xd]  }
0x172: {  	[tilespmem:s19], [sflag:$0x7] =	stream.linear.gather [hbm4b:s17+s8], $0x48, $0x38;
	[tilespmem:$0x1D140] =	vst v63  }
0x173: {  	s22 =	simm.s32 $0x9A40;
	s20 =	rddreg [dreg:$0xe]  }
0x174: {  	[tilespmem:s22], [sflag:$0x7] =	stream.linear.gather [hbm4b:s20+s8], $0xC8, $0x38;
	[tilespmem:$0x1D140] =	vst v63  }
0x175: {  	s25 =	simm.s32 $0x9B40;
	s24 =	rddreg [dreg:$0xf]  }
0x176: {  	[tilespmem:s25], [sflag:$0x7] =	stream.linear.gather [hbm4b:s24+s8], $0xC8, $0x38;
	[tilespmem:$0x1D140] =	vst v63  }
0x177: {  	s24 =	simm.s32 $0x3  }
0x178: {  	_ =	swait.ge [sflag:s24], $0x80  }
0x179: {  	[sflag:s24] =	ssyncset.done $0x0  }
0x17a: {  	[sflag:s24] =	ssyncadd.s32 $0xFFFFFF80  }
0x17b: {  	_ =	swait.ge [sflag:s24], $0x48  }
0x17c: {  	[sflag:s24] =	ssyncset.done $0x0  }
0x17d: {  	[sflag:s24] =	ssyncadd.s32 $0xFFFFFFB8  }
0x17e: {  	_ =	swait.ge [sflag:s24], $0xC8  }
0x17f: {  	[sflag:s24] =	ssyncset.done $0x0  }
0x180: {  	[sflag:s24] =	ssyncadd.s32 $0xFFFFFF38  }
0x181: {  	_ =	swait.ge [sflag:s24], $0xC8  }
0x182: {  	[sflag:s24] =	ssyncset.done $0x0  }
0x183: {  	[sflag:s24] =	ssyncadd.s32 $0xFFFFFF38  }
0x184: {  	s29 =	simm.s32 $0x3540;
	s0 =	rddreg [dreg:$0x1]  }
0x185: {  	[tilespmem:s29], [sflag:$0x1] =	stream.indirect.gather [hbm4b:s0+s3], $0x80, s10, s3, $0xb8;
	[tilespmem:$0x1D140] =	vst v63  }
0x186: {  	s30 =	simm.s32 $0x7540  }
0x187: {  	[tilespmem:s30], [sflag:$0x1] =	stream.indirect.gather [hbm4b:s0+s7], $0x80, s12, s7, $0xb8;
	[tilespmem:$0x1D140] =	vst v63  }
0x188: {  	v13 =	vld [tilespmem:$0x3240]  }
0x189: {  	v14 =	vld [tilespmem:$0x3340]  }
0x18a: {  	v15 =	vld [tilespmem:$0x3250]  }
0x18b: {  	v16 =	vld [tilespmem:$0x3350]  }
0x18c: {  	v17 =	vld [tilespmem:$0x3260]  }
0x18d: {  	v18 =	vld [tilespmem:$0x3360]  }
0x18e: {  	v19 =	vld [tilespmem:$0x3270]  }
0x18f: {  	v20 =	vld [tilespmem:$0x3370]  }
0x190: {  	v21 =	vld [tilespmem:$0x3280]  }
0x191: {  	v22 =	vld [tilespmem:$0x3380]  }
0x192: {  	v23 =	vld [tilespmem:$0x3290]  }
0x193: {  	v24 =	vld [tilespmem:$0x3390]  }
0x194: {  	v25 =	vld [tilespmem:$0x32A0]  }
0x195: {  	v26 =	vld [tilespmem:$0x33A0]  }
0x196: {  	v27 =	vld [tilespmem:$0x32B0]  }
0x197: {  	v28 =	vld [tilespmem:$0x33B0]  }
0x198: {  	v29 =	vld [tilespmem:$0x32C0]  }
0x199: {  	v30 =	vld [tilespmem:$0x33C0];
	v13 =	vshll.u32 v13, $0x3  }
0x19a: {  	v57 =	vld [tilespmem:$0x33D0];
	v13 =	vadd.s32 v14, v13;
	v14 =	vshll.u32 v15, $0x3  }
0x19b: {  	v58 =	vld [tilespmem:$0x32E0];
	[tilespmem:$0x3440] =	vst v13;
	v13 =	vadd.s32 v16, v14;
	v14 =	vshll.u32 v17, $0x3  }
0x19c: {  	v59 =	vld [tilespmem:$0x33E0];
	[tilespmem:$0x3450] =	vst v13;
	v13 =	vadd.s32 v18, v14;
	v14 =	vshll.u32 v19, $0x3  }
0x19d: {  	v15 =	vld [tilespmem:$0x32D0];
	[tilespmem:$0x3460] =	vst v13;
	v13 =	vadd.s32 v20, v14;
	v14 =	vshll.u32 v21, $0x3  }
0x19e: {  	v60 =	vld [tilespmem:$0x32F0];
	[tilespmem:$0x3470] =	vst v13;
	v13 =	vadd.s32 v22, v14;
	v14 =	vshll.u32 v23, $0x3  }
0x19f: {  	v61 =	vld [tilespmem:$0x33F0];
	[tilespmem:$0x3480] =	vst v13;
	v13 =	vadd.s32 v24, v14;
	v14 =	vshll.u32 v25, $0x3  }
0x1a0: {  	v62 =	vld [tilespmem:$0x32F8];
	[tilespmem:$0x3490] =	vst v13;
	v13 =	vadd.s32 v26, v14;
	v14 =	vshll.u32 v27, $0x3  }
0x1a1: {  	v63 =	vld [tilespmem:$0x33F8];
	[tilespmem:$0x34A0] =	vst v13;
	v13 =	vadd.s32 v28, v14;
	v14 =	vshll.u32 v29, $0x3  }
0x1a2: {  	[tilespmem:$0x34B0] =	vst v13;
	v13 =	vadd.s32 v30, v14;
	v14 =	vshll.u32 v15, $0x3  }
.Ltmp4:
0x1a3: {  	[tilespmem:$0x34C0] =	vst v13;
	v13 =	vadd.s32 v57, v14;
	v14 =	vshll.u32 v58, $0x3;
	(pc) =	sbr.rel .LBB2_6-.Ltmp4, $4  }
0x1a4: {  	[tilespmem:$0x34D0] =	vst v13;
	v13 =	vadd.s32 v59, v14;
	v14 =	vshll.u32 v60, $0x3  }
0x1a5: {  	[tilespmem:$0x34E0] =	vst v13;
	v13 =	vadd.s32 v61, v14;
	v14 =	vshll.u32 v62, $0x3  }
0x1a6: {  	s19 =	rddreg [dreg:$0x11];
	[tilespmem:$0x34F0] =	vst v13;
	v13 =	vadd.s32 v63, v14  }
0x1a7: {  	s12 =	rddreg [dreg:$0x17];
	[tilespmem:$0x34F8] =	vst v13  }
.LBB2_8:
0x1a8: {  	s0 =	simm.s32 $0xD  }
0x1a9: {  	_ =	swait.ge [sflag:s0], $0x4000  }
0x1aa: {  	[sflag:s0] =	ssyncset.done $0x0  }
0x1ab: {  	[sflag:s0] =	ssyncadd.s32 $0xFFFFC000  }
0x1ac: {  	_ =	swait.ge [sflag:s0], $0x2400  }
0x1ad: {  	[sflag:s0] =	ssyncset.done $0x0  }
0x1ae: {  	s29 =	simm.s32 $0x16C40;
	s8 =	sadd.s32 $0x64, s8;
	[sflag:s0] =	ssyncadd.s32 $0xFFFFDC00  }
0x1af: {  	[tilespmem:s13], [sflag:$0x10] =	stream.indirect.gather.add.f32 [spmem:s23], $0x80, s29, s3, $0xb8;
	[tilespmem:$0x1D140] =	vst v63  }
0x1b0: {  	s30 =	simm.s32 $0x16CC0;
	p1 =	sne.s32 s8, $0x320  }
0x1b1: {  	[tilespmem:s4], [sflag:$0x10] =	stream.indirect.gather.add.f32 [spmem:s23], $0x80, s30, s7, $0xb8;
	[tilespmem:$0x1D140] =	vst v63  }
.Ltmp5:
0x1b2: {  	_ = 	snop;
	(pc) =	sbr.rel @!p1 .LBB2_9-.Ltmp5, $4  }
0x1b3: {  	_ = 	snop  }
0x1b4: {  	[tilespmem:s13], [sflag:$0x10] =	stream.indirect.gather.add.f32 [spmem:s18], $0x80, s22, s3, $0xb8;
	[tilespmem:$0x1D140] =	vst v63  }
0x1b5: {  	s19 =	sadd.s32 $0x3200, s19;
	s12 =	sadd.s32 $0x19000, s12;
	s24 =	sadd.s32 $0x4, s24  }
0x1b6: {  	[tilespmem:s4], [sflag:$0x10] =	stream.indirect.gather.add.f32 [spmem:s18], $0x80, s11, s7, $0xb8;
	[tilespmem:$0x1D140] =	vst v63  }
.LBB2_6:
0x1b7: {  	s25 =	rddreg [dreg:$0x1b]  }
0x1b8: {  	s11 =	simm.s32 $0x10140;
	s10 =	sadd.s32 s8, s25  }
0x1b9: {  	s0 =	simm.s32 $0x0;
	s1 =	rddreg [dreg:$0x13];
	s14 =	sadd.s32 $0x32, s10  }
0x1ba: {  	[tilespmem:s11], [sflag:$0xB] =	stream.linear.gather [hbm4b:s14+s0], $0x80, $0x38;
	[tilespmem:$0x1D140] =	vst v63  }
0x1bb: {  	s13 =	simm.s32 $0x101C0;
	s15 =	sadd.s32 s8, s1  }
0x1bc: {  	[tilespmem:s13], [sflag:$0xB] =	stream.linear.gather [hbm4b:s15+s0], $0x48, $0x38;
	[tilespmem:$0x1D140] =	vst v63  }
0x1bd: {  	s15 =	rddreg [dreg:$0x1a]  }
0x1be: {  	s5 =	smov.u32 s18;
	s18 =	sadd.s32 s8, s15  }
0x1bf: {  	s17 =	simm.s32 $0x10240;
	s14 =	rddreg [dreg:$0x19];
	s30 =	sadd.s32 $0x32, s18  }
0x1c0: {  	[tilespmem:s17], [sflag:$0xB] =	stream.linear.gather [hbm4b:s30+s0], $0xC8, $0x38;
	[tilespmem:$0x1D140] =	vst v63  }
0x1c1: {  	s30 =	sadd.s32 s8, s14  }
0x1c2: {  	s20 =	simm.s32 $0x10340;
	p1 =	seq.s32 s8, $0x0;
	s17 =	sadd.s32 $0x32, s30  }
0x1c3: {  	[tilespmem:s20], [sflag:$0xB] =	stream.linear.gather [hbm4b:s17+s0], $0xC8, $0x38;
	[tilespmem:$0x1D140] =	vst v63  }
0x1c4: {  	s17 =	simm.s32 @!p1 $0x10  }
0x1c5: {  	_ =	swait.ge @!p1 [sflag:s17], $0x4000  }
0x1c6: {  	[sflag:s17] =	ssyncset.done @!p1 $0x0  }
0x1c7: {  	[sflag:s17] =	ssyncadd.s32 @!p1 $0xFFFFC000  }
0x1c8: {  	_ =	swait.ge @!p1 [sflag:s17], $0x2400  }
0x1c9: {  	[sflag:s17] =	ssyncset.done @!p1 $0x0  }
0x1ca: {  	[sflag:s17] =	ssyncadd.s32 @!p1 $0xFFFFDC00  }
0x1cb: {  	_ =	swait.ge @!p1 [sflag:s17], $0x4000  }
0x1cc: {  	[sflag:s17] =	ssyncset.done @!p1 $0x0  }
0x1cd: {  	[sflag:s17] =	ssyncadd.s32 @!p1 $0xFFFFC000  }
0x1ce: {  	_ =	swait.ge @!p1 [sflag:s17], $0x2400  }
0x1cf: {  	[sflag:s17] =	ssyncset.done @!p1 $0x0  }
0x1d0: {  	[sflag:s17] =	ssyncadd.s32 @!p1 $0xFFFFDC00  }
0x1d1: {  	s17 =	sshrl.u32 @!p1 s12, $0x3;
	s1 =	rddreg [dreg:$0x5]  }
0x1d2: {  	s29 =	simm.s32 @!p1 $0x0;
	s17 =	sadd.s32 @!p1 s1, s17;
	s1 =	simm.s32 @!p1 $0x16D40  }
0x1d3: {  	[hbm4b:s17+s29] =	stream.linear.scatter @!p1 [tilespmem:s1], [sflag:$0xE], $0x6400, $0x38;
	[tilespmem:$0x1D140] =	vst v63  }
0x1d4: {  	s1 =	simm.s32 @!p1 $0x6  }
0x1d5: {  	_ =	swait.ge @!p1 [sflag:s1], $0x6400  }
0x1d6: {  	[sflag:s1] =	ssyncset.done @!p1 $0x0  }
0x1d7: {  	[sflag:s1] =	ssyncadd.s32 @!p1 $0xFFFF9C00  }
0x1d8: {  	_ =	swait.ge [sflag:s6], $0x80  }
0x1d9: {  	[sflag:s6] =	ssyncset.done $0x0  }
0x1da: {  	[sflag:s6] =	ssyncadd.s32 $0xFFFFFF80  }
0x1db: {  	_ =	swait.ge [sflag:s6], $0x48  }
0x1dc: {  	[sflag:s6] =	ssyncset.done $0x0  }
0x1dd: {  	[sflag:s6] =	ssyncadd.s32 $0xFFFFFFB8  }
0x1de: {  	_ =	swait.ge [sflag:s6], $0xC8  }
0x1df: {  	[sflag:s6] =	ssyncset.done $0x0  }
0x1e0: {  	[sflag:s6] =	ssyncadd.s32 $0xFFFFFF38  }
0x1e1: {  	_ =	swait.ge [sflag:s6], $0xC8  }
0x1e2: {  	[sflag:s6] =	ssyncset.done $0x0  }
0x1e3: {  	[sflag:s6] =	ssyncadd.s32 $0xFFFFFF38  }
0x1e4: {  	s22 =	simm.s32 $0x9940;
	s29 =	simm.s32 $0x9D40;
	s20 =	rddreg [dreg:$0x1]  }
0x1e5: {  	[tilespmem:s29], [sflag:$0x5] =	stream.indirect.gather [hbm4b:s20+s3], $0x80, s22, s3, $0xb8;
	[tilespmem:$0x1D140] =	vst v63  }
0x1e6: {  	s4 =	simm.s32 $0x99C0  }
0x1e7: {  	[tilespmem:s31], [sflag:$0x5] =	stream.indirect.gather [hbm4b:s20+s7], $0x80, s4, s7, $0xb8;
	[tilespmem:$0x1D140] =	vst v63  }
0x1e8: {  	v13 =	vld [tilespmem:$0x9A40]  }
0x1e9: {  	v14 =	vld [tilespmem:$0x9B40]  }
0x1ea: {  	v15 =	vld [tilespmem:$0x9A50]  }
0x1eb: {  	v16 =	vld [tilespmem:$0x9B50]  }
0x1ec: {  	v17 =	vld [tilespmem:$0x9A60]  }
0x1ed: {  	v18 =	vld [tilespmem:$0x9B60]  }
0x1ee: {  	v19 =	vld [tilespmem:$0x9A70]  }
0x1ef: {  	v20 =	vld [tilespmem:$0x9B70]  }
0x1f0: {  	v21 =	vld [tilespmem:$0x9A80]  }
0x1f1: {  	v22 =	vld [tilespmem:$0x9B80]  }
0x1f2: {  	v23 =	vld [tilespmem:$0x9A90]  }
0x1f3: {  	v24 =	vld [tilespmem:$0x9B90]  }
0x1f4: {  	v25 =	vld [tilespmem:$0x9AA0]  }
0x1f5: {  	v26 =	vld [tilespmem:$0x9BA0]  }
0x1f6: {  	v27 =	vld [tilespmem:$0x9AB0]  }
0x1f7: {  	v28 =	vld [tilespmem:$0x9BB0]  }
0x1f8: {  	v29 =	vld [tilespmem:$0x9AC0]  }
0x1f9: {  	v30 =	vld [tilespmem:$0x9BC0];
	v13 =	vshll.u32 v13, $0x3  }
0x1fa: {  	v44 =	vld [tilespmem:$0x9BD0];
	v13 =	vadd.s32 v14, v13;
	v14 =	vshll.u32 v15, $0x3  }
0x1fb: {  	v45 =	vld [tilespmem:$0x9AE0];
	[tilespmem:$0x9C40] =	vst v13;
	v13 =	vadd.s32 v16, v14;
	v14 =	vshll.u32 v17, $0x3  }
0x1fc: {  	v46 =	vld [tilespmem:$0x9BE0];
	[tilespmem:$0x9C50] =	vst v13;
	v13 =	vadd.s32 v18, v14;
	v14 =	vshll.u32 v19, $0x3  }
0x1fd: {  	v15 =	vld [tilespmem:$0x9AD0];
	[tilespmem:$0x9C60] =	vst v13;
	v13 =	vadd.s32 v20, v14;
	v14 =	vshll.u32 v21, $0x3  }
0x1fe: {  	v47 =	vld [tilespmem:$0x9AF0];
	[tilespmem:$0x9C70] =	vst v13;
	v13 =	vadd.s32 v22, v14;
	v14 =	vshll.u32 v23, $0x3  }
0x1ff: {  	v48 =	vld [tilespmem:$0x9BF0];
	[tilespmem:$0x9C80] =	vst v13;
	v13 =	vadd.s32 v24, v14;
	v14 =	vshll.u32 v25, $0x3  }
0x200: {  	v49 =	vld [tilespmem:$0x9AF8];
	[tilespmem:$0x9C90] =	vst v13;
	v13 =	vadd.s32 v26, v14;
	v14 =	vshll.u32 v27, $0x3  }
0x201: {  	v50 =	vld [tilespmem:$0x9BF8];
	[tilespmem:$0x9CA0] =	vst v13;
	v13 =	vadd.s32 v28, v14;
	v14 =	vshll.u32 v29, $0x3  }
0x202: {  	[tilespmem:$0x9CB0] =	vst v13;
	v13 =	vadd.s32 v30, v14;
	v14 =	vshll.u32 v15, $0x3  }
0x203: {  	[tilespmem:$0x9CC0] =	vst v13;
	v13 =	vadd.s32 v44, v14;
	v14 =	vshll.u32 v45, $0x3  }
0x204: {  	[tilespmem:$0x9CD0] =	vst v13;
	v13 =	vadd.s32 v46, v14;
	v14 =	vshll.u32 v47, $0x3  }
0x205: {  	[tilespmem:$0x9CE0] =	vst v13;
	v13 =	vadd.s32 v48, v14;
	v14 =	vshll.u32 v49, $0x3  }
0x206: {  	[tilespmem:$0x9CF0] =	vst v13;
	v13 =	vadd.s32 v50, v14  }
0x207: {  	s17 =	simm.s32 $0x1;
	[tilespmem:$0x9CF8] =	vst v13  }
0x208: {  	_ =	swait.ge [sflag:s17], $0x4000  }
0x209: {  	[sflag:s17] =	ssyncset.done $0x0  }
0x20a: {  	[sflag:s17] =	ssyncadd.s32 $0xFFFFC000  }
0x20b: {  	_ =	swait.ge [sflag:s17], $0x2400  }
0x20c: {  	[sflag:s17] =	ssyncset.done $0x0  }
0x20d: {  	s22 =	simm.s32 $0x3440;
	[sflag:s17] =	ssyncadd.s32 $0xFFFFDC00;
	s17 =	simm.s32 $0x3540  }
0x20e: {  	[tilespmem:s17], [sflag:$0x4] =	stream.indirect.gather.add.f32 [spmem:s23], $0x80, s22, s3, $0xb8;
	[tilespmem:$0x1D140] =	vst v63  }
0x20f: {  	s4 =	simm.s32 $0x7540;
	s22 =	simm.s32 $0x34C0  }
0x210: {  	[tilespmem:s4], [sflag:$0x4] =	stream.indirect.gather.add.f32 [spmem:s23], $0x80, s22, s7, $0xb8;
	[tilespmem:$0x1D140] =	vst v63  }
0x211: {  	s22 =	simm.s32 $0x3040  }
0x212: {  	[tilespmem:s17], [sflag:$0x4] =	stream.indirect.gather.add.f32 [spmem:s5], $0x80, s22, s3, $0xb8;
	[tilespmem:$0x1D140] =	vst v63  }
0x213: {  	s2 =	simm.s32 $0x30C0  }
0x214: {  	[tilespmem:s4], [sflag:$0x4] =	stream.indirect.gather.add.f32 [spmem:s5], $0x80, s2, s7, $0xb8;
	[tilespmem:$0x1D140] =	vst v63  }
0x215: {  	s10 =	sadd.s32 $0x4B, s10;
	s2 =	simm.s32 $0x16940;
	s4 =	rddreg [dreg:$0x14]  }
0x216: {  	[tilespmem:s2], [sflag:$0xF] =	stream.linear.gather [hbm4b:s10+s0], $0x80, $0x38;
	[tilespmem:$0x1D140] =	vst v63  }
0x217: {  	s1 =	sadd.s32 s8, s4;
	s4 =	simm.s32 $0x169C0  }
0x218: {  	[tilespmem:s4], [sflag:$0xF] =	stream.linear.gather [hbm4b:s1+s0], $0x48, $0x38;
	[tilespmem:$0x1D140] =	vst v63  }
0x219: {  	s10 =	sadd.s32 $0x4B, s18;
	s18 =	simm.s32 $0x16A40  }
0x21a: {  	[tilespmem:s18], [sflag:$0xF] =	stream.linear.gather [hbm4b:s10+s0], $0xC8, $0x38;
	[tilespmem:$0x1D140] =	vst v63  }
0x21b: {  	s18 =	sadd.s32 $0x4B, s30;
	s30 =	simm.s32 $0x16B40  }
0x21c: {  	[tilespmem:s30], [sflag:$0xF] =	stream.linear.gather [hbm4b:s18+s0], $0xC8, $0x38;
	[tilespmem:$0x1D140] =	vst v63  }
0x21d: {  	_ =	swait.ge [sflag:s28], $0x4000  }
0x21e: {  	[sflag:s28] =	ssyncset.done $0x0  }
0x21f: {  	[sflag:s28] =	ssyncadd.s32 $0xFFFFC000  }
0x220: {  	_ =	swait.ge [sflag:s28], $0x2400  }
0x221: {  	[sflag:s28] =	ssyncset.done $0x0  }
0x222: {  	[sflag:s28] =	ssyncadd.s32 $0xFFFFDC00  }
0x223: {  	_ =	swait.ge [sflag:s28], $0x4000  }
0x224: {  	[sflag:s28] =	ssyncset.done $0x0  }
0x225: {  	[sflag:s28] =	ssyncadd.s32 $0xFFFFC000  }
0x226: {  	_ =	swait.ge [sflag:s28], $0x2400  }
0x227: {  	[sflag:s28] =	ssyncset.done $0x0  }
0x228: {  	s1 =	simm.s32 @!p1 $0xA;
	[sflag:s28] =	ssyncadd.s32 $0xFFFFDC00  }
0x229: {  	[hbm4b:s19+s0] =	stream.linear.scatter [tilespmem:s17], [sflag:$0x2], $0x6400, $0x38;
	[tilespmem:$0x1D140] =	vst v63  }
0x22a: {  	_ =	swait.ge @!p1 [sflag:s1], $0x6400  }
0x22b: {  	[sflag:s1] =	ssyncset.done @!p1 $0x0  }
0x22c: {  	[sflag:s1] =	ssyncadd.s32 @!p1 $0xFFFF9C00  }
0x22d: {  	_ =	swait.ge [sflag:s26], $0x80  }
0x22e: {  	[sflag:s26] =	ssyncset.done $0x0  }
0x22f: {  	[sflag:s26] =	ssyncadd.s32 $0xFFFFFF80  }
0x230: {  	_ =	swait.ge [sflag:s26], $0x48  }
0x231: {  	[sflag:s26] =	ssyncset.done $0x0  }
0x232: {  	[sflag:s26] =	ssyncadd.s32 $0xFFFFFFB8  }
0x233: {  	_ =	swait.ge [sflag:s26], $0xC8  }
0x234: {  	[sflag:s26] =	ssyncset.done $0x0  }
0x235: {  	[sflag:s26] =	ssyncadd.s32 $0xFFFFFF38  }
0x236: {  	_ =	swait.ge [sflag:s26], $0xC8  }
0x237: {  	[sflag:s26] =	ssyncset.done $0x0  }
0x238: {  	s30 =	simm.s32 $0x10540;
	[sflag:s26] =	ssyncadd.s32 $0xFFFFFF38  }
0x239: {  	[tilespmem:s30], [sflag:$0x9] =	stream.indirect.gather [hbm4b:s20+s3], $0x80, s11, s3, $0xb8;
	[tilespmem:$0x1D140] =	vst v63  }
0x23a: {  	s18 =	simm.s32 $0x14540  }
0x23b: {  	[tilespmem:s18], [sflag:$0x9] =	stream.indirect.gather [hbm4b:s20+s7], $0x80, s13, s7, $0xb8;
	[tilespmem:$0x1D140] =	vst v63  }
0x23c: {  	v13 =	vld [tilespmem:$0x10240]  }
0x23d: {  	v14 =	vld [tilespmem:$0x10340]  }
0x23e: {  	v15 =	vld [tilespmem:$0x10250]  }
0x23f: {  	v51 =	vld [tilespmem:$0x10350]  }
0x240: {  	v52 =	vld [tilespmem:$0x10260]  }
0x241: {  	v53 =	vld [tilespmem:$0x10360]  }
0x242: {  	v54 =	vld [tilespmem:$0x10270]  }
0x243: {  	v55 =	vld [tilespmem:$0x10370]  }
0x244: {  	v56 =	vld [tilespmem:$0x10280]  }
0x245: {  	v57 =	vld [tilespmem:$0x10380]  }
0x246: {  	v58 =	vld [tilespmem:$0x10290]  }
0x247: {  	v59 =	vld [tilespmem:$0x10390]  }
0x248: {  	v60 =	vld [tilespmem:$0x102A0]  }
0x249: {  	v61 =	vld [tilespmem:$0x103A0]  }
0x24a: {  	v62 =	vld [tilespmem:$0x102B0]  }
0x24b: {  	v63 =	vld [tilespmem:$0x103B0]  }
0x24c: {  	v33 =	vld [tilespmem:$0x102C0]  }
0x24d: {  	v34 =	vld [tilespmem:$0x103C0];
	v13 =	vshll.u32 v13, $0x3  }
0x24e: {  	v35 =	vld [tilespmem:$0x103D0];
	v13 =	vadd.s32 v14, v13;
	v14 =	vshll.u32 v15, $0x3  }
0x24f: {  	v36 =	vld [tilespmem:$0x102E0];
	[tilespmem:$0x10440] =	vst v13;
	v13 =	vadd.s32 v51, v14;
	v14 =	vshll.u32 v52, $0x3  }
0x250: {  	v37 =	vld [tilespmem:$0x103E0];
	[tilespmem:$0x10450] =	vst v13;
	v13 =	vadd.s32 v53, v14;
	v14 =	vshll.u32 v54, $0x3  }
0x251: {  	v15 =	vld [tilespmem:$0x102D0];
	[tilespmem:$0x10460] =	vst v13;
	v13 =	vadd.s32 v55, v14;
	v14 =	vshll.u32 v56, $0x3  }
0x252: {  	v38 =	vld [tilespmem:$0x102F0];
	[tilespmem:$0x10470] =	vst v13;
	v13 =	vadd.s32 v57, v14;
	v14 =	vshll.u32 v58, $0x3  }
0x253: {  	v39 =	vld [tilespmem:$0x103F0];
	[tilespmem:$0x10480] =	vst v13;
	v13 =	vadd.s32 v59, v14;
	v14 =	vshll.u32 v60, $0x3  }
0x254: {  	v40 =	vld [tilespmem:$0x102F8];
	[tilespmem:$0x10490] =	vst v13;
	v13 =	vadd.s32 v61, v14;
	v14 =	vshll.u32 v62, $0x3  }
0x255: {  	v41 =	vld [tilespmem:$0x103F8];
	[tilespmem:$0x104A0] =	vst v13;
	v13 =	vadd.s32 v63, v14;
	v14 =	vshll.u32 v33, $0x3  }
0x256: {  	[tilespmem:$0x104B0] =	vst v13;
	v13 =	vadd.s32 v34, v14;
	v14 =	vshll.u32 v15, $0x3  }
0x257: {  	[tilespmem:$0x104C0] =	vst v13;
	v13 =	vadd.s32 v35, v14;
	v14 =	vshll.u32 v36, $0x3  }
0x258: {  	[tilespmem:$0x104D0] =	vst v13;
	v13 =	vadd.s32 v37, v14;
	v14 =	vshll.u32 v38, $0x3  }
0x259: {  	[tilespmem:$0x104E0] =	vst v13;
	v13 =	vadd.s32 v39, v14;
	v14 =	vshll.u32 v40, $0x3  }
0x25a: {  	[tilespmem:$0x104F0] =	vst v13;
	v13 =	vadd.s32 v41, v14  }
0x25b: {  	s17 =	simm.s32 $0x5;
	[tilespmem:$0x104F8] =	vst v13  }
0x25c: {  	_ =	swait.ge [sflag:s17], $0x4000  }
0x25d: {  	[sflag:s17] =	ssyncset.done $0x0  }
0x25e: {  	[sflag:s17] =	ssyncadd.s32 $0xFFFFC000  }
0x25f: {  	_ =	swait.ge [sflag:s17], $0x2400  }
0x260: {  	[sflag:s17] =	ssyncset.done $0x0  }
0x261: {  	s10 =	simm.s32 $0x9C40;
	[sflag:s17] =	ssyncadd.s32 $0xFFFFDC00  }
0x262: {  	[tilespmem:s29], [sflag:$0x8] =	stream.indirect.gather.add.f32 [spmem:s23], $0x80, s10, s3, $0xb8;
	[tilespmem:$0x1D140] =	vst v63  }
0x263: {  	s17 =	simm.s32 $0x9CC0;
	s10 =	sadd.s32 $0xFFFFFFFF, s24  }
0x264: {  	[tilespmem:s31], [sflag:$0x8] =	stream.indirect.gather.add.f32 [spmem:s23], $0x80, s17, s7, $0xb8;
	[tilespmem:$0x1D140] =	vst v63  }
0x265: {  	p2 =	sgt.u32 s10, $0x1D  }
0x266: {  	[tilespmem:s29], [sflag:$0x8] =	stream.indirect.gather.add.f32 [spmem:s5], $0x80, s22, s3, $0xb8;
	[tilespmem:$0x1D140] =	vst v63  }
0x267: {  	s11 =	simm.s32 $0x30C0;
	s1 =	sadd.s32 @!p2 s8, s25  }
0x268: {  	[tilespmem:s31], [sflag:$0x8] =	stream.indirect.gather.add.f32 [spmem:s5], $0x80, s11, s7, $0xb8;
	[tilespmem:$0x1D140] =	vst v63  }
0x269: {  	s10 =	simm.s32 @!p2 $0x0;
	s17 =	simm.s32 @!p2 $0x3140;
	s1 =	sadd.s32 @!p2 $0x64, s1  }
0x26a: {  	[tilespmem:s17], [sflag:$0x3] =	stream.linear.gather @!p2 [hbm4b:s1+s10], $0x80, $0x38;
	[tilespmem:$0x1D140] =	vst v63  }
0x26b: {  	s1 =	rddreg [dreg:$0x12]  }
0x26c: {  	s17 =	simm.s32 @!p2 $0x31C0;
	s1 =	sadd.s32 @!p2 s8, s1  }
0x26d: {  	[tilespmem:s17], [sflag:$0x3] =	stream.linear.gather @!p2 [hbm4b:s1+s10], $0x48, $0x38;
	[tilespmem:$0x1D140] =	vst v63  }
0x26e: {  	s1 =	sadd.s32 @!p2 s8, s15  }
0x26f: {  	s17 =	simm.s32 @!p2 $0x3240;
	s1 =	sadd.s32 @!p2 $0x64, s1  }
0x270: {  	[tilespmem:s17], [sflag:$0x3] =	stream.linear.gather @!p2 [hbm4b:s1+s10], $0xC8, $0x38;
	[tilespmem:$0x1D140] =	vst v63  }
0x271: {  	s1 =	sadd.s32 @!p2 s8, s14  }
0x272: {  	s17 =	simm.s32 @!p2 $0x3340;
	s1 =	sadd.s32 @!p2 $0x64, s1  }
0x273: {  	[tilespmem:s17], [sflag:$0x3] =	stream.linear.gather @!p2 [hbm4b:s1+s10], $0xC8, $0x38;
	[tilespmem:$0x1D140] =	vst v63  }
0x274: {  	_ =	swait.ge [sflag:s21], $0x4000  }
0x275: {  	[sflag:s21] =	ssyncset.done $0x0  }
0x276: {  	[sflag:s21] =	ssyncadd.s32 $0xFFFFC000  }
0x277: {  	_ =	swait.ge [sflag:s21], $0x2400  }
0x278: {  	[sflag:s21] =	ssyncset.done $0x0  }
0x279: {  	[sflag:s21] =	ssyncadd.s32 $0xFFFFDC00  }
0x27a: {  	_ =	swait.ge [sflag:s21], $0x4000  }
0x27b: {  	[sflag:s21] =	ssyncset.done $0x0  }
0x27c: {  	[sflag:s21] =	ssyncadd.s32 $0xFFFFC000  }
0x27d: {  	_ =	swait.ge [sflag:s21], $0x2400  }
0x27e: {  	[sflag:s21] =	ssyncset.done $0x0  }
0x27f: {  	s17 =	sadd.s32 $0xC80, s19;
	s1 =	simm.s32 @!p1 $0xE;
	[sflag:s21] =	ssyncadd.s32 $0xFFFFDC00  }
0x280: {  	[hbm4b:s17+s0] =	stream.linear.scatter [tilespmem:s29], [sflag:$0x6], $0x6400, $0x38;
	[tilespmem:$0x1D140] =	vst v63  }
0x281: {  	_ =	swait.ge @!p1 [sflag:s1], $0x6400  }
0x282: {  	[sflag:s1] =	ssyncset.done @!p1 $0x0  }
0x283: {  	[sflag:s1] =	ssyncadd.s32 @!p1 $0xFFFF9C00  }
0x284: {  	_ =	swait.ge [sflag:s16], $0x80  }
0x285: {  	[sflag:s16] =	ssyncset.done $0x0  }
0x286: {  	[sflag:s16] =	ssyncadd.s32 $0xFFFFFF80  }
0x287: {  	_ =	swait.ge [sflag:s16], $0x48  }
0x288: {  	[sflag:s16] =	ssyncset.done $0x0  }
0x289: {  	[sflag:s16] =	ssyncadd.s32 $0xFFFFFFB8  }
0x28a: {  	_ =	swait.ge [sflag:s16], $0xC8  }
0x28b: {  	[sflag:s16] =	ssyncset.done $0x0  }
0x28c: {  	[sflag:s16] =	ssyncadd.s32 $0xFFFFFF38  }
0x28d: {  	_ =	swait.ge [sflag:s16], $0xC8  }
0x28e: {  	[sflag:s16] =	ssyncset.done $0x0  }
0x28f: {  	s13 =	simm.s32 $0x16D40;
	[sflag:s16] =	ssyncadd.s32 $0xFFFFFF38  }
0x290: {  	[tilespmem:s13], [sflag:$0xD] =	stream.indirect.gather [hbm4b:s20+s3], $0x80, s2, s3, $0xb8;
	[tilespmem:$0x1D140] =	vst v63  }
0x291: {  	s2 =	simm.s32 $0x1AD40  }
0x292: {  	[tilespmem:s2], [sflag:$0xD] =	stream.indirect.gather [hbm4b:s20+s7], $0x80, s4, s7, $0xb8;
	[tilespmem:$0x1D140] =	vst v63  }
0x293: {  	v13 =	vld [tilespmem:$0x16A40]  }
0x294: {  	v14 =	vld [tilespmem:$0x16B40]  }
0x295: {  	v15 =	vld [tilespmem:$0x16A50]  }
0x296: {  	v42 =	vld [tilespmem:$0x16B50]  }
0x297: {  	v43 =	vld [tilespmem:$0x16A60]  }
0x298: {  	v44 =	vld [tilespmem:$0x16B60]  }
0x299: {  	v45 =	vld [tilespmem:$0x16A70]  }
0x29a: {  	v46 =	vld [tilespmem:$0x16B70]  }
0x29b: {  	v47 =	vld [tilespmem:$0x16A80]  }
0x29c: {  	v48 =	vld [tilespmem:$0x16B80]  }
0x29d: {  	v49 =	vld [tilespmem:$0x16A90]  }
0x29e: {  	v50 =	vld [tilespmem:$0x16B90]  }
0x29f: {  	v51 =	vld [tilespmem:$0x16AA0]  }
0x2a0: {  	v52 =	vld [tilespmem:$0x16BA0]  }
0x2a1: {  	v53 =	vld [tilespmem:$0x16AB0]  }
0x2a2: {  	v54 =	vld [tilespmem:$0x16BB0]  }
0x2a3: {  	v55 =	vld [tilespmem:$0x16AC0]  }
0x2a4: {  	v56 =	vld [tilespmem:$0x16BC0];
	v13 =	vshll.u32 v13, $0x3  }
0x2a5: {  	v57 =	vld [tilespmem:$0x16BD0];
	v13 =	vadd.s32 v14, v13;
	v14 =	vshll.u32 v15, $0x3  }
0x2a6: {  	v58 =	vld [tilespmem:$0x16AE0];
	[tilespmem:$0x16C40] =	vst v13;
	v13 =	vadd.s32 v42, v14;
	v14 =	vshll.u32 v43, $0x3  }
0x2a7: {  	v59 =	vld [tilespmem:$0x16BE0];
	[tilespmem:$0x16C50] =	vst v13;
	v13 =	vadd.s32 v44, v14;
	v14 =	vshll.u32 v45, $0x3  }
0x2a8: {  	v15 =	vld [tilespmem:$0x16AD0];
	[tilespmem:$0x16C60] =	vst v13;
	v13 =	vadd.s32 v46, v14;
	v14 =	vshll.u32 v47, $0x3  }
0x2a9: {  	v60 =	vld [tilespmem:$0x16AF0];
	[tilespmem:$0x16C70] =	vst v13;
	v13 =	vadd.s32 v48, v14;
	v14 =	vshll.u32 v49, $0x3  }
0x2aa: {  	v61 =	vld [tilespmem:$0x16BF0];
	[tilespmem:$0x16C80] =	vst v13;
	v13 =	vadd.s32 v50, v14;
	v14 =	vshll.u32 v51, $0x3  }
0x2ab: {  	v62 =	vld [tilespmem:$0x16AF8];
	[tilespmem:$0x16C90] =	vst v13;
	v13 =	vadd.s32 v52, v14;
	v14 =	vshll.u32 v53, $0x3  }
0x2ac: {  	v63 =	vld [tilespmem:$0x16BF8];
	[tilespmem:$0x16CA0] =	vst v13;
	v13 =	vadd.s32 v54, v14;
	v14 =	vshll.u32 v55, $0x3  }
0x2ad: {  	[tilespmem:$0x16CB0] =	vst v13;
	v13 =	vadd.s32 v56, v14;
	v14 =	vshll.u32 v15, $0x3  }
0x2ae: {  	[tilespmem:$0x16CC0] =	vst v13;
	v13 =	vadd.s32 v57, v14;
	v14 =	vshll.u32 v58, $0x3  }
0x2af: {  	[tilespmem:$0x16CD0] =	vst v13;
	v13 =	vadd.s32 v59, v14;
	v14 =	vshll.u32 v60, $0x3  }
0x2b0: {  	[tilespmem:$0x16CE0] =	vst v13;
	v13 =	vadd.s32 v61, v14;
	v14 =	vshll.u32 v62, $0x3  }
0x2b1: {  	[tilespmem:$0x16CF0] =	vst v13;
	v13 =	vadd.s32 v63, v14  }
0x2b2: {  	s10 =	simm.s32 $0x9;
	[tilespmem:$0x16CF8] =	vst v13  }
0x2b3: {  	_ =	swait.ge [sflag:s10], $0x4000  }
0x2b4: {  	[sflag:s10] =	ssyncset.done $0x0  }
0x2b5: {  	[sflag:s10] =	ssyncadd.s32 $0xFFFFC000  }
0x2b6: {  	_ =	swait.ge [sflag:s10], $0x2400  }
0x2b7: {  	[sflag:s10] =	ssyncset.done $0x0  }
0x2b8: {  	s17 =	simm.s32 $0x10440;
	[sflag:s10] =	ssyncadd.s32 $0xFFFFDC00  }
0x2b9: {  	[tilespmem:s30], [sflag:$0xC] =	stream.indirect.gather.add.f32 [spmem:s23], $0x80, s17, s3, $0xb8;
	[tilespmem:$0x1D140] =	vst v63  }
0x2ba: {  	s20 =	simm.s32 $0x104C0  }
0x2bb: {  	[tilespmem:s18], [sflag:$0xC] =	stream.indirect.gather.add.f32 [spmem:s23], $0x80, s20, s7, $0xb8;
	[tilespmem:$0x1D140] =	vst v63  }
0x2bc: {  	p1 =	sgt.u32 s24, $0x1D  }
0x2bd: {  	[tilespmem:s30], [sflag:$0xC] =	stream.indirect.gather.add.f32 [spmem:s5], $0x80, s22, s3, $0xb8;
	[tilespmem:$0x1D140] =	vst v63  }
0x2be: {  	s1 =	sadd.s32 @!p1 s8, s25  }
0x2bf: {  	[tilespmem:s18], [sflag:$0xC] =	stream.indirect.gather.add.f32 [spmem:s5], $0x80, s11, s7, $0xb8;
	[tilespmem:$0x1D140] =	vst v63  }
0x2c0: {  	s1 =	sadd.s32 @!p1 $0x7D, s1;
	s10 =	simm.s32 @!p1 $0x0;
	s17 =	simm.s32 @!p1 $0x9940  }
0x2c1: {  	[tilespmem:s17], [sflag:$0x7] =	stream.linear.gather @!p1 [hbm4b:s1+s10], $0x80, $0x38;
	[tilespmem:$0x1D140] =	vst v63  }
0x2c2: {  	s1 =	rddreg [dreg:$0x10]  }
0x2c3: {  	s17 =	simm.s32 @!p1 $0x99C0;
	s1 =	sadd.s32 @!p1 s8, s1  }
0x2c4: {  	[tilespmem:s17], [sflag:$0x7] =	stream.linear.gather @!p1 [hbm4b:s1+s10], $0x48, $0x38;
	[tilespmem:$0x1D140] =	vst v63  }
0x2c5: {  	s1 =	sadd.s32 @!p1 s8, s15  }
0x2c6: {  	s17 =	simm.s32 @!p1 $0x9A40;
	s1 =	sadd.s32 @!p1 $0x7D, s1  }
0x2c7: {  	[tilespmem:s17], [sflag:$0x7] =	stream.linear.gather @!p1 [hbm4b:s1+s10], $0xC8, $0x38;
	[tilespmem:$0x1D140] =	vst v63  }
0x2c8: {  	s1 =	sadd.s32 @!p1 s8, s14  }
0x2c9: {  	s17 =	simm.s32 @!p1 $0x9B40;
	s1 =	sadd.s32 @!p1 $0x7D, s1  }
0x2ca: {  	[tilespmem:s17], [sflag:$0x7] =	stream.linear.gather @!p1 [hbm4b:s1+s10], $0xC8, $0x38;
	[tilespmem:$0x1D140] =	vst v63  }
0x2cb: {  	_ =	swait.ge [sflag:s9], $0x4000  }
0x2cc: {  	[sflag:s9] =	ssyncset.done $0x0  }
0x2cd: {  	[sflag:s9] =	ssyncadd.s32 $0xFFFFC000  }
0x2ce: {  	_ =	swait.ge [sflag:s9], $0x2400  }
0x2cf: {  	[sflag:s9] =	ssyncset.done $0x0  }
0x2d0: {  	[sflag:s9] =	ssyncadd.s32 $0xFFFFDC00  }
0x2d1: {  	_ =	swait.ge [sflag:s9], $0x4000  }
0x2d2: {  	[sflag:s9] =	ssyncset.done $0x0  }
0x2d3: {  	[sflag:s9] =	ssyncadd.s32 $0xFFFFC000  }
0x2d4: {  	_ =	swait.ge [sflag:s9], $0x2400  }
0x2d5: {  	[sflag:s9] =	ssyncset.done $0x0  }
0x2d6: {  	s29 =	sadd.s32 $0x1900, s19;
	p1 =	sgt.u32 s24, $0x1E;
	[sflag:s9] =	ssyncadd.s32 $0xFFFFDC00  }
0x2d7: {  	[hbm4b:s29+s0] =	stream.linear.scatter [tilespmem:s30], [sflag:$0xA], $0x6400, $0x38;
	[tilespmem:$0x1D140] =	vst v63  }
.Ltmp6:
0x2d8: {  	_ = 	snop;
	(pc) =	sbr.rel @p1 .LBB2_8-.Ltmp6, $4  }
0x2d9: {  	s30 =	simm.s32 $0x2  }
0x2da: {  	_ =	swait.ge [sflag:s30], $0x6400  }
0x2db: {  	s4 =	simm.s32 $0x1AD40;
	[sflag:s30] =	ssyncset.done $0x0  }
0x2dc: {  	s18 =	smov.u32 s5;
	s5 =	simm.s32 $0x0;
	[sflag:s30] =	ssyncadd.s32 $0xFFFF9C00  }
0x2dd: {  	s0 =	simm.s32 $0x3  }
0x2de: {  	_ =	swait.ge [sflag:s0], $0x80  }
0x2df: {  	[sflag:s0] =	ssyncset.done $0x0  }
0x2e0: {  	[sflag:s0] =	ssyncadd.s32 $0xFFFFFF80  }
0x2e1: {  	_ =	swait.ge [sflag:s0], $0x48  }
0x2e2: {  	[sflag:s0] =	ssyncset.done $0x0  }
0x2e3: {  	[sflag:s0] =	ssyncadd.s32 $0xFFFFFFB8  }
0x2e4: {  	_ =	swait.ge [sflag:s0], $0xC8  }
0x2e5: {  	[sflag:s0] =	ssyncset.done $0x0  }
0x2e6: {  	[sflag:s0] =	ssyncadd.s32 $0xFFFFFF38  }
0x2e7: {  	_ =	swait.ge [sflag:s0], $0xC8  }
0x2e8: {  	[sflag:s0] =	ssyncset.done $0x0  }
0x2e9: {  	[sflag:s0] =	ssyncadd.s32 $0xFFFFFF38  }
0x2ea: {  	s1 =	simm.s32 $0x3140;
	s2 =	simm.s32 $0x3540;
	s0 =	rddreg [dreg:$0x1]  }
0x2eb: {  	[tilespmem:s2], [sflag:$0x1] =	stream.indirect.gather [hbm4b:s0+s3], $0x80, s1, s3, $0xb8;
	[tilespmem:$0x1D140] =	vst v63  }
0x2ec: {  	s30 =	simm.s32 $0x31C0;
	s10 =	simm.s32 $0x7540  }
0x2ed: {  	[tilespmem:s10], [sflag:$0x1] =	stream.indirect.gather [hbm4b:s0+s7], $0x80, s30, s7, $0xb8;
	[tilespmem:$0x1D140] =	vst v63  }
0x2ee: {  	v13 =	vld [tilespmem:$0x3240]  }
0x2ef: {  	v14 =	vld [tilespmem:$0x3340]  }
0x2f0: {  	v15 =	vld [tilespmem:$0x3250]  }
0x2f1: {  	v16 =	vld [tilespmem:$0x3350]  }
0x2f2: {  	v17 =	vld [tilespmem:$0x3260]  }
0x2f3: {  	v18 =	vld [tilespmem:$0x3360]  }
0x2f4: {  	v19 =	vld [tilespmem:$0x3270]  }
0x2f5: {  	v20 =	vld [tilespmem:$0x3370]  }
0x2f6: {  	v21 =	vld [tilespmem:$0x3280]  }
0x2f7: {  	v22 =	vld [tilespmem:$0x3380]  }
0x2f8: {  	v23 =	vld [tilespmem:$0x3290]  }
0x2f9: {  	v24 =	vld [tilespmem:$0x3390]  }
0x2fa: {  	v25 =	vld [tilespmem:$0x32A0]  }
0x2fb: {  	v26 =	vld [tilespmem:$0x33A0]  }
0x2fc: {  	v27 =	vld [tilespmem:$0x32B0]  }
0x2fd: {  	v28 =	vld [tilespmem:$0x33B0]  }
0x2fe: {  	v29 =	vld [tilespmem:$0x32C0]  }
0x2ff: {  	v30 =	vld [tilespmem:$0x33C0];
	v13 =	vshll.u32 v13, $0x3  }
0x300: {  	v57 =	vld [tilespmem:$0x33D0];
	v13 =	vadd.s32 v14, v13;
	v14 =	vshll.u32 v15, $0x3  }
0x301: {  	v58 =	vld [tilespmem:$0x32E0];
	[tilespmem:$0x3440] =	vst v13;
	v13 =	vadd.s32 v16, v14;
	v14 =	vshll.u32 v17, $0x3  }
0x302: {  	v59 =	vld [tilespmem:$0x33E0];
	[tilespmem:$0x3450] =	vst v13;
	v13 =	vadd.s32 v18, v14;
	v14 =	vshll.u32 v19, $0x3  }
0x303: {  	v15 =	vld [tilespmem:$0x32D0];
	[tilespmem:$0x3460] =	vst v13;
	v13 =	vadd.s32 v20, v14;
	v14 =	vshll.u32 v21, $0x3  }
0x304: {  	v60 =	vld [tilespmem:$0x32F0];
	[tilespmem:$0x3470] =	vst v13;
	v13 =	vadd.s32 v22, v14;
	v14 =	vshll.u32 v23, $0x3  }
0x305: {  	v61 =	vld [tilespmem:$0x33F0];
	[tilespmem:$0x3480] =	vst v13;
	v13 =	vadd.s32 v24, v14;
	v14 =	vshll.u32 v25, $0x3  }
0x306: {  	v62 =	vld [tilespmem:$0x32F8];
	[tilespmem:$0x3490] =	vst v13;
	v13 =	vadd.s32 v26, v14;
	v14 =	vshll.u32 v27, $0x3  }
0x307: {  	v63 =	vld [tilespmem:$0x33F8];
	[tilespmem:$0x34A0] =	vst v13;
	v13 =	vadd.s32 v28, v14;
	v14 =	vshll.u32 v29, $0x3  }
0x308: {  	[tilespmem:$0x34B0] =	vst v13;
	v13 =	vadd.s32 v30, v14;
	v14 =	vshll.u32 v15, $0x3  }
.Ltmp7:
0x309: {  	[tilespmem:$0x34C0] =	vst v13;
	v13 =	vadd.s32 v57, v14;
	v14 =	vshll.u32 v58, $0x3;
	(pc) =	sbr.rel .LBB2_8-.Ltmp7, $4  }
0x30a: {  	[tilespmem:$0x34D0] =	vst v13;
	v13 =	vadd.s32 v59, v14;
	v14 =	vshll.u32 v60, $0x3  }
0x30b: {  	[tilespmem:$0x34E0] =	vst v13;
	v13 =	vadd.s32 v61, v14;
	v14 =	vshll.u32 v62, $0x3  }
0x30c: {  	[tilespmem:$0x34F0] =	vst v13;
	v13 =	vadd.s32 v63, v14  }
0x30d: {  	[tilespmem:$0x34F8] =	vst v13  }
.LBB2_10:
0x30e: {  	_ =	sfence.sel $0x180000  }
0x30f: {  	[bflag:$0x0] =	sbarrier.arrive $0xFFFF  }
0x310: {  	_ =	strace $0x90000047  }
0x311: {  	[bflag:$0x2] =	sbarrier.arrive $0xFFFF  }
0x312: {  	s0 =	rddreg [dreg:$0x8]  }
0x313: {  	s0 =	sadd.s32 @!p0 $0x100000, s0  }
0x314: {  	[sflag:s0] =	ssyncadd.tile.s32 @!p0 $0x1;
	_ =	shalt  }
.Lfunc_end2:
_tile_overlayer_lowered:
.L_overlay_start_2:
0x315: {  	(tag) =	ssettag $0x2  }
0x316: {  	s0 =	rddreg [dreg:$0x0];
	s2 =	stileid.u32  }
0x317: {  	s1 =	rddreg [dreg:$0x1];
	p0 =	sne.s32 s2, $0x0  }
0x318: {  	s3 =	rddreg [dreg:$0x2];
	[bflag:$0x3] =	sbarrier.arrive $0xFFFF;
	s2 =	simm.s32 @!p0 $0x1C11  }
0x319: {  	[timem:s3], [sflag:s2] =	dma.local @!p0 [hbm:s0], s1  }
0x31a: {  	s0 =	simm.s32 @!p0 $0x11  }
0x31b: {  	_ =	swait.ge @!p0 [sflag:s0], s1  }
0x31c: {  	s1 =	ssub.s32 @!p0 $0x0, s1;
	[sflag:s0] =	ssyncset.done @!p0 $0x0  }
0x31d: {  	[sflag:s0] =	ssyncadd.s32 @!p0 s1  }
0x31e: {  	[bflag:$0x3] =	sbarrier.arrive $0xFFFF  }
0x31f: {  	_ =	shalt  }

</sc_bundles>
